<compile_context>
chip_gen: v7x
topology: tpu7x:2x2x1
jax: 0.10.2.dev20260603
libtpu: 0.0.44.dev20260713+nightly
codegen_flags: <defaults>
</compile_context>

<pallas_src>
import functools

import jax
import jax.numpy as jnp
from jax import lax
from jax.experimental import pallas as pl
from jax.experimental.pallas import tpu as pltpu
from jax.experimental.pallas import tpu_sc as plsc

N = 10000
D = 128
E = 320000
CH = 64
NC = 2
NS = 16
NW = NC * NS
NCHK = 160
E_PAD = NW * NCHK * CH
NROW = E_PAD // CH
N_ACC = 10240
RPW = N_ACC // NS
OPW = N // NS

_mesh = plsc.VectorSubcoreMesh(core_axis_name="c", subcore_axis_name="s")


@functools.partial(
    pl.kernel,
    out_type=jax.ShapeDtypeStruct((NC, N_ACC), jnp.float32),
    mesh=_mesh,
    compiler_params=pltpu.CompilerParams(needs_layout_passes=False),
    scratch_types=[
        pltpu.VMEM((E_PAD // 128 // NW, 128), jnp.int32),
        pltpu.VMEM((128,), jnp.float32),
        pltpu.VMEM_SHARED((N_ACC,), jnp.float32),
        pltpu.SemaphoreType.DMA,
    ],
)
def _deg(dst_hbm, ones_hbm, zeros_hbm, deg_hbm, dstv, onesv, deg_sh, sem):
    cid = lax.axis_index("c")
    sid = lax.axis_index("s")
    rows_per = E_PAD // 128 // NW

    pltpu.sync_copy(ones_hbm, onesv)
    pltpu.sync_copy(dst_hbm.at[pl.ds((cid * NS + sid) * rows_per, rows_per)],
                    dstv)
    pltpu.sync_copy(zeros_hbm, deg_sh.at[pl.ds(sid * RPW, RPW)])
    plsc.subcore_barrier()

    def body(j, carry):
        pltpu.async_copy(onesv, deg_sh.at[dstv.at[j]], sem, add=True)

        @pl.when(j >= 16)
        def _():
            pltpu.make_async_copy(onesv, deg_sh.at[dstv.at[0]], sem).wait()

        return carry

    lax.fori_loop(0, rows_per, body, 0)

    def drain(j, carry):
        pltpu.make_async_copy(onesv, deg_sh.at[dstv.at[0]], sem).wait()
        return carry

    lax.fori_loop(0, 16, drain, 0)
    plsc.subcore_barrier()
    pltpu.sync_copy(deg_sh.at[pl.ds(sid * RPW, RPW)],
                    deg_hbm.at[cid, pl.ds(sid * RPW, RPW)])


@functools.partial(
    pl.kernel,
    out_type=jax.ShapeDtypeStruct((NC, N_ACC, D), jnp.float32),
    mesh=_mesh,
    compiler_params=pltpu.CompilerParams(needs_layout_passes=False),
    scratch_types=[
        pltpu.VMEM((NCHK // 4, CH), jnp.int32),
        pltpu.VMEM((NCHK // 4, CH), jnp.int32),
        [pltpu.VMEM((CH, D), jnp.float32)] * 4,
        pltpu.VMEM_SHARED((N_ACC, D), jnp.float32),
        [pltpu.SemaphoreType.DMA] * 4,
        [pltpu.SemaphoreType.DMA] * 4,
    ],
)
def _segsum(g_hbm, src_hbm, dst_hbm, zeros_hbm, acc_hbm,
            srcv, dstv, rows, acc_sh, sg, ss):
    cid = lax.axis_index("c")
    sid = lax.axis_index("s")
    wid = cid * NS + sid
    qtr = NCHK // 4

    for h in range(4):
        base = wid * NCHK + h * qtr
        pltpu.sync_copy(src_hbm.at[pl.ds(base, qtr)], srcv)
        pltpu.sync_copy(dst_hbm.at[pl.ds(base, qtr)], dstv)
        pltpu.async_copy(g_hbm.at[srcv.at[0]], rows[0], sg[0])
        pltpu.async_copy(g_hbm.at[srcv.at[1]], rows[1], sg[1])
        if h == 0:
            pltpu.sync_copy(zeros_hbm, acc_sh.at[pl.ds(sid * RPW, RPW)])
            plsc.subcore_barrier()

        def t_body(t, carry):
            for b in range(4):
                j = 4 * t + b
                o = (b + 2) % 4
                pltpu.make_async_copy(g_hbm.at[srcv.at[j]], rows[b],
                                      sg[b]).wait()
                pltpu.async_copy(rows[b], acc_sh.at[dstv.at[j]], ss[b],
                                 add=True)

                @pl.when(j >= 2)
                def _():
                    pltpu.make_async_copy(rows[o], acc_sh.at[dstv.at[0]],
                                          ss[o]).wait()

                @pl.when(j + 2 < qtr)
                def _():
                    pltpu.async_copy(g_hbm.at[srcv.at[j + 2]], rows[o], sg[o])

            return carry

        lax.fori_loop(0, qtr // 4, t_body, 0)
        pltpu.make_async_copy(rows[2], acc_sh.at[dstv.at[0]], ss[2]).wait()
        pltpu.make_async_copy(rows[3], acc_sh.at[dstv.at[0]], ss[3]).wait()

    plsc.subcore_barrier()
    pltpu.sync_copy(acc_sh.at[pl.ds(sid * RPW, RPW)],
                    acc_hbm.at[cid, pl.ds(sid * RPW, RPW)])


def _dinv(deg_ref):
    return lax.rsqrt(deg_ref[0] + deg_ref[1] + 1.0)


def _scale_mm_body(x_ref, w_ref, deg_ref, g_ref):
    g_ref[...] = jnp.dot(x_ref[...], w_ref[...],
                         preferred_element_type=jnp.float32) * _dinv(deg_ref)


def _mid_body(acc_ref, g_ref, deg_ref, b_ref, w_ref, out_ref):
    dinv = _dinv(deg_ref)
    o = (acc_ref[0] + acc_ref[1] + g_ref[...]) * dinv + b_ref[...]
    h = jnp.maximum(o, 0.0)
    out_ref[...] = jnp.dot(h, w_ref[...],
                           preferred_element_type=jnp.float32) * dinv


def _final_body(acc_ref, g_ref, deg_ref, b_ref, out_ref):
    out_ref[...] = ((acc_ref[0] + acc_ref[1] + g_ref[...]) * _dinv(deg_ref)
                    + b_ref[...])


_BLK = 2000
_GRID = (N // _BLK,)
_row_spec = pl.BlockSpec((_BLK, D), lambda i: (i, 0))
_deg_spec = pl.BlockSpec((NC, _BLK, 1), lambda i: (0, i, 0))
_w_spec = pl.BlockSpec((D, D), lambda i: (0, 0))
_b_spec = pl.BlockSpec((1, D), lambda i: (0, 0))
_acc_spec = pl.BlockSpec((NC, _BLK, D), lambda i: (0, i, 0))
_row_out = jax.ShapeDtypeStruct((N, D), jnp.float32)

_scale_mm = pl.pallas_call(
    _scale_mm_body, grid=_GRID,
    in_specs=[_row_spec, _w_spec, _deg_spec],
    out_specs=_row_spec, out_shape=_row_out)

_mid = pl.pallas_call(
    _mid_body, grid=_GRID,
    in_specs=[_acc_spec, _row_spec, _deg_spec, _b_spec, _w_spec],
    out_specs=_row_spec, out_shape=_row_out)

_final = pl.pallas_call(
    _final_body, grid=_GRID,
    in_specs=[_acc_spec, _row_spec, _deg_spec, _b_spec],
    out_specs=_row_spec, out_shape=_row_out)


def kernel(x, edge_index, W1, b1, W2, b2):
    src = edge_index[0].astype(jnp.int32)
    dst = edge_index[1].astype(jnp.int32)
    npad = E_PAD - E
    pi = jnp.arange(npad, dtype=jnp.int32)
    src2d = jnp.concatenate([src, pi % N]).reshape(NROW, CH)
    dst_p = jnp.concatenate([dst, N + pi % (N_ACC - N)])
    dst2d = dst_p.reshape(NROW, CH)

    ones1 = jnp.ones((128,), jnp.float32)
    zeros1 = jnp.zeros((RPW,), jnp.float32)
    zrows = jnp.zeros((RPW, D), jnp.float32)

    degp = _deg(dst_p.reshape(E_PAD // 128, 128), ones1, zeros1)
    degc = degp[:, :N, None]
    g1 = _scale_mm(x, W1, degc)

    acc1 = _segsum(g1, src2d, dst2d, zrows)
    g2 = _mid(acc1, g1, degc, b1[None, :], W2)
    acc2 = _segsum(g2, src2d, dst2d, zrows)
    return _final(acc2, g2, degc, b2[None, :])

# --- scband reference (transcript-rebuilt; emitter-appended) ---
"""Pipeline reference for scband-gcn-25220047962613 (READ-ONLY COPY).

The authoritative reference and input builder live on the scoring server;
editing this copy changes nothing except your own understanding.
"""

import jax, jax.numpy as jnp
import numpy as np

N_NODES = 10000
N_EDGES = 320000
D_IN = 128
D_HID = 128
D_OUT = 128


def gcn_conv(x, edge_index, W, b):
    N = x.shape[0]
    src = edge_index[0]
    dst = edge_index[1]
    # add self-loops (PyG GCNConv default add_self_loops=True)
    loop = jnp.arange(N, dtype=src.dtype)
    src = jnp.concatenate([src, loop])
    dst = jnp.concatenate([dst, loop])
    ew = jnp.ones(src.shape[0], dtype=x.dtype)
    # symmetric normalization D^-1/2 (A+I) D^-1/2
    deg = jnp.zeros((N,), dtype=x.dtype).at[dst].add(ew)
    deg_inv_sqrt = jnp.where(deg > 0, deg ** -0.5, 0.0)
    norm = deg_inv_sqrt[src] * ew * deg_inv_sqrt[dst]
    h = x @ W
    msg = h[src] * norm[:, None]
    out = jax.ops.segment_sum(msg, dst, num_segments=N)
    return out + b


def setup_inputs(seed: int = 0) -> dict:
    key = jax.random.key(seed)
    k1, k2, k3, k4 = jax.random.split(key, 4)
    x = jax.random.normal(k1, (N_NODES, D_IN), dtype=jnp.float32)
    edge_index = jax.random.randint(k2, (2, N_EDGES), 0, N_NODES, dtype=jnp.int32)
    # glorot-initialized layer weights, zero bias (PyG default)
    W1 = jax.random.normal(k3, (D_IN, D_HID), dtype=jnp.float32) * np.sqrt(2.0 / (D_IN + D_HID))
    b1 = jnp.zeros((D_HID,), dtype=jnp.float32)
    W2 = jax.random.normal(k4, (D_HID, D_OUT), dtype=jnp.float32) * np.sqrt(2.0 / (D_HID + D_OUT))
    b2 = jnp.zeros((D_OUT,), dtype=jnp.float32)
    return {"x": x, "edge_index": edge_index, "W1": W1, "b1": b1, "W2": W2, "b2": b2}


def reference(x, edge_index, W1, b1, W2, b2):
    # layer 1 + relu (dropout is identity at inference)
    h = gcn_conv(x, edge_index, W1, b1)
    h = jax.nn.relu(h)
    # final layer (no activation)
    out = gcn_conv(h, edge_index, W2, b2)
    return out

if __name__ == "__main__":
    import jax
    _d = setup_inputs()
    print(jax.jit(kernel)(*tuple(_d.values())))

</pallas_src>

<mosaic_0001>
#map = affine_map<(d0, d1) -> (0, 0)>
#map1 = affine_map<(d0, d1) -> (0)>
module attributes {stable_mosaic.version = 14 : i64} {
  func.func @_deg(%arg0: i32, %arg1: i32, %arg2: memref<2560x128xi32, #tpu.memory_space<hbm>>, %arg3: memref<128xf32, #tpu.memory_space<hbm>>, %arg4: memref<640xf32, #tpu.memory_space<hbm>>, %arg5: memref<2x10240xf32, #tpu.memory_space<hbm>>, %arg6: memref<80x128xi32, #tpu.memory_space<vmem>>, %arg7: memref<128xf32, #tpu.memory_space<vmem>>, %arg8: memref<10240xf32, #tpu.memory_space<vmem_shared>>, %arg9: memref<!tpu.dma_semaphore, #tpu.memory_space<semaphore_mem>>) attributes {dimension_semantics = [#tpu.dimension_semantics<core_parallel>, #tpu.dimension_semantics<subcore_parallel>], iteration_bounds = array<i64: 2, 16>, scalar_prefetch = 0 : i64, scratch_operands = 4 : i64, tpu.core_type = #tpu.core_type<sc_vector_subcore>, window_params = [{transform_indices = #map}, {transform_indices = #map1}, {transform_indices = #map1}, {transform_indices = #map}]} {
    "tpu.region"() ({
      %run_scoped3A = tpu.sem_alloc : memref<!tpu.dma_semaphore, #tpu.memory_space<semaphore_mem>>
      tpu.enqueue_dma source(%arg3 : memref<128xf32, #tpu.memory_space<hbm>>) target(%arg7 : memref<128xf32, #tpu.memory_space<vmem>>) target_semaphore(%run_scoped3A : memref<!tpu.dma_semaphore, #tpu.memory_space<semaphore_mem>>)
      tpu.wait_dma2 semaphore(%run_scoped3A : memref<!tpu.dma_semaphore, #tpu.memory_space<semaphore_mem>>) src(%arg3 : memref<128xf32, #tpu.memory_space<hbm>>) dst(%arg7 : memref<128xf32, #tpu.memory_space<vmem>>)
      tpu.yield
    }) : () -> ()
    %mul3A = arith.constant 16 : i32
    %mul3A_0 = arith.muli %arg0, %mul3A : i32
    %add3A = arith.addi %mul3A_0, %arg1 : i32
    %mul3A_1 = arith.constant 80 : i32
    %mul3A_2 = arith.muli %add3A, %mul3A_1 : i32
    "tpu.region"() ({
      %run_scoped3A = tpu.sem_alloc : memref<!tpu.dma_semaphore, #tpu.memory_space<semaphore_mem>>
      %dma_start3A = arith.constant 0 : i32
      %dma_start3A_21 = tpu.memref_slice %arg2[%mul3A_2, %dma_start3A] : memref<2560x128xi32, #tpu.memory_space<hbm>> -> memref<80x128xi32, #tpu.memory_space<hbm>>
      %dma_start3A_22 = arith.constant 0 : i32
      %dma_start3A_23 = tpu.memref_slice %arg2[%mul3A_2, %dma_start3A_22] : memref<2560x128xi32, #tpu.memory_space<hbm>> -> memref<80x128xi32, #tpu.memory_space<hbm>>
      tpu.enqueue_dma source(%dma_start3A_23 : memref<80x128xi32, #tpu.memory_space<hbm>>) target(%arg6 : memref<80x128xi32, #tpu.memory_space<vmem>>) target_semaphore(%run_scoped3A : memref<!tpu.dma_semaphore, #tpu.memory_space<semaphore_mem>>)
      %dma_wait3A = arith.constant 0 : i32
      %dma_wait3A_24 = tpu.memref_slice %arg2[%mul3A_2, %dma_wait3A] : memref<2560x128xi32, #tpu.memory_space<hbm>> -> memref<80x128xi32, #tpu.memory_space<hbm>>
      %dma_wait3A_25 = arith.constant 0 : i32
      %dma_wait3A_26 = tpu.memref_slice %arg2[%mul3A_2, %dma_wait3A_25] : memref<2560x128xi32, #tpu.memory_space<hbm>> -> memref<80x128xi32, #tpu.memory_space<hbm>>
      tpu.wait_dma2 semaphore(%run_scoped3A : memref<!tpu.dma_semaphore, #tpu.memory_space<semaphore_mem>>) src(%dma_wait3A_26 : memref<80x128xi32, #tpu.memory_space<hbm>>) dst(%arg6 : memref<80x128xi32, #tpu.memory_space<vmem>>)
      tpu.yield
    }) : () -> ()
    %mul3A_3 = arith.constant 640 : i32
    %mul3A_4 = arith.muli %arg1, %mul3A_3 : i32
    "tpu.region"() ({
      %run_scoped3A = tpu.sem_alloc : memref<!tpu.dma_semaphore, #tpu.memory_space<semaphore_mem>>
      %dma_start3A = tpu.memref_slice %arg8[%mul3A_4] : memref<10240xf32, #tpu.memory_space<vmem_shared>> -> memref<640xf32, #tpu.memory_space<vmem_shared>>
      tpu.enqueue_dma source(%arg4 : memref<640xf32, #tpu.memory_space<hbm>>) target(%dma_start3A : memref<640xf32, #tpu.memory_space<vmem_shared>>) target_semaphore(%run_scoped3A : memref<!tpu.dma_semaphore, #tpu.memory_space<semaphore_mem>>)
      %dma_wait3A = tpu.memref_slice %arg8[%mul3A_4] : memref<10240xf32, #tpu.memory_space<vmem_shared>> -> memref<640xf32, #tpu.memory_space<vmem_shared>>
      tpu.wait_dma2 semaphore(%run_scoped3A : memref<!tpu.dma_semaphore, #tpu.memory_space<semaphore_mem>>) src(%arg4 : memref<640xf32, #tpu.memory_space<hbm>>) dst(%dma_wait3A : memref<640xf32, #tpu.memory_space<vmem_shared>>)
      tpu.yield
    }) : () -> ()
    %barrier3A = arith.constant 0 : index
    tpu.barrier barrier_id(%barrier3A)
    %scan3A = arith.constant 0 : i32
    %scan3A_5 = arith.constant 0 : i32
    %scan3A_6 = arith.constant 80 : i32
    %scan3A_7 = arith.addi %scan3A_5, %scan3A_6 : i32
    %scan3A_8 = arith.constant 1 : i32
    scf.for %scan3A_21 = %scan3A_5 to %scan3A_7 step %scan3A_8  : i32 {
      %dma_start3A = arith.constant 0 : i32
      %dma_start3A_22 = tpu.memref_slice %arg6[%scan3A_21, %dma_start3A] : memref<80x128xi32, #tpu.memory_space<vmem>> -> memref<1x128xi32, #tpu.memory_space<vmem>>
      %dma_start3A_23 = tpu.memref_squeeze %dma_start3A_22 : memref<1x128xi32, #tpu.memory_space<vmem>> -> memref<128xi32, #tpu.memory_space<vmem>>
      %dma_start3A_24 = arith.constant 0 : i32
      %dma_start3A_25 = tpu.memref_slice %arg8[%dma_start3A_24] : memref<10240xf32, #tpu.memory_space<vmem_shared>> -> memref<10240xf32, #tpu.memory_space<vmem_shared>>
      tpu.enqueue_indirect_dma source(%arg7 : memref<128xf32, #tpu.memory_space<vmem>>) target(%dma_start3A_25 : memref<10240xf32, #tpu.memory_space<vmem_shared>>) offsets(%dma_start3A_23 : memref<128xi32, #tpu.memory_space<vmem>>) semaphore(%arg9 : memref<!tpu.dma_semaphore, #tpu.memory_space<semaphore_mem>>) {add = true}
      %ge3A = arith.constant 16 : i32
      %ge3A_26 = arith.cmpi sge, %scan3A_21, %ge3A : i32
      %convert_element_type3A = arith.extui %ge3A_26 : i1 to i32
      %cond3A = arith.constant 0 : i32
      %cond3A_27 = arith.cmpi ne, %convert_element_type3A, %cond3A : i32
      scf.if %cond3A_27 {
        %dma_wait3A = arith.constant 0 : i32
        %dma_wait3A_28 = arith.constant 0 : i32
        %dma_wait3A_29 = tpu.memref_slice %arg6[%dma_wait3A, %dma_wait3A_28] : memref<80x128xi32, #tpu.memory_space<vmem>> -> memref<1x128xi32, #tpu.memory_space<vmem>>
        %dma_wait3A_30 = tpu.memref_squeeze %dma_wait3A_29 : memref<1x128xi32, #tpu.memory_space<vmem>> -> memref<128xi32, #tpu.memory_space<vmem>>
        %dma_wait3A_31 = arith.constant 0 : i32
        %dma_wait3A_32 = tpu.memref_slice %arg8[%dma_wait3A_31] : memref<10240xf32, #tpu.memory_space<vmem_shared>> -> memref<10240xf32, #tpu.memory_space<vmem_shared>>
        tpu.wait_indirect_dma semaphore(%arg9 : memref<!tpu.dma_semaphore, #tpu.memory_space<semaphore_mem>>) src(%arg7 : memref<128xf32, #tpu.memory_space<vmem>>) dst(%dma_wait3A_32 : memref<10240xf32, #tpu.memory_space<vmem_shared>>)
      } else {
      }
    }
    %scan3A_9 = arith.constant 80 : i32
    %scan3A_10 = arith.constant 0 : i32
    %scan3A_11 = arith.constant 0 : i32
    %scan3A_12 = arith.constant 16 : i32
    %scan3A_13 = arith.addi %scan3A_11, %scan3A_12 : i32
    %scan3A_14 = arith.constant 1 : i32
    scf.for %scan3A_21 = %scan3A_11 to %scan3A_13 step %scan3A_14  : i32 {
      %dma_wait3A = arith.constant 0 : i32
      %dma_wait3A_22 = arith.constant 0 : i32
      %dma_wait3A_23 = tpu.memref_slice %arg6[%dma_wait3A, %dma_wait3A_22] : memref<80x128xi32, #tpu.memory_space<vmem>> -> memref<1x128xi32, #tpu.memory_space<vmem>>
      %dma_wait3A_24 = tpu.memref_squeeze %dma_wait3A_23 : memref<1x128xi32, #tpu.memory_space<vmem>> -> memref<128xi32, #tpu.memory_space<vmem>>
      %dma_wait3A_25 = arith.constant 0 : i32
      %dma_wait3A_26 = tpu.memref_slice %arg8[%dma_wait3A_25] : memref<10240xf32, #tpu.memory_space<vmem_shared>> -> memref<10240xf32, #tpu.memory_space<vmem_shared>>
      tpu.wait_indirect_dma semaphore(%arg9 : memref<!tpu.dma_semaphore, #tpu.memory_space<semaphore_mem>>) src(%arg7 : memref<128xf32, #tpu.memory_space<vmem>>) dst(%dma_wait3A_26 : memref<10240xf32, #tpu.memory_space<vmem_shared>>)
    }
    %scan3A_15 = arith.constant 16 : i32
    %barrier3A_16 = arith.constant 0 : index
    tpu.barrier barrier_id(%barrier3A_16)
    %mul3A_17 = arith.constant 640 : i32
    %mul3A_18 = arith.muli %arg1, %mul3A_17 : i32
    %mul3A_19 = arith.constant 640 : i32
    %mul3A_20 = arith.muli %arg1, %mul3A_19 : i32
    "tpu.region"() ({
      %run_scoped3A = tpu.sem_alloc : memref<!tpu.dma_semaphore, #tpu.memory_space<semaphore_mem>>
      %dma_start3A = tpu.memref_slice %arg5[%arg0, %mul3A_20] : memref<2x10240xf32, #tpu.memory_space<hbm>> -> memref<1x640xf32, #tpu.memory_space<hbm>>
      %dma_start3A_21 = tpu.memref_squeeze %dma_start3A : memref<1x640xf32, #tpu.memory_space<hbm>> -> memref<640xf32, #tpu.memory_space<hbm>>
      %dma_start3A_22 = tpu.memref_slice %arg8[%mul3A_18] : memref<10240xf32, #tpu.memory_space<vmem_shared>> -> memref<640xf32, #tpu.memory_space<vmem_shared>>
      tpu.enqueue_dma source(%dma_start3A_22 : memref<640xf32, #tpu.memory_space<vmem_shared>>) target(%dma_start3A_21 : memref<640xf32, #tpu.memory_space<hbm>>) target_semaphore(%run_scoped3A : memref<!tpu.dma_semaphore, #tpu.memory_space<semaphore_mem>>)
      %dma_wait3A = tpu.memref_slice %arg5[%arg0, %mul3A_20] : memref<2x10240xf32, #tpu.memory_space<hbm>> -> memref<1x640xf32, #tpu.memory_space<hbm>>
      %dma_wait3A_23 = tpu.memref_squeeze %dma_wait3A : memref<1x640xf32, #tpu.memory_space<hbm>> -> memref<640xf32, #tpu.memory_space<hbm>>
      %dma_wait3A_24 = tpu.memref_slice %arg8[%mul3A_18] : memref<10240xf32, #tpu.memory_space<vmem_shared>> -> memref<640xf32, #tpu.memory_space<vmem_shared>>
      tpu.wait_dma2 semaphore(%run_scoped3A : memref<!tpu.dma_semaphore, #tpu.memory_space<semaphore_mem>>) src(%dma_wait3A_24 : memref<640xf32, #tpu.memory_space<vmem_shared>>) dst(%dma_wait3A_23 : memref<640xf32, #tpu.memory_space<hbm>>)
      tpu.yield
    }) : () -> ()
    return
  }
}

#map = affine_map<(d0, d1) -> (0, 0)>
#map1 = affine_map<(d0, d1) -> (0, 0, 0)>
module attributes {stable_mosaic.version = 14 : i64} {
  func.func @_segsum(%arg0: i32, %arg1: i32, %arg2: memref<10000x128xf32, #tpu.memory_space<hbm>>, %arg3: memref<5120x64xi32, #tpu.memory_space<hbm>>, %arg4: memref<5120x64xi32, #tpu.memory_space<hbm>>, %arg5: memref<640x128xf32, #tpu.memory_space<hbm>>, %arg6: memref<2x10240x128xf32, #tpu.memory_space<hbm>>, %arg7: memref<40x64xi32, #tpu.memory_space<vmem>>, %arg8: memref<40x64xi32, #tpu.memory_space<vmem>>, %arg9: memref<64x128xf32, #tpu.memory_space<vmem>>, %arg10: memref<64x128xf32, #tpu.memory_space<vmem>>, %arg11: memref<64x128xf32, #tpu.memory_space<vmem>>, %arg12: memref<64x128xf32, #tpu.memory_space<vmem>>, %arg13: memref<10240x128xf32, #tpu.memory_space<vmem_shared>>, %arg14: memref<!tpu.dma_semaphore, #tpu.memory_space<semaphore_mem>>, %arg15: memref<!tpu.dma_semaphore, #tpu.memory_space<semaphore_mem>>, %arg16: memref<!tpu.dma_semaphore, #tpu.memory_space<semaphore_mem>>, %arg17: memref<!tpu.dma_semaphore, #tpu.memory_space<semaphore_mem>>, %arg18: memref<!tpu.dma_semaphore, #tpu.memory_space<semaphore_mem>>, %arg19: memref<!tpu.dma_semaphore, #tpu.memory_space<semaphore_mem>>, %arg20: memref<!tpu.dma_semaphore, #tpu.memory_space<semaphore_mem>>, %arg21: memref<!tpu.dma_semaphore, #tpu.memory_space<semaphore_mem>>) attributes {dimension_semantics = [#tpu.dimension_semantics<core_parallel>, #tpu.dimension_semantics<subcore_parallel>], iteration_bounds = array<i64: 2, 16>, scalar_prefetch = 0 : i64, scratch_operands = 15 : i64, tpu.core_type = #tpu.core_type<sc_vector_subcore>, window_params = [{transform_indices = #map}, {transform_indices = #map}, {transform_indices = #map}, {transform_indices = #map}, {transform_indices = #map1}]} {
    %mul3A = arith.constant 16 : i32
    %mul3A_0 = arith.muli %arg0, %mul3A : i32
    %add3A = arith.addi %mul3A_0, %arg1 : i32
    %mul3A_1 = arith.constant 160 : i32
    %mul3A_2 = arith.muli %add3A, %mul3A_1 : i32
    %add3A_3 = arith.constant 0 : i32
    %add3A_4 = arith.addi %mul3A_2, %add3A_3 : i32
    "tpu.region"() ({
      %run_scoped3A = tpu.sem_alloc : memref<!tpu.dma_semaphore, #tpu.memory_space<semaphore_mem>>
      %dma_start3A_157 = arith.constant 0 : i32
      %dma_start3A_158 = tpu.memref_slice %arg3[%add3A_4, %dma_start3A_157] : memref<5120x64xi32, #tpu.memory_space<hbm>> -> memref<40x64xi32, #tpu.memory_space<hbm>>
      %dma_start3A_159 = arith.constant 0 : i32
      %dma_start3A_160 = tpu.memref_slice %arg3[%add3A_4, %dma_start3A_159] : memref<5120x64xi32, #tpu.memory_space<hbm>> -> memref<40x64xi32, #tpu.memory_space<hbm>>
      tpu.enqueue_dma source(%dma_start3A_160 : memref<40x64xi32, #tpu.memory_space<hbm>>) target(%arg7 : memref<40x64xi32, #tpu.memory_space<vmem>>) target_semaphore(%run_scoped3A : memref<!tpu.dma_semaphore, #tpu.memory_space<semaphore_mem>>)
      %dma_wait3A_161 = arith.constant 0 : i32
      %dma_wait3A_162 = tpu.memref_slice %arg3[%add3A_4, %dma_wait3A_161] : memref<5120x64xi32, #tpu.memory_space<hbm>> -> memref<40x64xi32, #tpu.memory_space<hbm>>
      %dma_wait3A_163 = arith.constant 0 : i32
      %dma_wait3A_164 = tpu.memref_slice %arg3[%add3A_4, %dma_wait3A_163] : memref<5120x64xi32, #tpu.memory_space<hbm>> -> memref<40x64xi32, #tpu.memory_space<hbm>>
      tpu.wait_dma2 semaphore(%run_scoped3A : memref<!tpu.dma_semaphore, #tpu.memory_space<semaphore_mem>>) src(%dma_wait3A_164 : memref<40x64xi32, #tpu.memory_space<hbm>>) dst(%arg7 : memref<40x64xi32, #tpu.memory_space<vmem>>)
      tpu.yield
    }) : () -> ()
    "tpu.region"() ({
      %run_scoped3A = tpu.sem_alloc : memref<!tpu.dma_semaphore, #tpu.memory_space<semaphore_mem>>
      %dma_start3A_157 = arith.constant 0 : i32
      %dma_start3A_158 = tpu.memref_slice %arg4[%add3A_4, %dma_start3A_157] : memref<5120x64xi32, #tpu.memory_space<hbm>> -> memref<40x64xi32, #tpu.memory_space<hbm>>
      %dma_start3A_159 = arith.constant 0 : i32
      %dma_start3A_160 = tpu.memref_slice %arg4[%add3A_4, %dma_start3A_159] : memref<5120x64xi32, #tpu.memory_space<hbm>> -> memref<40x64xi32, #tpu.memory_space<hbm>>
      tpu.enqueue_dma source(%dma_start3A_160 : memref<40x64xi32, #tpu.memory_space<hbm>>) target(%arg8 : memref<40x64xi32, #tpu.memory_space<vmem>>) target_semaphore(%run_scoped3A : memref<!tpu.dma_semaphore, #tpu.memory_space<semaphore_mem>>)
      %dma_wait3A_161 = arith.constant 0 : i32
      %dma_wait3A_162 = tpu.memref_slice %arg4[%add3A_4, %dma_wait3A_161] : memref<5120x64xi32, #tpu.memory_space<hbm>> -> memref<40x64xi32, #tpu.memory_space<hbm>>
      %dma_wait3A_163 = arith.constant 0 : i32
      %dma_wait3A_164 = tpu.memref_slice %arg4[%add3A_4, %dma_wait3A_163] : memref<5120x64xi32, #tpu.memory_space<hbm>> -> memref<40x64xi32, #tpu.memory_space<hbm>>
      tpu.wait_dma2 semaphore(%run_scoped3A : memref<!tpu.dma_semaphore, #tpu.memory_space<semaphore_mem>>) src(%dma_wait3A_164 : memref<40x64xi32, #tpu.memory_space<hbm>>) dst(%arg8 : memref<40x64xi32, #tpu.memory_space<vmem>>)
      tpu.yield
    }) : () -> ()
    %dma_start3A = arith.constant 0 : i32
    %dma_start3A_5 = arith.constant 0 : i32
    %dma_start3A_6 = tpu.memref_slice %arg7[%dma_start3A, %dma_start3A_5] : memref<40x64xi32, #tpu.memory_space<vmem>> -> memref<1x64xi32, #tpu.memory_space<vmem>>
    %dma_start3A_7 = tpu.memref_squeeze %dma_start3A_6 : memref<1x64xi32, #tpu.memory_space<vmem>> -> memref<64xi32, #tpu.memory_space<vmem>>
    %dma_start3A_8 = arith.constant 0 : i32
    %dma_start3A_9 = arith.constant 0 : i32
    %dma_start3A_10 = tpu.memref_slice %arg2[%dma_start3A_8, %dma_start3A_9] : memref<10000x128xf32, #tpu.memory_space<hbm>> -> memref<10000x128xf32, #tpu.memory_space<hbm>>
    tpu.enqueue_indirect_dma source(%dma_start3A_10 : memref<10000x128xf32, #tpu.memory_space<hbm>>) target(%arg9 : memref<64x128xf32, #tpu.memory_space<vmem>>) offsets(%dma_start3A_7 : memref<64xi32, #tpu.memory_space<vmem>>) semaphore(%arg14 : memref<!tpu.dma_semaphore, #tpu.memory_space<semaphore_mem>>)
    %dma_start3A_11 = arith.constant 1 : i32
    %dma_start3A_12 = arith.constant 0 : i32
    %dma_start3A_13 = tpu.memref_slice %arg7[%dma_start3A_11, %dma_start3A_12] : memref<40x64xi32, #tpu.memory_space<vmem>> -> memref<1x64xi32, #tpu.memory_space<vmem>>
    %dma_start3A_14 = tpu.memref_squeeze %dma_start3A_13 : memref<1x64xi32, #tpu.memory_space<vmem>> -> memref<64xi32, #tpu.memory_space<vmem>>
    %dma_start3A_15 = arith.constant 0 : i32
    %dma_start3A_16 = arith.constant 0 : i32
    %dma_start3A_17 = tpu.memref_slice %arg2[%dma_start3A_15, %dma_start3A_16] : memref<10000x128xf32, #tpu.memory_space<hbm>> -> memref<10000x128xf32, #tpu.memory_space<hbm>>
    tpu.enqueue_indirect_dma source(%dma_start3A_17 : memref<10000x128xf32, #tpu.memory_space<hbm>>) target(%arg10 : memref<64x128xf32, #tpu.memory_space<vmem>>) offsets(%dma_start3A_14 : memref<64xi32, #tpu.memory_space<vmem>>) semaphore(%arg15 : memref<!tpu.dma_semaphore, #tpu.memory_space<semaphore_mem>>)
    %mul3A_18 = arith.constant 640 : i32
    %mul3A_19 = arith.muli %arg1, %mul3A_18 : i32
    "tpu.region"() ({
      %run_scoped3A = tpu.sem_alloc : memref<!tpu.dma_semaphore, #tpu.memory_space<semaphore_mem>>
      %dma_start3A_157 = arith.constant 0 : i32
      %dma_start3A_158 = tpu.memref_slice %arg13[%mul3A_19, %dma_start3A_157] : memref<10240x128xf32, #tpu.memory_space<vmem_shared>> -> memref<640x128xf32, #tpu.memory_space<vmem_shared>>
      tpu.enqueue_dma source(%arg5 : memref<640x128xf32, #tpu.memory_space<hbm>>) target(%dma_start3A_158 : memref<640x128xf32, #tpu.memory_space<vmem_shared>>) target_semaphore(%run_scoped3A : memref<!tpu.dma_semaphore, #tpu.memory_space<semaphore_mem>>)
      %dma_wait3A_159 = arith.constant 0 : i32
      %dma_wait3A_160 = tpu.memref_slice %arg13[%mul3A_19, %dma_wait3A_159] : memref<10240x128xf32, #tpu.memory_space<vmem_shared>> -> memref<640x128xf32, #tpu.memory_space<vmem_shared>>
      tpu.wait_dma2 semaphore(%run_scoped3A : memref<!tpu.dma_semaphore, #tpu.memory_space<semaphore_mem>>) src(%arg5 : memref<640x128xf32, #tpu.memory_space<hbm>>) dst(%dma_wait3A_160 : memref<640x128xf32, #tpu.memory_space<vmem_shared>>)
      tpu.yield
    }) : () -> ()
    %barrier3A = arith.constant 0 : index
    tpu.barrier barrier_id(%barrier3A)
    %scan3A = arith.constant 0 : i32
    %scan3A_20 = arith.constant 0 : i32
    %scan3A_21 = arith.constant 10 : i32
    %scan3A_22 = arith.addi %scan3A_20, %scan3A_21 : i32
    %scan3A_23 = arith.constant 1 : i32
    scf.for %scan3A_157 = %scan3A_20 to %scan3A_22 step %scan3A_23  : i32 {
      %mul3A_158 = arith.constant 4 : i32
      %mul3A_159 = arith.muli %mul3A_158, %scan3A_157 : i32
      %add3A_160 = arith.constant 0 : i32
      %add3A_161 = arith.addi %mul3A_159, %add3A_160 : i32
      %dma_wait3A_162 = arith.constant 0 : i32
      %dma_wait3A_163 = tpu.memref_slice %arg7[%add3A_161, %dma_wait3A_162] : memref<40x64xi32, #tpu.memory_space<vmem>> -> memref<1x64xi32, #tpu.memory_space<vmem>>
      %dma_wait3A_164 = tpu.memref_squeeze %dma_wait3A_163 : memref<1x64xi32, #tpu.memory_space<vmem>> -> memref<64xi32, #tpu.memory_space<vmem>>
      %dma_wait3A_165 = arith.constant 0 : i32
      %dma_wait3A_166 = arith.constant 0 : i32
      %dma_wait3A_167 = tpu.memref_slice %arg2[%dma_wait3A_165, %dma_wait3A_166] : memref<10000x128xf32, #tpu.memory_space<hbm>> -> memref<10000x128xf32, #tpu.memory_space<hbm>>
      tpu.wait_indirect_dma semaphore(%arg14 : memref<!tpu.dma_semaphore, #tpu.memory_space<semaphore_mem>>) src(%dma_wait3A_167 : memref<10000x128xf32, #tpu.memory_space<hbm>>) dst(%arg9 : memref<64x128xf32, #tpu.memory_space<vmem>>)
      %dma_start3A_168 = arith.constant 0 : i32
      %dma_start3A_169 = tpu.memref_slice %arg8[%add3A_161, %dma_start3A_168] : memref<40x64xi32, #tpu.memory_space<vmem>> -> memref<1x64xi32, #tpu.memory_space<vmem>>
      %dma_start3A_170 = tpu.memref_squeeze %dma_start3A_169 : memref<1x64xi32, #tpu.memory_space<vmem>> -> memref<64xi32, #tpu.memory_space<vmem>>
      %dma_start3A_171 = arith.constant 0 : i32
      %dma_start3A_172 = arith.constant 0 : i32
      %dma_start3A_173 = tpu.memref_slice %arg13[%dma_start3A_171, %dma_start3A_172] : memref<10240x128xf32, #tpu.memory_space<vmem_shared>> -> memref<10240x128xf32, #tpu.memory_space<vmem_shared>>
      tpu.enqueue_indirect_dma source(%arg9 : memref<64x128xf32, #tpu.memory_space<vmem>>) target(%dma_start3A_173 : memref<10240x128xf32, #tpu.memory_space<vmem_shared>>) offsets(%dma_start3A_170 : memref<64xi32, #tpu.memory_space<vmem>>) semaphore(%arg18 : memref<!tpu.dma_semaphore, #tpu.memory_space<semaphore_mem>>) {add = true}
      %ge3A = arith.constant 2 : i32
      %ge3A_174 = arith.cmpi sge, %add3A_161, %ge3A : i32
      %convert_element_type3A = arith.extui %ge3A_174 : i1 to i32
      %cond3A = arith.constant 0 : i32
      %cond3A_175 = arith.cmpi ne, %convert_element_type3A, %cond3A : i32
      scf.if %cond3A_175 {
        %dma_wait3A_266 = arith.constant 0 : i32
        %dma_wait3A_267 = arith.constant 0 : i32
        %dma_wait3A_268 = tpu.memref_slice %arg8[%dma_wait3A_266, %dma_wait3A_267] : memref<40x64xi32, #tpu.memory_space<vmem>> -> memref<1x64xi32, #tpu.memory_space<vmem>>
        %dma_wait3A_269 = tpu.memref_squeeze %dma_wait3A_268 : memref<1x64xi32, #tpu.memory_space<vmem>> -> memref<64xi32, #tpu.memory_space<vmem>>
        %dma_wait3A_270 = arith.constant 0 : i32
        %dma_wait3A_271 = arith.constant 0 : i32
        %dma_wait3A_272 = tpu.memref_slice %arg13[%dma_wait3A_270, %dma_wait3A_271] : memref<10240x128xf32, #tpu.memory_space<vmem_shared>> -> memref<10240x128xf32, #tpu.memory_space<vmem_shared>>
        tpu.wait_indirect_dma semaphore(%arg20 : memref<!tpu.dma_semaphore, #tpu.memory_space<semaphore_mem>>) src(%arg11 : memref<64x128xf32, #tpu.memory_space<vmem>>) dst(%dma_wait3A_272 : memref<10240x128xf32, #tpu.memory_space<vmem_shared>>)
      } else {
      }
      %add3A_176 = arith.constant 2 : i32
      %add3A_177 = arith.addi %add3A_161, %add3A_176 : i32
      %lt3A = arith.constant 40 : i32
      %lt3A_178 = arith.cmpi slt, %add3A_177, %lt3A : i32
      %convert_element_type3A_179 = arith.extui %lt3A_178 : i1 to i32
      %cond3A_180 = arith.constant 0 : i32
      %cond3A_181 = arith.cmpi ne, %convert_element_type3A_179, %cond3A_180 : i32
      scf.if %cond3A_181 {
        %add3A_266 = arith.constant 2 : i32
        %add3A_267 = arith.addi %add3A_161, %add3A_266 : i32
        %dma_start3A_268 = arith.constant 0 : i32
        %dma_start3A_269 = tpu.memref_slice %arg7[%add3A_267, %dma_start3A_268] : memref<40x64xi32, #tpu.memory_space<vmem>> -> memref<1x64xi32, #tpu.memory_space<vmem>>
        %dma_start3A_270 = tpu.memref_squeeze %dma_start3A_269 : memref<1x64xi32, #tpu.memory_space<vmem>> -> memref<64xi32, #tpu.memory_space<vmem>>
        %dma_start3A_271 = arith.constant 0 : i32
        %dma_start3A_272 = arith.constant 0 : i32
        %dma_start3A_273 = tpu.memref_slice %arg2[%dma_start3A_271, %dma_start3A_272] : memref<10000x128xf32, #tpu.memory_space<hbm>> -> memref<10000x128xf32, #tpu.memory_space<hbm>>
        tpu.enqueue_indirect_dma source(%dma_start3A_273 : memref<10000x128xf32, #tpu.memory_space<hbm>>) target(%arg11 : memref<64x128xf32, #tpu.memory_space<vmem>>) offsets(%dma_start3A_270 : memref<64xi32, #tpu.memory_space<vmem>>) semaphore(%arg16 : memref<!tpu.dma_semaphore, #tpu.memory_space<semaphore_mem>>)
      } else {
      }
      %mul3A_182 = arith.constant 4 : i32
      %mul3A_183 = arith.muli %mul3A_182, %scan3A_157 : i32
      %add3A_184 = arith.constant 1 : i32
      %add3A_185 = arith.addi %mul3A_183, %add3A_184 : i32
      %dma_wait3A_186 = arith.constant 0 : i32
      %dma_wait3A_187 = tpu.memref_slice %arg7[%add3A_185, %dma_wait3A_186] : memref<40x64xi32, #tpu.memory_space<vmem>> -> memref<1x64xi32, #tpu.memory_space<vmem>>
      %dma_wait3A_188 = tpu.memref_squeeze %dma_wait3A_187 : memref<1x64xi32, #tpu.memory_space<vmem>> -> memref<64xi32, #tpu.memory_space<vmem>>
      %dma_wait3A_189 = arith.constant 0 : i32
      %dma_wait3A_190 = arith.constant 0 : i32
      %dma_wait3A_191 = tpu.memref_slice %arg2[%dma_wait3A_189, %dma_wait3A_190] : memref<10000x128xf32, #tpu.memory_space<hbm>> -> memref<10000x128xf32, #tpu.memory_space<hbm>>
      tpu.wait_indirect_dma semaphore(%arg15 : memref<!tpu.dma_semaphore, #tpu.memory_space<semaphore_mem>>) src(%dma_wait3A_191 : memref<10000x128xf32, #tpu.memory_space<hbm>>) dst(%arg10 : memref<64x128xf32, #tpu.memory_space<vmem>>)
      %dma_start3A_192 = arith.constant 0 : i32
      %dma_start3A_193 = tpu.memref_slice %arg8[%add3A_185, %dma_start3A_192] : memref<40x64xi32, #tpu.memory_space<vmem>> -> memref<1x64xi32, #tpu.memory_space<vmem>>
      %dma_start3A_194 = tpu.memref_squeeze %dma_start3A_193 : memref<1x64xi32, #tpu.memory_space<vmem>> -> memref<64xi32, #tpu.memory_space<vmem>>
      %dma_start3A_195 = arith.constant 0 : i32
      %dma_start3A_196 = arith.constant 0 : i32
      %dma_start3A_197 = tpu.memref_slice %arg13[%dma_start3A_195, %dma_start3A_196] : memref<10240x128xf32, #tpu.memory_space<vmem_shared>> -> memref<10240x128xf32, #tpu.memory_space<vmem_shared>>
      tpu.enqueue_indirect_dma source(%arg10 : memref<64x128xf32, #tpu.memory_space<vmem>>) target(%dma_start3A_197 : memref<10240x128xf32, #tpu.memory_space<vmem_shared>>) offsets(%dma_start3A_194 : memref<64xi32, #tpu.memory_space<vmem>>) semaphore(%arg19 : memref<!tpu.dma_semaphore, #tpu.memory_space<semaphore_mem>>) {add = true}
      %ge3A_198 = arith.constant 2 : i32
      %ge3A_199 = arith.cmpi sge, %add3A_185, %ge3A_198 : i32
      %convert_element_type3A_200 = arith.extui %ge3A_199 : i1 to i32
      %cond3A_201 = arith.constant 0 : i32
      %cond3A_202 = arith.cmpi ne, %convert_element_type3A_200, %cond3A_201 : i32
      scf.if %cond3A_202 {
        %dma_wait3A_266 = arith.constant 0 : i32
        %dma_wait3A_267 = arith.constant 0 : i32
        %dma_wait3A_268 = tpu.memref_slice %arg8[%dma_wait3A_266, %dma_wait3A_267] : memref<40x64xi32, #tpu.memory_space<vmem>> -> memref<1x64xi32, #tpu.memory_space<vmem>>
        %dma_wait3A_269 = tpu.memref_squeeze %dma_wait3A_268 : memref<1x64xi32, #tpu.memory_space<vmem>> -> memref<64xi32, #tpu.memory_space<vmem>>
        %dma_wait3A_270 = arith.constant 0 : i32
        %dma_wait3A_271 = arith.constant 0 : i32
        %dma_wait3A_272 = tpu.memref_slice %arg13[%dma_wait3A_270, %dma_wait3A_271] : memref<10240x128xf32, #tpu.memory_space<vmem_shared>> -> memref<10240x128xf32, #tpu.memory_space<vmem_shared>>
        tpu.wait_indirect_dma semaphore(%arg21 : memref<!tpu.dma_semaphore, #tpu.memory_space<semaphore_mem>>) src(%arg12 : memref<64x128xf32, #tpu.memory_space<vmem>>) dst(%dma_wait3A_272 : memref<10240x128xf32, #tpu.memory_space<vmem_shared>>)
      } else {
      }
      %add3A_203 = arith.constant 2 : i32
      %add3A_204 = arith.addi %add3A_185, %add3A_203 : i32
      %lt3A_205 = arith.constant 40 : i32
      %lt3A_206 = arith.cmpi slt, %add3A_204, %lt3A_205 : i32
      %convert_element_type3A_207 = arith.extui %lt3A_206 : i1 to i32
      %cond3A_208 = arith.constant 0 : i32
      %cond3A_209 = arith.cmpi ne, %convert_element_type3A_207, %cond3A_208 : i32
      scf.if %cond3A_209 {
        %add3A_266 = arith.constant 2 : i32
        %add3A_267 = arith.addi %add3A_185, %add3A_266 : i32
        %dma_start3A_268 = arith.constant 0 : i32
        %dma_start3A_269 = tpu.memref_slice %arg7[%add3A_267, %dma_start3A_268] : memref<40x64xi32, #tpu.memory_space<vmem>> -> memref<1x64xi32, #tpu.memory_space<vmem>>
        %dma_start3A_270 = tpu.memref_squeeze %dma_start3A_269 : memref<1x64xi32, #tpu.memory_space<vmem>> -> memref<64xi32, #tpu.memory_space<vmem>>
        %dma_start3A_271 = arith.constant 0 : i32
        %dma_start3A_272 = arith.constant 0 : i32
        %dma_start3A_273 = tpu.memref_slice %arg2[%dma_start3A_271, %dma_start3A_272] : memref<10000x128xf32, #tpu.memory_space<hbm>> -> memref<10000x128xf32, #tpu.memory_space<hbm>>
        tpu.enqueue_indirect_dma source(%dma_start3A_273 : memref<10000x128xf32, #tpu.memory_space<hbm>>) target(%arg12 : memref<64x128xf32, #tpu.memory_space<vmem>>) offsets(%dma_start3A_270 : memref<64xi32, #tpu.memory_space<vmem>>) semaphore(%arg17 : memref<!tpu.dma_semaphore, #tpu.memory_space<semaphore_mem>>)
      } else {
      }
      %mul3A_210 = arith.constant 4 : i32
      %mul3A_211 = arith.muli %mul3A_210, %scan3A_157 : i32
      %add3A_212 = arith.constant 2 : i32
      %add3A_213 = arith.addi %mul3A_211, %add3A_212 : i32
      %dma_wait3A_214 = arith.constant 0 : i32
      %dma_wait3A_215 = tpu.memref_slice %arg7[%add3A_213, %dma_wait3A_214] : memref<40x64xi32, #tpu.memory_space<vmem>> -> memref<1x64xi32, #tpu.memory_space<vmem>>
      %dma_wait3A_216 = tpu.memref_squeeze %dma_wait3A_215 : memref<1x64xi32, #tpu.memory_space<vmem>> -> memref<64xi32, #tpu.memory_space<vmem>>
      %dma_wait3A_217 = arith.constant 0 : i32
      %dma_wait3A_218 = arith.constant 0 : i32
      %dma_wait3A_219 = tpu.memref_slice %arg2[%dma_wait3A_217, %dma_wait3A_218] : memref<10000x128xf32, #tpu.memory_space<hbm>> -> memref<10000x128xf32, #tpu.memory_space<hbm>>
      tpu.wait_indirect_dma semaphore(%arg16 : memref<!tpu.dma_semaphore, #tpu.memory_space<semaphore_mem>>) src(%dma_wait3A_219 : memref<10000x128xf32, #tpu.memory_space<hbm>>) dst(%arg11 : memref<64x128xf32, #tpu.memory_space<vmem>>)
      %dma_start3A_220 = arith.constant 0 : i32
      %dma_start3A_221 = tpu.memref_slice %arg8[%add3A_213, %dma_start3A_220] : memref<40x64xi32, #tpu.memory_space<vmem>> -> memref<1x64xi32, #tpu.memory_space<vmem>>
      %dma_start3A_222 = tpu.memref_squeeze %dma_start3A_221 : memref<1x64xi32, #tpu.memory_space<vmem>> -> memref<64xi32, #tpu.memory_space<vmem>>
      %dma_start3A_223 = arith.constant 0 : i32
      %dma_start3A_224 = arith.constant 0 : i32
      %dma_start3A_225 = tpu.memref_slice %arg13[%dma_start3A_223, %dma_start3A_224] : memref<10240x128xf32, #tpu.memory_space<vmem_shared>> -> memref<10240x128xf32, #tpu.memory_space<vmem_shared>>
      tpu.enqueue_indirect_dma source(%arg11 : memref<64x128xf32, #tpu.memory_space<vmem>>) target(%dma_start3A_225 : memref<10240x128xf32, #tpu.memory_space<vmem_shared>>) offsets(%dma_start3A_222 : memref<64xi32, #tpu.memory_space<vmem>>) semaphore(%arg20 : memref<!tpu.dma_semaphore, #tpu.memory_space<semaphore_mem>>) {add = true}
      %ge3A_226 = arith.constant 2 : i32
      %ge3A_227 = arith.cmpi sge, %add3A_213, %ge3A_226 : i32
      %convert_element_type3A_228 = arith.extui %ge3A_227 : i1 to i32
      %cond3A_229 = arith.constant 0 : i32
      %cond3A_230 = arith.cmpi ne, %convert_element_type3A_228, %cond3A_229 : i32
      scf.if %cond3A_230 {
        %dma_wait3A_266 = arith.constant 0 : i32
        %dma_wait3A_267 = arith.constant 0 : i32
        %dma_wait3A_268 = tpu.memref_slice %arg8[%dma_wait3A_266, %dma_wait3A_267] : memref<40x64xi32, #tpu.memory_space<vmem>> -> memref<1x64xi32, #tpu.memory_space<vmem>>
        %dma_wait3A_269 = tpu.memref_squeeze %dma_wait3A_268 : memref<1x64xi32, #tpu.memory_space<vmem>> -> memref<64xi32, #tpu.memory_space<vmem>>
        %dma_wait3A_270 = arith.constant 0 : i32
        %dma_wait3A_271 = arith.constant 0 : i32
        %dma_wait3A_272 = tpu.memref_slice %arg13[%dma_wait3A_270, %dma_wait3A_271] : memref<10240x128xf32, #tpu.memory_space<vmem_shared>> -> memref<10240x128xf32, #tpu.memory_space<vmem_shared>>
        tpu.wait_indirect_dma semaphore(%arg18 : memref<!tpu.dma_semaphore, #tpu.memory_space<semaphore_mem>>) src(%arg9 : memref<64x128xf32, #tpu.memory_space<vmem>>) dst(%dma_wait3A_272 : memref<10240x128xf32, #tpu.memory_space<vmem_shared>>)
      } else {
      }
      %add3A_231 = arith.constant 2 : i32
      %add3A_232 = arith.addi %add3A_213, %add3A_231 : i32
      %lt3A_233 = arith.constant 40 : i32
      %lt3A_234 = arith.cmpi slt, %add3A_232, %lt3A_233 : i32
      %convert_element_type3A_235 = arith.extui %lt3A_234 : i1 to i32
      %cond3A_236 = arith.constant 0 : i32
      %cond3A_237 = arith.cmpi ne, %convert_element_type3A_235, %cond3A_236 : i32
      scf.if %cond3A_237 {
        %add3A_266 = arith.constant 2 : i32
        %add3A_267 = arith.addi %add3A_213, %add3A_266 : i32
        %dma_start3A_268 = arith.constant 0 : i32
        %dma_start3A_269 = tpu.memref_slice %arg7[%add3A_267, %dma_start3A_268] : memref<40x64xi32, #tpu.memory_space<vmem>> -> memref<1x64xi32, #tpu.memory_space<vmem>>
        %dma_start3A_270 = tpu.memref_squeeze %dma_start3A_269 : memref<1x64xi32, #tpu.memory_space<vmem>> -> memref<64xi32, #tpu.memory_space<vmem>>
        %dma_start3A_271 = arith.constant 0 : i32
        %dma_start3A_272 = arith.constant 0 : i32
        %dma_start3A_273 = tpu.memref_slice %arg2[%dma_start3A_271, %dma_start3A_272] : memref<10000x128xf32, #tpu.memory_space<hbm>> -> memref<10000x128xf32, #tpu.memory_space<hbm>>
        tpu.enqueue_indirect_dma source(%dma_start3A_273 : memref<10000x128xf32, #tpu.memory_space<hbm>>) target(%arg9 : memref<64x128xf32, #tpu.memory_space<vmem>>) offsets(%dma_start3A_270 : memref<64xi32, #tpu.memory_space<vmem>>) semaphore(%arg14 : memref<!tpu.dma_semaphore, #tpu.memory_space<semaphore_mem>>)
      } else {
      }
      %mul3A_238 = arith.constant 4 : i32
      %mul3A_239 = arith.muli %mul3A_238, %scan3A_157 : i32
      %add3A_240 = arith.constant 3 : i32
      %add3A_241 = arith.addi %mul3A_239, %add3A_240 : i32
      %dma_wait3A_242 = arith.constant 0 : i32
      %dma_wait3A_243 = tpu.memref_slice %arg7[%add3A_241, %dma_wait3A_242] : memref<40x64xi32, #tpu.memory_space<vmem>> -> memref<1x64xi32, #tpu.memory_space<vmem>>
      %dma_wait3A_244 = tpu.memref_squeeze %dma_wait3A_243 : memref<1x64xi32, #tpu.memory_space<vmem>> -> memref<64xi32, #tpu.memory_space<vmem>>
      %dma_wait3A_245 = arith.constant 0 : i32
      %dma_wait3A_246 = arith.constant 0 : i32
      %dma_wait3A_247 = tpu.memref_slice %arg2[%dma_wait3A_245, %dma_wait3A_246] : memref<10000x128xf32, #tpu.memory_space<hbm>> -> memref<10000x128xf32, #tpu.memory_space<hbm>>
      tpu.wait_indirect_dma semaphore(%arg17 : memref<!tpu.dma_semaphore, #tpu.memory_space<semaphore_mem>>) src(%dma_wait3A_247 : memref<10000x128xf32, #tpu.memory_space<hbm>>) dst(%arg12 : memref<64x128xf32, #tpu.memory_space<vmem>>)
      %dma_start3A_248 = arith.constant 0 : i32
      %dma_start3A_249 = tpu.memref_slice %arg8[%add3A_241, %dma_start3A_248] : memref<40x64xi32, #tpu.memory_space<vmem>> -> memref<1x64xi32, #tpu.memory_space<vmem>>
      %dma_start3A_250 = tpu.memref_squeeze %dma_start3A_249 : memref<1x64xi32, #tpu.memory_space<vmem>> -> memref<64xi32, #tpu.memory_space<vmem>>
      %dma_start3A_251 = arith.constant 0 : i32
      %dma_start3A_252 = arith.constant 0 : i32
      %dma_start3A_253 = tpu.memref_slice %arg13[%dma_start3A_251, %dma_start3A_252] : memref<10240x128xf32, #tpu.memory_space<vmem_shared>> -> memref<10240x128xf32, #tpu.memory_space<vmem_shared>>
      tpu.enqueue_indirect_dma source(%arg12 : memref<64x128xf32, #tpu.memory_space<vmem>>) target(%dma_start3A_253 : memref<10240x128xf32, #tpu.memory_space<vmem_shared>>) offsets(%dma_start3A_250 : memref<64xi32, #tpu.memory_space<vmem>>) semaphore(%arg21 : memref<!tpu.dma_semaphore, #tpu.memory_space<semaphore_mem>>) {add = true}
      %ge3A_254 = arith.constant 2 : i32
      %ge3A_255 = arith.cmpi sge, %add3A_241, %ge3A_254 : i32
      %convert_element_type3A_256 = arith.extui %ge3A_255 : i1 to i32
      %cond3A_257 = arith.constant 0 : i32
      %cond3A_258 = arith.cmpi ne, %convert_element_type3A_256, %cond3A_257 : i32
      scf.if %cond3A_258 {
        %dma_wait3A_266 = arith.constant 0 : i32
        %dma_wait3A_267 = arith.constant 0 : i32
        %dma_wait3A_268 = tpu.memref_slice %arg8[%dma_wait3A_266, %dma_wait3A_267] : memref<40x64xi32, #tpu.memory_space<vmem>> -> memref<1x64xi32, #tpu.memory_space<vmem>>
        %dma_wait3A_269 = tpu.memref_squeeze %dma_wait3A_268 : memref<1x64xi32, #tpu.memory_space<vmem>> -> memref<64xi32, #tpu.memory_space<vmem>>
        %dma_wait3A_270 = arith.constant 0 : i32
        %dma_wait3A_271 = arith.constant 0 : i32
        %dma_wait3A_272 = tpu.memref_slice %arg13[%dma_wait3A_270, %dma_wait3A_271] : memref<10240x128xf32, #tpu.memory_space<vmem_shared>> -> memref<10240x128xf32, #tpu.memory_space<vmem_shared>>
        tpu.wait_indirect_dma semaphore(%arg19 : memref<!tpu.dma_semaphore, #tpu.memory_space<semaphore_mem>>) src(%arg10 : memref<64x128xf32, #tpu.memory_space<vmem>>) dst(%dma_wait3A_272 : memref<10240x128xf32, #tpu.memory_space<vmem_shared>>)
      } else {
      }
      %add3A_259 = arith.constant 2 : i32
      %add3A_260 = arith.addi %add3A_241, %add3A_259 : i32
      %lt3A_261 = arith.constant 40 : i32
      %lt3A_262 = arith.cmpi slt, %add3A_260, %lt3A_261 : i32
      %convert_element_type3A_263 = arith.extui %lt3A_262 : i1 to i32
      %cond3A_264 = arith.constant 0 : i32
      %cond3A_265 = arith.cmpi ne, %convert_element_type3A_263, %cond3A_264 : i32
      scf.if %cond3A_265 {
        %add3A_266 = arith.constant 2 : i32
        %add3A_267 = arith.addi %add3A_241, %add3A_266 : i32
        %dma_start3A_268 = arith.constant 0 : i32
        %dma_start3A_269 = tpu.memref_slice %arg7[%add3A_267, %dma_start3A_268] : memref<40x64xi32, #tpu.memory_space<vmem>> -> memref<1x64xi32, #tpu.memory_space<vmem>>
        %dma_start3A_270 = tpu.memref_squeeze %dma_start3A_269 : memref<1x64xi32, #tpu.memory_space<vmem>> -> memref<64xi32, #tpu.memory_space<vmem>>
        %dma_start3A_271 = arith.constant 0 : i32
        %dma_start3A_272 = arith.constant 0 : i32
        %dma_start3A_273 = tpu.memref_slice %arg2[%dma_start3A_271, %dma_start3A_272] : memref<10000x128xf32, #tpu.memory_space<hbm>> -> memref<10000x128xf32, #tpu.memory_space<hbm>>
        tpu.enqueue_indirect_dma source(%dma_start3A_273 : memref<10000x128xf32, #tpu.memory_space<hbm>>) target(%arg10 : memref<64x128xf32, #tpu.memory_space<vmem>>) offsets(%dma_start3A_270 : memref<64xi32, #tpu.memory_space<vmem>>) semaphore(%arg15 : memref<!tpu.dma_semaphore, #tpu.memory_space<semaphore_mem>>)
      } else {
      }
    }
    %scan3A_24 = arith.constant 10 : i32
    %dma_wait3A = arith.constant 0 : i32
    %dma_wait3A_25 = arith.constant 0 : i32
    %dma_wait3A_26 = tpu.memref_slice %arg8[%dma_wait3A, %dma_wait3A_25] : memref<40x64xi32, #tpu.memory_space<vmem>> -> memref<1x64xi32, #tpu.memory_space<vmem>>
    %dma_wait3A_27 = tpu.memref_squeeze %dma_wait3A_26 : memref<1x64xi32, #tpu.memory_space<vmem>> -> memref<64xi32, #tpu.memory_space<vmem>>
    %dma_wait3A_28 = arith.constant 0 : i32
    %dma_wait3A_29 = arith.constant 0 : i32
    %dma_wait3A_30 = tpu.memref_slice %arg13[%dma_wait3A_28, %dma_wait3A_29] : memref<10240x128xf32, #tpu.memory_space<vmem_shared>> -> memref<10240x128xf32, #tpu.memory_space<vmem_shared>>
    tpu.wait_indirect_dma semaphore(%arg20 : memref<!tpu.dma_semaphore, #tpu.memory_space<semaphore_mem>>) src(%arg11 : memref<64x128xf32, #tpu.memory_space<vmem>>) dst(%dma_wait3A_30 : memref<10240x128xf32, #tpu.memory_space<vmem_shared>>)
    %dma_wait3A_31 = arith.constant 0 : i32
    %dma_wait3A_32 = arith.constant 0 : i32
    %dma_wait3A_33 = tpu.memref_slice %arg8[%dma_wait3A_31, %dma_wait3A_32] : memref<40x64xi32, #tpu.memory_space<vmem>> -> memref<1x64xi32, #tpu.memory_space<vmem>>
    %dma_wait3A_34 = tpu.memref_squeeze %dma_wait3A_33 : memref<1x64xi32, #tpu.memory_space<vmem>> -> memref<64xi32, #tpu.memory_space<vmem>>
    %dma_wait3A_35 = arith.constant 0 : i32
    %dma_wait3A_36 = arith.constant 0 : i32
    %dma_wait3A_37 = tpu.memref_slice %arg13[%dma_wait3A_35, %dma_wait3A_36] : memref<10240x128xf32, #tpu.memory_space<vmem_shared>> -> memref<10240x128xf32, #tpu.memory_space<vmem_shared>>
    tpu.wait_indirect_dma semaphore(%arg21 : memref<!tpu.dma_semaphore, #tpu.memory_space<semaphore_mem>>) src(%arg12 : memref<64x128xf32, #tpu.memory_space<vmem>>) dst(%dma_wait3A_37 : memref<10240x128xf32, #tpu.memory_space<vmem_shared>>)
    %mul3A_38 = arith.constant 160 : i32
    %mul3A_39 = arith.muli %add3A, %mul3A_38 : i32
    %add3A_40 = arith.constant 40 : i32
    %add3A_41 = arith.addi %mul3A_39, %add3A_40 : i32
    "tpu.region"() ({
      %run_scoped3A = tpu.sem_alloc : memref<!tpu.dma_semaphore, #tpu.memory_space<semaphore_mem>>
      %dma_start3A_157 = arith.constant 0 : i32
      %dma_start3A_158 = tpu.memref_slice %arg3[%add3A_41, %dma_start3A_157] : memref<5120x64xi32, #tpu.memory_space<hbm>> -> memref<40x64xi32, #tpu.memory_space<hbm>>
      %dma_start3A_159 = arith.constant 0 : i32
      %dma_start3A_160 = tpu.memref_slice %arg3[%add3A_41, %dma_start3A_159] : memref<5120x64xi32, #tpu.memory_space<hbm>> -> memref<40x64xi32, #tpu.memory_space<hbm>>
      tpu.enqueue_dma source(%dma_start3A_160 : memref<40x64xi32, #tpu.memory_space<hbm>>) target(%arg7 : memref<40x64xi32, #tpu.memory_space<vmem>>) target_semaphore(%run_scoped3A : memref<!tpu.dma_semaphore, #tpu.memory_space<semaphore_mem>>)
      %dma_wait3A_161 = arith.constant 0 : i32
      %dma_wait3A_162 = tpu.memref_slice %arg3[%add3A_41, %dma_wait3A_161] : memref<5120x64xi32, #tpu.memory_space<hbm>> -> memref<40x64xi32, #tpu.memory_space<hbm>>
      %dma_wait3A_163 = arith.constant 0 : i32
      %dma_wait3A_164 = tpu.memref_slice %arg3[%add3A_41, %dma_wait3A_163] : memref<5120x64xi32, #tpu.memory_space<hbm>> -> memref<40x64xi32, #tpu.memory_space<hbm>>
      tpu.wait_dma2 semaphore(%run_scoped3A : memref<!tpu.dma_semaphore, #tpu.memory_space<semaphore_mem>>) src(%dma_wait3A_164 : memref<40x64xi32, #tpu.memory_space<hbm>>) dst(%arg7 : memref<40x64xi32, #tpu.memory_space<vmem>>)
      tpu.yield
    }) : () -> ()
    "tpu.region"() ({
      %run_scoped3A = tpu.sem_alloc : memref<!tpu.dma_semaphore, #tpu.memory_space<semaphore_mem>>
      %dma_start3A_157 = arith.constant 0 : i32
      %dma_start3A_158 = tpu.memref_slice %arg4[%add3A_41, %dma_start3A_157] : memref<5120x64xi32, #tpu.memory_space<hbm>> -> memref<40x64xi32, #tpu.memory_space<hbm>>
      %dma_start3A_159 = arith.constant 0 : i32
      %dma_start3A_160 = tpu.memref_slice %arg4[%add3A_41, %dma_start3A_159] : memref<5120x64xi32, #tpu.memory_space<hbm>> -> memref<40x64xi32, #tpu.memory_space<hbm>>
      tpu.enqueue_dma source(%dma_start3A_160 : memref<40x64xi32, #tpu.memory_space<hbm>>) target(%arg8 : memref<40x64xi32, #tpu.memory_space<vmem>>) target_semaphore(%run_scoped3A : memref<!tpu.dma_semaphore, #tpu.memory_space<semaphore_mem>>)
      %dma_wait3A_161 = arith.constant 0 : i32
      %dma_wait3A_162 = tpu.memref_slice %arg4[%add3A_41, %dma_wait3A_161] : memref<5120x64xi32, #tpu.memory_space<hbm>> -> memref<40x64xi32, #tpu.memory_space<hbm>>
      %dma_wait3A_163 = arith.constant 0 : i32
      %dma_wait3A_164 = tpu.memref_slice %arg4[%add3A_41, %dma_wait3A_163] : memref<5120x64xi32, #tpu.memory_space<hbm>> -> memref<40x64xi32, #tpu.memory_space<hbm>>
      tpu.wait_dma2 semaphore(%run_scoped3A : memref<!tpu.dma_semaphore, #tpu.memory_space<semaphore_mem>>) src(%dma_wait3A_164 : memref<40x64xi32, #tpu.memory_space<hbm>>) dst(%arg8 : memref<40x64xi32, #tpu.memory_space<vmem>>)
      tpu.yield
    }) : () -> ()
    %dma_start3A_42 = arith.constant 0 : i32
    %dma_start3A_43 = arith.constant 0 : i32
    %dma_start3A_44 = tpu.memref_slice %arg7[%dma_start3A_42, %dma_start3A_43] : memref<40x64xi32, #tpu.memory_space<vmem>> -> memref<1x64xi32, #tpu.memory_space<vmem>>
    %dma_start3A_45 = tpu.memref_squeeze %dma_start3A_44 : memref<1x64xi32, #tpu.memory_space<vmem>> -> memref<64xi32, #tpu.memory_space<vmem>>
    %dma_start3A_46 = arith.constant 0 : i32
    %dma_start3A_47 = arith.constant 0 : i32
    %dma_start3A_48 = tpu.memref_slice %arg2[%dma_start3A_46, %dma_start3A_47] : memref<10000x128xf32, #tpu.memory_space<hbm>> -> memref<10000x128xf32, #tpu.memory_space<hbm>>
    tpu.enqueue_indirect_dma source(%dma_start3A_48 : memref<10000x128xf32, #tpu.memory_space<hbm>>) target(%arg9 : memref<64x128xf32, #tpu.memory_space<vmem>>) offsets(%dma_start3A_45 : memref<64xi32, #tpu.memory_space<vmem>>) semaphore(%arg14 : memref<!tpu.dma_semaphore, #tpu.memory_space<semaphore_mem>>)
    %dma_start3A_49 = arith.constant 1 : i32
    %dma_start3A_50 = arith.constant 0 : i32
    %dma_start3A_51 = tpu.memref_slice %arg7[%dma_start3A_49, %dma_start3A_50] : memref<40x64xi32, #tpu.memory_space<vmem>> -> memref<1x64xi32, #tpu.memory_space<vmem>>
    %dma_start3A_52 = tpu.memref_squeeze %dma_start3A_51 : memref<1x64xi32, #tpu.memory_space<vmem>> -> memref<64xi32, #tpu.memory_space<vmem>>
    %dma_start3A_53 = arith.constant 0 : i32
    %dma_start3A_54 = arith.constant 0 : i32
    %dma_start3A_55 = tpu.memref_slice %arg2[%dma_start3A_53, %dma_start3A_54] : memref<10000x128xf32, #tpu.memory_space<hbm>> -> memref<10000x128xf32, #tpu.memory_space<hbm>>
    tpu.enqueue_indirect_dma source(%dma_start3A_55 : memref<10000x128xf32, #tpu.memory_space<hbm>>) target(%arg10 : memref<64x128xf32, #tpu.memory_space<vmem>>) offsets(%dma_start3A_52 : memref<64xi32, #tpu.memory_space<vmem>>) semaphore(%arg15 : memref<!tpu.dma_semaphore, #tpu.memory_space<semaphore_mem>>)
    %scan3A_56 = arith.constant 0 : i32
    %scan3A_57 = arith.constant 0 : i32
    %scan3A_58 = arith.constant 10 : i32
    %scan3A_59 = arith.addi %scan3A_57, %scan3A_58 : i32
    %scan3A_60 = arith.constant 1 : i32
    scf.for %scan3A_157 = %scan3A_57 to %scan3A_59 step %scan3A_60  : i32 {
      %mul3A_158 = arith.constant 4 : i32
      %mul3A_159 = arith.muli %mul3A_158, %scan3A_157 : i32
      %add3A_160 = arith.constant 0 : i32
      %add3A_161 = arith.addi %mul3A_159, %add3A_160 : i32
      %dma_wait3A_162 = arith.constant 0 : i32
      %dma_wait3A_163 = tpu.memref_slice %arg7[%add3A_161, %dma_wait3A_162] : memref<40x64xi32, #tpu.memory_space<vmem>> -> memref<1x64xi32, #tpu.memory_space<vmem>>
      %dma_wait3A_164 = tpu.memref_squeeze %dma_wait3A_163 : memref<1x64xi32, #tpu.memory_space<vmem>> -> memref<64xi32, #tpu.memory_space<vmem>>
      %dma_wait3A_165 = arith.constant 0 : i32
      %dma_wait3A_166 = arith.constant 0 : i32
      %dma_wait3A_167 = tpu.memref_slice %arg2[%dma_wait3A_165, %dma_wait3A_166] : memref<10000x128xf32, #tpu.memory_space<hbm>> -> memref<10000x128xf32, #tpu.memory_space<hbm>>
      tpu.wait_indirect_dma semaphore(%arg14 : memref<!tpu.dma_semaphore, #tpu.memory_space<semaphore_mem>>) src(%dma_wait3A_167 : memref<10000x128xf32, #tpu.memory_space<hbm>>) dst(%arg9 : memref<64x128xf32, #tpu.memory_space<vmem>>)
      %dma_start3A_168 = arith.constant 0 : i32
      %dma_start3A_169 = tpu.memref_slice %arg8[%add3A_161, %dma_start3A_168] : memref<40x64xi32, #tpu.memory_space<vmem>> -> memref<1x64xi32, #tpu.memory_space<vmem>>
      %dma_start3A_170 = tpu.memref_squeeze %dma_start3A_169 : memref<1x64xi32, #tpu.memory_space<vmem>> -> memref<64xi32, #tpu.memory_space<vmem>>
      %dma_start3A_171 = arith.constant 0 : i32
      %dma_start3A_172 = arith.constant 0 : i32
      %dma_start3A_173 = tpu.memref_slice %arg13[%dma_start3A_171, %dma_start3A_172] : memref<10240x128xf32, #tpu.memory_space<vmem_shared>> -> memref<10240x128xf32, #tpu.memory_space<vmem_shared>>
      tpu.enqueue_indirect_dma source(%arg9 : memref<64x128xf32, #tpu.memory_space<vmem>>) target(%dma_start3A_173 : memref<10240x128xf32, #tpu.memory_space<vmem_shared>>) offsets(%dma_start3A_170 : memref<64xi32, #tpu.memory_space<vmem>>) semaphore(%arg18 : memref<!tpu.dma_semaphore, #tpu.memory_space<semaphore_mem>>) {add = true}
      %ge3A = arith.constant 2 : i32
      %ge3A_174 = arith.cmpi sge, %add3A_161, %ge3A : i32
      %convert_element_type3A = arith.extui %ge3A_174 : i1 to i32
      %cond3A = arith.constant 0 : i32
      %cond3A_175 = arith.cmpi ne, %convert_element_type3A, %cond3A : i32
      scf.if %cond3A_175 {
        %dma_wait3A_266 = arith.constant 0 : i32
        %dma_wait3A_267 = arith.constant 0 : i32
        %dma_wait3A_268 = tpu.memref_slice %arg8[%dma_wait3A_266, %dma_wait3A_267] : memref<40x64xi32, #tpu.memory_space<vmem>> -> memref<1x64xi32, #tpu.memory_space<vmem>>
        %dma_wait3A_269 = tpu.memref_squeeze %dma_wait3A_268 : memref<1x64xi32, #tpu.memory_space<vmem>> -> memref<64xi32, #tpu.memory_space<vmem>>
        %dma_wait3A_270 = arith.constant 0 : i32
        %dma_wait3A_271 = arith.constant 0 : i32
        %dma_wait3A_272 = tpu.memref_slice %arg13[%dma_wait3A_270, %dma_wait3A_271] : memref<10240x128xf32, #tpu.memory_space<vmem_shared>> -> memref<10240x128xf32, #tpu.memory_space<vmem_shared>>
        tpu.wait_indirect_dma semaphore(%arg20 : memref<!tpu.dma_semaphore, #tpu.memory_space<semaphore_mem>>) src(%arg11 : memref<64x128xf32, #tpu.memory_space<vmem>>) dst(%dma_wait3A_272 : memref<10240x128xf32, #tpu.memory_space<vmem_shared>>)
      } else {
      }
      %add3A_176 = arith.constant 2 : i32
      %add3A_177 = arith.addi %add3A_161, %add3A_176 : i32
      %lt3A = arith.constant 40 : i32
      %lt3A_178 = arith.cmpi slt, %add3A_177, %lt3A : i32
      %convert_element_type3A_179 = arith.extui %lt3A_178 : i1 to i32
      %cond3A_180 = arith.constant 0 : i32
      %cond3A_181 = arith.cmpi ne, %convert_element_type3A_179, %cond3A_180 : i32
      scf.if %cond3A_181 {
        %add3A_266 = arith.constant 2 : i32
        %add3A_267 = arith.addi %add3A_161, %add3A_266 : i32
        %dma_start3A_268 = arith.constant 0 : i32
        %dma_start3A_269 = tpu.memref_slice %arg7[%add3A_267, %dma_start3A_268] : memref<40x64xi32, #tpu.memory_space<vmem>> -> memref<1x64xi32, #tpu.memory_space<vmem>>
        %dma_start3A_270 = tpu.memref_squeeze %dma_start3A_269 : memref<1x64xi32, #tpu.memory_space<vmem>> -> memref<64xi32, #tpu.memory_space<vmem>>
        %dma_start3A_271 = arith.constant 0 : i32
        %dma_start3A_272 = arith.constant 0 : i32
        %dma_start3A_273 = tpu.memref_slice %arg2[%dma_start3A_271, %dma_start3A_272] : memref<10000x128xf32, #tpu.memory_space<hbm>> -> memref<10000x128xf32, #tpu.memory_space<hbm>>
        tpu.enqueue_indirect_dma source(%dma_start3A_273 : memref<10000x128xf32, #tpu.memory_space<hbm>>) target(%arg11 : memref<64x128xf32, #tpu.memory_space<vmem>>) offsets(%dma_start3A_270 : memref<64xi32, #tpu.memory_space<vmem>>) semaphore(%arg16 : memref<!tpu.dma_semaphore, #tpu.memory_space<semaphore_mem>>)
      } else {
      }
      %mul3A_182 = arith.constant 4 : i32
      %mul3A_183 = arith.muli %mul3A_182, %scan3A_157 : i32
      %add3A_184 = arith.constant 1 : i32
      %add3A_185 = arith.addi %mul3A_183, %add3A_184 : i32
      %dma_wait3A_186 = arith.constant 0 : i32
      %dma_wait3A_187 = tpu.memref_slice %arg7[%add3A_185, %dma_wait3A_186] : memref<40x64xi32, #tpu.memory_space<vmem>> -> memref<1x64xi32, #tpu.memory_space<vmem>>
      %dma_wait3A_188 = tpu.memref_squeeze %dma_wait3A_187 : memref<1x64xi32, #tpu.memory_space<vmem>> -> memref<64xi32, #tpu.memory_space<vmem>>
      %dma_wait3A_189 = arith.constant 0 : i32
      %dma_wait3A_190 = arith.constant 0 : i32
      %dma_wait3A_191 = tpu.memref_slice %arg2[%dma_wait3A_189, %dma_wait3A_190] : memref<10000x128xf32, #tpu.memory_space<hbm>> -> memref<10000x128xf32, #tpu.memory_space<hbm>>
      tpu.wait_indirect_dma semaphore(%arg15 : memref<!tpu.dma_semaphore, #tpu.memory_space<semaphore_mem>>) src(%dma_wait3A_191 : memref<10000x128xf32, #tpu.memory_space<hbm>>) dst(%arg10 : memref<64x128xf32, #tpu.memory_space<vmem>>)
      %dma_start3A_192 = arith.constant 0 : i32
      %dma_start3A_193 = tpu.memref_slice %arg8[%add3A_185, %dma_start3A_192] : memref<40x64xi32, #tpu.memory_space<vmem>> -> memref<1x64xi32, #tpu.memory_space<vmem>>
      %dma_start3A_194 = tpu.memref_squeeze %dma_start3A_193 : memref<1x64xi32, #tpu.memory_space<vmem>> -> memref<64xi32, #tpu.memory_space<vmem>>
      %dma_start3A_195 = arith.constant 0 : i32
      %dma_start3A_196 = arith.constant 0 : i32
      %dma_start3A_197 = tpu.memref_slice %arg13[%dma_start3A_195, %dma_start3A_196] : memref<10240x128xf32, #tpu.memory_space<vmem_shared>> -> memref<10240x128xf32, #tpu.memory_space<vmem_shared>>
      tpu.enqueue_indirect_dma source(%arg10 : memref<64x128xf32, #tpu.memory_space<vmem>>) target(%dma_start3A_197 : memref<10240x128xf32, #tpu.memory_space<vmem_shared>>) offsets(%dma_start3A_194 : memref<64xi32, #tpu.memory_space<vmem>>) semaphore(%arg19 : memref<!tpu.dma_semaphore, #tpu.memory_space<semaphore_mem>>) {add = true}
      %ge3A_198 = arith.constant 2 : i32
      %ge3A_199 = arith.cmpi sge, %add3A_185, %ge3A_198 : i32
      %convert_element_type3A_200 = arith.extui %ge3A_199 : i1 to i32
      %cond3A_201 = arith.constant 0 : i32
      %cond3A_202 = arith.cmpi ne, %convert_element_type3A_200, %cond3A_201 : i32
      scf.if %cond3A_202 {
        %dma_wait3A_266 = arith.constant 0 : i32
        %dma_wait3A_267 = arith.constant 0 : i32
        %dma_wait3A_268 = tpu.memref_slice %arg8[%dma_wait3A_266, %dma_wait3A_267] : memref<40x64xi32, #tpu.memory_space<vmem>> -> memref<1x64xi32, #tpu.memory_space<vmem>>
        %dma_wait3A_269 = tpu.memref_squeeze %dma_wait3A_268 : memref<1x64xi32, #tpu.memory_space<vmem>> -> memref<64xi32, #tpu.memory_space<vmem>>
        %dma_wait3A_270 = arith.constant 0 : i32
        %dma_wait3A_271 = arith.constant 0 : i32
        %dma_wait3A_272 = tpu.memref_slice %arg13[%dma_wait3A_270, %dma_wait3A_271] : memref<10240x128xf32, #tpu.memory_space<vmem_shared>> -> memref<10240x128xf32, #tpu.memory_space<vmem_shared>>
        tpu.wait_indirect_dma semaphore(%arg21 : memref<!tpu.dma_semaphore, #tpu.memory_space<semaphore_mem>>) src(%arg12 : memref<64x128xf32, #tpu.memory_space<vmem>>) dst(%dma_wait3A_272 : memref<10240x128xf32, #tpu.memory_space<vmem_shared>>)
      } else {
      }
      %add3A_203 = arith.constant 2 : i32
      %add3A_204 = arith.addi %add3A_185, %add3A_203 : i32
      %lt3A_205 = arith.constant 40 : i32
      %lt3A_206 = arith.cmpi slt, %add3A_204, %lt3A_205 : i32
      %convert_element_type3A_207 = arith.extui %lt3A_206 : i1 to i32
      %cond3A_208 = arith.constant 0 : i32
      %cond3A_209 = arith.cmpi ne, %convert_element_type3A_207, %cond3A_208 : i32
      scf.if %cond3A_209 {
        %add3A_266 = arith.constant 2 : i32
        %add3A_267 = arith.addi %add3A_185, %add3A_266 : i32
        %dma_start3A_268 = arith.constant 0 : i32
        %dma_start3A_269 = tpu.memref_slice %arg7[%add3A_267, %dma_start3A_268] : memref<40x64xi32, #tpu.memory_space<vmem>> -> memref<1x64xi32, #tpu.memory_space<vmem>>
        %dma_start3A_270 = tpu.memref_squeeze %dma_start3A_269 : memref<1x64xi32, #tpu.memory_space<vmem>> -> memref<64xi32, #tpu.memory_space<vmem>>
        %dma_start3A_271 = arith.constant 0 : i32
        %dma_start3A_272 = arith.constant 0 : i32
        %dma_start3A_273 = tpu.memref_slice %arg2[%dma_start3A_271, %dma_start3A_272] : memref<10000x128xf32, #tpu.memory_space<hbm>> -> memref<10000x128xf32, #tpu.memory_space<hbm>>
        tpu.enqueue_indirect_dma source(%dma_start3A_273 : memref<10000x128xf32, #tpu.memory_space<hbm>>) target(%arg12 : memref<64x128xf32, #tpu.memory_space<vmem>>) offsets(%dma_start3A_270 : memref<64xi32, #tpu.memory_space<vmem>>) semaphore(%arg17 : memref<!tpu.dma_semaphore, #tpu.memory_space<semaphore_mem>>)
      } else {
      }
      %mul3A_210 = arith.constant 4 : i32
      %mul3A_211 = arith.muli %mul3A_210, %scan3A_157 : i32
      %add3A_212 = arith.constant 2 : i32
      %add3A_213 = arith.addi %mul3A_211, %add3A_212 : i32
      %dma_wait3A_214 = arith.constant 0 : i32
      %dma_wait3A_215 = tpu.memref_slice %arg7[%add3A_213, %dma_wait3A_214] : memref<40x64xi32, #tpu.memory_space<vmem>> -> memref<1x64xi32, #tpu.memory_space<vmem>>
      %dma_wait3A_216 = tpu.memref_squeeze %dma_wait3A_215 : memref<1x64xi32, #tpu.memory_space<vmem>> -> memref<64xi32, #tpu.memory_space<vmem>>
      %dma_wait3A_217 = arith.constant 0 : i32
      %dma_wait3A_218 = arith.constant 0 : i32
      %dma_wait3A_219 = tpu.memref_slice %arg2[%dma_wait3A_217, %dma_wait3A_218] : memref<10000x128xf32, #tpu.memory_space<hbm>> -> memref<10000x128xf32, #tpu.memory_space<hbm>>
      tpu.wait_indirect_dma semaphore(%arg16 : memref<!tpu.dma_semaphore, #tpu.memory_space<semaphore_mem>>) src(%dma_wait3A_219 : memref<10000x128xf32, #tpu.memory_space<hbm>>) dst(%arg11 : memref<64x128xf32, #tpu.memory_space<vmem>>)
      %dma_start3A_220 = arith.constant 0 : i32
      %dma_start3A_221 = tpu.memref_slice %arg8[%add3A_213, %dma_start3A_220] : memref<40x64xi32, #tpu.memory_space<vmem>> -> memref<1x64xi32, #tpu.memory_space<vmem>>
      %dma_start3A_222 = tpu.memref_squeeze %dma_start3A_221 : memref<1x64xi32, #tpu.memory_space<vmem>> -> memref<64xi32, #tpu.memory_space<vmem>>
      %dma_start3A_223 = arith.constant 0 : i32
      %dma_start3A_224 = arith.constant 0 : i32
      %dma_start3A_225 = tpu.memref_slice %arg13[%dma_start3A_223, %dma_start3A_224] : memref<10240x128xf32, #tpu.memory_space<vmem_shared>> -> memref<10240x128xf32, #tpu.memory_space<vmem_shared>>
      tpu.enqueue_indirect_dma source(%arg11 : memref<64x128xf32, #tpu.memory_space<vmem>>) target(%dma_start3A_225 : memref<10240x128xf32, #tpu.memory_space<vmem_shared>>) offsets(%dma_start3A_222 : memref<64xi32, #tpu.memory_space<vmem>>) semaphore(%arg20 : memref<!tpu.dma_semaphore, #tpu.memory_space<semaphore_mem>>) {add = true}
      %ge3A_226 = arith.constant 2 : i32
      %ge3A_227 = arith.cmpi sge, %add3A_213, %ge3A_226 : i32
      %convert_element_type3A_228 = arith.extui %ge3A_227 : i1 to i32
      %cond3A_229 = arith.constant 0 : i32
      %cond3A_230 = arith.cmpi ne, %convert_element_type3A_228, %cond3A_229 : i32
      scf.if %cond3A_230 {
        %dma_wait3A_266 = arith.constant 0 : i32
        %dma_wait3A_267 = arith.constant 0 : i32
        %dma_wait3A_268 = tpu.memref_slice %arg8[%dma_wait3A_266, %dma_wait3A_267] : memref<40x64xi32, #tpu.memory_space<vmem>> -> memref<1x64xi32, #tpu.memory_space<vmem>>
        %dma_wait3A_269 = tpu.memref_squeeze %dma_wait3A_268 : memref<1x64xi32, #tpu.memory_space<vmem>> -> memref<64xi32, #tpu.memory_space<vmem>>
        %dma_wait3A_270 = arith.constant 0 : i32
        %dma_wait3A_271 = arith.constant 0 : i32
        %dma_wait3A_272 = tpu.memref_slice %arg13[%dma_wait3A_270, %dma_wait3A_271] : memref<10240x128xf32, #tpu.memory_space<vmem_shared>> -> memref<10240x128xf32, #tpu.memory_space<vmem_shared>>
        tpu.wait_indirect_dma semaphore(%arg18 : memref<!tpu.dma_semaphore, #tpu.memory_space<semaphore_mem>>) src(%arg9 : memref<64x128xf32, #tpu.memory_space<vmem>>) dst(%dma_wait3A_272 : memref<10240x128xf32, #tpu.memory_space<vmem_shared>>)
      } else {
      }
      %add3A_231 = arith.constant 2 : i32
      %add3A_232 = arith.addi %add3A_213, %add3A_231 : i32
      %lt3A_233 = arith.constant 40 : i32
      %lt3A_234 = arith.cmpi slt, %add3A_232, %lt3A_233 : i32
      %convert_element_type3A_235 = arith.extui %lt3A_234 : i1 to i32
      %cond3A_236 = arith.constant 0 : i32
      %cond3A_237 = arith.cmpi ne, %convert_element_type3A_235, %cond3A_236 : i32
      scf.if %cond3A_237 {
        %add3A_266 = arith.constant 2 : i32
        %add3A_267 = arith.addi %add3A_213, %add3A_266 : i32
        %dma_start3A_268 = arith.constant 0 : i32
        %dma_start3A_269 = tpu.memref_slice %arg7[%add3A_267, %dma_start3A_268] : memref<40x64xi32, #tpu.memory_space<vmem>> -> memref<1x64xi32, #tpu.memory_space<vmem>>
        %dma_start3A_270 = tpu.memref_squeeze %dma_start3A_269 : memref<1x64xi32, #tpu.memory_space<vmem>> -> memref<64xi32, #tpu.memory_space<vmem>>
        %dma_start3A_271 = arith.constant 0 : i32
        %dma_start3A_272 = arith.constant 0 : i32
        %dma_start3A_273 = tpu.memref_slice %arg2[%dma_start3A_271, %dma_start3A_272] : memref<10000x128xf32, #tpu.memory_space<hbm>> -> memref<10000x128xf32, #tpu.memory_space<hbm>>
        tpu.enqueue_indirect_dma source(%dma_start3A_273 : memref<10000x128xf32, #tpu.memory_space<hbm>>) target(%arg9 : memref<64x128xf32, #tpu.memory_space<vmem>>) offsets(%dma_start3A_270 : memref<64xi32, #tpu.memory_space<vmem>>) semaphore(%arg14 : memref<!tpu.dma_semaphore, #tpu.memory_space<semaphore_mem>>)
      } else {
      }
      %mul3A_238 = arith.constant 4 : i32
      %mul3A_239 = arith.muli %mul3A_238, %scan3A_157 : i32
      %add3A_240 = arith.constant 3 : i32
      %add3A_241 = arith.addi %mul3A_239, %add3A_240 : i32
      %dma_wait3A_242 = arith.constant 0 : i32
      %dma_wait3A_243 = tpu.memref_slice %arg7[%add3A_241, %dma_wait3A_242] : memref<40x64xi32, #tpu.memory_space<vmem>> -> memref<1x64xi32, #tpu.memory_space<vmem>>
      %dma_wait3A_244 = tpu.memref_squeeze %dma_wait3A_243 : memref<1x64xi32, #tpu.memory_space<vmem>> -> memref<64xi32, #tpu.memory_space<vmem>>
      %dma_wait3A_245 = arith.constant 0 : i32
      %dma_wait3A_246 = arith.constant 0 : i32
      %dma_wait3A_247 = tpu.memref_slice %arg2[%dma_wait3A_245, %dma_wait3A_246] : memref<10000x128xf32, #tpu.memory_space<hbm>> -> memref<10000x128xf32, #tpu.memory_space<hbm>>
      tpu.wait_indirect_dma semaphore(%arg17 : memref<!tpu.dma_semaphore, #tpu.memory_space<semaphore_mem>>) src(%dma_wait3A_247 : memref<10000x128xf32, #tpu.memory_space<hbm>>) dst(%arg12 : memref<64x128xf32, #tpu.memory_space<vmem>>)
      %dma_start3A_248 = arith.constant 0 : i32
      %dma_start3A_249 = tpu.memref_slice %arg8[%add3A_241, %dma_start3A_248] : memref<40x64xi32, #tpu.memory_space<vmem>> -> memref<1x64xi32, #tpu.memory_space<vmem>>
      %dma_start3A_250 = tpu.memref_squeeze %dma_start3A_249 : memref<1x64xi32, #tpu.memory_space<vmem>> -> memref<64xi32, #tpu.memory_space<vmem>>
      %dma_start3A_251 = arith.constant 0 : i32
      %dma_start3A_252 = arith.constant 0 : i32
      %dma_start3A_253 = tpu.memref_slice %arg13[%dma_start3A_251, %dma_start3A_252] : memref<10240x128xf32, #tpu.memory_space<vmem_shared>> -> memref<10240x128xf32, #tpu.memory_space<vmem_shared>>
      tpu.enqueue_indirect_dma source(%arg12 : memref<64x128xf32, #tpu.memory_space<vmem>>) target(%dma_start3A_253 : memref<10240x128xf32, #tpu.memory_space<vmem_shared>>) offsets(%dma_start3A_250 : memref<64xi32, #tpu.memory_space<vmem>>) semaphore(%arg21 : memref<!tpu.dma_semaphore, #tpu.memory_space<semaphore_mem>>) {add = true}
      %ge3A_254 = arith.constant 2 : i32
      %ge3A_255 = arith.cmpi sge, %add3A_241, %ge3A_254 : i32
      %convert_element_type3A_256 = arith.extui %ge3A_255 : i1 to i32
      %cond3A_257 = arith.constant 0 : i32
      %cond3A_258 = arith.cmpi ne, %convert_element_type3A_256, %cond3A_257 : i32
      scf.if %cond3A_258 {
        %dma_wait3A_266 = arith.constant 0 : i32
        %dma_wait3A_267 = arith.constant 0 : i32
        %dma_wait3A_268 = tpu.memref_slice %arg8[%dma_wait3A_266, %dma_wait3A_267] : memref<40x64xi32, #tpu.memory_space<vmem>> -> memref<1x64xi32, #tpu.memory_space<vmem>>
        %dma_wait3A_269 = tpu.memref_squeeze %dma_wait3A_268 : memref<1x64xi32, #tpu.memory_space<vmem>> -> memref<64xi32, #tpu.memory_space<vmem>>
        %dma_wait3A_270 = arith.constant 0 : i32
        %dma_wait3A_271 = arith.constant 0 : i32
        %dma_wait3A_272 = tpu.memref_slice %arg13[%dma_wait3A_270, %dma_wait3A_271] : memref<10240x128xf32, #tpu.memory_space<vmem_shared>> -> memref<10240x128xf32, #tpu.memory_space<vmem_shared>>
        tpu.wait_indirect_dma semaphore(%arg19 : memref<!tpu.dma_semaphore, #tpu.memory_space<semaphore_mem>>) src(%arg10 : memref<64x128xf32, #tpu.memory_space<vmem>>) dst(%dma_wait3A_272 : memref<10240x128xf32, #tpu.memory_space<vmem_shared>>)
      } else {
      }
      %add3A_259 = arith.constant 2 : i32
      %add3A_260 = arith.addi %add3A_241, %add3A_259 : i32
      %lt3A_261 = arith.constant 40 : i32
      %lt3A_262 = arith.cmpi slt, %add3A_260, %lt3A_261 : i32
      %convert_element_type3A_263 = arith.extui %lt3A_262 : i1 to i32
      %cond3A_264 = arith.constant 0 : i32
      %cond3A_265 = arith.cmpi ne, %convert_element_type3A_263, %cond3A_264 : i32
      scf.if %cond3A_265 {
        %add3A_266 = arith.constant 2 : i32
        %add3A_267 = arith.addi %add3A_241, %add3A_266 : i32
        %dma_start3A_268 = arith.constant 0 : i32
        %dma_start3A_269 = tpu.memref_slice %arg7[%add3A_267, %dma_start3A_268] : memref<40x64xi32, #tpu.memory_space<vmem>> -> memref<1x64xi32, #tpu.memory_space<vmem>>
        %dma_start3A_270 = tpu.memref_squeeze %dma_start3A_269 : memref<1x64xi32, #tpu.memory_space<vmem>> -> memref<64xi32, #tpu.memory_space<vmem>>
        %dma_start3A_271 = arith.constant 0 : i32
        %dma_start3A_272 = arith.constant 0 : i32
        %dma_start3A_273 = tpu.memref_slice %arg2[%dma_start3A_271, %dma_start3A_272] : memref<10000x128xf32, #tpu.memory_space<hbm>> -> memref<10000x128xf32, #tpu.memory_space<hbm>>
        tpu.enqueue_indirect_dma source(%dma_start3A_273 : memref<10000x128xf32, #tpu.memory_space<hbm>>) target(%arg10 : memref<64x128xf32, #tpu.memory_space<vmem>>) offsets(%dma_start3A_270 : memref<64xi32, #tpu.memory_space<vmem>>) semaphore(%arg15 : memref<!tpu.dma_semaphore, #tpu.memory_space<semaphore_mem>>)
      } else {
      }
    }
    %scan3A_61 = arith.constant 10 : i32
    %dma_wait3A_62 = arith.constant 0 : i32
    %dma_wait3A_63 = arith.constant 0 : i32
    %dma_wait3A_64 = tpu.memref_slice %arg8[%dma_wait3A_62, %dma_wait3A_63] : memref<40x64xi32, #tpu.memory_space<vmem>> -> memref<1x64xi32, #tpu.memory_space<vmem>>
    %dma_wait3A_65 = tpu.memref_squeeze %dma_wait3A_64 : memref<1x64xi32, #tpu.memory_space<vmem>> -> memref<64xi32, #tpu.memory_space<vmem>>
    %dma_wait3A_66 = arith.constant 0 : i32
    %dma_wait3A_67 = arith.constant 0 : i32
    %dma_wait3A_68 = tpu.memref_slice %arg13[%dma_wait3A_66, %dma_wait3A_67] : memref<10240x128xf32, #tpu.memory_space<vmem_shared>> -> memref<10240x128xf32, #tpu.memory_space<vmem_shared>>
    tpu.wait_indirect_dma semaphore(%arg20 : memref<!tpu.dma_semaphore, #tpu.memory_space<semaphore_mem>>) src(%arg11 : memref<64x128xf32, #tpu.memory_space<vmem>>) dst(%dma_wait3A_68 : memref<10240x128xf32, #tpu.memory_space<vmem_shared>>)
    %dma_wait3A_69 = arith.constant 0 : i32
    %dma_wait3A_70 = arith.constant 0 : i32
    %dma_wait3A_71 = tpu.memref_slice %arg8[%dma_wait3A_69, %dma_wait3A_70] : memref<40x64xi32, #tpu.memory_space<vmem>> -> memref<1x64xi32, #tpu.memory_space<vmem>>
    %dma_wait3A_72 = tpu.memref_squeeze %dma_wait3A_71 : memref<1x64xi32, #tpu.memory_space<vmem>> -> memref<64xi32, #tpu.memory_space<vmem>>
    %dma_wait3A_73 = arith.constant 0 : i32
    %dma_wait3A_74 = arith.constant 0 : i32
    %dma_wait3A_75 = tpu.memref_slice %arg13[%dma_wait3A_73, %dma_wait3A_74] : memref<10240x128xf32, #tpu.memory_space<vmem_shared>> -> memref<10240x128xf32, #tpu.memory_space<vmem_shared>>
    tpu.wait_indirect_dma semaphore(%arg21 : memref<!tpu.dma_semaphore, #tpu.memory_space<semaphore_mem>>) src(%arg12 : memref<64x128xf32, #tpu.memory_space<vmem>>) dst(%dma_wait3A_75 : memref<10240x128xf32, #tpu.memory_space<vmem_shared>>)
    %mul3A_76 = arith.constant 160 : i32
    %mul3A_77 = arith.muli %add3A, %mul3A_76 : i32
    %add3A_78 = arith.constant 80 : i32
    %add3A_79 = arith.addi %mul3A_77, %add3A_78 : i32
    "tpu.region"() ({
      %run_scoped3A = tpu.sem_alloc : memref<!tpu.dma_semaphore, #tpu.memory_space<semaphore_mem>>
      %dma_start3A_157 = arith.constant 0 : i32
      %dma_start3A_158 = tpu.memref_slice %arg3[%add3A_79, %dma_start3A_157] : memref<5120x64xi32, #tpu.memory_space<hbm>> -> memref<40x64xi32, #tpu.memory_space<hbm>>
      %dma_start3A_159 = arith.constant 0 : i32
      %dma_start3A_160 = tpu.memref_slice %arg3[%add3A_79, %dma_start3A_159] : memref<5120x64xi32, #tpu.memory_space<hbm>> -> memref<40x64xi32, #tpu.memory_space<hbm>>
      tpu.enqueue_dma source(%dma_start3A_160 : memref<40x64xi32, #tpu.memory_space<hbm>>) target(%arg7 : memref<40x64xi32, #tpu.memory_space<vmem>>) target_semaphore(%run_scoped3A : memref<!tpu.dma_semaphore, #tpu.memory_space<semaphore_mem>>)
      %dma_wait3A_161 = arith.constant 0 : i32
      %dma_wait3A_162 = tpu.memref_slice %arg3[%add3A_79, %dma_wait3A_161] : memref<5120x64xi32, #tpu.memory_space<hbm>> -> memref<40x64xi32, #tpu.memory_space<hbm>>
      %dma_wait3A_163 = arith.constant 0 : i32
      %dma_wait3A_164 = tpu.memref_slice %arg3[%add3A_79, %dma_wait3A_163] : memref<5120x64xi32, #tpu.memory_space<hbm>> -> memref<40x64xi32, #tpu.memory_space<hbm>>
      tpu.wait_dma2 semaphore(%run_scoped3A : memref<!tpu.dma_semaphore, #tpu.memory_space<semaphore_mem>>) src(%dma_wait3A_164 : memref<40x64xi32, #tpu.memory_space<hbm>>) dst(%arg7 : memref<40x64xi32, #tpu.memory_space<vmem>>)
      tpu.yield
    }) : () -> ()
    "tpu.region"() ({
      %run_scoped3A = tpu.sem_alloc : memref<!tpu.dma_semaphore, #tpu.memory_space<semaphore_mem>>
      %dma_start3A_157 = arith.constant 0 : i32
      %dma_start3A_158 = tpu.memref_slice %arg4[%add3A_79, %dma_start3A_157] : memref<5120x64xi32, #tpu.memory_space<hbm>> -> memref<40x64xi32, #tpu.memory_space<hbm>>
      %dma_start3A_159 = arith.constant 0 : i32
      %dma_start3A_160 = tpu.memref_slice %arg4[%add3A_79, %dma_start3A_159] : memref<5120x64xi32, #tpu.memory_space<hbm>> -> memref<40x64xi32, #tpu.memory_space<hbm>>
      tpu.enqueue_dma source(%dma_start3A_160 : memref<40x64xi32, #tpu.memory_space<hbm>>) target(%arg8 : memref<40x64xi32, #tpu.memory_space<vmem>>) target_semaphore(%run_scoped3A : memref<!tpu.dma_semaphore, #tpu.memory_space<semaphore_mem>>)
      %dma_wait3A_161 = arith.constant 0 : i32
      %dma_wait3A_162 = tpu.memref_slice %arg4[%add3A_79, %dma_wait3A_161] : memref<5120x64xi32, #tpu.memory_space<hbm>> -> memref<40x64xi32, #tpu.memory_space<hbm>>
      %dma_wait3A_163 = arith.constant 0 : i32
      %dma_wait3A_164 = tpu.memref_slice %arg4[%add3A_79, %dma_wait3A_163] : memref<5120x64xi32, #tpu.memory_space<hbm>> -> memref<40x64xi32, #tpu.memory_space<hbm>>
      tpu.wait_dma2 semaphore(%run_scoped3A : memref<!tpu.dma_semaphore, #tpu.memory_space<semaphore_mem>>) src(%dma_wait3A_164 : memref<40x64xi32, #tpu.memory_space<hbm>>) dst(%arg8 : memref<40x64xi32, #tpu.memory_space<vmem>>)
      tpu.yield
    }) : () -> ()
    %dma_start3A_80 = arith.constant 0 : i32
    %dma_start3A_81 = arith.constant 0 : i32
    %dma_start3A_82 = tpu.memref_slice %arg7[%dma_start3A_80, %dma_start3A_81] : memref<40x64xi32, #tpu.memory_space<vmem>> -> memref<1x64xi32, #tpu.memory_space<vmem>>
    %dma_start3A_83 = tpu.memref_squeeze %dma_start3A_82 : memref<1x64xi32, #tpu.memory_space<vmem>> -> memref<64xi32, #tpu.memory_space<vmem>>
    %dma_start3A_84 = arith.constant 0 : i32
    %dma_start3A_85 = arith.constant 0 : i32
    %dma_start3A_86 = tpu.memref_slice %arg2[%dma_start3A_84, %dma_start3A_85] : memref<10000x128xf32, #tpu.memory_space<hbm>> -> memref<10000x128xf32, #tpu.memory_space<hbm>>
    tpu.enqueue_indirect_dma source(%dma_start3A_86 : memref<10000x128xf32, #tpu.memory_space<hbm>>) target(%arg9 : memref<64x128xf32, #tpu.memory_space<vmem>>) offsets(%dma_start3A_83 : memref<64xi32, #tpu.memory_space<vmem>>) semaphore(%arg14 : memref<!tpu.dma_semaphore, #tpu.memory_space<semaphore_mem>>)
    %dma_start3A_87 = arith.constant 1 : i32
    %dma_start3A_88 = arith.constant 0 : i32
    %dma_start3A_89 = tpu.memref_slice %arg7[%dma_start3A_87, %dma_start3A_88] : memref<40x64xi32, #tpu.memory_space<vmem>> -> memref<1x64xi32, #tpu.memory_space<vmem>>
    %dma_start3A_90 = tpu.memref_squeeze %dma_start3A_89 : memref<1x64xi32, #tpu.memory_space<vmem>> -> memref<64xi32, #tpu.memory_space<vmem>>
    %dma_start3A_91 = arith.constant 0 : i32
    %dma_start3A_92 = arith.constant 0 : i32
    %dma_start3A_93 = tpu.memref_slice %arg2[%dma_start3A_91, %dma_start3A_92] : memref<10000x128xf32, #tpu.memory_space<hbm>> -> memref<10000x128xf32, #tpu.memory_space<hbm>>
    tpu.enqueue_indirect_dma source(%dma_start3A_93 : memref<10000x128xf32, #tpu.memory_space<hbm>>) target(%arg10 : memref<64x128xf32, #tpu.memory_space<vmem>>) offsets(%dma_start3A_90 : memref<64xi32, #tpu.memory_space<vmem>>) semaphore(%arg15 : memref<!tpu.dma_semaphore, #tpu.memory_space<semaphore_mem>>)
    %scan3A_94 = arith.constant 0 : i32
    %scan3A_95 = arith.constant 0 : i32
    %scan3A_96 = arith.constant 10 : i32
    %scan3A_97 = arith.addi %scan3A_95, %scan3A_96 : i32
    %scan3A_98 = arith.constant 1 : i32
    scf.for %scan3A_157 = %scan3A_95 to %scan3A_97 step %scan3A_98  : i32 {
      %mul3A_158 = arith.constant 4 : i32
      %mul3A_159 = arith.muli %mul3A_158, %scan3A_157 : i32
      %add3A_160 = arith.constant 0 : i32
      %add3A_161 = arith.addi %mul3A_159, %add3A_160 : i32
      %dma_wait3A_162 = arith.constant 0 : i32
      %dma_wait3A_163 = tpu.memref_slice %arg7[%add3A_161, %dma_wait3A_162] : memref<40x64xi32, #tpu.memory_space<vmem>> -> memref<1x64xi32, #tpu.memory_space<vmem>>
      %dma_wait3A_164 = tpu.memref_squeeze %dma_wait3A_163 : memref<1x64xi32, #tpu.memory_space<vmem>> -> memref<64xi32, #tpu.memory_space<vmem>>
      %dma_wait3A_165 = arith.constant 0 : i32
      %dma_wait3A_166 = arith.constant 0 : i32
      %dma_wait3A_167 = tpu.memref_slice %arg2[%dma_wait3A_165, %dma_wait3A_166] : memref<10000x128xf32, #tpu.memory_space<hbm>> -> memref<10000x128xf32, #tpu.memory_space<hbm>>
      tpu.wait_indirect_dma semaphore(%arg14 : memref<!tpu.dma_semaphore, #tpu.memory_space<semaphore_mem>>) src(%dma_wait3A_167 : memref<10000x128xf32, #tpu.memory_space<hbm>>) dst(%arg9 : memref<64x128xf32, #tpu.memory_space<vmem>>)
      %dma_start3A_168 = arith.constant 0 : i32
      %dma_start3A_169 = tpu.memref_slice %arg8[%add3A_161, %dma_start3A_168] : memref<40x64xi32, #tpu.memory_space<vmem>> -> memref<1x64xi32, #tpu.memory_space<vmem>>
      %dma_start3A_170 = tpu.memref_squeeze %dma_start3A_169 : memref<1x64xi32, #tpu.memory_space<vmem>> -> memref<64xi32, #tpu.memory_space<vmem>>
      %dma_start3A_171 = arith.constant 0 : i32
      %dma_start3A_172 = arith.constant 0 : i32
      %dma_start3A_173 = tpu.memref_slice %arg13[%dma_start3A_171, %dma_start3A_172] : memref<10240x128xf32, #tpu.memory_space<vmem_shared>> -> memref<10240x128xf32, #tpu.memory_space<vmem_shared>>
      tpu.enqueue_indirect_dma source(%arg9 : memref<64x128xf32, #tpu.memory_space<vmem>>) target(%dma_start3A_173 : memref<10240x128xf32, #tpu.memory_space<vmem_shared>>) offsets(%dma_start3A_170 : memref<64xi32, #tpu.memory_space<vmem>>) semaphore(%arg18 : memref<!tpu.dma_semaphore, #tpu.memory_space<semaphore_mem>>) {add = true}
      %ge3A = arith.constant 2 : i32
      %ge3A_174 = arith.cmpi sge, %add3A_161, %ge3A : i32
      %convert_element_type3A = arith.extui %ge3A_174 : i1 to i32
      %cond3A = arith.constant 0 : i32
      %cond3A_175 = arith.cmpi ne, %convert_element_type3A, %cond3A : i32
      scf.if %cond3A_175 {
        %dma_wait3A_266 = arith.constant 0 : i32
        %dma_wait3A_267 = arith.constant 0 : i32
        %dma_wait3A_268 = tpu.memref_slice %arg8[%dma_wait3A_266, %dma_wait3A_267] : memref<40x64xi32, #tpu.memory_space<vmem>> -> memref<1x64xi32, #tpu.memory_space<vmem>>
        %dma_wait3A_269 = tpu.memref_squeeze %dma_wait3A_268 : memref<1x64xi32, #tpu.memory_space<vmem>> -> memref<64xi32, #tpu.memory_space<vmem>>
        %dma_wait3A_270 = arith.constant 0 : i32
        %dma_wait3A_271 = arith.constant 0 : i32
        %dma_wait3A_272 = tpu.memref_slice %arg13[%dma_wait3A_270, %dma_wait3A_271] : memref<10240x128xf32, #tpu.memory_space<vmem_shared>> -> memref<10240x128xf32, #tpu.memory_space<vmem_shared>>
        tpu.wait_indirect_dma semaphore(%arg20 : memref<!tpu.dma_semaphore, #tpu.memory_space<semaphore_mem>>) src(%arg11 : memref<64x128xf32, #tpu.memory_space<vmem>>) dst(%dma_wait3A_272 : memref<10240x128xf32, #tpu.memory_space<vmem_shared>>)
      } else {
      }
      %add3A_176 = arith.constant 2 : i32
      %add3A_177 = arith.addi %add3A_161, %add3A_176 : i32
      %lt3A = arith.constant 40 : i32
      %lt3A_178 = arith.cmpi slt, %add3A_177, %lt3A : i32
      %convert_element_type3A_179 = arith.extui %lt3A_178 : i1 to i32
      %cond3A_180 = arith.constant 0 : i32
      %cond3A_181 = arith.cmpi ne, %convert_element_type3A_179, %cond3A_180 : i32
      scf.if %cond3A_181 {
        %add3A_266 = arith.constant 2 : i32
        %add3A_267 = arith.addi %add3A_161, %add3A_266 : i32
        %dma_start3A_268 = arith.constant 0 : i32
        %dma_start3A_269 = tpu.memref_slice %arg7[%add3A_267, %dma_start3A_268] : memref<40x64xi32, #tpu.memory_space<vmem>> -> memref<1x64xi32, #tpu.memory_space<vmem>>
        %dma_start3A_270 = tpu.memref_squeeze %dma_start3A_269 : memref<1x64xi32, #tpu.memory_space<vmem>> -> memref<64xi32, #tpu.memory_space<vmem>>
        %dma_start3A_271 = arith.constant 0 : i32
        %dma_start3A_272 = arith.constant 0 : i32
        %dma_start3A_273 = tpu.memref_slice %arg2[%dma_start3A_271, %dma_start3A_272] : memref<10000x128xf32, #tpu.memory_space<hbm>> -> memref<10000x128xf32, #tpu.memory_space<hbm>>
        tpu.enqueue_indirect_dma source(%dma_start3A_273 : memref<10000x128xf32, #tpu.memory_space<hbm>>) target(%arg11 : memref<64x128xf32, #tpu.memory_space<vmem>>) offsets(%dma_start3A_270 : memref<64xi32, #tpu.memory_space<vmem>>) semaphore(%arg16 : memref<!tpu.dma_semaphore, #tpu.memory_space<semaphore_mem>>)
      } else {
      }
      %mul3A_182 = arith.constant 4 : i32
      %mul3A_183 = arith.muli %mul3A_182, %scan3A_157 : i32
      %add3A_184 = arith.constant 1 : i32
      %add3A_185 = arith.addi %mul3A_183, %add3A_184 : i32
      %dma_wait3A_186 = arith.constant 0 : i32
      %dma_wait3A_187 = tpu.memref_slice %arg7[%add3A_185, %dma_wait3A_186] : memref<40x64xi32, #tpu.memory_space<vmem>> -> memref<1x64xi32, #tpu.memory_space<vmem>>
      %dma_wait3A_188 = tpu.memref_squeeze %dma_wait3A_187 : memref<1x64xi32, #tpu.memory_space<vmem>> -> memref<64xi32, #tpu.memory_space<vmem>>
      %dma_wait3A_189 = arith.constant 0 : i32
      %dma_wait3A_190 = arith.constant 0 : i32
      %dma_wait3A_191 = tpu.memref_slice %arg2[%dma_wait3A_189, %dma_wait3A_190] : memref<10000x128xf32, #tpu.memory_space<hbm>> -> memref<10000x128xf32, #tpu.memory_space<hbm>>
      tpu.wait_indirect_dma semaphore(%arg15 : memref<!tpu.dma_semaphore, #tpu.memory_space<semaphore_mem>>) src(%dma_wait3A_191 : memref<10000x128xf32, #tpu.memory_space<hbm>>) dst(%arg10 : memref<64x128xf32, #tpu.memory_space<vmem>>)
      %dma_start3A_192 = arith.constant 0 : i32
      %dma_start3A_193 = tpu.memref_slice %arg8[%add3A_185, %dma_start3A_192] : memref<40x64xi32, #tpu.memory_space<vmem>> -> memref<1x64xi32, #tpu.memory_space<vmem>>
      %dma_start3A_194 = tpu.memref_squeeze %dma_start3A_193 : memref<1x64xi32, #tpu.memory_space<vmem>> -> memref<64xi32, #tpu.memory_space<vmem>>
      %dma_start3A_195 = arith.constant 0 : i32
      %dma_start3A_196 = arith.constant 0 : i32
      %dma_start3A_197 = tpu.memref_slice %arg13[%dma_start3A_195, %dma_start3A_196] : memref<10240x128xf32, #tpu.memory_space<vmem_shared>> -> memref<10240x128xf32, #tpu.memory_space<vmem_shared>>
      tpu.enqueue_indirect_dma source(%arg10 : memref<64x128xf32, #tpu.memory_space<vmem>>) target(%dma_start3A_197 : memref<10240x128xf32, #tpu.memory_space<vmem_shared>>) offsets(%dma_start3A_194 : memref<64xi32, #tpu.memory_space<vmem>>) semaphore(%arg19 : memref<!tpu.dma_semaphore, #tpu.memory_space<semaphore_mem>>) {add = true}
      %ge3A_198 = arith.constant 2 : i32
      %ge3A_199 = arith.cmpi sge, %add3A_185, %ge3A_198 : i32
      %convert_element_type3A_200 = arith.extui %ge3A_199 : i1 to i32
      %cond3A_201 = arith.constant 0 : i32
      %cond3A_202 = arith.cmpi ne, %convert_element_type3A_200, %cond3A_201 : i32
      scf.if %cond3A_202 {
        %dma_wait3A_266 = arith.constant 0 : i32
        %dma_wait3A_267 = arith.constant 0 : i32
        %dma_wait3A_268 = tpu.memref_slice %arg8[%dma_wait3A_266, %dma_wait3A_267] : memref<40x64xi32, #tpu.memory_space<vmem>> -> memref<1x64xi32, #tpu.memory_space<vmem>>
        %dma_wait3A_269 = tpu.memref_squeeze %dma_wait3A_268 : memref<1x64xi32, #tpu.memory_space<vmem>> -> memref<64xi32, #tpu.memory_space<vmem>>
        %dma_wait3A_270 = arith.constant 0 : i32
        %dma_wait3A_271 = arith.constant 0 : i32
        %dma_wait3A_272 = tpu.memref_slice %arg13[%dma_wait3A_270, %dma_wait3A_271] : memref<10240x128xf32, #tpu.memory_space<vmem_shared>> -> memref<10240x128xf32, #tpu.memory_space<vmem_shared>>
        tpu.wait_indirect_dma semaphore(%arg21 : memref<!tpu.dma_semaphore, #tpu.memory_space<semaphore_mem>>) src(%arg12 : memref<64x128xf32, #tpu.memory_space<vmem>>) dst(%dma_wait3A_272 : memref<10240x128xf32, #tpu.memory_space<vmem_shared>>)
      } else {
      }
      %add3A_203 = arith.constant 2 : i32
      %add3A_204 = arith.addi %add3A_185, %add3A_203 : i32
      %lt3A_205 = arith.constant 40 : i32
      %lt3A_206 = arith.cmpi slt, %add3A_204, %lt3A_205 : i32
      %convert_element_type3A_207 = arith.extui %lt3A_206 : i1 to i32
      %cond3A_208 = arith.constant 0 : i32
      %cond3A_209 = arith.cmpi ne, %convert_element_type3A_207, %cond3A_208 : i32
      scf.if %cond3A_209 {
        %add3A_266 = arith.constant 2 : i32
        %add3A_267 = arith.addi %add3A_185, %add3A_266 : i32
        %dma_start3A_268 = arith.constant 0 : i32
        %dma_start3A_269 = tpu.memref_slice %arg7[%add3A_267, %dma_start3A_268] : memref<40x64xi32, #tpu.memory_space<vmem>> -> memref<1x64xi32, #tpu.memory_space<vmem>>
        %dma_start3A_270 = tpu.memref_squeeze %dma_start3A_269 : memref<1x64xi32, #tpu.memory_space<vmem>> -> memref<64xi32, #tpu.memory_space<vmem>>
        %dma_start3A_271 = arith.constant 0 : i32
        %dma_start3A_272 = arith.constant 0 : i32
        %dma_start3A_273 = tpu.memref_slice %arg2[%dma_start3A_271, %dma_start3A_272] : memref<10000x128xf32, #tpu.memory_space<hbm>> -> memref<10000x128xf32, #tpu.memory_space<hbm>>
        tpu.enqueue_indirect_dma source(%dma_start3A_273 : memref<10000x128xf32, #tpu.memory_space<hbm>>) target(%arg12 : memref<64x128xf32, #tpu.memory_space<vmem>>) offsets(%dma_start3A_270 : memref<64xi32, #tpu.memory_space<vmem>>) semaphore(%arg17 : memref<!tpu.dma_semaphore, #tpu.memory_space<semaphore_mem>>)
      } else {
      }
      %mul3A_210 = arith.constant 4 : i32
      %mul3A_211 = arith.muli %mul3A_210, %scan3A_157 : i32
      %add3A_212 = arith.constant 2 : i32
      %add3A_213 = arith.addi %mul3A_211, %add3A_212 : i32
      %dma_wait3A_214 = arith.constant 0 : i32
      %dma_wait3A_215 = tpu.memref_slice %arg7[%add3A_213, %dma_wait3A_214] : memref<40x64xi32, #tpu.memory_space<vmem>> -> memref<1x64xi32, #tpu.memory_space<vmem>>
      %dma_wait3A_216 = tpu.memref_squeeze %dma_wait3A_215 : memref<1x64xi32, #tpu.memory_space<vmem>> -> memref<64xi32, #tpu.memory_space<vmem>>
      %dma_wait3A_217 = arith.constant 0 : i32
      %dma_wait3A_218 = arith.constant 0 : i32
      %dma_wait3A_219 = tpu.memref_slice %arg2[%dma_wait3A_217, %dma_wait3A_218] : memref<10000x128xf32, #tpu.memory_space<hbm>> -> memref<10000x128xf32, #tpu.memory_space<hbm>>
      tpu.wait_indirect_dma semaphore(%arg16 : memref<!tpu.dma_semaphore, #tpu.memory_space<semaphore_mem>>) src(%dma_wait3A_219 : memref<10000x128xf32, #tpu.memory_space<hbm>>) dst(%arg11 : memref<64x128xf32, #tpu.memory_space<vmem>>)
      %dma_start3A_220 = arith.constant 0 : i32
      %dma_start3A_221 = tpu.memref_slice %arg8[%add3A_213, %dma_start3A_220] : memref<40x64xi32, #tpu.memory_space<vmem>> -> memref<1x64xi32, #tpu.memory_space<vmem>>
      %dma_start3A_222 = tpu.memref_squeeze %dma_start3A_221 : memref<1x64xi32, #tpu.memory_space<vmem>> -> memref<64xi32, #tpu.memory_space<vmem>>
      %dma_start3A_223 = arith.constant 0 : i32
      %dma_start3A_224 = arith.constant 0 : i32
      %dma_start3A_225 = tpu.memref_slice %arg13[%dma_start3A_223, %dma_start3A_224] : memref<10240x128xf32, #tpu.memory_space<vmem_shared>> -> memref<10240x128xf32, #tpu.memory_space<vmem_shared>>
      tpu.enqueue_indirect_dma source(%arg11 : memref<64x128xf32, #tpu.memory_space<vmem>>) target(%dma_start3A_225 : memref<10240x128xf32, #tpu.memory_space<vmem_shared>>) offsets(%dma_start3A_222 : memref<64xi32, #tpu.memory_space<vmem>>) semaphore(%arg20 : memref<!tpu.dma_semaphore, #tpu.memory_space<semaphore_mem>>) {add = true}
      %ge3A_226 = arith.constant 2 : i32
      %ge3A_227 = arith.cmpi sge, %add3A_213, %ge3A_226 : i32
      %convert_element_type3A_228 = arith.extui %ge3A_227 : i1 to i32
      %cond3A_229 = arith.constant 0 : i32
      %cond3A_230 = arith.cmpi ne, %convert_element_type3A_228, %cond3A_229 : i32
      scf.if %cond3A_230 {
        %dma_wait3A_266 = arith.constant 0 : i32
        %dma_wait3A_267 = arith.constant 0 : i32
        %dma_wait3A_268 = tpu.memref_slice %arg8[%dma_wait3A_266, %dma_wait3A_267] : memref<40x64xi32, #tpu.memory_space<vmem>> -> memref<1x64xi32, #tpu.memory_space<vmem>>
        %dma_wait3A_269 = tpu.memref_squeeze %dma_wait3A_268 : memref<1x64xi32, #tpu.memory_space<vmem>> -> memref<64xi32, #tpu.memory_space<vmem>>
        %dma_wait3A_270 = arith.constant 0 : i32
        %dma_wait3A_271 = arith.constant 0 : i32
        %dma_wait3A_272 = tpu.memref_slice %arg13[%dma_wait3A_270, %dma_wait3A_271] : memref<10240x128xf32, #tpu.memory_space<vmem_shared>> -> memref<10240x128xf32, #tpu.memory_space<vmem_shared>>
        tpu.wait_indirect_dma semaphore(%arg18 : memref<!tpu.dma_semaphore, #tpu.memory_space<semaphore_mem>>) src(%arg9 : memref<64x128xf32, #tpu.memory_space<vmem>>) dst(%dma_wait3A_272 : memref<10240x128xf32, #tpu.memory_space<vmem_shared>>)
      } else {
      }
      %add3A_231 = arith.constant 2 : i32
      %add3A_232 = arith.addi %add3A_213, %add3A_231 : i32
      %lt3A_233 = arith.constant 40 : i32
      %lt3A_234 = arith.cmpi slt, %add3A_232, %lt3A_233 : i32
      %convert_element_type3A_235 = arith.extui %lt3A_234 : i1 to i32
      %cond3A_236 = arith.constant 0 : i32
      %cond3A_237 = arith.cmpi ne, %convert_element_type3A_235, %cond3A_236 : i32
      scf.if %cond3A_237 {
        %add3A_266 = arith.constant 2 : i32
        %add3A_267 = arith.addi %add3A_213, %add3A_266 : i32
        %dma_start3A_268 = arith.constant 0 : i32
        %dma_start3A_269 = tpu.memref_slice %arg7[%add3A_267, %dma_start3A_268] : memref<40x64xi32, #tpu.memory_space<vmem>> -> memref<1x64xi32, #tpu.memory_space<vmem>>
        %dma_start3A_270 = tpu.memref_squeeze %dma_start3A_269 : memref<1x64xi32, #tpu.memory_space<vmem>> -> memref<64xi32, #tpu.memory_space<vmem>>
        %dma_start3A_271 = arith.constant 0 : i32
        %dma_start3A_272 = arith.constant 0 : i32
        %dma_start3A_273 = tpu.memref_slice %arg2[%dma_start3A_271, %dma_start3A_272] : memref<10000x128xf32, #tpu.memory_space<hbm>> -> memref<10000x128xf32, #tpu.memory_space<hbm>>
        tpu.enqueue_indirect_dma source(%dma_start3A_273 : memref<10000x128xf32, #tpu.memory_space<hbm>>) target(%arg9 : memref<64x128xf32, #tpu.memory_space<vmem>>) offsets(%dma_start3A_270 : memref<64xi32, #tpu.memory_space<vmem>>) semaphore(%arg14 : memref<!tpu.dma_semaphore, #tpu.memory_space<semaphore_mem>>)
      } else {
      }
      %mul3A_238 = arith.constant 4 : i32
      %mul3A_239 = arith.muli %mul3A_238, %scan3A_157 : i32
      %add3A_240 = arith.constant 3 : i32
      %add3A_241 = arith.addi %mul3A_239, %add3A_240 : i32
      %dma_wait3A_242 = arith.constant 0 : i32
      %dma_wait3A_243 = tpu.memref_slice %arg7[%add3A_241, %dma_wait3A_242] : memref<40x64xi32, #tpu.memory_space<vmem>> -> memref<1x64xi32, #tpu.memory_space<vmem>>
      %dma_wait3A_244 = tpu.memref_squeeze %dma_wait3A_243 : memref<1x64xi32, #tpu.memory_space<vmem>> -> memref<64xi32, #tpu.memory_space<vmem>>
      %dma_wait3A_245 = arith.constant 0 : i32
      %dma_wait3A_246 = arith.constant 0 : i32
      %dma_wait3A_247 = tpu.memref_slice %arg2[%dma_wait3A_245, %dma_wait3A_246] : memref<10000x128xf32, #tpu.memory_space<hbm>> -> memref<10000x128xf32, #tpu.memory_space<hbm>>
      tpu.wait_indirect_dma semaphore(%arg17 : memref<!tpu.dma_semaphore, #tpu.memory_space<semaphore_mem>>) src(%dma_wait3A_247 : memref<10000x128xf32, #tpu.memory_space<hbm>>) dst(%arg12 : memref<64x128xf32, #tpu.memory_space<vmem>>)
      %dma_start3A_248 = arith.constant 0 : i32
      %dma_start3A_249 = tpu.memref_slice %arg8[%add3A_241, %dma_start3A_248] : memref<40x64xi32, #tpu.memory_space<vmem>> -> memref<1x64xi32, #tpu.memory_space<vmem>>
      %dma_start3A_250 = tpu.memref_squeeze %dma_start3A_249 : memref<1x64xi32, #tpu.memory_space<vmem>> -> memref<64xi32, #tpu.memory_space<vmem>>
      %dma_start3A_251 = arith.constant 0 : i32
      %dma_start3A_252 = arith.constant 0 : i32
      %dma_start3A_253 = tpu.memref_slice %arg13[%dma_start3A_251, %dma_start3A_252] : memref<10240x128xf32, #tpu.memory_space<vmem_shared>> -> memref<10240x128xf32, #tpu.memory_space<vmem_shared>>
      tpu.enqueue_indirect_dma source(%arg12 : memref<64x128xf32, #tpu.memory_space<vmem>>) target(%dma_start3A_253 : memref<10240x128xf32, #tpu.memory_space<vmem_shared>>) offsets(%dma_start3A_250 : memref<64xi32, #tpu.memory_space<vmem>>) semaphore(%arg21 : memref<!tpu.dma_semaphore, #tpu.memory_space<semaphore_mem>>) {add = true}
      %ge3A_254 = arith.constant 2 : i32
      %ge3A_255 = arith.cmpi sge, %add3A_241, %ge3A_254 : i32
      %convert_element_type3A_256 = arith.extui %ge3A_255 : i1 to i32
      %cond3A_257 = arith.constant 0 : i32
      %cond3A_258 = arith.cmpi ne, %convert_element_type3A_256, %cond3A_257 : i32
      scf.if %cond3A_258 {
        %dma_wait3A_266 = arith.constant 0 : i32
        %dma_wait3A_267 = arith.constant 0 : i32
        %dma_wait3A_268 = tpu.memref_slice %arg8[%dma_wait3A_266, %dma_wait3A_267] : memref<40x64xi32, #tpu.memory_space<vmem>> -> memref<1x64xi32, #tpu.memory_space<vmem>>
        %dma_wait3A_269 = tpu.memref_squeeze %dma_wait3A_268 : memref<1x64xi32, #tpu.memory_space<vmem>> -> memref<64xi32, #tpu.memory_space<vmem>>
        %dma_wait3A_270 = arith.constant 0 : i32
        %dma_wait3A_271 = arith.constant 0 : i32
        %dma_wait3A_272 = tpu.memref_slice %arg13[%dma_wait3A_270, %dma_wait3A_271] : memref<10240x128xf32, #tpu.memory_space<vmem_shared>> -> memref<10240x128xf32, #tpu.memory_space<vmem_shared>>
        tpu.wait_indirect_dma semaphore(%arg19 : memref<!tpu.dma_semaphore, #tpu.memory_space<semaphore_mem>>) src(%arg10 : memref<64x128xf32, #tpu.memory_space<vmem>>) dst(%dma_wait3A_272 : memref<10240x128xf32, #tpu.memory_space<vmem_shared>>)
      } else {
      }
      %add3A_259 = arith.constant 2 : i32
      %add3A_260 = arith.addi %add3A_241, %add3A_259 : i32
      %lt3A_261 = arith.constant 40 : i32
      %lt3A_262 = arith.cmpi slt, %add3A_260, %lt3A_261 : i32
      %convert_element_type3A_263 = arith.extui %lt3A_262 : i1 to i32
      %cond3A_264 = arith.constant 0 : i32
      %cond3A_265 = arith.cmpi ne, %convert_element_type3A_263, %cond3A_264 : i32
      scf.if %cond3A_265 {
        %add3A_266 = arith.constant 2 : i32
        %add3A_267 = arith.addi %add3A_241, %add3A_266 : i32
        %dma_start3A_268 = arith.constant 0 : i32
        %dma_start3A_269 = tpu.memref_slice %arg7[%add3A_267, %dma_start3A_268] : memref<40x64xi32, #tpu.memory_space<vmem>> -> memref<1x64xi32, #tpu.memory_space<vmem>>
        %dma_start3A_270 = tpu.memref_squeeze %dma_start3A_269 : memref<1x64xi32, #tpu.memory_space<vmem>> -> memref<64xi32, #tpu.memory_space<vmem>>
        %dma_start3A_271 = arith.constant 0 : i32
        %dma_start3A_272 = arith.constant 0 : i32
        %dma_start3A_273 = tpu.memref_slice %arg2[%dma_start3A_271, %dma_start3A_272] : memref<10000x128xf32, #tpu.memory_space<hbm>> -> memref<10000x128xf32, #tpu.memory_space<hbm>>
        tpu.enqueue_indirect_dma source(%dma_start3A_273 : memref<10000x128xf32, #tpu.memory_space<hbm>>) target(%arg10 : memref<64x128xf32, #tpu.memory_space<vmem>>) offsets(%dma_start3A_270 : memref<64xi32, #tpu.memory_space<vmem>>) semaphore(%arg15 : memref<!tpu.dma_semaphore, #tpu.memory_space<semaphore_mem>>)
      } else {
      }
    }
    %scan3A_99 = arith.constant 10 : i32
    %dma_wait3A_100 = arith.constant 0 : i32
    %dma_wait3A_101 = arith.constant 0 : i32
    %dma_wait3A_102 = tpu.memref_slice %arg8[%dma_wait3A_100, %dma_wait3A_101] : memref<40x64xi32, #tpu.memory_space<vmem>> -> memref<1x64xi32, #tpu.memory_space<vmem>>
    %dma_wait3A_103 = tpu.memref_squeeze %dma_wait3A_102 : memref<1x64xi32, #tpu.memory_space<vmem>> -> memref<64xi32, #tpu.memory_space<vmem>>
    %dma_wait3A_104 = arith.constant 0 : i32
    %dma_wait3A_105 = arith.constant 0 : i32
    %dma_wait3A_106 = tpu.memref_slice %arg13[%dma_wait3A_104, %dma_wait3A_105] : memref<10240x128xf32, #tpu.memory_space<vmem_shared>> -> memref<10240x128xf32, #tpu.memory_space<vmem_shared>>
    tpu.wait_indirect_dma semaphore(%arg20 : memref<!tpu.dma_semaphore, #tpu.memory_space<semaphore_mem>>) src(%arg11 : memref<64x128xf32, #tpu.memory_space<vmem>>) dst(%dma_wait3A_106 : memref<10240x128xf32, #tpu.memory_space<vmem_shared>>)
    %dma_wait3A_107 = arith.constant 0 : i32
    %dma_wait3A_108 = arith.constant 0 : i32
    %dma_wait3A_109 = tpu.memref_slice %arg8[%dma_wait3A_107, %dma_wait3A_108] : memref<40x64xi32, #tpu.memory_space<vmem>> -> memref<1x64xi32, #tpu.memory_space<vmem>>
    %dma_wait3A_110 = tpu.memref_squeeze %dma_wait3A_109 : memref<1x64xi32, #tpu.memory_space<vmem>> -> memref<64xi32, #tpu.memory_space<vmem>>
    %dma_wait3A_111 = arith.constant 0 : i32
    %dma_wait3A_112 = arith.constant 0 : i32
    %dma_wait3A_113 = tpu.memref_slice %arg13[%dma_wait3A_111, %dma_wait3A_112] : memref<10240x128xf32, #tpu.memory_space<vmem_shared>> -> memref<10240x128xf32, #tpu.memory_space<vmem_shared>>
    tpu.wait_indirect_dma semaphore(%arg21 : memref<!tpu.dma_semaphore, #tpu.memory_space<semaphore_mem>>) src(%arg12 : memref<64x128xf32, #tpu.memory_space<vmem>>) dst(%dma_wait3A_113 : memref<10240x128xf32, #tpu.memory_space<vmem_shared>>)
    %mul3A_114 = arith.constant 160 : i32
    %mul3A_115 = arith.muli %add3A, %mul3A_114 : i32
    %add3A_116 = arith.constant 120 : i32
    %add3A_117 = arith.addi %mul3A_115, %add3A_116 : i32
    "tpu.region"() ({
      %run_scoped3A = tpu.sem_alloc : memref<!tpu.dma_semaphore, #tpu.memory_space<semaphore_mem>>
      %dma_start3A_157 = arith.constant 0 : i32
      %dma_start3A_158 = tpu.memref_slice %arg3[%add3A_117, %dma_start3A_157] : memref<5120x64xi32, #tpu.memory_space<hbm>> -> memref<40x64xi32, #tpu.memory_space<hbm>>
      %dma_start3A_159 = arith.constant 0 : i32
      %dma_start3A_160 = tpu.memref_slice %arg3[%add3A_117, %dma_start3A_159] : memref<5120x64xi32, #tpu.memory_space<hbm>> -> memref<40x64xi32, #tpu.memory_space<hbm>>
      tpu.enqueue_dma source(%dma_start3A_160 : memref<40x64xi32, #tpu.memory_space<hbm>>) target(%arg7 : memref<40x64xi32, #tpu.memory_space<vmem>>) target_semaphore(%run_scoped3A : memref<!tpu.dma_semaphore, #tpu.memory_space<semaphore_mem>>)
      %dma_wait3A_161 = arith.constant 0 : i32
      %dma_wait3A_162 = tpu.memref_slice %arg3[%add3A_117, %dma_wait3A_161] : memref<5120x64xi32, #tpu.memory_space<hbm>> -> memref<40x64xi32, #tpu.memory_space<hbm>>
      %dma_wait3A_163 = arith.constant 0 : i32
      %dma_wait3A_164 = tpu.memref_slice %arg3[%add3A_117, %dma_wait3A_163] : memref<5120x64xi32, #tpu.memory_space<hbm>> -> memref<40x64xi32, #tpu.memory_space<hbm>>
      tpu.wait_dma2 semaphore(%run_scoped3A : memref<!tpu.dma_semaphore, #tpu.memory_space<semaphore_mem>>) src(%dma_wait3A_164 : memref<40x64xi32, #tpu.memory_space<hbm>>) dst(%arg7 : memref<40x64xi32, #tpu.memory_space<vmem>>)
      tpu.yield
    }) : () -> ()
    "tpu.region"() ({
      %run_scoped3A = tpu.sem_alloc : memref<!tpu.dma_semaphore, #tpu.memory_space<semaphore_mem>>
      %dma_start3A_157 = arith.constant 0 : i32
      %dma_start3A_158 = tpu.memref_slice %arg4[%add3A_117, %dma_start3A_157] : memref<5120x64xi32, #tpu.memory_space<hbm>> -> memref<40x64xi32, #tpu.memory_space<hbm>>
      %dma_start3A_159 = arith.constant 0 : i32
      %dma_start3A_160 = tpu.memref_slice %arg4[%add3A_117, %dma_start3A_159] : memref<5120x64xi32, #tpu.memory_space<hbm>> -> memref<40x64xi32, #tpu.memory_space<hbm>>
      tpu.enqueue_dma source(%dma_start3A_160 : memref<40x64xi32, #tpu.memory_space<hbm>>) target(%arg8 : memref<40x64xi32, #tpu.memory_space<vmem>>) target_semaphore(%run_scoped3A : memref<!tpu.dma_semaphore, #tpu.memory_space<semaphore_mem>>)
      %dma_wait3A_161 = arith.constant 0 : i32
      %dma_wait3A_162 = tpu.memref_slice %arg4[%add3A_117, %dma_wait3A_161] : memref<5120x64xi32, #tpu.memory_space<hbm>> -> memref<40x64xi32, #tpu.memory_space<hbm>>
      %dma_wait3A_163 = arith.constant 0 : i32
      %dma_wait3A_164 = tpu.memref_slice %arg4[%add3A_117, %dma_wait3A_163] : memref<5120x64xi32, #tpu.memory_space<hbm>> -> memref<40x64xi32, #tpu.memory_space<hbm>>
      tpu.wait_dma2 semaphore(%run_scoped3A : memref<!tpu.dma_semaphore, #tpu.memory_space<semaphore_mem>>) src(%dma_wait3A_164 : memref<40x64xi32, #tpu.memory_space<hbm>>) dst(%arg8 : memref<40x64xi32, #tpu.memory_space<vmem>>)
      tpu.yield
    }) : () -> ()
    %dma_start3A_118 = arith.constant 0 : i32
    %dma_start3A_119 = arith.constant 0 : i32
    %dma_start3A_120 = tpu.memref_slice %arg7[%dma_start3A_118, %dma_start3A_119] : memref<40x64xi32, #tpu.memory_space<vmem>> -> memref<1x64xi32, #tpu.memory_space<vmem>>
    %dma_start3A_121 = tpu.memref_squeeze %dma_start3A_120 : memref<1x64xi32, #tpu.memory_space<vmem>> -> memref<64xi32, #tpu.memory_space<vmem>>
    %dma_start3A_122 = arith.constant 0 : i32
    %dma_start3A_123 = arith.constant 0 : i32
    %dma_start3A_124 = tpu.memref_slice %arg2[%dma_start3A_122, %dma_start3A_123] : memref<10000x128xf32, #tpu.memory_space<hbm>> -> memref<10000x128xf32, #tpu.memory_space<hbm>>
    tpu.enqueue_indirect_dma source(%dma_start3A_124 : memref<10000x128xf32, #tpu.memory_space<hbm>>) target(%arg9 : memref<64x128xf32, #tpu.memory_space<vmem>>) offsets(%dma_start3A_121 : memref<64xi32, #tpu.memory_space<vmem>>) semaphore(%arg14 : memref<!tpu.dma_semaphore, #tpu.memory_space<semaphore_mem>>)
    %dma_start3A_125 = arith.constant 1 : i32
    %dma_start3A_126 = arith.constant 0 : i32
    %dma_start3A_127 = tpu.memref_slice %arg7[%dma_start3A_125, %dma_start3A_126] : memref<40x64xi32, #tpu.memory_space<vmem>> -> memref<1x64xi32, #tpu.memory_space<vmem>>
    %dma_start3A_128 = tpu.memref_squeeze %dma_start3A_127 : memref<1x64xi32, #tpu.memory_space<vmem>> -> memref<64xi32, #tpu.memory_space<vmem>>
    %dma_start3A_129 = arith.constant 0 : i32
    %dma_start3A_130 = arith.constant 0 : i32
    %dma_start3A_131 = tpu.memref_slice %arg2[%dma_start3A_129, %dma_start3A_130] : memref<10000x128xf32, #tpu.memory_space<hbm>> -> memref<10000x128xf32, #tpu.memory_space<hbm>>
    tpu.enqueue_indirect_dma source(%dma_start3A_131 : memref<10000x128xf32, #tpu.memory_space<hbm>>) target(%arg10 : memref<64x128xf32, #tpu.memory_space<vmem>>) offsets(%dma_start3A_128 : memref<64xi32, #tpu.memory_space<vmem>>) semaphore(%arg15 : memref<!tpu.dma_semaphore, #tpu.memory_space<semaphore_mem>>)
    %scan3A_132 = arith.constant 0 : i32
    %scan3A_133 = arith.constant 0 : i32
    %scan3A_134 = arith.constant 10 : i32
    %scan3A_135 = arith.addi %scan3A_133, %scan3A_134 : i32
    %scan3A_136 = arith.constant 1 : i32
    scf.for %scan3A_157 = %scan3A_133 to %scan3A_135 step %scan3A_136  : i32 {
      %mul3A_158 = arith.constant 4 : i32
      %mul3A_159 = arith.muli %mul3A_158, %scan3A_157 : i32
      %add3A_160 = arith.constant 0 : i32
      %add3A_161 = arith.addi %mul3A_159, %add3A_160 : i32
      %dma_wait3A_162 = arith.constant 0 : i32
      %dma_wait3A_163 = tpu.memref_slice %arg7[%add3A_161, %dma_wait3A_162] : memref<40x64xi32, #tpu.memory_space<vmem>> -> memref<1x64xi32, #tpu.memory_space<vmem>>
      %dma_wait3A_164 = tpu.memref_squeeze %dma_wait3A_163 : memref<1x64xi32, #tpu.memory_space<vmem>> -> memref<64xi32, #tpu.memory_space<vmem>>
      %dma_wait3A_165 = arith.constant 0 : i32
      %dma_wait3A_166 = arith.constant 0 : i32
      %dma_wait3A_167 = tpu.memref_slice %arg2[%dma_wait3A_165, %dma_wait3A_166] : memref<10000x128xf32, #tpu.memory_space<hbm>> -> memref<10000x128xf32, #tpu.memory_space<hbm>>
      tpu.wait_indirect_dma semaphore(%arg14 : memref<!tpu.dma_semaphore, #tpu.memory_space<semaphore_mem>>) src(%dma_wait3A_167 : memref<10000x128xf32, #tpu.memory_space<hbm>>) dst(%arg9 : memref<64x128xf32, #tpu.memory_space<vmem>>)
      %dma_start3A_168 = arith.constant 0 : i32
      %dma_start3A_169 = tpu.memref_slice %arg8[%add3A_161, %dma_start3A_168] : memref<40x64xi32, #tpu.memory_space<vmem>> -> memref<1x64xi32, #tpu.memory_space<vmem>>
      %dma_start3A_170 = tpu.memref_squeeze %dma_start3A_169 : memref<1x64xi32, #tpu.memory_space<vmem>> -> memref<64xi32, #tpu.memory_space<vmem>>
      %dma_start3A_171 = arith.constant 0 : i32
      %dma_start3A_172 = arith.constant 0 : i32
      %dma_start3A_173 = tpu.memref_slice %arg13[%dma_start3A_171, %dma_start3A_172] : memref<10240x128xf32, #tpu.memory_space<vmem_shared>> -> memref<10240x128xf32, #tpu.memory_space<vmem_shared>>
      tpu.enqueue_indirect_dma source(%arg9 : memref<64x128xf32, #tpu.memory_space<vmem>>) target(%dma_start3A_173 : memref<10240x128xf32, #tpu.memory_space<vmem_shared>>) offsets(%dma_start3A_170 : memref<64xi32, #tpu.memory_space<vmem>>) semaphore(%arg18 : memref<!tpu.dma_semaphore, #tpu.memory_space<semaphore_mem>>) {add = true}
      %ge3A = arith.constant 2 : i32
      %ge3A_174 = arith.cmpi sge, %add3A_161, %ge3A : i32
      %convert_element_type3A = arith.extui %ge3A_174 : i1 to i32
      %cond3A = arith.constant 0 : i32
      %cond3A_175 = arith.cmpi ne, %convert_element_type3A, %cond3A : i32
      scf.if %cond3A_175 {
        %dma_wait3A_266 = arith.constant 0 : i32
        %dma_wait3A_267 = arith.constant 0 : i32
        %dma_wait3A_268 = tpu.memref_slice %arg8[%dma_wait3A_266, %dma_wait3A_267] : memref<40x64xi32, #tpu.memory_space<vmem>> -> memref<1x64xi32, #tpu.memory_space<vmem>>
        %dma_wait3A_269 = tpu.memref_squeeze %dma_wait3A_268 : memref<1x64xi32, #tpu.memory_space<vmem>> -> memref<64xi32, #tpu.memory_space<vmem>>
        %dma_wait3A_270 = arith.constant 0 : i32
        %dma_wait3A_271 = arith.constant 0 : i32
        %dma_wait3A_272 = tpu.memref_slice %arg13[%dma_wait3A_270, %dma_wait3A_271] : memref<10240x128xf32, #tpu.memory_space<vmem_shared>> -> memref<10240x128xf32, #tpu.memory_space<vmem_shared>>
        tpu.wait_indirect_dma semaphore(%arg20 : memref<!tpu.dma_semaphore, #tpu.memory_space<semaphore_mem>>) src(%arg11 : memref<64x128xf32, #tpu.memory_space<vmem>>) dst(%dma_wait3A_272 : memref<10240x128xf32, #tpu.memory_space<vmem_shared>>)
      } else {
      }
      %add3A_176 = arith.constant 2 : i32
      %add3A_177 = arith.addi %add3A_161, %add3A_176 : i32
      %lt3A = arith.constant 40 : i32
      %lt3A_178 = arith.cmpi slt, %add3A_177, %lt3A : i32
      %convert_element_type3A_179 = arith.extui %lt3A_178 : i1 to i32
      %cond3A_180 = arith.constant 0 : i32
      %cond3A_181 = arith.cmpi ne, %convert_element_type3A_179, %cond3A_180 : i32
      scf.if %cond3A_181 {
        %add3A_266 = arith.constant 2 : i32
        %add3A_267 = arith.addi %add3A_161, %add3A_266 : i32
        %dma_start3A_268 = arith.constant 0 : i32
        %dma_start3A_269 = tpu.memref_slice %arg7[%add3A_267, %dma_start3A_268] : memref<40x64xi32, #tpu.memory_space<vmem>> -> memref<1x64xi32, #tpu.memory_space<vmem>>
        %dma_start3A_270 = tpu.memref_squeeze %dma_start3A_269 : memref<1x64xi32, #tpu.memory_space<vmem>> -> memref<64xi32, #tpu.memory_space<vmem>>
        %dma_start3A_271 = arith.constant 0 : i32
        %dma_start3A_272 = arith.constant 0 : i32
        %dma_start3A_273 = tpu.memref_slice %arg2[%dma_start3A_271, %dma_start3A_272] : memref<10000x128xf32, #tpu.memory_space<hbm>> -> memref<10000x128xf32, #tpu.memory_space<hbm>>
        tpu.enqueue_indirect_dma source(%dma_start3A_273 : memref<10000x128xf32, #tpu.memory_space<hbm>>) target(%arg11 : memref<64x128xf32, #tpu.memory_space<vmem>>) offsets(%dma_start3A_270 : memref<64xi32, #tpu.memory_space<vmem>>) semaphore(%arg16 : memref<!tpu.dma_semaphore, #tpu.memory_space<semaphore_mem>>)
      } else {
      }
      %mul3A_182 = arith.constant 4 : i32
      %mul3A_183 = arith.muli %mul3A_182, %scan3A_157 : i32
      %add3A_184 = arith.constant 1 : i32
      %add3A_185 = arith.addi %mul3A_183, %add3A_184 : i32
      %dma_wait3A_186 = arith.constant 0 : i32
      %dma_wait3A_187 = tpu.memref_slice %arg7[%add3A_185, %dma_wait3A_186] : memref<40x64xi32, #tpu.memory_space<vmem>> -> memref<1x64xi32, #tpu.memory_space<vmem>>
      %dma_wait3A_188 = tpu.memref_squeeze %dma_wait3A_187 : memref<1x64xi32, #tpu.memory_space<vmem>> -> memref<64xi32, #tpu.memory_space<vmem>>
      %dma_wait3A_189 = arith.constant 0 : i32
      %dma_wait3A_190 = arith.constant 0 : i32
      %dma_wait3A_191 = tpu.memref_slice %arg2[%dma_wait3A_189, %dma_wait3A_190] : memref<10000x128xf32, #tpu.memory_space<hbm>> -> memref<10000x128xf32, #tpu.memory_space<hbm>>
      tpu.wait_indirect_dma semaphore(%arg15 : memref<!tpu.dma_semaphore, #tpu.memory_space<semaphore_mem>>) src(%dma_wait3A_191 : memref<10000x128xf32, #tpu.memory_space<hbm>>) dst(%arg10 : memref<64x128xf32, #tpu.memory_space<vmem>>)
      %dma_start3A_192 = arith.constant 0 : i32
      %dma_start3A_193 = tpu.memref_slice %arg8[%add3A_185, %dma_start3A_192] : memref<40x64xi32, #tpu.memory_space<vmem>> -> memref<1x64xi32, #tpu.memory_space<vmem>>
      %dma_start3A_194 = tpu.memref_squeeze %dma_start3A_193 : memref<1x64xi32, #tpu.memory_space<vmem>> -> memref<64xi32, #tpu.memory_space<vmem>>
      %dma_start3A_195 = arith.constant 0 : i32
      %dma_start3A_196 = arith.constant 0 : i32
      %dma_start3A_197 = tpu.memref_slice %arg13[%dma_start3A_195, %dma_start3A_196] : memref<10240x128xf32, #tpu.memory_space<vmem_shared>> -> memref<10240x128xf32, #tpu.memory_space<vmem_shared>>
      tpu.enqueue_indirect_dma source(%arg10 : memref<64x128xf32, #tpu.memory_space<vmem>>) target(%dma_start3A_197 : memref<10240x128xf32, #tpu.memory_space<vmem_shared>>) offsets(%dma_start3A_194 : memref<64xi32, #tpu.memory_space<vmem>>) semaphore(%arg19 : memref<!tpu.dma_semaphore, #tpu.memory_space<semaphore_mem>>) {add = true}
      %ge3A_198 = arith.constant 2 : i32
      %ge3A_199 = arith.cmpi sge, %add3A_185, %ge3A_198 : i32
      %convert_element_type3A_200 = arith.extui %ge3A_199 : i1 to i32
      %cond3A_201 = arith.constant 0 : i32
      %cond3A_202 = arith.cmpi ne, %convert_element_type3A_200, %cond3A_201 : i32
      scf.if %cond3A_202 {
        %dma_wait3A_266 = arith.constant 0 : i32
        %dma_wait3A_267 = arith.constant 0 : i32
        %dma_wait3A_268 = tpu.memref_slice %arg8[%dma_wait3A_266, %dma_wait3A_267] : memref<40x64xi32, #tpu.memory_space<vmem>> -> memref<1x64xi32, #tpu.memory_space<vmem>>
        %dma_wait3A_269 = tpu.memref_squeeze %dma_wait3A_268 : memref<1x64xi32, #tpu.memory_space<vmem>> -> memref<64xi32, #tpu.memory_space<vmem>>
        %dma_wait3A_270 = arith.constant 0 : i32
        %dma_wait3A_271 = arith.constant 0 : i32
        %dma_wait3A_272 = tpu.memref_slice %arg13[%dma_wait3A_270, %dma_wait3A_271] : memref<10240x128xf32, #tpu.memory_space<vmem_shared>> -> memref<10240x128xf32, #tpu.memory_space<vmem_shared>>
        tpu.wait_indirect_dma semaphore(%arg21 : memref<!tpu.dma_semaphore, #tpu.memory_space<semaphore_mem>>) src(%arg12 : memref<64x128xf32, #tpu.memory_space<vmem>>) dst(%dma_wait3A_272 : memref<10240x128xf32, #tpu.memory_space<vmem_shared>>)
      } else {
      }
      %add3A_203 = arith.constant 2 : i32
      %add3A_204 = arith.addi %add3A_185, %add3A_203 : i32
      %lt3A_205 = arith.constant 40 : i32
      %lt3A_206 = arith.cmpi slt, %add3A_204, %lt3A_205 : i32
      %convert_element_type3A_207 = arith.extui %lt3A_206 : i1 to i32
      %cond3A_208 = arith.constant 0 : i32
      %cond3A_209 = arith.cmpi ne, %convert_element_type3A_207, %cond3A_208 : i32
      scf.if %cond3A_209 {
        %add3A_266 = arith.constant 2 : i32
        %add3A_267 = arith.addi %add3A_185, %add3A_266 : i32
        %dma_start3A_268 = arith.constant 0 : i32
        %dma_start3A_269 = tpu.memref_slice %arg7[%add3A_267, %dma_start3A_268] : memref<40x64xi32, #tpu.memory_space<vmem>> -> memref<1x64xi32, #tpu.memory_space<vmem>>
        %dma_start3A_270 = tpu.memref_squeeze %dma_start3A_269 : memref<1x64xi32, #tpu.memory_space<vmem>> -> memref<64xi32, #tpu.memory_space<vmem>>
        %dma_start3A_271 = arith.constant 0 : i32
        %dma_start3A_272 = arith.constant 0 : i32
        %dma_start3A_273 = tpu.memref_slice %arg2[%dma_start3A_271, %dma_start3A_272] : memref<10000x128xf32, #tpu.memory_space<hbm>> -> memref<10000x128xf32, #tpu.memory_space<hbm>>
        tpu.enqueue_indirect_dma source(%dma_start3A_273 : memref<10000x128xf32, #tpu.memory_space<hbm>>) target(%arg12 : memref<64x128xf32, #tpu.memory_space<vmem>>) offsets(%dma_start3A_270 : memref<64xi32, #tpu.memory_space<vmem>>) semaphore(%arg17 : memref<!tpu.dma_semaphore, #tpu.memory_space<semaphore_mem>>)
      } else {
      }
      %mul3A_210 = arith.constant 4 : i32
      %mul3A_211 = arith.muli %mul3A_210, %scan3A_157 : i32
      %add3A_212 = arith.constant 2 : i32
      %add3A_213 = arith.addi %mul3A_211, %add3A_212 : i32
      %dma_wait3A_214 = arith.constant 0 : i32
      %dma_wait3A_215 = tpu.memref_slice %arg7[%add3A_213, %dma_wait3A_214] : memref<40x64xi32, #tpu.memory_space<vmem>> -> memref<1x64xi32, #tpu.memory_space<vmem>>
      %dma_wait3A_216 = tpu.memref_squeeze %dma_wait3A_215 : memref<1x64xi32, #tpu.memory_space<vmem>> -> memref<64xi32, #tpu.memory_space<vmem>>
      %dma_wait3A_217 = arith.constant 0 : i32
      %dma_wait3A_218 = arith.constant 0 : i32
      %dma_wait3A_219 = tpu.memref_slice %arg2[%dma_wait3A_217, %dma_wait3A_218] : memref<10000x128xf32, #tpu.memory_space<hbm>> -> memref<10000x128xf32, #tpu.memory_space<hbm>>
      tpu.wait_indirect_dma semaphore(%arg16 : memref<!tpu.dma_semaphore, #tpu.memory_space<semaphore_mem>>) src(%dma_wait3A_219 : memref<10000x128xf32, #tpu.memory_space<hbm>>) dst(%arg11 : memref<64x128xf32, #tpu.memory_space<vmem>>)
      %dma_start3A_220 = arith.constant 0 : i32
      %dma_start3A_221 = tpu.memref_slice %arg8[%add3A_213, %dma_start3A_220] : memref<40x64xi32, #tpu.memory_space<vmem>> -> memref<1x64xi32, #tpu.memory_space<vmem>>
      %dma_start3A_222 = tpu.memref_squeeze %dma_start3A_221 : memref<1x64xi32, #tpu.memory_space<vmem>> -> memref<64xi32, #tpu.memory_space<vmem>>
      %dma_start3A_223 = arith.constant 0 : i32
      %dma_start3A_224 = arith.constant 0 : i32
      %dma_start3A_225 = tpu.memref_slice %arg13[%dma_start3A_223, %dma_start3A_224] : memref<10240x128xf32, #tpu.memory_space<vmem_shared>> -> memref<10240x128xf32, #tpu.memory_space<vmem_shared>>
      tpu.enqueue_indirect_dma source(%arg11 : memref<64x128xf32, #tpu.memory_space<vmem>>) target(%dma_start3A_225 : memref<10240x128xf32, #tpu.memory_space<vmem_shared>>) offsets(%dma_start3A_222 : memref<64xi32, #tpu.memory_space<vmem>>) semaphore(%arg20 : memref<!tpu.dma_semaphore, #tpu.memory_space<semaphore_mem>>) {add = true}
      %ge3A_226 = arith.constant 2 : i32
      %ge3A_227 = arith.cmpi sge, %add3A_213, %ge3A_226 : i32
      %convert_element_type3A_228 = arith.extui %ge3A_227 : i1 to i32
      %cond3A_229 = arith.constant 0 : i32
      %cond3A_230 = arith.cmpi ne, %convert_element_type3A_228, %cond3A_229 : i32
      scf.if %cond3A_230 {
        %dma_wait3A_266 = arith.constant 0 : i32
        %dma_wait3A_267 = arith.constant 0 : i32
        %dma_wait3A_268 = tpu.memref_slice %arg8[%dma_wait3A_266, %dma_wait3A_267] : memref<40x64xi32, #tpu.memory_space<vmem>> -> memref<1x64xi32, #tpu.memory_space<vmem>>
        %dma_wait3A_269 = tpu.memref_squeeze %dma_wait3A_268 : memref<1x64xi32, #tpu.memory_space<vmem>> -> memref<64xi32, #tpu.memory_space<vmem>>
        %dma_wait3A_270 = arith.constant 0 : i32
        %dma_wait3A_271 = arith.constant 0 : i32
        %dma_wait3A_272 = tpu.memref_slice %arg13[%dma_wait3A_270, %dma_wait3A_271] : memref<10240x128xf32, #tpu.memory_space<vmem_shared>> -> memref<10240x128xf32, #tpu.memory_space<vmem_shared>>
        tpu.wait_indirect_dma semaphore(%arg18 : memref<!tpu.dma_semaphore, #tpu.memory_space<semaphore_mem>>) src(%arg9 : memref<64x128xf32, #tpu.memory_space<vmem>>) dst(%dma_wait3A_272 : memref<10240x128xf32, #tpu.memory_space<vmem_shared>>)
      } else {
      }
      %add3A_231 = arith.constant 2 : i32
      %add3A_232 = arith.addi %add3A_213, %add3A_231 : i32
      %lt3A_233 = arith.constant 40 : i32
      %lt3A_234 = arith.cmpi slt, %add3A_232, %lt3A_233 : i32
      %convert_element_type3A_235 = arith.extui %lt3A_234 : i1 to i32
      %cond3A_236 = arith.constant 0 : i32
      %cond3A_237 = arith.cmpi ne, %convert_element_type3A_235, %cond3A_236 : i32
      scf.if %cond3A_237 {
        %add3A_266 = arith.constant 2 : i32
        %add3A_267 = arith.addi %add3A_213, %add3A_266 : i32
        %dma_start3A_268 = arith.constant 0 : i32
        %dma_start3A_269 = tpu.memref_slice %arg7[%add3A_267, %dma_start3A_268] : memref<40x64xi32, #tpu.memory_space<vmem>> -> memref<1x64xi32, #tpu.memory_space<vmem>>
        %dma_start3A_270 = tpu.memref_squeeze %dma_start3A_269 : memref<1x64xi32, #tpu.memory_space<vmem>> -> memref<64xi32, #tpu.memory_space<vmem>>
        %dma_start3A_271 = arith.constant 0 : i32
        %dma_start3A_272 = arith.constant 0 : i32
        %dma_start3A_273 = tpu.memref_slice %arg2[%dma_start3A_271, %dma_start3A_272] : memref<10000x128xf32, #tpu.memory_space<hbm>> -> memref<10000x128xf32, #tpu.memory_space<hbm>>
        tpu.enqueue_indirect_dma source(%dma_start3A_273 : memref<10000x128xf32, #tpu.memory_space<hbm>>) target(%arg9 : memref<64x128xf32, #tpu.memory_space<vmem>>) offsets(%dma_start3A_270 : memref<64xi32, #tpu.memory_space<vmem>>) semaphore(%arg14 : memref<!tpu.dma_semaphore, #tpu.memory_space<semaphore_mem>>)
      } else {
      }
      %mul3A_238 = arith.constant 4 : i32
      %mul3A_239 = arith.muli %mul3A_238, %scan3A_157 : i32
      %add3A_240 = arith.constant 3 : i32
      %add3A_241 = arith.addi %mul3A_239, %add3A_240 : i32
      %dma_wait3A_242 = arith.constant 0 : i32
      %dma_wait3A_243 = tpu.memref_slice %arg7[%add3A_241, %dma_wait3A_242] : memref<40x64xi32, #tpu.memory_space<vmem>> -> memref<1x64xi32, #tpu.memory_space<vmem>>
      %dma_wait3A_244 = tpu.memref_squeeze %dma_wait3A_243 : memref<1x64xi32, #tpu.memory_space<vmem>> -> memref<64xi32, #tpu.memory_space<vmem>>
      %dma_wait3A_245 = arith.constant 0 : i32
      %dma_wait3A_246 = arith.constant 0 : i32
      %dma_wait3A_247 = tpu.memref_slice %arg2[%dma_wait3A_245, %dma_wait3A_246] : memref<10000x128xf32, #tpu.memory_space<hbm>> -> memref<10000x128xf32, #tpu.memory_space<hbm>>
      tpu.wait_indirect_dma semaphore(%arg17 : memref<!tpu.dma_semaphore, #tpu.memory_space<semaphore_mem>>) src(%dma_wait3A_247 : memref<10000x128xf32, #tpu.memory_space<hbm>>) dst(%arg12 : memref<64x128xf32, #tpu.memory_space<vmem>>)
      %dma_start3A_248 = arith.constant 0 : i32
      %dma_start3A_249 = tpu.memref_slice %arg8[%add3A_241, %dma_start3A_248] : memref<40x64xi32, #tpu.memory_space<vmem>> -> memref<1x64xi32, #tpu.memory_space<vmem>>
      %dma_start3A_250 = tpu.memref_squeeze %dma_start3A_249 : memref<1x64xi32, #tpu.memory_space<vmem>> -> memref<64xi32, #tpu.memory_space<vmem>>
      %dma_start3A_251 = arith.constant 0 : i32
      %dma_start3A_252 = arith.constant 0 : i32
      %dma_start3A_253 = tpu.memref_slice %arg13[%dma_start3A_251, %dma_start3A_252] : memref<10240x128xf32, #tpu.memory_space<vmem_shared>> -> memref<10240x128xf32, #tpu.memory_space<vmem_shared>>
      tpu.enqueue_indirect_dma source(%arg12 : memref<64x128xf32, #tpu.memory_space<vmem>>) target(%dma_start3A_253 : memref<10240x128xf32, #tpu.memory_space<vmem_shared>>) offsets(%dma_start3A_250 : memref<64xi32, #tpu.memory_space<vmem>>) semaphore(%arg21 : memref<!tpu.dma_semaphore, #tpu.memory_space<semaphore_mem>>) {add = true}
      %ge3A_254 = arith.constant 2 : i32
      %ge3A_255 = arith.cmpi sge, %add3A_241, %ge3A_254 : i32
      %convert_element_type3A_256 = arith.extui %ge3A_255 : i1 to i32
      %cond3A_257 = arith.constant 0 : i32
      %cond3A_258 = arith.cmpi ne, %convert_element_type3A_256, %cond3A_257 : i32
      scf.if %cond3A_258 {
        %dma_wait3A_266 = arith.constant 0 : i32
        %dma_wait3A_267 = arith.constant 0 : i32
        %dma_wait3A_268 = tpu.memref_slice %arg8[%dma_wait3A_266, %dma_wait3A_267] : memref<40x64xi32, #tpu.memory_space<vmem>> -> memref<1x64xi32, #tpu.memory_space<vmem>>
        %dma_wait3A_269 = tpu.memref_squeeze %dma_wait3A_268 : memref<1x64xi32, #tpu.memory_space<vmem>> -> memref<64xi32, #tpu.memory_space<vmem>>
        %dma_wait3A_270 = arith.constant 0 : i32
        %dma_wait3A_271 = arith.constant 0 : i32
        %dma_wait3A_272 = tpu.memref_slice %arg13[%dma_wait3A_270, %dma_wait3A_271] : memref<10240x128xf32, #tpu.memory_space<vmem_shared>> -> memref<10240x128xf32, #tpu.memory_space<vmem_shared>>
        tpu.wait_indirect_dma semaphore(%arg19 : memref<!tpu.dma_semaphore, #tpu.memory_space<semaphore_mem>>) src(%arg10 : memref<64x128xf32, #tpu.memory_space<vmem>>) dst(%dma_wait3A_272 : memref<10240x128xf32, #tpu.memory_space<vmem_shared>>)
      } else {
      }
      %add3A_259 = arith.constant 2 : i32
      %add3A_260 = arith.addi %add3A_241, %add3A_259 : i32
      %lt3A_261 = arith.constant 40 : i32
      %lt3A_262 = arith.cmpi slt, %add3A_260, %lt3A_261 : i32
      %convert_element_type3A_263 = arith.extui %lt3A_262 : i1 to i32
      %cond3A_264 = arith.constant 0 : i32
      %cond3A_265 = arith.cmpi ne, %convert_element_type3A_263, %cond3A_264 : i32
      scf.if %cond3A_265 {
        %add3A_266 = arith.constant 2 : i32
        %add3A_267 = arith.addi %add3A_241, %add3A_266 : i32
        %dma_start3A_268 = arith.constant 0 : i32
        %dma_start3A_269 = tpu.memref_slice %arg7[%add3A_267, %dma_start3A_268] : memref<40x64xi32, #tpu.memory_space<vmem>> -> memref<1x64xi32, #tpu.memory_space<vmem>>
        %dma_start3A_270 = tpu.memref_squeeze %dma_start3A_269 : memref<1x64xi32, #tpu.memory_space<vmem>> -> memref<64xi32, #tpu.memory_space<vmem>>
        %dma_start3A_271 = arith.constant 0 : i32
        %dma_start3A_272 = arith.constant 0 : i32
        %dma_start3A_273 = tpu.memref_slice %arg2[%dma_start3A_271, %dma_start3A_272] : memref<10000x128xf32, #tpu.memory_space<hbm>> -> memref<10000x128xf32, #tpu.memory_space<hbm>>
        tpu.enqueue_indirect_dma source(%dma_start3A_273 : memref<10000x128xf32, #tpu.memory_space<hbm>>) target(%arg10 : memref<64x128xf32, #tpu.memory_space<vmem>>) offsets(%dma_start3A_270 : memref<64xi32, #tpu.memory_space<vmem>>) semaphore(%arg15 : memref<!tpu.dma_semaphore, #tpu.memory_space<semaphore_mem>>)
      } else {
      }
    }
    %scan3A_137 = arith.constant 10 : i32
    %dma_wait3A_138 = arith.constant 0 : i32
    %dma_wait3A_139 = arith.constant 0 : i32
    %dma_wait3A_140 = tpu.memref_slice %arg8[%dma_wait3A_138, %dma_wait3A_139] : memref<40x64xi32, #tpu.memory_space<vmem>> -> memref<1x64xi32, #tpu.memory_space<vmem>>
    %dma_wait3A_141 = tpu.memref_squeeze %dma_wait3A_140 : memref<1x64xi32, #tpu.memory_space<vmem>> -> memref<64xi32, #tpu.memory_space<vmem>>
    %dma_wait3A_142 = arith.constant 0 : i32
    %dma_wait3A_143 = arith.constant 0 : i32
    %dma_wait3A_144 = tpu.memref_slice %arg13[%dma_wait3A_142, %dma_wait3A_143] : memref<10240x128xf32, #tpu.memory_space<vmem_shared>> -> memref<10240x128xf32, #tpu.memory_space<vmem_shared>>
    tpu.wait_indirect_dma semaphore(%arg20 : memref<!tpu.dma_semaphore, #tpu.memory_space<semaphore_mem>>) src(%arg11 : memref<64x128xf32, #tpu.memory_space<vmem>>) dst(%dma_wait3A_144 : memref<10240x128xf32, #tpu.memory_space<vmem_shared>>)
    %dma_wait3A_145 = arith.constant 0 : i32
    %dma_wait3A_146 = arith.constant 0 : i32
    %dma_wait3A_147 = tpu.memref_slice %arg8[%dma_wait3A_145, %dma_wait3A_146] : memref<40x64xi32, #tpu.memory_space<vmem>> -> memref<1x64xi32, #tpu.memory_space<vmem>>
    %dma_wait3A_148 = tpu.memref_squeeze %dma_wait3A_147 : memref<1x64xi32, #tpu.memory_space<vmem>> -> memref<64xi32, #tpu.memory_space<vmem>>
    %dma_wait3A_149 = arith.constant 0 : i32
    %dma_wait3A_150 = arith.constant 0 : i32
    %dma_wait3A_151 = tpu.memref_slice %arg13[%dma_wait3A_149, %dma_wait3A_150] : memref<10240x128xf32, #tpu.memory_space<vmem_shared>> -> memref<10240x128xf32, #tpu.memory_space<vmem_shared>>
    tpu.wait_indirect_dma semaphore(%arg21 : memref<!tpu.dma_semaphore, #tpu.memory_space<semaphore_mem>>) src(%arg12 : memref<64x128xf32, #tpu.memory_space<vmem>>) dst(%dma_wait3A_151 : memref<10240x128xf32, #tpu.memory_space<vmem_shared>>)
    %barrier3A_152 = arith.constant 0 : index
    tpu.barrier barrier_id(%barrier3A_152)
    %mul3A_153 = arith.constant 640 : i32
    %mul3A_154 = arith.muli %arg1, %mul3A_153 : i32
    %mul3A_155 = arith.constant 640 : i32
    %mul3A_156 = arith.muli %arg1, %mul3A_155 : i32
    "tpu.region"() ({
      %run_scoped3A = tpu.sem_alloc : memref<!tpu.dma_semaphore, #tpu.memory_space<semaphore_mem>>
      %dma_start3A_157 = arith.constant 0 : i32
      %dma_start3A_158 = tpu.memref_slice %arg6[%arg0, %mul3A_156, %dma_start3A_157] : memref<2x10240x128xf32, #tpu.memory_space<hbm>> -> memref<1x640x128xf32, #tpu.memory_space<hbm>>
      %dma_start3A_159 = tpu.memref_squeeze %dma_start3A_158 : memref<1x640x128xf32, #tpu.memory_space<hbm>> -> memref<640x128xf32, #tpu.memory_space<hbm>>
      %dma_start3A_160 = arith.constant 0 : i32
      %dma_start3A_161 = tpu.memref_slice %arg13[%mul3A_154, %dma_start3A_160] : memref<10240x128xf32, #tpu.memory_space<vmem_shared>> -> memref<640x128xf32, #tpu.memory_space<vmem_shared>>
      tpu.enqueue_dma source(%dma_start3A_161 : memref<640x128xf32, #tpu.memory_space<vmem_shared>>) target(%dma_start3A_159 : memref<640x128xf32, #tpu.memory_space<hbm>>) target_semaphore(%run_scoped3A : memref<!tpu.dma_semaphore, #tpu.memory_space<semaphore_mem>>)
      %dma_wait3A_162 = arith.constant 0 : i32
      %dma_wait3A_163 = tpu.memref_slice %arg6[%arg0, %mul3A_156, %dma_wait3A_162] : memref<2x10240x128xf32, #tpu.memory_space<hbm>> -> memref<1x640x128xf32, #tpu.memory_space<hbm>>
      %dma_wait3A_164 = tpu.memref_squeeze %dma_wait3A_163 : memref<1x640x128xf32, #tpu.memory_space<hbm>> -> memref<640x128xf32, #tpu.memory_space<hbm>>
      %dma_wait3A_165 = arith.constant 0 : i32
      %dma_wait3A_166 = tpu.memref_slice %arg13[%mul3A_154, %dma_wait3A_165] : memref<10240x128xf32, #tpu.memory_space<vmem_shared>> -> memref<640x128xf32, #tpu.memory_space<vmem_shared>>
      tpu.wait_dma2 semaphore(%run_scoped3A : memref<!tpu.dma_semaphore, #tpu.memory_space<semaphore_mem>>) src(%dma_wait3A_166 : memref<640x128xf32, #tpu.memory_space<vmem_shared>>) dst(%dma_wait3A_164 : memref<640x128xf32, #tpu.memory_space<hbm>>)
      tpu.yield
    }) : () -> ()
    return
  }
}

#map = affine_map<(d0, d1) -> (0, 0)>
#map1 = affine_map<(d0, d1) -> (0, 0, 0)>
module attributes {stable_mosaic.version = 14 : i64} {
  func.func @_segsum(%arg0: i32, %arg1: i32, %arg2: memref<10000x128xf32, #tpu.memory_space<hbm>>, %arg3: memref<5120x64xi32, #tpu.memory_space<hbm>>, %arg4: memref<5120x64xi32, #tpu.memory_space<hbm>>, %arg5: memref<640x128xf32, #tpu.memory_space<hbm>>, %arg6: memref<2x10240x128xf32, #tpu.memory_space<hbm>>, %arg7: memref<40x64xi32, #tpu.memory_space<vmem>>, %arg8: memref<40x64xi32, #tpu.memory_space<vmem>>, %arg9: memref<64x128xf32, #tpu.memory_space<vmem>>, %arg10: memref<64x128xf32, #tpu.memory_space<vmem>>, %arg11: memref<64x128xf32, #tpu.memory_space<vmem>>, %arg12: memref<64x128xf32, #tpu.memory_space<vmem>>, %arg13: memref<10240x128xf32, #tpu.memory_space<vmem_shared>>, %arg14: memref<!tpu.dma_semaphore, #tpu.memory_space<semaphore_mem>>, %arg15: memref<!tpu.dma_semaphore, #tpu.memory_space<semaphore_mem>>, %arg16: memref<!tpu.dma_semaphore, #tpu.memory_space<semaphore_mem>>, %arg17: memref<!tpu.dma_semaphore, #tpu.memory_space<semaphore_mem>>, %arg18: memref<!tpu.dma_semaphore, #tpu.memory_space<semaphore_mem>>, %arg19: memref<!tpu.dma_semaphore, #tpu.memory_space<semaphore_mem>>, %arg20: memref<!tpu.dma_semaphore, #tpu.memory_space<semaphore_mem>>, %arg21: memref<!tpu.dma_semaphore, #tpu.memory_space<semaphore_mem>>) attributes {dimension_semantics = [#tpu.dimension_semantics<core_parallel>, #tpu.dimension_semantics<subcore_parallel>], iteration_bounds = array<i64: 2, 16>, scalar_prefetch = 0 : i64, scratch_operands = 15 : i64, tpu.core_type = #tpu.core_type<sc_vector_subcore>, window_params = [{transform_indices = #map}, {transform_indices = #map}, {transform_indices = #map}, {transform_indices = #map}, {transform_indices = #map1}]} {
    %mul3A = arith.constant 16 : i32
    %mul3A_0 = arith.muli %arg0, %mul3A : i32
    %add3A = arith.addi %mul3A_0, %arg1 : i32
    %mul3A_1 = arith.constant 160 : i32
    %mul3A_2 = arith.muli %add3A, %mul3A_1 : i32
    %add3A_3 = arith.constant 0 : i32
    %add3A_4 = arith.addi %mul3A_2, %add3A_3 : i32
    "tpu.region"() ({
      %run_scoped3A = tpu.sem_alloc : memref<!tpu.dma_semaphore, #tpu.memory_space<semaphore_mem>>
      %dma_start3A_157 = arith.constant 0 : i32
      %dma_start3A_158 = tpu.memref_slice %arg3[%add3A_4, %dma_start3A_157] : memref<5120x64xi32, #tpu.memory_space<hbm>> -> memref<40x64xi32, #tpu.memory_space<hbm>>
      %dma_start3A_159 = arith.constant 0 : i32
      %dma_start3A_160 = tpu.memref_slice %arg3[%add3A_4, %dma_start3A_159] : memref<5120x64xi32, #tpu.memory_space<hbm>> -> memref<40x64xi32, #tpu.memory_space<hbm>>
      tpu.enqueue_dma source(%dma_start3A_160 : memref<40x64xi32, #tpu.memory_space<hbm>>) target(%arg7 : memref<40x64xi32, #tpu.memory_space<vmem>>) target_semaphore(%run_scoped3A : memref<!tpu.dma_semaphore, #tpu.memory_space<semaphore_mem>>)
      %dma_wait3A_161 = arith.constant 0 : i32
      %dma_wait3A_162 = tpu.memref_slice %arg3[%add3A_4, %dma_wait3A_161] : memref<5120x64xi32, #tpu.memory_space<hbm>> -> memref<40x64xi32, #tpu.memory_space<hbm>>
      %dma_wait3A_163 = arith.constant 0 : i32
      %dma_wait3A_164 = tpu.memref_slice %arg3[%add3A_4, %dma_wait3A_163] : memref<5120x64xi32, #tpu.memory_space<hbm>> -> memref<40x64xi32, #tpu.memory_space<hbm>>
      tpu.wait_dma2 semaphore(%run_scoped3A : memref<!tpu.dma_semaphore, #tpu.memory_space<semaphore_mem>>) src(%dma_wait3A_164 : memref<40x64xi32, #tpu.memory_space<hbm>>) dst(%arg7 : memref<40x64xi32, #tpu.memory_space<vmem>>)
      tpu.yield
    }) : () -> ()
    "tpu.region"() ({
      %run_scoped3A = tpu.sem_alloc : memref<!tpu.dma_semaphore, #tpu.memory_space<semaphore_mem>>
      %dma_start3A_157 = arith.constant 0 : i32
      %dma_start3A_158 = tpu.memref_slice %arg4[%add3A_4, %dma_start3A_157] : memref<5120x64xi32, #tpu.memory_space<hbm>> -> memref<40x64xi32, #tpu.memory_space<hbm>>
      %dma_start3A_159 = arith.constant 0 : i32
      %dma_start3A_160 = tpu.memref_slice %arg4[%add3A_4, %dma_start3A_159] : memref<5120x64xi32, #tpu.memory_space<hbm>> -> memref<40x64xi32, #tpu.memory_space<hbm>>
      tpu.enqueue_dma source(%dma_start3A_160 : memref<40x64xi32, #tpu.memory_space<hbm>>) target(%arg8 : memref<40x64xi32, #tpu.memory_space<vmem>>) target_semaphore(%run_scoped3A : memref<!tpu.dma_semaphore, #tpu.memory_space<semaphore_mem>>)
      %dma_wait3A_161 = arith.constant 0 : i32
      %dma_wait3A_162 = tpu.memref_slice %arg4[%add3A_4, %dma_wait3A_161] : memref<5120x64xi32, #tpu.memory_space<hbm>> -> memref<40x64xi32, #tpu.memory_space<hbm>>
      %dma_wait3A_163 = arith.constant 0 : i32
      %dma_wait3A_164 = tpu.memref_slice %arg4[%add3A_4, %dma_wait3A_163] : memref<5120x64xi32, #tpu.memory_space<hbm>> -> memref<40x64xi32, #tpu.memory_space<hbm>>
      tpu.wait_dma2 semaphore(%run_scoped3A : memref<!tpu.dma_semaphore, #tpu.memory_space<semaphore_mem>>) src(%dma_wait3A_164 : memref<40x64xi32, #tpu.memory_space<hbm>>) dst(%arg8 : memref<40x64xi32, #tpu.memory_space<vmem>>)
      tpu.yield
    }) : () -> ()
    %dma_start3A = arith.constant 0 : i32
    %dma_start3A_5 = arith.constant 0 : i32
    %dma_start3A_6 = tpu.memref_slice %arg7[%dma_start3A, %dma_start3A_5] : memref<40x64xi32, #tpu.memory_space<vmem>> -> memref<1x64xi32, #tpu.memory_space<vmem>>
    %dma_start3A_7 = tpu.memref_squeeze %dma_start3A_6 : memref<1x64xi32, #tpu.memory_space<vmem>> -> memref<64xi32, #tpu.memory_space<vmem>>
    %dma_start3A_8 = arith.constant 0 : i32
    %dma_start3A_9 = arith.constant 0 : i32
    %dma_start3A_10 = tpu.memref_slice %arg2[%dma_start3A_8, %dma_start3A_9] : memref<10000x128xf32, #tpu.memory_space<hbm>> -> memref<10000x128xf32, #tpu.memory_space<hbm>>
    tpu.enqueue_indirect_dma source(%dma_start3A_10 : memref<10000x128xf32, #tpu.memory_space<hbm>>) target(%arg9 : memref<64x128xf32, #tpu.memory_space<vmem>>) offsets(%dma_start3A_7 : memref<64xi32, #tpu.memory_space<vmem>>) semaphore(%arg14 : memref<!tpu.dma_semaphore, #tpu.memory_space<semaphore_mem>>)
    %dma_start3A_11 = arith.constant 1 : i32
    %dma_start3A_12 = arith.constant 0 : i32
    %dma_start3A_13 = tpu.memref_slice %arg7[%dma_start3A_11, %dma_start3A_12] : memref<40x64xi32, #tpu.memory_space<vmem>> -> memref<1x64xi32, #tpu.memory_space<vmem>>
    %dma_start3A_14 = tpu.memref_squeeze %dma_start3A_13 : memref<1x64xi32, #tpu.memory_space<vmem>> -> memref<64xi32, #tpu.memory_space<vmem>>
    %dma_start3A_15 = arith.constant 0 : i32
    %dma_start3A_16 = arith.constant 0 : i32
    %dma_start3A_17 = tpu.memref_slice %arg2[%dma_start3A_15, %dma_start3A_16] : memref<10000x128xf32, #tpu.memory_space<hbm>> -> memref<10000x128xf32, #tpu.memory_space<hbm>>
    tpu.enqueue_indirect_dma source(%dma_start3A_17 : memref<10000x128xf32, #tpu.memory_space<hbm>>) target(%arg10 : memref<64x128xf32, #tpu.memory_space<vmem>>) offsets(%dma_start3A_14 : memref<64xi32, #tpu.memory_space<vmem>>) semaphore(%arg15 : memref<!tpu.dma_semaphore, #tpu.memory_space<semaphore_mem>>)
    %mul3A_18 = arith.constant 640 : i32
    %mul3A_19 = arith.muli %arg1, %mul3A_18 : i32
    "tpu.region"() ({
      %run_scoped3A = tpu.sem_alloc : memref<!tpu.dma_semaphore, #tpu.memory_space<semaphore_mem>>
      %dma_start3A_157 = arith.constant 0 : i32
      %dma_start3A_158 = tpu.memref_slice %arg13[%mul3A_19, %dma_start3A_157] : memref<10240x128xf32, #tpu.memory_space<vmem_shared>> -> memref<640x128xf32, #tpu.memory_space<vmem_shared>>
      tpu.enqueue_dma source(%arg5 : memref<640x128xf32, #tpu.memory_space<hbm>>) target(%dma_start3A_158 : memref<640x128xf32, #tpu.memory_space<vmem_shared>>) target_semaphore(%run_scoped3A : memref<!tpu.dma_semaphore, #tpu.memory_space<semaphore_mem>>)
      %dma_wait3A_159 = arith.constant 0 : i32
      %dma_wait3A_160 = tpu.memref_slice %arg13[%mul3A_19, %dma_wait3A_159] : memref<10240x128xf32, #tpu.memory_space<vmem_shared>> -> memref<640x128xf32, #tpu.memory_space<vmem_shared>>
      tpu.wait_dma2 semaphore(%run_scoped3A : memref<!tpu.dma_semaphore, #tpu.memory_space<semaphore_mem>>) src(%arg5 : memref<640x128xf32, #tpu.memory_space<hbm>>) dst(%dma_wait3A_160 : memref<640x128xf32, #tpu.memory_space<vmem_shared>>)
      tpu.yield
    }) : () -> ()
    %barrier3A = arith.constant 0 : index
    tpu.barrier barrier_id(%barrier3A)
    %scan3A = arith.constant 0 : i32
    %scan3A_20 = arith.constant 0 : i32
    %scan3A_21 = arith.constant 10 : i32
    %scan3A_22 = arith.addi %scan3A_20, %scan3A_21 : i32
    %scan3A_23 = arith.constant 1 : i32
    scf.for %scan3A_157 = %scan3A_20 to %scan3A_22 step %scan3A_23  : i32 {
      %mul3A_158 = arith.constant 4 : i32
      %mul3A_159 = arith.muli %mul3A_158, %scan3A_157 : i32
      %add3A_160 = arith.constant 0 : i32
      %add3A_161 = arith.addi %mul3A_159, %add3A_160 : i32
      %dma_wait3A_162 = arith.constant 0 : i32
      %dma_wait3A_163 = tpu.memref_slice %arg7[%add3A_161, %dma_wait3A_162] : memref<40x64xi32, #tpu.memory_space<vmem>> -> memref<1x64xi32, #tpu.memory_space<vmem>>
      %dma_wait3A_164 = tpu.memref_squeeze %dma_wait3A_163 : memref<1x64xi32, #tpu.memory_space<vmem>> -> memref<64xi32, #tpu.memory_space<vmem>>
      %dma_wait3A_165 = arith.constant 0 : i32
      %dma_wait3A_166 = arith.constant 0 : i32
      %dma_wait3A_167 = tpu.memref_slice %arg2[%dma_wait3A_165, %dma_wait3A_166] : memref<10000x128xf32, #tpu.memory_space<hbm>> -> memref<10000x128xf32, #tpu.memory_space<hbm>>
      tpu.wait_indirect_dma semaphore(%arg14 : memref<!tpu.dma_semaphore, #tpu.memory_space<semaphore_mem>>) src(%dma_wait3A_167 : memref<10000x128xf32, #tpu.memory_space<hbm>>) dst(%arg9 : memref<64x128xf32, #tpu.memory_space<vmem>>)
      %dma_start3A_168 = arith.constant 0 : i32
      %dma_start3A_169 = tpu.memref_slice %arg8[%add3A_161, %dma_start3A_168] : memref<40x64xi32, #tpu.memory_space<vmem>> -> memref<1x64xi32, #tpu.memory_space<vmem>>
      %dma_start3A_170 = tpu.memref_squeeze %dma_start3A_169 : memref<1x64xi32, #tpu.memory_space<vmem>> -> memref<64xi32, #tpu.memory_space<vmem>>
      %dma_start3A_171 = arith.constant 0 : i32
      %dma_start3A_172 = arith.constant 0 : i32
      %dma_start3A_173 = tpu.memref_slice %arg13[%dma_start3A_171, %dma_start3A_172] : memref<10240x128xf32, #tpu.memory_space<vmem_shared>> -> memref<10240x128xf32, #tpu.memory_space<vmem_shared>>
      tpu.enqueue_indirect_dma source(%arg9 : memref<64x128xf32, #tpu.memory_space<vmem>>) target(%dma_start3A_173 : memref<10240x128xf32, #tpu.memory_space<vmem_shared>>) offsets(%dma_start3A_170 : memref<64xi32, #tpu.memory_space<vmem>>) semaphore(%arg18 : memref<!tpu.dma_semaphore, #tpu.memory_space<semaphore_mem>>) {add = true}
      %ge3A = arith.constant 2 : i32
      %ge3A_174 = arith.cmpi sge, %add3A_161, %ge3A : i32
      %convert_element_type3A = arith.extui %ge3A_174 : i1 to i32
      %cond3A = arith.constant 0 : i32
      %cond3A_175 = arith.cmpi ne, %convert_element_type3A, %cond3A : i32
      scf.if %cond3A_175 {
        %dma_wait3A_266 = arith.constant 0 : i32
        %dma_wait3A_267 = arith.constant 0 : i32
        %dma_wait3A_268 = tpu.memref_slice %arg8[%dma_wait3A_266, %dma_wait3A_267] : memref<40x64xi32, #tpu.memory_space<vmem>> -> memref<1x64xi32, #tpu.memory_space<vmem>>
        %dma_wait3A_269 = tpu.memref_squeeze %dma_wait3A_268 : memref<1x64xi32, #tpu.memory_space<vmem>> -> memref<64xi32, #tpu.memory_space<vmem>>
        %dma_wait3A_270 = arith.constant 0 : i32
        %dma_wait3A_271 = arith.constant 0 : i32
        %dma_wait3A_272 = tpu.memref_slice %arg13[%dma_wait3A_270, %dma_wait3A_271] : memref<10240x128xf32, #tpu.memory_space<vmem_shared>> -> memref<10240x128xf32, #tpu.memory_space<vmem_shared>>
        tpu.wait_indirect_dma semaphore(%arg20 : memref<!tpu.dma_semaphore, #tpu.memory_space<semaphore_mem>>) src(%arg11 : memref<64x128xf32, #tpu.memory_space<vmem>>) dst(%dma_wait3A_272 : memref<10240x128xf32, #tpu.memory_space<vmem_shared>>)
      } else {
      }
      %add3A_176 = arith.constant 2 : i32
      %add3A_177 = arith.addi %add3A_161, %add3A_176 : i32
      %lt3A = arith.constant 40 : i32
      %lt3A_178 = arith.cmpi slt, %add3A_177, %lt3A : i32
      %convert_element_type3A_179 = arith.extui %lt3A_178 : i1 to i32
      %cond3A_180 = arith.constant 0 : i32
      %cond3A_181 = arith.cmpi ne, %convert_element_type3A_179, %cond3A_180 : i32
      scf.if %cond3A_181 {
        %add3A_266 = arith.constant 2 : i32
        %add3A_267 = arith.addi %add3A_161, %add3A_266 : i32
        %dma_start3A_268 = arith.constant 0 : i32
        %dma_start3A_269 = tpu.memref_slice %arg7[%add3A_267, %dma_start3A_268] : memref<40x64xi32, #tpu.memory_space<vmem>> -> memref<1x64xi32, #tpu.memory_space<vmem>>
        %dma_start3A_270 = tpu.memref_squeeze %dma_start3A_269 : memref<1x64xi32, #tpu.memory_space<vmem>> -> memref<64xi32, #tpu.memory_space<vmem>>
        %dma_start3A_271 = arith.constant 0 : i32
        %dma_start3A_272 = arith.constant 0 : i32
        %dma_start3A_273 = tpu.memref_slice %arg2[%dma_start3A_271, %dma_start3A_272] : memref<10000x128xf32, #tpu.memory_space<hbm>> -> memref<10000x128xf32, #tpu.memory_space<hbm>>
        tpu.enqueue_indirect_dma source(%dma_start3A_273 : memref<10000x128xf32, #tpu.memory_space<hbm>>) target(%arg11 : memref<64x128xf32, #tpu.memory_space<vmem>>) offsets(%dma_start3A_270 : memref<64xi32, #tpu.memory_space<vmem>>) semaphore(%arg16 : memref<!tpu.dma_semaphore, #tpu.memory_space<semaphore_mem>>)
      } else {
      }
      %mul3A_182 = arith.constant 4 : i32
      %mul3A_183 = arith.muli %mul3A_182, %scan3A_157 : i32
      %add3A_184 = arith.constant 1 : i32
      %add3A_185 = arith.addi %mul3A_183, %add3A_184 : i32
      %dma_wait3A_186 = arith.constant 0 : i32
      %dma_wait3A_187 = tpu.memref_slice %arg7[%add3A_185, %dma_wait3A_186] : memref<40x64xi32, #tpu.memory_space<vmem>> -> memref<1x64xi32, #tpu.memory_space<vmem>>
      %dma_wait3A_188 = tpu.memref_squeeze %dma_wait3A_187 : memref<1x64xi32, #tpu.memory_space<vmem>> -> memref<64xi32, #tpu.memory_space<vmem>>
      %dma_wait3A_189 = arith.constant 0 : i32
      %dma_wait3A_190 = arith.constant 0 : i32
      %dma_wait3A_191 = tpu.memref_slice %arg2[%dma_wait3A_189, %dma_wait3A_190] : memref<10000x128xf32, #tpu.memory_space<hbm>> -> memref<10000x128xf32, #tpu.memory_space<hbm>>
      tpu.wait_indirect_dma semaphore(%arg15 : memref<!tpu.dma_semaphore, #tpu.memory_space<semaphore_mem>>) src(%dma_wait3A_191 : memref<10000x128xf32, #tpu.memory_space<hbm>>) dst(%arg10 : memref<64x128xf32, #tpu.memory_space<vmem>>)
      %dma_start3A_192 = arith.constant 0 : i32
      %dma_start3A_193 = tpu.memref_slice %arg8[%add3A_185, %dma_start3A_192] : memref<40x64xi32, #tpu.memory_space<vmem>> -> memref<1x64xi32, #tpu.memory_space<vmem>>
      %dma_start3A_194 = tpu.memref_squeeze %dma_start3A_193 : memref<1x64xi32, #tpu.memory_space<vmem>> -> memref<64xi32, #tpu.memory_space<vmem>>
      %dma_start3A_195 = arith.constant 0 : i32
      %dma_start3A_196 = arith.constant 0 : i32
      %dma_start3A_197 = tpu.memref_slice %arg13[%dma_start3A_195, %dma_start3A_196] : memref<10240x128xf32, #tpu.memory_space<vmem_shared>> -> memref<10240x128xf32, #tpu.memory_space<vmem_shared>>
      tpu.enqueue_indirect_dma source(%arg10 : memref<64x128xf32, #tpu.memory_space<vmem>>) target(%dma_start3A_197 : memref<10240x128xf32, #tpu.memory_space<vmem_shared>>) offsets(%dma_start3A_194 : memref<64xi32, #tpu.memory_space<vmem>>) semaphore(%arg19 : memref<!tpu.dma_semaphore, #tpu.memory_space<semaphore_mem>>) {add = true}
      %ge3A_198 = arith.constant 2 : i32
      %ge3A_199 = arith.cmpi sge, %add3A_185, %ge3A_198 : i32
      %convert_element_type3A_200 = arith.extui %ge3A_199 : i1 to i32
      %cond3A_201 = arith.constant 0 : i32
      %cond3A_202 = arith.cmpi ne, %convert_element_type3A_200, %cond3A_201 : i32
      scf.if %cond3A_202 {
        %dma_wait3A_266 = arith.constant 0 : i32
        %dma_wait3A_267 = arith.constant 0 : i32
        %dma_wait3A_268 = tpu.memref_slice %arg8[%dma_wait3A_266, %dma_wait3A_267] : memref<40x64xi32, #tpu.memory_space<vmem>> -> memref<1x64xi32, #tpu.memory_space<vmem>>
        %dma_wait3A_269 = tpu.memref_squeeze %dma_wait3A_268 : memref<1x64xi32, #tpu.memory_space<vmem>> -> memref<64xi32, #tpu.memory_space<vmem>>
        %dma_wait3A_270 = arith.constant 0 : i32
        %dma_wait3A_271 = arith.constant 0 : i32
        %dma_wait3A_272 = tpu.memref_slice %arg13[%dma_wait3A_270, %dma_wait3A_271] : memref<10240x128xf32, #tpu.memory_space<vmem_shared>> -> memref<10240x128xf32, #tpu.memory_space<vmem_shared>>
        tpu.wait_indirect_dma semaphore(%arg21 : memref<!tpu.dma_semaphore, #tpu.memory_space<semaphore_mem>>) src(%arg12 : memref<64x128xf32, #tpu.memory_space<vmem>>) dst(%dma_wait3A_272 : memref<10240x128xf32, #tpu.memory_space<vmem_shared>>)
      } else {
      }
      %add3A_203 = arith.constant 2 : i32
      %add3A_204 = arith.addi %add3A_185, %add3A_203 : i32
      %lt3A_205 = arith.constant 40 : i32
      %lt3A_206 = arith.cmpi slt, %add3A_204, %lt3A_205 : i32
      %convert_element_type3A_207 = arith.extui %lt3A_206 : i1 to i32
      %cond3A_208 = arith.constant 0 : i32
      %cond3A_209 = arith.cmpi ne, %convert_element_type3A_207, %cond3A_208 : i32
      scf.if %cond3A_209 {
        %add3A_266 = arith.constant 2 : i32
        %add3A_267 = arith.addi %add3A_185, %add3A_266 : i32
        %dma_start3A_268 = arith.constant 0 : i32
        %dma_start3A_269 = tpu.memref_slice %arg7[%add3A_267, %dma_start3A_268] : memref<40x64xi32, #tpu.memory_space<vmem>> -> memref<1x64xi32, #tpu.memory_space<vmem>>
        %dma_start3A_270 = tpu.memref_squeeze %dma_start3A_269 : memref<1x64xi32, #tpu.memory_space<vmem>> -> memref<64xi32, #tpu.memory_space<vmem>>
        %dma_start3A_271 = arith.constant 0 : i32
        %dma_start3A_272 = arith.constant 0 : i32
        %dma_start3A_273 = tpu.memref_slice %arg2[%dma_start3A_271, %dma_start3A_272] : memref<10000x128xf32, #tpu.memory_space<hbm>> -> memref<10000x128xf32, #tpu.memory_space<hbm>>
        tpu.enqueue_indirect_dma source(%dma_start3A_273 : memref<10000x128xf32, #tpu.memory_space<hbm>>) target(%arg12 : memref<64x128xf32, #tpu.memory_space<vmem>>) offsets(%dma_start3A_270 : memref<64xi32, #tpu.memory_space<vmem>>) semaphore(%arg17 : memref<!tpu.dma_semaphore, #tpu.memory_space<semaphore_mem>>)
      } else {
      }
      %mul3A_210 = arith.constant 4 : i32
      %mul3A_211 = arith.muli %mul3A_210, %scan3A_157 : i32
      %add3A_212 = arith.constant 2 : i32
      %add3A_213 = arith.addi %mul3A_211, %add3A_212 : i32
      %dma_wait3A_214 = arith.constant 0 : i32
      %dma_wait3A_215 = tpu.memref_slice %arg7[%add3A_213, %dma_wait3A_214] : memref<40x64xi32, #tpu.memory_space<vmem>> -> memref<1x64xi32, #tpu.memory_space<vmem>>
      %dma_wait3A_216 = tpu.memref_squeeze %dma_wait3A_215 : memref<1x64xi32, #tpu.memory_space<vmem>> -> memref<64xi32, #tpu.memory_space<vmem>>
      %dma_wait3A_217 = arith.constant 0 : i32
      %dma_wait3A_218 = arith.constant 0 : i32
      %dma_wait3A_219 = tpu.memref_slice %arg2[%dma_wait3A_217, %dma_wait3A_218] : memref<10000x128xf32, #tpu.memory_space<hbm>> -> memref<10000x128xf32, #tpu.memory_space<hbm>>
      tpu.wait_indirect_dma semaphore(%arg16 : memref<!tpu.dma_semaphore, #tpu.memory_space<semaphore_mem>>) src(%dma_wait3A_219 : memref<10000x128xf32, #tpu.memory_space<hbm>>) dst(%arg11 : memref<64x128xf32, #tpu.memory_space<vmem>>)
      %dma_start3A_220 = arith.constant 0 : i32
      %dma_start3A_221 = tpu.memref_slice %arg8[%add3A_213, %dma_start3A_220] : memref<40x64xi32, #tpu.memory_space<vmem>> -> memref<1x64xi32, #tpu.memory_space<vmem>>
      %dma_start3A_222 = tpu.memref_squeeze %dma_start3A_221 : memref<1x64xi32, #tpu.memory_space<vmem>> -> memref<64xi32, #tpu.memory_space<vmem>>
      %dma_start3A_223 = arith.constant 0 : i32
      %dma_start3A_224 = arith.constant 0 : i32
      %dma_start3A_225 = tpu.memref_slice %arg13[%dma_start3A_223, %dma_start3A_224] : memref<10240x128xf32, #tpu.memory_space<vmem_shared>> -> memref<10240x128xf32, #tpu.memory_space<vmem_shared>>
      tpu.enqueue_indirect_dma source(%arg11 : memref<64x128xf32, #tpu.memory_space<vmem>>) target(%dma_start3A_225 : memref<10240x128xf32, #tpu.memory_space<vmem_shared>>) offsets(%dma_start3A_222 : memref<64xi32, #tpu.memory_space<vmem>>) semaphore(%arg20 : memref<!tpu.dma_semaphore, #tpu.memory_space<semaphore_mem>>) {add = true}
      %ge3A_226 = arith.constant 2 : i32
      %ge3A_227 = arith.cmpi sge, %add3A_213, %ge3A_226 : i32
      %convert_element_type3A_228 = arith.extui %ge3A_227 : i1 to i32
      %cond3A_229 = arith.constant 0 : i32
      %cond3A_230 = arith.cmpi ne, %convert_element_type3A_228, %cond3A_229 : i32
      scf.if %cond3A_230 {
        %dma_wait3A_266 = arith.constant 0 : i32
        %dma_wait3A_267 = arith.constant 0 : i32
        %dma_wait3A_268 = tpu.memref_slice %arg8[%dma_wait3A_266, %dma_wait3A_267] : memref<40x64xi32, #tpu.memory_space<vmem>> -> memref<1x64xi32, #tpu.memory_space<vmem>>
        %dma_wait3A_269 = tpu.memref_squeeze %dma_wait3A_268 : memref<1x64xi32, #tpu.memory_space<vmem>> -> memref<64xi32, #tpu.memory_space<vmem>>
        %dma_wait3A_270 = arith.constant 0 : i32
        %dma_wait3A_271 = arith.constant 0 : i32
        %dma_wait3A_272 = tpu.memref_slice %arg13[%dma_wait3A_270, %dma_wait3A_271] : memref<10240x128xf32, #tpu.memory_space<vmem_shared>> -> memref<10240x128xf32, #tpu.memory_space<vmem_shared>>
        tpu.wait_indirect_dma semaphore(%arg18 : memref<!tpu.dma_semaphore, #tpu.memory_space<semaphore_mem>>) src(%arg9 : memref<64x128xf32, #tpu.memory_space<vmem>>) dst(%dma_wait3A_272 : memref<10240x128xf32, #tpu.memory_space<vmem_shared>>)
      } else {
      }
      %add3A_231 = arith.constant 2 : i32
      %add3A_232 = arith.addi %add3A_213, %add3A_231 : i32
      %lt3A_233 = arith.constant 40 : i32
      %lt3A_234 = arith.cmpi slt, %add3A_232, %lt3A_233 : i32
      %convert_element_type3A_235 = arith.extui %lt3A_234 : i1 to i32
      %cond3A_236 = arith.constant 0 : i32
      %cond3A_237 = arith.cmpi ne, %convert_element_type3A_235, %cond3A_236 : i32
      scf.if %cond3A_237 {
        %add3A_266 = arith.constant 2 : i32
        %add3A_267 = arith.addi %add3A_213, %add3A_266 : i32
        %dma_start3A_268 = arith.constant 0 : i32
        %dma_start3A_269 = tpu.memref_slice %arg7[%add3A_267, %dma_start3A_268] : memref<40x64xi32, #tpu.memory_space<vmem>> -> memref<1x64xi32, #tpu.memory_space<vmem>>
        %dma_start3A_270 = tpu.memref_squeeze %dma_start3A_269 : memref<1x64xi32, #tpu.memory_space<vmem>> -> memref<64xi32, #tpu.memory_space<vmem>>
        %dma_start3A_271 = arith.constant 0 : i32
        %dma_start3A_272 = arith.constant 0 : i32
        %dma_start3A_273 = tpu.memref_slice %arg2[%dma_start3A_271, %dma_start3A_272] : memref<10000x128xf32, #tpu.memory_space<hbm>> -> memref<10000x128xf32, #tpu.memory_space<hbm>>
        tpu.enqueue_indirect_dma source(%dma_start3A_273 : memref<10000x128xf32, #tpu.memory_space<hbm>>) target(%arg9 : memref<64x128xf32, #tpu.memory_space<vmem>>) offsets(%dma_start3A_270 : memref<64xi32, #tpu.memory_space<vmem>>) semaphore(%arg14 : memref<!tpu.dma_semaphore, #tpu.memory_space<semaphore_mem>>)
      } else {
      }
      %mul3A_238 = arith.constant 4 : i32
      %mul3A_239 = arith.muli %mul3A_238, %scan3A_157 : i32
      %add3A_240 = arith.constant 3 : i32
      %add3A_241 = arith.addi %mul3A_239, %add3A_240 : i32
      %dma_wait3A_242 = arith.constant 0 : i32
      %dma_wait3A_243 = tpu.memref_slice %arg7[%add3A_241, %dma_wait3A_242] : memref<40x64xi32, #tpu.memory_space<vmem>> -> memref<1x64xi32, #tpu.memory_space<vmem>>
      %dma_wait3A_244 = tpu.memref_squeeze %dma_wait3A_243 : memref<1x64xi32, #tpu.memory_space<vmem>> -> memref<64xi32, #tpu.memory_space<vmem>>
      %dma_wait3A_245 = arith.constant 0 : i32
      %dma_wait3A_246 = arith.constant 0 : i32
      %dma_wait3A_247 = tpu.memref_slice %arg2[%dma_wait3A_245, %dma_wait3A_246] : memref<10000x128xf32, #tpu.memory_space<hbm>> -> memref<10000x128xf32, #tpu.memory_space<hbm>>
      tpu.wait_indirect_dma semaphore(%arg17 : memref<!tpu.dma_semaphore, #tpu.memory_space<semaphore_mem>>) src(%dma_wait3A_247 : memref<10000x128xf32, #tpu.memory_space<hbm>>) dst(%arg12 : memref<64x128xf32, #tpu.memory_space<vmem>>)
      %dma_start3A_248 = arith.constant 0 : i32
      %dma_start3A_249 = tpu.memref_slice %arg8[%add3A_241, %dma_start3A_248] : memref<40x64xi32, #tpu.memory_space<vmem>> -> memref<1x64xi32, #tpu.memory_space<vmem>>
      %dma_start3A_250 = tpu.memref_squeeze %dma_start3A_249 : memref<1x64xi32, #tpu.memory_space<vmem>> -> memref<64xi32, #tpu.memory_space<vmem>>
      %dma_start3A_251 = arith.constant 0 : i32
      %dma_start3A_252 = arith.constant 0 : i32
      %dma_start3A_253 = tpu.memref_slice %arg13[%dma_start3A_251, %dma_start3A_252] : memref<10240x128xf32, #tpu.memory_space<vmem_shared>> -> memref<10240x128xf32, #tpu.memory_space<vmem_shared>>
      tpu.enqueue_indirect_dma source(%arg12 : memref<64x128xf32, #tpu.memory_space<vmem>>) target(%dma_start3A_253 : memref<10240x128xf32, #tpu.memory_space<vmem_shared>>) offsets(%dma_start3A_250 : memref<64xi32, #tpu.memory_space<vmem>>) semaphore(%arg21 : memref<!tpu.dma_semaphore, #tpu.memory_space<semaphore_mem>>) {add = true}
      %ge3A_254 = arith.constant 2 : i32
      %ge3A_255 = arith.cmpi sge, %add3A_241, %ge3A_254 : i32
      %convert_element_type3A_256 = arith.extui %ge3A_255 : i1 to i32
      %cond3A_257 = arith.constant 0 : i32
      %cond3A_258 = arith.cmpi ne, %convert_element_type3A_256, %cond3A_257 : i32
      scf.if %cond3A_258 {
        %dma_wait3A_266 = arith.constant 0 : i32
        %dma_wait3A_267 = arith.constant 0 : i32
        %dma_wait3A_268 = tpu.memref_slice %arg8[%dma_wait3A_266, %dma_wait3A_267] : memref<40x64xi32, #tpu.memory_space<vmem>> -> memref<1x64xi32, #tpu.memory_space<vmem>>
        %dma_wait3A_269 = tpu.memref_squeeze %dma_wait3A_268 : memref<1x64xi32, #tpu.memory_space<vmem>> -> memref<64xi32, #tpu.memory_space<vmem>>
        %dma_wait3A_270 = arith.constant 0 : i32
        %dma_wait3A_271 = arith.constant 0 : i32
        %dma_wait3A_272 = tpu.memref_slice %arg13[%dma_wait3A_270, %dma_wait3A_271] : memref<10240x128xf32, #tpu.memory_space<vmem_shared>> -> memref<10240x128xf32, #tpu.memory_space<vmem_shared>>
        tpu.wait_indirect_dma semaphore(%arg19 : memref<!tpu.dma_semaphore, #tpu.memory_space<semaphore_mem>>) src(%arg10 : memref<64x128xf32, #tpu.memory_space<vmem>>) dst(%dma_wait3A_272 : memref<10240x128xf32, #tpu.memory_space<vmem_shared>>)
      } else {
      }
      %add3A_259 = arith.constant 2 : i32
      %add3A_260 = arith.addi %add3A_241, %add3A_259 : i32
      %lt3A_261 = arith.constant 40 : i32
      %lt3A_262 = arith.cmpi slt, %add3A_260, %lt3A_261 : i32
      %convert_element_type3A_263 = arith.extui %lt3A_262 : i1 to i32
      %cond3A_264 = arith.constant 0 : i32
      %cond3A_265 = arith.cmpi ne, %convert_element_type3A_263, %cond3A_264 : i32
      scf.if %cond3A_265 {
        %add3A_266 = arith.constant 2 : i32
        %add3A_267 = arith.addi %add3A_241, %add3A_266 : i32
        %dma_start3A_268 = arith.constant 0 : i32
        %dma_start3A_269 = tpu.memref_slice %arg7[%add3A_267, %dma_start3A_268] : memref<40x64xi32, #tpu.memory_space<vmem>> -> memref<1x64xi32, #tpu.memory_space<vmem>>
        %dma_start3A_270 = tpu.memref_squeeze %dma_start3A_269 : memref<1x64xi32, #tpu.memory_space<vmem>> -> memref<64xi32, #tpu.memory_space<vmem>>
        %dma_start3A_271 = arith.constant 0 : i32
        %dma_start3A_272 = arith.constant 0 : i32
        %dma_start3A_273 = tpu.memref_slice %arg2[%dma_start3A_271, %dma_start3A_272] : memref<10000x128xf32, #tpu.memory_space<hbm>> -> memref<10000x128xf32, #tpu.memory_space<hbm>>
        tpu.enqueue_indirect_dma source(%dma_start3A_273 : memref<10000x128xf32, #tpu.memory_space<hbm>>) target(%arg10 : memref<64x128xf32, #tpu.memory_space<vmem>>) offsets(%dma_start3A_270 : memref<64xi32, #tpu.memory_space<vmem>>) semaphore(%arg15 : memref<!tpu.dma_semaphore, #tpu.memory_space<semaphore_mem>>)
      } else {
      }
    }
    %scan3A_24 = arith.constant 10 : i32
    %dma_wait3A = arith.constant 0 : i32
    %dma_wait3A_25 = arith.constant 0 : i32
    %dma_wait3A_26 = tpu.memref_slice %arg8[%dma_wait3A, %dma_wait3A_25] : memref<40x64xi32, #tpu.memory_space<vmem>> -> memref<1x64xi32, #tpu.memory_space<vmem>>
    %dma_wait3A_27 = tpu.memref_squeeze %dma_wait3A_26 : memref<1x64xi32, #tpu.memory_space<vmem>> -> memref<64xi32, #tpu.memory_space<vmem>>
    %dma_wait3A_28 = arith.constant 0 : i32
    %dma_wait3A_29 = arith.constant 0 : i32
    %dma_wait3A_30 = tpu.memref_slice %arg13[%dma_wait3A_28, %dma_wait3A_29] : memref<10240x128xf32, #tpu.memory_space<vmem_shared>> -> memref<10240x128xf32, #tpu.memory_space<vmem_shared>>
    tpu.wait_indirect_dma semaphore(%arg20 : memref<!tpu.dma_semaphore, #tpu.memory_space<semaphore_mem>>) src(%arg11 : memref<64x128xf32, #tpu.memory_space<vmem>>) dst(%dma_wait3A_30 : memref<10240x128xf32, #tpu.memory_space<vmem_shared>>)
    %dma_wait3A_31 = arith.constant 0 : i32
    %dma_wait3A_32 = arith.constant 0 : i32
    %dma_wait3A_33 = tpu.memref_slice %arg8[%dma_wait3A_31, %dma_wait3A_32] : memref<40x64xi32, #tpu.memory_space<vmem>> -> memref<1x64xi32, #tpu.memory_space<vmem>>
    %dma_wait3A_34 = tpu.memref_squeeze %dma_wait3A_33 : memref<1x64xi32, #tpu.memory_space<vmem>> -> memref<64xi32, #tpu.memory_space<vmem>>
    %dma_wait3A_35 = arith.constant 0 : i32
    %dma_wait3A_36 = arith.constant 0 : i32
    %dma_wait3A_37 = tpu.memref_slice %arg13[%dma_wait3A_35, %dma_wait3A_36] : memref<10240x128xf32, #tpu.memory_space<vmem_shared>> -> memref<10240x128xf32, #tpu.memory_space<vmem_shared>>
    tpu.wait_indirect_dma semaphore(%arg21 : memref<!tpu.dma_semaphore, #tpu.memory_space<semaphore_mem>>) src(%arg12 : memref<64x128xf32, #tpu.memory_space<vmem>>) dst(%dma_wait3A_37 : memref<10240x128xf32, #tpu.memory_space<vmem_shared>>)
    %mul3A_38 = arith.constant 160 : i32
    %mul3A_39 = arith.muli %add3A, %mul3A_38 : i32
    %add3A_40 = arith.constant 40 : i32
    %add3A_41 = arith.addi %mul3A_39, %add3A_40 : i32
    "tpu.region"() ({
      %run_scoped3A = tpu.sem_alloc : memref<!tpu.dma_semaphore, #tpu.memory_space<semaphore_mem>>
      %dma_start3A_157 = arith.constant 0 : i32
      %dma_start3A_158 = tpu.memref_slice %arg3[%add3A_41, %dma_start3A_157] : memref<5120x64xi32, #tpu.memory_space<hbm>> -> memref<40x64xi32, #tpu.memory_space<hbm>>
      %dma_start3A_159 = arith.constant 0 : i32
      %dma_start3A_160 = tpu.memref_slice %arg3[%add3A_41, %dma_start3A_159] : memref<5120x64xi32, #tpu.memory_space<hbm>> -> memref<40x64xi32, #tpu.memory_space<hbm>>
      tpu.enqueue_dma source(%dma_start3A_160 : memref<40x64xi32, #tpu.memory_space<hbm>>) target(%arg7 : memref<40x64xi32, #tpu.memory_space<vmem>>) target_semaphore(%run_scoped3A : memref<!tpu.dma_semaphore, #tpu.memory_space<semaphore_mem>>)
      %dma_wait3A_161 = arith.constant 0 : i32
      %dma_wait3A_162 = tpu.memref_slice %arg3[%add3A_41, %dma_wait3A_161] : memref<5120x64xi32, #tpu.memory_space<hbm>> -> memref<40x64xi32, #tpu.memory_space<hbm>>
      %dma_wait3A_163 = arith.constant 0 : i32
      %dma_wait3A_164 = tpu.memref_slice %arg3[%add3A_41, %dma_wait3A_163] : memref<5120x64xi32, #tpu.memory_space<hbm>> -> memref<40x64xi32, #tpu.memory_space<hbm>>
      tpu.wait_dma2 semaphore(%run_scoped3A : memref<!tpu.dma_semaphore, #tpu.memory_space<semaphore_mem>>) src(%dma_wait3A_164 : memref<40x64xi32, #tpu.memory_space<hbm>>) dst(%arg7 : memref<40x64xi32, #tpu.memory_space<vmem>>)
      tpu.yield
    }) : () -> ()
    "tpu.region"() ({
      %run_scoped3A = tpu.sem_alloc : memref<!tpu.dma_semaphore, #tpu.memory_space<semaphore_mem>>
      %dma_start3A_157 = arith.constant 0 : i32
      %dma_start3A_158 = tpu.memref_slice %arg4[%add3A_41, %dma_start3A_157] : memref<5120x64xi32, #tpu.memory_space<hbm>> -> memref<40x64xi32, #tpu.memory_space<hbm>>
      %dma_start3A_159 = arith.constant 0 : i32
      %dma_start3A_160 = tpu.memref_slice %arg4[%add3A_41, %dma_start3A_159] : memref<5120x64xi32, #tpu.memory_space<hbm>> -> memref<40x64xi32, #tpu.memory_space<hbm>>
      tpu.enqueue_dma source(%dma_start3A_160 : memref<40x64xi32, #tpu.memory_space<hbm>>) target(%arg8 : memref<40x64xi32, #tpu.memory_space<vmem>>) target_semaphore(%run_scoped3A : memref<!tpu.dma_semaphore, #tpu.memory_space<semaphore_mem>>)
      %dma_wait3A_161 = arith.constant 0 : i32
      %dma_wait3A_162 = tpu.memref_slice %arg4[%add3A_41, %dma_wait3A_161] : memref<5120x64xi32, #tpu.memory_space<hbm>> -> memref<40x64xi32, #tpu.memory_space<hbm>>
      %dma_wait3A_163 = arith.constant 0 : i32
      %dma_wait3A_164 = tpu.memref_slice %arg4[%add3A_41, %dma_wait3A_163] : memref<5120x64xi32, #tpu.memory_space<hbm>> -> memref<40x64xi32, #tpu.memory_space<hbm>>
      tpu.wait_dma2 semaphore(%run_scoped3A : memref<!tpu.dma_semaphore, #tpu.memory_space<semaphore_mem>>) src(%dma_wait3A_164 : memref<40x64xi32, #tpu.memory_space<hbm>>) dst(%arg8 : memref<40x64xi32, #tpu.memory_space<vmem>>)
      tpu.yield
    }) : () -> ()
    %dma_start3A_42 = arith.constant 0 : i32
    %dma_start3A_43 = arith.constant 0 : i32
    %dma_start3A_44 = tpu.memref_slice %arg7[%dma_start3A_42, %dma_start3A_43] : memref<40x64xi32, #tpu.memory_space<vmem>> -> memref<1x64xi32, #tpu.memory_space<vmem>>
    %dma_start3A_45 = tpu.memref_squeeze %dma_start3A_44 : memref<1x64xi32, #tpu.memory_space<vmem>> -> memref<64xi32, #tpu.memory_space<vmem>>
    %dma_start3A_46 = arith.constant 0 : i32
    %dma_start3A_47 = arith.constant 0 : i32
    %dma_start3A_48 = tpu.memref_slice %arg2[%dma_start3A_46, %dma_start3A_47] : memref<10000x128xf32, #tpu.memory_space<hbm>> -> memref<10000x128xf32, #tpu.memory_space<hbm>>
    tpu.enqueue_indirect_dma source(%dma_start3A_48 : memref<10000x128xf32, #tpu.memory_space<hbm>>) target(%arg9 : memref<64x128xf32, #tpu.memory_space<vmem>>) offsets(%dma_start3A_45 : memref<64xi32, #tpu.memory_space<vmem>>) semaphore(%arg14 : memref<!tpu.dma_semaphore, #tpu.memory_space<semaphore_mem>>)
    %dma_start3A_49 = arith.constant 1 : i32
    %dma_start3A_50 = arith.constant 0 : i32
    %dma_start3A_51 = tpu.memref_slice %arg7[%dma_start3A_49, %dma_start3A_50] : memref<40x64xi32, #tpu.memory_space<vmem>> -> memref<1x64xi32, #tpu.memory_space<vmem>>
    %dma_start3A_52 = tpu.memref_squeeze %dma_start3A_51 : memref<1x64xi32, #tpu.memory_space<vmem>> -> memref<64xi32, #tpu.memory_space<vmem>>
    %dma_start3A_53 = arith.constant 0 : i32
    %dma_start3A_54 = arith.constant 0 : i32
    %dma_start3A_55 = tpu.memref_slice %arg2[%dma_start3A_53, %dma_start3A_54] : memref<10000x128xf32, #tpu.memory_space<hbm>> -> memref<10000x128xf32, #tpu.memory_space<hbm>>
    tpu.enqueue_indirect_dma source(%dma_start3A_55 : memref<10000x128xf32, #tpu.memory_space<hbm>>) target(%arg10 : memref<64x128xf32, #tpu.memory_space<vmem>>) offsets(%dma_start3A_52 : memref<64xi32, #tpu.memory_space<vmem>>) semaphore(%arg15 : memref<!tpu.dma_semaphore, #tpu.memory_space<semaphore_mem>>)
    %scan3A_56 = arith.constant 0 : i32
    %scan3A_57 = arith.constant 0 : i32
    %scan3A_58 = arith.constant 10 : i32
    %scan3A_59 = arith.addi %scan3A_57, %scan3A_58 : i32
    %scan3A_60 = arith.constant 1 : i32
    scf.for %scan3A_157 = %scan3A_57 to %scan3A_59 step %scan3A_60  : i32 {
      %mul3A_158 = arith.constant 4 : i32
      %mul3A_159 = arith.muli %mul3A_158, %scan3A_157 : i32
      %add3A_160 = arith.constant 0 : i32
      %add3A_161 = arith.addi %mul3A_159, %add3A_160 : i32
      %dma_wait3A_162 = arith.constant 0 : i32
      %dma_wait3A_163 = tpu.memref_slice %arg7[%add3A_161, %dma_wait3A_162] : memref<40x64xi32, #tpu.memory_space<vmem>> -> memref<1x64xi32, #tpu.memory_space<vmem>>
      %dma_wait3A_164 = tpu.memref_squeeze %dma_wait3A_163 : memref<1x64xi32, #tpu.memory_space<vmem>> -> memref<64xi32, #tpu.memory_space<vmem>>
      %dma_wait3A_165 = arith.constant 0 : i32
      %dma_wait3A_166 = arith.constant 0 : i32
      %dma_wait3A_167 = tpu.memref_slice %arg2[%dma_wait3A_165, %dma_wait3A_166] : memref<10000x128xf32, #tpu.memory_space<hbm>> -> memref<10000x128xf32, #tpu.memory_space<hbm>>
      tpu.wait_indirect_dma semaphore(%arg14 : memref<!tpu.dma_semaphore, #tpu.memory_space<semaphore_mem>>) src(%dma_wait3A_167 : memref<10000x128xf32, #tpu.memory_space<hbm>>) dst(%arg9 : memref<64x128xf32, #tpu.memory_space<vmem>>)
      %dma_start3A_168 = arith.constant 0 : i32
      %dma_start3A_169 = tpu.memref_slice %arg8[%add3A_161, %dma_start3A_168] : memref<40x64xi32, #tpu.memory_space<vmem>> -> memref<1x64xi32, #tpu.memory_space<vmem>>
      %dma_start3A_170 = tpu.memref_squeeze %dma_start3A_169 : memref<1x64xi32, #tpu.memory_space<vmem>> -> memref<64xi32, #tpu.memory_space<vmem>>
      %dma_start3A_171 = arith.constant 0 : i32
      %dma_start3A_172 = arith.constant 0 : i32
      %dma_start3A_173 = tpu.memref_slice %arg13[%dma_start3A_171, %dma_start3A_172] : memref<10240x128xf32, #tpu.memory_space<vmem_shared>> -> memref<10240x128xf32, #tpu.memory_space<vmem_shared>>
      tpu.enqueue_indirect_dma source(%arg9 : memref<64x128xf32, #tpu.memory_space<vmem>>) target(%dma_start3A_173 : memref<10240x128xf32, #tpu.memory_space<vmem_shared>>) offsets(%dma_start3A_170 : memref<64xi32, #tpu.memory_space<vmem>>) semaphore(%arg18 : memref<!tpu.dma_semaphore, #tpu.memory_space<semaphore_mem>>) {add = true}
      %ge3A = arith.constant 2 : i32
      %ge3A_174 = arith.cmpi sge, %add3A_161, %ge3A : i32
      %convert_element_type3A = arith.extui %ge3A_174 : i1 to i32
      %cond3A = arith.constant 0 : i32
      %cond3A_175 = arith.cmpi ne, %convert_element_type3A, %cond3A : i32
      scf.if %cond3A_175 {
        %dma_wait3A_266 = arith.constant 0 : i32
        %dma_wait3A_267 = arith.constant 0 : i32
        %dma_wait3A_268 = tpu.memref_slice %arg8[%dma_wait3A_266, %dma_wait3A_267] : memref<40x64xi32, #tpu.memory_space<vmem>> -> memref<1x64xi32, #tpu.memory_space<vmem>>
        %dma_wait3A_269 = tpu.memref_squeeze %dma_wait3A_268 : memref<1x64xi32, #tpu.memory_space<vmem>> -> memref<64xi32, #tpu.memory_space<vmem>>
        %dma_wait3A_270 = arith.constant 0 : i32
        %dma_wait3A_271 = arith.constant 0 : i32
        %dma_wait3A_272 = tpu.memref_slice %arg13[%dma_wait3A_270, %dma_wait3A_271] : memref<10240x128xf32, #tpu.memory_space<vmem_shared>> -> memref<10240x128xf32, #tpu.memory_space<vmem_shared>>
        tpu.wait_indirect_dma semaphore(%arg20 : memref<!tpu.dma_semaphore, #tpu.memory_space<semaphore_mem>>) src(%arg11 : memref<64x128xf32, #tpu.memory_space<vmem>>) dst(%dma_wait3A_272 : memref<10240x128xf32, #tpu.memory_space<vmem_shared>>)
      } else {
      }
      %add3A_176 = arith.constant 2 : i32
      %add3A_177 = arith.addi %add3A_161, %add3A_176 : i32
      %lt3A = arith.constant 40 : i32
      %lt3A_178 = arith.cmpi slt, %add3A_177, %lt3A : i32
      %convert_element_type3A_179 = arith.extui %lt3A_178 : i1 to i32
      %cond3A_180 = arith.constant 0 : i32
      %cond3A_181 = arith.cmpi ne, %convert_element_type3A_179, %cond3A_180 : i32
      scf.if %cond3A_181 {
        %add3A_266 = arith.constant 2 : i32
        %add3A_267 = arith.addi %add3A_161, %add3A_266 : i32
        %dma_start3A_268 = arith.constant 0 : i32
        %dma_start3A_269 = tpu.memref_slice %arg7[%add3A_267, %dma_start3A_268] : memref<40x64xi32, #tpu.memory_space<vmem>> -> memref<1x64xi32, #tpu.memory_space<vmem>>
        %dma_start3A_270 = tpu.memref_squeeze %dma_start3A_269 : memref<1x64xi32, #tpu.memory_space<vmem>> -> memref<64xi32, #tpu.memory_space<vmem>>
        %dma_start3A_271 = arith.constant 0 : i32
        %dma_start3A_272 = arith.constant 0 : i32
        %dma_start3A_273 = tpu.memref_slice %arg2[%dma_start3A_271, %dma_start3A_272] : memref<10000x128xf32, #tpu.memory_space<hbm>> -> memref<10000x128xf32, #tpu.memory_space<hbm>>
        tpu.enqueue_indirect_dma source(%dma_start3A_273 : memref<10000x128xf32, #tpu.memory_space<hbm>>) target(%arg11 : memref<64x128xf32, #tpu.memory_space<vmem>>) offsets(%dma_start3A_270 : memref<64xi32, #tpu.memory_space<vmem>>) semaphore(%arg16 : memref<!tpu.dma_semaphore, #tpu.memory_space<semaphore_mem>>)
      } else {
      }
      %mul3A_182 = arith.constant 4 : i32
      %mul3A_183 = arith.muli %mul3A_182, %scan3A_157 : i32
      %add3A_184 = arith.constant 1 : i32
      %add3A_185 = arith.addi %mul3A_183, %add3A_184 : i32
      %dma_wait3A_186 = arith.constant 0 : i32
      %dma_wait3A_187 = tpu.memref_slice %arg7[%add3A_185, %dma_wait3A_186] : memref<40x64xi32, #tpu.memory_space<vmem>> -> memref<1x64xi32, #tpu.memory_space<vmem>>
      %dma_wait3A_188 = tpu.memref_squeeze %dma_wait3A_187 : memref<1x64xi32, #tpu.memory_space<vmem>> -> memref<64xi32, #tpu.memory_space<vmem>>
      %dma_wait3A_189 = arith.constant 0 : i32
      %dma_wait3A_190 = arith.constant 0 : i32
      %dma_wait3A_191 = tpu.memref_slice %arg2[%dma_wait3A_189, %dma_wait3A_190] : memref<10000x128xf32, #tpu.memory_space<hbm>> -> memref<10000x128xf32, #tpu.memory_space<hbm>>
      tpu.wait_indirect_dma semaphore(%arg15 : memref<!tpu.dma_semaphore, #tpu.memory_space<semaphore_mem>>) src(%dma_wait3A_191 : memref<10000x128xf32, #tpu.memory_space<hbm>>) dst(%arg10 : memref<64x128xf32, #tpu.memory_space<vmem>>)
      %dma_start3A_192 = arith.constant 0 : i32
      %dma_start3A_193 = tpu.memref_slice %arg8[%add3A_185, %dma_start3A_192] : memref<40x64xi32, #tpu.memory_space<vmem>> -> memref<1x64xi32, #tpu.memory_space<vmem>>
      %dma_start3A_194 = tpu.memref_squeeze %dma_start3A_193 : memref<1x64xi32, #tpu.memory_space<vmem>> -> memref<64xi32, #tpu.memory_space<vmem>>
      %dma_start3A_195 = arith.constant 0 : i32
      %dma_start3A_196 = arith.constant 0 : i32
      %dma_start3A_197 = tpu.memref_slice %arg13[%dma_start3A_195, %dma_start3A_196] : memref<10240x128xf32, #tpu.memory_space<vmem_shared>> -> memref<10240x128xf32, #tpu.memory_space<vmem_shared>>
      tpu.enqueue_indirect_dma source(%arg10 : memref<64x128xf32, #tpu.memory_space<vmem>>) target(%dma_start3A_197 : memref<10240x128xf32, #tpu.memory_space<vmem_shared>>) offsets(%dma_start3A_194 : memref<64xi32, #tpu.memory_space<vmem>>) semaphore(%arg19 : memref<!tpu.dma_semaphore, #tpu.memory_space<semaphore_mem>>) {add = true}
      %ge3A_198 = arith.constant 2 : i32
      %ge3A_199 = arith.cmpi sge, %add3A_185, %ge3A_198 : i32
      %convert_element_type3A_200 = arith.extui %ge3A_199 : i1 to i32
      %cond3A_201 = arith.constant 0 : i32
      %cond3A_202 = arith.cmpi ne, %convert_element_type3A_200, %cond3A_201 : i32
      scf.if %cond3A_202 {
        %dma_wait3A_266 = arith.constant 0 : i32
        %dma_wait3A_267 = arith.constant 0 : i32
        %dma_wait3A_268 = tpu.memref_slice %arg8[%dma_wait3A_266, %dma_wait3A_267] : memref<40x64xi32, #tpu.memory_space<vmem>> -> memref<1x64xi32, #tpu.memory_space<vmem>>
        %dma_wait3A_269 = tpu.memref_squeeze %dma_wait3A_268 : memref<1x64xi32, #tpu.memory_space<vmem>> -> memref<64xi32, #tpu.memory_space<vmem>>
        %dma_wait3A_270 = arith.constant 0 : i32
        %dma_wait3A_271 = arith.constant 0 : i32
        %dma_wait3A_272 = tpu.memref_slice %arg13[%dma_wait3A_270, %dma_wait3A_271] : memref<10240x128xf32, #tpu.memory_space<vmem_shared>> -> memref<10240x128xf32, #tpu.memory_space<vmem_shared>>
        tpu.wait_indirect_dma semaphore(%arg21 : memref<!tpu.dma_semaphore, #tpu.memory_space<semaphore_mem>>) src(%arg12 : memref<64x128xf32, #tpu.memory_space<vmem>>) dst(%dma_wait3A_272 : memref<10240x128xf32, #tpu.memory_space<vmem_shared>>)
      } else {
      }
      %add3A_203 = arith.constant 2 : i32
      %add3A_204 = arith.addi %add3A_185, %add3A_203 : i32
      %lt3A_205 = arith.constant 40 : i32
      %lt3A_206 = arith.cmpi slt, %add3A_204, %lt3A_205 : i32
      %convert_element_type3A_207 = arith.extui %lt3A_206 : i1 to i32
      %cond3A_208 = arith.constant 0 : i32
      %cond3A_209 = arith.cmpi ne, %convert_element_type3A_207, %cond3A_208 : i32
      scf.if %cond3A_209 {
        %add3A_266 = arith.constant 2 : i32
        %add3A_267 = arith.addi %add3A_185, %add3A_266 : i32
        %dma_start3A_268 = arith.constant 0 : i32
        %dma_start3A_269 = tpu.memref_slice %arg7[%add3A_267, %dma_start3A_268] : memref<40x64xi32, #tpu.memory_space<vmem>> -> memref<1x64xi32, #tpu.memory_space<vmem>>
        %dma_start3A_270 = tpu.memref_squeeze %dma_start3A_269 : memref<1x64xi32, #tpu.memory_space<vmem>> -> memref<64xi32, #tpu.memory_space<vmem>>
        %dma_start3A_271 = arith.constant 0 : i32
        %dma_start3A_272 = arith.constant 0 : i32
        %dma_start3A_273 = tpu.memref_slice %arg2[%dma_start3A_271, %dma_start3A_272] : memref<10000x128xf32, #tpu.memory_space<hbm>> -> memref<10000x128xf32, #tpu.memory_space<hbm>>
        tpu.enqueue_indirect_dma source(%dma_start3A_273 : memref<10000x128xf32, #tpu.memory_space<hbm>>) target(%arg12 : memref<64x128xf32, #tpu.memory_space<vmem>>) offsets(%dma_start3A_270 : memref<64xi32, #tpu.memory_space<vmem>>) semaphore(%arg17 : memref<!tpu.dma_semaphore, #tpu.memory_space<semaphore_mem>>)
      } else {
      }
      %mul3A_210 = arith.constant 4 : i32
      %mul3A_211 = arith.muli %mul3A_210, %scan3A_157 : i32
      %add3A_212 = arith.constant 2 : i32
      %add3A_213 = arith.addi %mul3A_211, %add3A_212 : i32
      %dma_wait3A_214 = arith.constant 0 : i32
      %dma_wait3A_215 = tpu.memref_slice %arg7[%add3A_213, %dma_wait3A_214] : memref<40x64xi32, #tpu.memory_space<vmem>> -> memref<1x64xi32, #tpu.memory_space<vmem>>
      %dma_wait3A_216 = tpu.memref_squeeze %dma_wait3A_215 : memref<1x64xi32, #tpu.memory_space<vmem>> -> memref<64xi32, #tpu.memory_space<vmem>>
      %dma_wait3A_217 = arith.constant 0 : i32
      %dma_wait3A_218 = arith.constant 0 : i32
      %dma_wait3A_219 = tpu.memref_slice %arg2[%dma_wait3A_217, %dma_wait3A_218] : memref<10000x128xf32, #tpu.memory_space<hbm>> -> memref<10000x128xf32, #tpu.memory_space<hbm>>
      tpu.wait_indirect_dma semaphore(%arg16 : memref<!tpu.dma_semaphore, #tpu.memory_space<semaphore_mem>>) src(%dma_wait3A_219 : memref<10000x128xf32, #tpu.memory_space<hbm>>) dst(%arg11 : memref<64x128xf32, #tpu.memory_space<vmem>>)
      %dma_start3A_220 = arith.constant 0 : i32
      %dma_start3A_221 = tpu.memref_slice %arg8[%add3A_213, %dma_start3A_220] : memref<40x64xi32, #tpu.memory_space<vmem>> -> memref<1x64xi32, #tpu.memory_space<vmem>>
      %dma_start3A_222 = tpu.memref_squeeze %dma_start3A_221 : memref<1x64xi32, #tpu.memory_space<vmem>> -> memref<64xi32, #tpu.memory_space<vmem>>
      %dma_start3A_223 = arith.constant 0 : i32
      %dma_start3A_224 = arith.constant 0 : i32
      %dma_start3A_225 = tpu.memref_slice %arg13[%dma_start3A_223, %dma_start3A_224] : memref<10240x128xf32, #tpu.memory_space<vmem_shared>> -> memref<10240x128xf32, #tpu.memory_space<vmem_shared>>
      tpu.enqueue_indirect_dma source(%arg11 : memref<64x128xf32, #tpu.memory_space<vmem>>) target(%dma_start3A_225 : memref<10240x128xf32, #tpu.memory_space<vmem_shared>>) offsets(%dma_start3A_222 : memref<64xi32, #tpu.memory_space<vmem>>) semaphore(%arg20 : memref<!tpu.dma_semaphore, #tpu.memory_space<semaphore_mem>>) {add = true}
      %ge3A_226 = arith.constant 2 : i32
      %ge3A_227 = arith.cmpi sge, %add3A_213, %ge3A_226 : i32
      %convert_element_type3A_228 = arith.extui %ge3A_227 : i1 to i32
      %cond3A_229 = arith.constant 0 : i32
      %cond3A_230 = arith.cmpi ne, %convert_element_type3A_228, %cond3A_229 : i32
      scf.if %cond3A_230 {
        %dma_wait3A_266 = arith.constant 0 : i32
        %dma_wait3A_267 = arith.constant 0 : i32
        %dma_wait3A_268 = tpu.memref_slice %arg8[%dma_wait3A_266, %dma_wait3A_267] : memref<40x64xi32, #tpu.memory_space<vmem>> -> memref<1x64xi32, #tpu.memory_space<vmem>>
        %dma_wait3A_269 = tpu.memref_squeeze %dma_wait3A_268 : memref<1x64xi32, #tpu.memory_space<vmem>> -> memref<64xi32, #tpu.memory_space<vmem>>
        %dma_wait3A_270 = arith.constant 0 : i32
        %dma_wait3A_271 = arith.constant 0 : i32
        %dma_wait3A_272 = tpu.memref_slice %arg13[%dma_wait3A_270, %dma_wait3A_271] : memref<10240x128xf32, #tpu.memory_space<vmem_shared>> -> memref<10240x128xf32, #tpu.memory_space<vmem_shared>>
        tpu.wait_indirect_dma semaphore(%arg18 : memref<!tpu.dma_semaphore, #tpu.memory_space<semaphore_mem>>) src(%arg9 : memref<64x128xf32, #tpu.memory_space<vmem>>) dst(%dma_wait3A_272 : memref<10240x128xf32, #tpu.memory_space<vmem_shared>>)
      } else {
      }
      %add3A_231 = arith.constant 2 : i32
      %add3A_232 = arith.addi %add3A_213, %add3A_231 : i32
      %lt3A_233 = arith.constant 40 : i32
      %lt3A_234 = arith.cmpi slt, %add3A_232, %lt3A_233 : i32
      %convert_element_type3A_235 = arith.extui %lt3A_234 : i1 to i32
      %cond3A_236 = arith.constant 0 : i32
      %cond3A_237 = arith.cmpi ne, %convert_element_type3A_235, %cond3A_236 : i32
      scf.if %cond3A_237 {
        %add3A_266 = arith.constant 2 : i32
        %add3A_267 = arith.addi %add3A_213, %add3A_266 : i32
        %dma_start3A_268 = arith.constant 0 : i32
        %dma_start3A_269 = tpu.memref_slice %arg7[%add3A_267, %dma_start3A_268] : memref<40x64xi32, #tpu.memory_space<vmem>> -> memref<1x64xi32, #tpu.memory_space<vmem>>
        %dma_start3A_270 = tpu.memref_squeeze %dma_start3A_269 : memref<1x64xi32, #tpu.memory_space<vmem>> -> memref<64xi32, #tpu.memory_space<vmem>>
        %dma_start3A_271 = arith.constant 0 : i32
        %dma_start3A_272 = arith.constant 0 : i32
        %dma_start3A_273 = tpu.memref_slice %arg2[%dma_start3A_271, %dma_start3A_272] : memref<10000x128xf32, #tpu.memory_space<hbm>> -> memref<10000x128xf32, #tpu.memory_space<hbm>>
        tpu.enqueue_indirect_dma source(%dma_start3A_273 : memref<10000x128xf32, #tpu.memory_space<hbm>>) target(%arg9 : memref<64x128xf32, #tpu.memory_space<vmem>>) offsets(%dma_start3A_270 : memref<64xi32, #tpu.memory_space<vmem>>) semaphore(%arg14 : memref<!tpu.dma_semaphore, #tpu.memory_space<semaphore_mem>>)
      } else {
      }
      %mul3A_238 = arith.constant 4 : i32
      %mul3A_239 = arith.muli %mul3A_238, %scan3A_157 : i32
      %add3A_240 = arith.constant 3 : i32
      %add3A_241 = arith.addi %mul3A_239, %add3A_240 : i32
      %dma_wait3A_242 = arith.constant 0 : i32
      %dma_wait3A_243 = tpu.memref_slice %arg7[%add3A_241, %dma_wait3A_242] : memref<40x64xi32, #tpu.memory_space<vmem>> -> memref<1x64xi32, #tpu.memory_space<vmem>>
      %dma_wait3A_244 = tpu.memref_squeeze %dma_wait3A_243 : memref<1x64xi32, #tpu.memory_space<vmem>> -> memref<64xi32, #tpu.memory_space<vmem>>
      %dma_wait3A_245 = arith.constant 0 : i32
      %dma_wait3A_246 = arith.constant 0 : i32
      %dma_wait3A_247 = tpu.memref_slice %arg2[%dma_wait3A_245, %dma_wait3A_246] : memref<10000x128xf32, #tpu.memory_space<hbm>> -> memref<10000x128xf32, #tpu.memory_space<hbm>>
      tpu.wait_indirect_dma semaphore(%arg17 : memref<!tpu.dma_semaphore, #tpu.memory_space<semaphore_mem>>) src(%dma_wait3A_247 : memref<10000x128xf32, #tpu.memory_space<hbm>>) dst(%arg12 : memref<64x128xf32, #tpu.memory_space<vmem>>)
      %dma_start3A_248 = arith.constant 0 : i32
      %dma_start3A_249 = tpu.memref_slice %arg8[%add3A_241, %dma_start3A_248] : memref<40x64xi32, #tpu.memory_space<vmem>> -> memref<1x64xi32, #tpu.memory_space<vmem>>
      %dma_start3A_250 = tpu.memref_squeeze %dma_start3A_249 : memref<1x64xi32, #tpu.memory_space<vmem>> -> memref<64xi32, #tpu.memory_space<vmem>>
      %dma_start3A_251 = arith.constant 0 : i32
      %dma_start3A_252 = arith.constant 0 : i32
      %dma_start3A_253 = tpu.memref_slice %arg13[%dma_start3A_251, %dma_start3A_252] : memref<10240x128xf32, #tpu.memory_space<vmem_shared>> -> memref<10240x128xf32, #tpu.memory_space<vmem_shared>>
      tpu.enqueue_indirect_dma source(%arg12 : memref<64x128xf32, #tpu.memory_space<vmem>>) target(%dma_start3A_253 : memref<10240x128xf32, #tpu.memory_space<vmem_shared>>) offsets(%dma_start3A_250 : memref<64xi32, #tpu.memory_space<vmem>>) semaphore(%arg21 : memref<!tpu.dma_semaphore, #tpu.memory_space<semaphore_mem>>) {add = true}
      %ge3A_254 = arith.constant 2 : i32
      %ge3A_255 = arith.cmpi sge, %add3A_241, %ge3A_254 : i32
      %convert_element_type3A_256 = arith.extui %ge3A_255 : i1 to i32
      %cond3A_257 = arith.constant 0 : i32
      %cond3A_258 = arith.cmpi ne, %convert_element_type3A_256, %cond3A_257 : i32
      scf.if %cond3A_258 {
        %dma_wait3A_266 = arith.constant 0 : i32
        %dma_wait3A_267 = arith.constant 0 : i32
        %dma_wait3A_268 = tpu.memref_slice %arg8[%dma_wait3A_266, %dma_wait3A_267] : memref<40x64xi32, #tpu.memory_space<vmem>> -> memref<1x64xi32, #tpu.memory_space<vmem>>
        %dma_wait3A_269 = tpu.memref_squeeze %dma_wait3A_268 : memref<1x64xi32, #tpu.memory_space<vmem>> -> memref<64xi32, #tpu.memory_space<vmem>>
        %dma_wait3A_270 = arith.constant 0 : i32
        %dma_wait3A_271 = arith.constant 0 : i32
        %dma_wait3A_272 = tpu.memref_slice %arg13[%dma_wait3A_270, %dma_wait3A_271] : memref<10240x128xf32, #tpu.memory_space<vmem_shared>> -> memref<10240x128xf32, #tpu.memory_space<vmem_shared>>
        tpu.wait_indirect_dma semaphore(%arg19 : memref<!tpu.dma_semaphore, #tpu.memory_space<semaphore_mem>>) src(%arg10 : memref<64x128xf32, #tpu.memory_space<vmem>>) dst(%dma_wait3A_272 : memref<10240x128xf32, #tpu.memory_space<vmem_shared>>)
      } else {
      }
      %add3A_259 = arith.constant 2 : i32
      %add3A_260 = arith.addi %add3A_241, %add3A_259 : i32
      %lt3A_261 = arith.constant 40 : i32
      %lt3A_262 = arith.cmpi slt, %add3A_260, %lt3A_261 : i32
      %convert_element_type3A_263 = arith.extui %lt3A_262 : i1 to i32
      %cond3A_264 = arith.constant 0 : i32
      %cond3A_265 = arith.cmpi ne, %convert_element_type3A_263, %cond3A_264 : i32
      scf.if %cond3A_265 {
        %add3A_266 = arith.constant 2 : i32
        %add3A_267 = arith.addi %add3A_241, %add3A_266 : i32
        %dma_start3A_268 = arith.constant 0 : i32
        %dma_start3A_269 = tpu.memref_slice %arg7[%add3A_267, %dma_start3A_268] : memref<40x64xi32, #tpu.memory_space<vmem>> -> memref<1x64xi32, #tpu.memory_space<vmem>>
        %dma_start3A_270 = tpu.memref_squeeze %dma_start3A_269 : memref<1x64xi32, #tpu.memory_space<vmem>> -> memref<64xi32, #tpu.memory_space<vmem>>
        %dma_start3A_271 = arith.constant 0 : i32
        %dma_start3A_272 = arith.constant 0 : i32
        %dma_start3A_273 = tpu.memref_slice %arg2[%dma_start3A_271, %dma_start3A_272] : memref<10000x128xf32, #tpu.memory_space<hbm>> -> memref<10000x128xf32, #tpu.memory_space<hbm>>
        tpu.enqueue_indirect_dma source(%dma_start3A_273 : memref<10000x128xf32, #tpu.memory_space<hbm>>) target(%arg10 : memref<64x128xf32, #tpu.memory_space<vmem>>) offsets(%dma_start3A_270 : memref<64xi32, #tpu.memory_space<vmem>>) semaphore(%arg15 : memref<!tpu.dma_semaphore, #tpu.memory_space<semaphore_mem>>)
      } else {
      }
    }
    %scan3A_61 = arith.constant 10 : i32
    %dma_wait3A_62 = arith.constant 0 : i32
    %dma_wait3A_63 = arith.constant 0 : i32
    %dma_wait3A_64 = tpu.memref_slice %arg8[%dma_wait3A_62, %dma_wait3A_63] : memref<40x64xi32, #tpu.memory_space<vmem>> -> memref<1x64xi32, #tpu.memory_space<vmem>>
    %dma_wait3A_65 = tpu.memref_squeeze %dma_wait3A_64 : memref<1x64xi32, #tpu.memory_space<vmem>> -> memref<64xi32, #tpu.memory_space<vmem>>
    %dma_wait3A_66 = arith.constant 0 : i32
    %dma_wait3A_67 = arith.constant 0 : i32
    %dma_wait3A_68 = tpu.memref_slice %arg13[%dma_wait3A_66, %dma_wait3A_67] : memref<10240x128xf32, #tpu.memory_space<vmem_shared>> -> memref<10240x128xf32, #tpu.memory_space<vmem_shared>>
    tpu.wait_indirect_dma semaphore(%arg20 : memref<!tpu.dma_semaphore, #tpu.memory_space<semaphore_mem>>) src(%arg11 : memref<64x128xf32, #tpu.memory_space<vmem>>) dst(%dma_wait3A_68 : memref<10240x128xf32, #tpu.memory_space<vmem_shared>>)
    %dma_wait3A_69 = arith.constant 0 : i32
    %dma_wait3A_70 = arith.constant 0 : i32
    %dma_wait3A_71 = tpu.memref_slice %arg8[%dma_wait3A_69, %dma_wait3A_70] : memref<40x64xi32, #tpu.memory_space<vmem>> -> memref<1x64xi32, #tpu.memory_space<vmem>>
    %dma_wait3A_72 = tpu.memref_squeeze %dma_wait3A_71 : memref<1x64xi32, #tpu.memory_space<vmem>> -> memref<64xi32, #tpu.memory_space<vmem>>
    %dma_wait3A_73 = arith.constant 0 : i32
    %dma_wait3A_74 = arith.constant 0 : i32
    %dma_wait3A_75 = tpu.memref_slice %arg13[%dma_wait3A_73, %dma_wait3A_74] : memref<10240x128xf32, #tpu.memory_space<vmem_shared>> -> memref<10240x128xf32, #tpu.memory_space<vmem_shared>>
    tpu.wait_indirect_dma semaphore(%arg21 : memref<!tpu.dma_semaphore, #tpu.memory_space<semaphore_mem>>) src(%arg12 : memref<64x128xf32, #tpu.memory_space<vmem>>) dst(%dma_wait3A_75 : memref<10240x128xf32, #tpu.memory_space<vmem_shared>>)
    %mul3A_76 = arith.constant 160 : i32
    %mul3A_77 = arith.muli %add3A, %mul3A_76 : i32
    %add3A_78 = arith.constant 80 : i32
    %add3A_79 = arith.addi %mul3A_77, %add3A_78 : i32
    "tpu.region"() ({
      %run_scoped3A = tpu.sem_alloc : memref<!tpu.dma_semaphore, #tpu.memory_space<semaphore_mem>>
      %dma_start3A_157 = arith.constant 0 : i32
      %dma_start3A_158 = tpu.memref_slice %arg3[%add3A_79, %dma_start3A_157] : memref<5120x64xi32, #tpu.memory_space<hbm>> -> memref<40x64xi32, #tpu.memory_space<hbm>>
      %dma_start3A_159 = arith.constant 0 : i32
      %dma_start3A_160 = tpu.memref_slice %arg3[%add3A_79, %dma_start3A_159] : memref<5120x64xi32, #tpu.memory_space<hbm>> -> memref<40x64xi32, #tpu.memory_space<hbm>>
      tpu.enqueue_dma source(%dma_start3A_160 : memref<40x64xi32, #tpu.memory_space<hbm>>) target(%arg7 : memref<40x64xi32, #tpu.memory_space<vmem>>) target_semaphore(%run_scoped3A : memref<!tpu.dma_semaphore, #tpu.memory_space<semaphore_mem>>)
      %dma_wait3A_161 = arith.constant 0 : i32
      %dma_wait3A_162 = tpu.memref_slice %arg3[%add3A_79, %dma_wait3A_161] : memref<5120x64xi32, #tpu.memory_space<hbm>> -> memref<40x64xi32, #tpu.memory_space<hbm>>
      %dma_wait3A_163 = arith.constant 0 : i32
      %dma_wait3A_164 = tpu.memref_slice %arg3[%add3A_79, %dma_wait3A_163] : memref<5120x64xi32, #tpu.memory_space<hbm>> -> memref<40x64xi32, #tpu.memory_space<hbm>>
      tpu.wait_dma2 semaphore(%run_scoped3A : memref<!tpu.dma_semaphore, #tpu.memory_space<semaphore_mem>>) src(%dma_wait3A_164 : memref<40x64xi32, #tpu.memory_space<hbm>>) dst(%arg7 : memref<40x64xi32, #tpu.memory_space<vmem>>)
      tpu.yield
    }) : () -> ()
    "tpu.region"() ({
      %run_scoped3A = tpu.sem_alloc : memref<!tpu.dma_semaphore, #tpu.memory_space<semaphore_mem>>
      %dma_start3A_157 = arith.constant 0 : i32
      %dma_start3A_158 = tpu.memref_slice %arg4[%add3A_79, %dma_start3A_157] : memref<5120x64xi32, #tpu.memory_space<hbm>> -> memref<40x64xi32, #tpu.memory_space<hbm>>
      %dma_start3A_159 = arith.constant 0 : i32
      %dma_start3A_160 = tpu.memref_slice %arg4[%add3A_79, %dma_start3A_159] : memref<5120x64xi32, #tpu.memory_space<hbm>> -> memref<40x64xi32, #tpu.memory_space<hbm>>
      tpu.enqueue_dma source(%dma_start3A_160 : memref<40x64xi32, #tpu.memory_space<hbm>>) target(%arg8 : memref<40x64xi32, #tpu.memory_space<vmem>>) target_semaphore(%run_scoped3A : memref<!tpu.dma_semaphore, #tpu.memory_space<semaphore_mem>>)
      %dma_wait3A_161 = arith.constant 0 : i32
      %dma_wait3A_162 = tpu.memref_slice %arg4[%add3A_79, %dma_wait3A_161] : memref<5120x64xi32, #tpu.memory_space<hbm>> -> memref<40x64xi32, #tpu.memory_space<hbm>>
      %dma_wait3A_163 = arith.constant 0 : i32
      %dma_wait3A_164 = tpu.memref_slice %arg4[%add3A_79, %dma_wait3A_163] : memref<5120x64xi32, #tpu.memory_space<hbm>> -> memref<40x64xi32, #tpu.memory_space<hbm>>
      tpu.wait_dma2 semaphore(%run_scoped3A : memref<!tpu.dma_semaphore, #tpu.memory_space<semaphore_mem>>) src(%dma_wait3A_164 : memref<40x64xi32, #tpu.memory_space<hbm>>) dst(%arg8 : memref<40x64xi32, #tpu.memory_space<vmem>>)
      tpu.yield
    }) : () -> ()
    %dma_start3A_80 = arith.constant 0 : i32
    %dma_start3A_81 = arith.constant 0 : i32
    %dma_start3A_82 = tpu.memref_slice %arg7[%dma_start3A_80, %dma_start3A_81] : memref<40x64xi32, #tpu.memory_space<vmem>> -> memref<1x64xi32, #tpu.memory_space<vmem>>
    %dma_start3A_83 = tpu.memref_squeeze %dma_start3A_82 : memref<1x64xi32, #tpu.memory_space<vmem>> -> memref<64xi32, #tpu.memory_space<vmem>>
    %dma_start3A_84 = arith.constant 0 : i32
    %dma_start3A_85 = arith.constant 0 : i32
    %dma_start3A_86 = tpu.memref_slice %arg2[%dma_start3A_84, %dma_start3A_85] : memref<10000x128xf32, #tpu.memory_space<hbm>> -> memref<10000x128xf32, #tpu.memory_space<hbm>>
    tpu.enqueue_indirect_dma source(%dma_start3A_86 : memref<10000x128xf32, #tpu.memory_space<hbm>>) target(%arg9 : memref<64x128xf32, #tpu.memory_space<vmem>>) offsets(%dma_start3A_83 : memref<64xi32, #tpu.memory_space<vmem>>) semaphore(%arg14 : memref<!tpu.dma_semaphore, #tpu.memory_space<semaphore_mem>>)
    %dma_start3A_87 = arith.constant 1 : i32
    %dma_start3A_88 = arith.constant 0 : i32
    %dma_start3A_89 = tpu.memref_slice %arg7[%dma_start3A_87, %dma_start3A_88] : memref<40x64xi32, #tpu.memory_space<vmem>> -> memref<1x64xi32, #tpu.memory_space<vmem>>
    %dma_start3A_90 = tpu.memref_squeeze %dma_start3A_89 : memref<1x64xi32, #tpu.memory_space<vmem>> -> memref<64xi32, #tpu.memory_space<vmem>>
    %dma_start3A_91 = arith.constant 0 : i32
    %dma_start3A_92 = arith.constant 0 : i32
    %dma_start3A_93 = tpu.memref_slice %arg2[%dma_start3A_91, %dma_start3A_92] : memref<10000x128xf32, #tpu.memory_space<hbm>> -> memref<10000x128xf32, #tpu.memory_space<hbm>>
    tpu.enqueue_indirect_dma source(%dma_start3A_93 : memref<10000x128xf32, #tpu.memory_space<hbm>>) target(%arg10 : memref<64x128xf32, #tpu.memory_space<vmem>>) offsets(%dma_start3A_90 : memref<64xi32, #tpu.memory_space<vmem>>) semaphore(%arg15 : memref<!tpu.dma_semaphore, #tpu.memory_space<semaphore_mem>>)
    %scan3A_94 = arith.constant 0 : i32
    %scan3A_95 = arith.constant 0 : i32
    %scan3A_96 = arith.constant 10 : i32
    %scan3A_97 = arith.addi %scan3A_95, %scan3A_96 : i32
    %scan3A_98 = arith.constant 1 : i32
    scf.for %scan3A_157 = %scan3A_95 to %scan3A_97 step %scan3A_98  : i32 {
      %mul3A_158 = arith.constant 4 : i32
      %mul3A_159 = arith.muli %mul3A_158, %scan3A_157 : i32
      %add3A_160 = arith.constant 0 : i32
      %add3A_161 = arith.addi %mul3A_159, %add3A_160 : i32
      %dma_wait3A_162 = arith.constant 0 : i32
      %dma_wait3A_163 = tpu.memref_slice %arg7[%add3A_161, %dma_wait3A_162] : memref<40x64xi32, #tpu.memory_space<vmem>> -> memref<1x64xi32, #tpu.memory_space<vmem>>
      %dma_wait3A_164 = tpu.memref_squeeze %dma_wait3A_163 : memref<1x64xi32, #tpu.memory_space<vmem>> -> memref<64xi32, #tpu.memory_space<vmem>>
      %dma_wait3A_165 = arith.constant 0 : i32
      %dma_wait3A_166 = arith.constant 0 : i32
      %dma_wait3A_167 = tpu.memref_slice %arg2[%dma_wait3A_165, %dma_wait3A_166] : memref<10000x128xf32, #tpu.memory_space<hbm>> -> memref<10000x128xf32, #tpu.memory_space<hbm>>
      tpu.wait_indirect_dma semaphore(%arg14 : memref<!tpu.dma_semaphore, #tpu.memory_space<semaphore_mem>>) src(%dma_wait3A_167 : memref<10000x128xf32, #tpu.memory_space<hbm>>) dst(%arg9 : memref<64x128xf32, #tpu.memory_space<vmem>>)
      %dma_start3A_168 = arith.constant 0 : i32
      %dma_start3A_169 = tpu.memref_slice %arg8[%add3A_161, %dma_start3A_168] : memref<40x64xi32, #tpu.memory_space<vmem>> -> memref<1x64xi32, #tpu.memory_space<vmem>>
      %dma_start3A_170 = tpu.memref_squeeze %dma_start3A_169 : memref<1x64xi32, #tpu.memory_space<vmem>> -> memref<64xi32, #tpu.memory_space<vmem>>
      %dma_start3A_171 = arith.constant 0 : i32
      %dma_start3A_172 = arith.constant 0 : i32
      %dma_start3A_173 = tpu.memref_slice %arg13[%dma_start3A_171, %dma_start3A_172] : memref<10240x128xf32, #tpu.memory_space<vmem_shared>> -> memref<10240x128xf32, #tpu.memory_space<vmem_shared>>
      tpu.enqueue_indirect_dma source(%arg9 : memref<64x128xf32, #tpu.memory_space<vmem>>) target(%dma_start3A_173 : memref<10240x128xf32, #tpu.memory_space<vmem_shared>>) offsets(%dma_start3A_170 : memref<64xi32, #tpu.memory_space<vmem>>) semaphore(%arg18 : memref<!tpu.dma_semaphore, #tpu.memory_space<semaphore_mem>>) {add = true}
      %ge3A = arith.constant 2 : i32
      %ge3A_174 = arith.cmpi sge, %add3A_161, %ge3A : i32
      %convert_element_type3A = arith.extui %ge3A_174 : i1 to i32
      %cond3A = arith.constant 0 : i32
      %cond3A_175 = arith.cmpi ne, %convert_element_type3A, %cond3A : i32
      scf.if %cond3A_175 {
        %dma_wait3A_266 = arith.constant 0 : i32
        %dma_wait3A_267 = arith.constant 0 : i32
        %dma_wait3A_268 = tpu.memref_slice %arg8[%dma_wait3A_266, %dma_wait3A_267] : memref<40x64xi32, #tpu.memory_space<vmem>> -> memref<1x64xi32, #tpu.memory_space<vmem>>
        %dma_wait3A_269 = tpu.memref_squeeze %dma_wait3A_268 : memref<1x64xi32, #tpu.memory_space<vmem>> -> memref<64xi32, #tpu.memory_space<vmem>>
        %dma_wait3A_270 = arith.constant 0 : i32
        %dma_wait3A_271 = arith.constant 0 : i32
        %dma_wait3A_272 = tpu.memref_slice %arg13[%dma_wait3A_270, %dma_wait3A_271] : memref<10240x128xf32, #tpu.memory_space<vmem_shared>> -> memref<10240x128xf32, #tpu.memory_space<vmem_shared>>
        tpu.wait_indirect_dma semaphore(%arg20 : memref<!tpu.dma_semaphore, #tpu.memory_space<semaphore_mem>>) src(%arg11 : memref<64x128xf32, #tpu.memory_space<vmem>>) dst(%dma_wait3A_272 : memref<10240x128xf32, #tpu.memory_space<vmem_shared>>)
      } else {
      }
      %add3A_176 = arith.constant 2 : i32
      %add3A_177 = arith.addi %add3A_161, %add3A_176 : i32
      %lt3A = arith.constant 40 : i32
      %lt3A_178 = arith.cmpi slt, %add3A_177, %lt3A : i32
      %convert_element_type3A_179 = arith.extui %lt3A_178 : i1 to i32
      %cond3A_180 = arith.constant 0 : i32
      %cond3A_181 = arith.cmpi ne, %convert_element_type3A_179, %cond3A_180 : i32
      scf.if %cond3A_181 {
        %add3A_266 = arith.constant 2 : i32
        %add3A_267 = arith.addi %add3A_161, %add3A_266 : i32
        %dma_start3A_268 = arith.constant 0 : i32
        %dma_start3A_269 = tpu.memref_slice %arg7[%add3A_267, %dma_start3A_268] : memref<40x64xi32, #tpu.memory_space<vmem>> -> memref<1x64xi32, #tpu.memory_space<vmem>>
        %dma_start3A_270 = tpu.memref_squeeze %dma_start3A_269 : memref<1x64xi32, #tpu.memory_space<vmem>> -> memref<64xi32, #tpu.memory_space<vmem>>
        %dma_start3A_271 = arith.constant 0 : i32
        %dma_start3A_272 = arith.constant 0 : i32
        %dma_start3A_273 = tpu.memref_slice %arg2[%dma_start3A_271, %dma_start3A_272] : memref<10000x128xf32, #tpu.memory_space<hbm>> -> memref<10000x128xf32, #tpu.memory_space<hbm>>
        tpu.enqueue_indirect_dma source(%dma_start3A_273 : memref<10000x128xf32, #tpu.memory_space<hbm>>) target(%arg11 : memref<64x128xf32, #tpu.memory_space<vmem>>) offsets(%dma_start3A_270 : memref<64xi32, #tpu.memory_space<vmem>>) semaphore(%arg16 : memref<!tpu.dma_semaphore, #tpu.memory_space<semaphore_mem>>)
      } else {
      }
      %mul3A_182 = arith.constant 4 : i32
      %mul3A_183 = arith.muli %mul3A_182, %scan3A_157 : i32
      %add3A_184 = arith.constant 1 : i32
      %add3A_185 = arith.addi %mul3A_183, %add3A_184 : i32
      %dma_wait3A_186 = arith.constant 0 : i32
      %dma_wait3A_187 = tpu.memref_slice %arg7[%add3A_185, %dma_wait3A_186] : memref<40x64xi32, #tpu.memory_space<vmem>> -> memref<1x64xi32, #tpu.memory_space<vmem>>
      %dma_wait3A_188 = tpu.memref_squeeze %dma_wait3A_187 : memref<1x64xi32, #tpu.memory_space<vmem>> -> memref<64xi32, #tpu.memory_space<vmem>>
      %dma_wait3A_189 = arith.constant 0 : i32
      %dma_wait3A_190 = arith.constant 0 : i32
      %dma_wait3A_191 = tpu.memref_slice %arg2[%dma_wait3A_189, %dma_wait3A_190] : memref<10000x128xf32, #tpu.memory_space<hbm>> -> memref<10000x128xf32, #tpu.memory_space<hbm>>
      tpu.wait_indirect_dma semaphore(%arg15 : memref<!tpu.dma_semaphore, #tpu.memory_space<semaphore_mem>>) src(%dma_wait3A_191 : memref<10000x128xf32, #tpu.memory_space<hbm>>) dst(%arg10 : memref<64x128xf32, #tpu.memory_space<vmem>>)
      %dma_start3A_192 = arith.constant 0 : i32
      %dma_start3A_193 = tpu.memref_slice %arg8[%add3A_185, %dma_start3A_192] : memref<40x64xi32, #tpu.memory_space<vmem>> -> memref<1x64xi32, #tpu.memory_space<vmem>>
      %dma_start3A_194 = tpu.memref_squeeze %dma_start3A_193 : memref<1x64xi32, #tpu.memory_space<vmem>> -> memref<64xi32, #tpu.memory_space<vmem>>
      %dma_start3A_195 = arith.constant 0 : i32
      %dma_start3A_196 = arith.constant 0 : i32
      %dma_start3A_197 = tpu.memref_slice %arg13[%dma_start3A_195, %dma_start3A_196] : memref<10240x128xf32, #tpu.memory_space<vmem_shared>> -> memref<10240x128xf32, #tpu.memory_space<vmem_shared>>
      tpu.enqueue_indirect_dma source(%arg10 : memref<64x128xf32, #tpu.memory_space<vmem>>) target(%dma_start3A_197 : memref<10240x128xf32, #tpu.memory_space<vmem_shared>>) offsets(%dma_start3A_194 : memref<64xi32, #tpu.memory_space<vmem>>) semaphore(%arg19 : memref<!tpu.dma_semaphore, #tpu.memory_space<semaphore_mem>>) {add = true}
      %ge3A_198 = arith.constant 2 : i32
      %ge3A_199 = arith.cmpi sge, %add3A_185, %ge3A_198 : i32
      %convert_element_type3A_200 = arith.extui %ge3A_199 : i1 to i32
      %cond3A_201 = arith.constant 0 : i32
      %cond3A_202 = arith.cmpi ne, %convert_element_type3A_200, %cond3A_201 : i32
      scf.if %cond3A_202 {
        %dma_wait3A_266 = arith.constant 0 : i32
        %dma_wait3A_267 = arith.constant 0 : i32
        %dma_wait3A_268 = tpu.memref_slice %arg8[%dma_wait3A_266, %dma_wait3A_267] : memref<40x64xi32, #tpu.memory_space<vmem>> -> memref<1x64xi32, #tpu.memory_space<vmem>>
        %dma_wait3A_269 = tpu.memref_squeeze %dma_wait3A_268 : memref<1x64xi32, #tpu.memory_space<vmem>> -> memref<64xi32, #tpu.memory_space<vmem>>
        %dma_wait3A_270 = arith.constant 0 : i32
        %dma_wait3A_271 = arith.constant 0 : i32
        %dma_wait3A_272 = tpu.memref_slice %arg13[%dma_wait3A_270, %dma_wait3A_271] : memref<10240x128xf32, #tpu.memory_space<vmem_shared>> -> memref<10240x128xf32, #tpu.memory_space<vmem_shared>>
        tpu.wait_indirect_dma semaphore(%arg21 : memref<!tpu.dma_semaphore, #tpu.memory_space<semaphore_mem>>) src(%arg12 : memref<64x128xf32, #tpu.memory_space<vmem>>) dst(%dma_wait3A_272 : memref<10240x128xf32, #tpu.memory_space<vmem_shared>>)
      } else {
      }
      %add3A_203 = arith.constant 2 : i32
      %add3A_204 = arith.addi %add3A_185, %add3A_203 : i32
      %lt3A_205 = arith.constant 40 : i32
      %lt3A_206 = arith.cmpi slt, %add3A_204, %lt3A_205 : i32
      %convert_element_type3A_207 = arith.extui %lt3A_206 : i1 to i32
      %cond3A_208 = arith.constant 0 : i32
      %cond3A_209 = arith.cmpi ne, %convert_element_type3A_207, %cond3A_208 : i32
      scf.if %cond3A_209 {
        %add3A_266 = arith.constant 2 : i32
        %add3A_267 = arith.addi %add3A_185, %add3A_266 : i32
        %dma_start3A_268 = arith.constant 0 : i32
        %dma_start3A_269 = tpu.memref_slice %arg7[%add3A_267, %dma_start3A_268] : memref<40x64xi32, #tpu.memory_space<vmem>> -> memref<1x64xi32, #tpu.memory_space<vmem>>
        %dma_start3A_270 = tpu.memref_squeeze %dma_start3A_269 : memref<1x64xi32, #tpu.memory_space<vmem>> -> memref<64xi32, #tpu.memory_space<vmem>>
        %dma_start3A_271 = arith.constant 0 : i32
        %dma_start3A_272 = arith.constant 0 : i32
        %dma_start3A_273 = tpu.memref_slice %arg2[%dma_start3A_271, %dma_start3A_272] : memref<10000x128xf32, #tpu.memory_space<hbm>> -> memref<10000x128xf32, #tpu.memory_space<hbm>>
        tpu.enqueue_indirect_dma source(%dma_start3A_273 : memref<10000x128xf32, #tpu.memory_space<hbm>>) target(%arg12 : memref<64x128xf32, #tpu.memory_space<vmem>>) offsets(%dma_start3A_270 : memref<64xi32, #tpu.memory_space<vmem>>) semaphore(%arg17 : memref<!tpu.dma_semaphore, #tpu.memory_space<semaphore_mem>>)
      } else {
      }
      %mul3A_210 = arith.constant 4 : i32
      %mul3A_211 = arith.muli %mul3A_210, %scan3A_157 : i32
      %add3A_212 = arith.constant 2 : i32
      %add3A_213 = arith.addi %mul3A_211, %add3A_212 : i32
      %dma_wait3A_214 = arith.constant 0 : i32
      %dma_wait3A_215 = tpu.memref_slice %arg7[%add3A_213, %dma_wait3A_214] : memref<40x64xi32, #tpu.memory_space<vmem>> -> memref<1x64xi32, #tpu.memory_space<vmem>>
      %dma_wait3A_216 = tpu.memref_squeeze %dma_wait3A_215 : memref<1x64xi32, #tpu.memory_space<vmem>> -> memref<64xi32, #tpu.memory_space<vmem>>
      %dma_wait3A_217 = arith.constant 0 : i32
      %dma_wait3A_218 = arith.constant 0 : i32
      %dma_wait3A_219 = tpu.memref_slice %arg2[%dma_wait3A_217, %dma_wait3A_218] : memref<10000x128xf32, #tpu.memory_space<hbm>> -> memref<10000x128xf32, #tpu.memory_space<hbm>>
      tpu.wait_indirect_dma semaphore(%arg16 : memref<!tpu.dma_semaphore, #tpu.memory_space<semaphore_mem>>) src(%dma_wait3A_219 : memref<10000x128xf32, #tpu.memory_space<hbm>>) dst(%arg11 : memref<64x128xf32, #tpu.memory_space<vmem>>)
      %dma_start3A_220 = arith.constant 0 : i32
      %dma_start3A_221 = tpu.memref_slice %arg8[%add3A_213, %dma_start3A_220] : memref<40x64xi32, #tpu.memory_space<vmem>> -> memref<1x64xi32, #tpu.memory_space<vmem>>
      %dma_start3A_222 = tpu.memref_squeeze %dma_start3A_221 : memref<1x64xi32, #tpu.memory_space<vmem>> -> memref<64xi32, #tpu.memory_space<vmem>>
      %dma_start3A_223 = arith.constant 0 : i32
      %dma_start3A_224 = arith.constant 0 : i32
      %dma_start3A_225 = tpu.memref_slice %arg13[%dma_start3A_223, %dma_start3A_224] : memref<10240x128xf32, #tpu.memory_space<vmem_shared>> -> memref<10240x128xf32, #tpu.memory_space<vmem_shared>>
      tpu.enqueue_indirect_dma source(%arg11 : memref<64x128xf32, #tpu.memory_space<vmem>>) target(%dma_start3A_225 : memref<10240x128xf32, #tpu.memory_space<vmem_shared>>) offsets(%dma_start3A_222 : memref<64xi32, #tpu.memory_space<vmem>>) semaphore(%arg20 : memref<!tpu.dma_semaphore, #tpu.memory_space<semaphore_mem>>) {add = true}
      %ge3A_226 = arith.constant 2 : i32
      %ge3A_227 = arith.cmpi sge, %add3A_213, %ge3A_226 : i32
      %convert_element_type3A_228 = arith.extui %ge3A_227 : i1 to i32
      %cond3A_229 = arith.constant 0 : i32
      %cond3A_230 = arith.cmpi ne, %convert_element_type3A_228, %cond3A_229 : i32
      scf.if %cond3A_230 {
        %dma_wait3A_266 = arith.constant 0 : i32
        %dma_wait3A_267 = arith.constant 0 : i32
        %dma_wait3A_268 = tpu.memref_slice %arg8[%dma_wait3A_266, %dma_wait3A_267] : memref<40x64xi32, #tpu.memory_space<vmem>> -> memref<1x64xi32, #tpu.memory_space<vmem>>
        %dma_wait3A_269 = tpu.memref_squeeze %dma_wait3A_268 : memref<1x64xi32, #tpu.memory_space<vmem>> -> memref<64xi32, #tpu.memory_space<vmem>>
        %dma_wait3A_270 = arith.constant 0 : i32
        %dma_wait3A_271 = arith.constant 0 : i32
        %dma_wait3A_272 = tpu.memref_slice %arg13[%dma_wait3A_270, %dma_wait3A_271] : memref<10240x128xf32, #tpu.memory_space<vmem_shared>> -> memref<10240x128xf32, #tpu.memory_space<vmem_shared>>
        tpu.wait_indirect_dma semaphore(%arg18 : memref<!tpu.dma_semaphore, #tpu.memory_space<semaphore_mem>>) src(%arg9 : memref<64x128xf32, #tpu.memory_space<vmem>>) dst(%dma_wait3A_272 : memref<10240x128xf32, #tpu.memory_space<vmem_shared>>)
      } else {
      }
      %add3A_231 = arith.constant 2 : i32
      %add3A_232 = arith.addi %add3A_213, %add3A_231 : i32
      %lt3A_233 = arith.constant 40 : i32
      %lt3A_234 = arith.cmpi slt, %add3A_232, %lt3A_233 : i32
      %convert_element_type3A_235 = arith.extui %lt3A_234 : i1 to i32
      %cond3A_236 = arith.constant 0 : i32
      %cond3A_237 = arith.cmpi ne, %convert_element_type3A_235, %cond3A_236 : i32
      scf.if %cond3A_237 {
        %add3A_266 = arith.constant 2 : i32
        %add3A_267 = arith.addi %add3A_213, %add3A_266 : i32
        %dma_start3A_268 = arith.constant 0 : i32
        %dma_start3A_269 = tpu.memref_slice %arg7[%add3A_267, %dma_start3A_268] : memref<40x64xi32, #tpu.memory_space<vmem>> -> memref<1x64xi32, #tpu.memory_space<vmem>>
        %dma_start3A_270 = tpu.memref_squeeze %dma_start3A_269 : memref<1x64xi32, #tpu.memory_space<vmem>> -> memref<64xi32, #tpu.memory_space<vmem>>
        %dma_start3A_271 = arith.constant 0 : i32
        %dma_start3A_272 = arith.constant 0 : i32
        %dma_start3A_273 = tpu.memref_slice %arg2[%dma_start3A_271, %dma_start3A_272] : memref<10000x128xf32, #tpu.memory_space<hbm>> -> memref<10000x128xf32, #tpu.memory_space<hbm>>
        tpu.enqueue_indirect_dma source(%dma_start3A_273 : memref<10000x128xf32, #tpu.memory_space<hbm>>) target(%arg9 : memref<64x128xf32, #tpu.memory_space<vmem>>) offsets(%dma_start3A_270 : memref<64xi32, #tpu.memory_space<vmem>>) semaphore(%arg14 : memref<!tpu.dma_semaphore, #tpu.memory_space<semaphore_mem>>)
      } else {
      }
      %mul3A_238 = arith.constant 4 : i32
      %mul3A_239 = arith.muli %mul3A_238, %scan3A_157 : i32
      %add3A_240 = arith.constant 3 : i32
      %add3A_241 = arith.addi %mul3A_239, %add3A_240 : i32
      %dma_wait3A_242 = arith.constant 0 : i32
      %dma_wait3A_243 = tpu.memref_slice %arg7[%add3A_241, %dma_wait3A_242] : memref<40x64xi32, #tpu.memory_space<vmem>> -> memref<1x64xi32, #tpu.memory_space<vmem>>
      %dma_wait3A_244 = tpu.memref_squeeze %dma_wait3A_243 : memref<1x64xi32, #tpu.memory_space<vmem>> -> memref<64xi32, #tpu.memory_space<vmem>>
      %dma_wait3A_245 = arith.constant 0 : i32
      %dma_wait3A_246 = arith.constant 0 : i32
      %dma_wait3A_247 = tpu.memref_slice %arg2[%dma_wait3A_245, %dma_wait3A_246] : memref<10000x128xf32, #tpu.memory_space<hbm>> -> memref<10000x128xf32, #tpu.memory_space<hbm>>
      tpu.wait_indirect_dma semaphore(%arg17 : memref<!tpu.dma_semaphore, #tpu.memory_space<semaphore_mem>>) src(%dma_wait3A_247 : memref<10000x128xf32, #tpu.memory_space<hbm>>) dst(%arg12 : memref<64x128xf32, #tpu.memory_space<vmem>>)
      %dma_start3A_248 = arith.constant 0 : i32
      %dma_start3A_249 = tpu.memref_slice %arg8[%add3A_241, %dma_start3A_248] : memref<40x64xi32, #tpu.memory_space<vmem>> -> memref<1x64xi32, #tpu.memory_space<vmem>>
      %dma_start3A_250 = tpu.memref_squeeze %dma_start3A_249 : memref<1x64xi32, #tpu.memory_space<vmem>> -> memref<64xi32, #tpu.memory_space<vmem>>
      %dma_start3A_251 = arith.constant 0 : i32
      %dma_start3A_252 = arith.constant 0 : i32
      %dma_start3A_253 = tpu.memref_slice %arg13[%dma_start3A_251, %dma_start3A_252] : memref<10240x128xf32, #tpu.memory_space<vmem_shared>> -> memref<10240x128xf32, #tpu.memory_space<vmem_shared>>
      tpu.enqueue_indirect_dma source(%arg12 : memref<64x128xf32, #tpu.memory_space<vmem>>) target(%dma_start3A_253 : memref<10240x128xf32, #tpu.memory_space<vmem_shared>>) offsets(%dma_start3A_250 : memref<64xi32, #tpu.memory_space<vmem>>) semaphore(%arg21 : memref<!tpu.dma_semaphore, #tpu.memory_space<semaphore_mem>>) {add = true}
      %ge3A_254 = arith.constant 2 : i32
      %ge3A_255 = arith.cmpi sge, %add3A_241, %ge3A_254 : i32
      %convert_element_type3A_256 = arith.extui %ge3A_255 : i1 to i32
      %cond3A_257 = arith.constant 0 : i32
      %cond3A_258 = arith.cmpi ne, %convert_element_type3A_256, %cond3A_257 : i32
      scf.if %cond3A_258 {
        %dma_wait3A_266 = arith.constant 0 : i32
        %dma_wait3A_267 = arith.constant 0 : i32
        %dma_wait3A_268 = tpu.memref_slice %arg8[%dma_wait3A_266, %dma_wait3A_267] : memref<40x64xi32, #tpu.memory_space<vmem>> -> memref<1x64xi32, #tpu.memory_space<vmem>>
        %dma_wait3A_269 = tpu.memref_squeeze %dma_wait3A_268 : memref<1x64xi32, #tpu.memory_space<vmem>> -> memref<64xi32, #tpu.memory_space<vmem>>
        %dma_wait3A_270 = arith.constant 0 : i32
        %dma_wait3A_271 = arith.constant 0 : i32
        %dma_wait3A_272 = tpu.memref_slice %arg13[%dma_wait3A_270, %dma_wait3A_271] : memref<10240x128xf32, #tpu.memory_space<vmem_shared>> -> memref<10240x128xf32, #tpu.memory_space<vmem_shared>>
        tpu.wait_indirect_dma semaphore(%arg19 : memref<!tpu.dma_semaphore, #tpu.memory_space<semaphore_mem>>) src(%arg10 : memref<64x128xf32, #tpu.memory_space<vmem>>) dst(%dma_wait3A_272 : memref<10240x128xf32, #tpu.memory_space<vmem_shared>>)
      } else {
      }
      %add3A_259 = arith.constant 2 : i32
      %add3A_260 = arith.addi %add3A_241, %add3A_259 : i32
      %lt3A_261 = arith.constant 40 : i32
      %lt3A_262 = arith.cmpi slt, %add3A_260, %lt3A_261 : i32
      %convert_element_type3A_263 = arith.extui %lt3A_262 : i1 to i32
      %cond3A_264 = arith.constant 0 : i32
      %cond3A_265 = arith.cmpi ne, %convert_element_type3A_263, %cond3A_264 : i32
      scf.if %cond3A_265 {
        %add3A_266 = arith.constant 2 : i32
        %add3A_267 = arith.addi %add3A_241, %add3A_266 : i32
        %dma_start3A_268 = arith.constant 0 : i32
        %dma_start3A_269 = tpu.memref_slice %arg7[%add3A_267, %dma_start3A_268] : memref<40x64xi32, #tpu.memory_space<vmem>> -> memref<1x64xi32, #tpu.memory_space<vmem>>
        %dma_start3A_270 = tpu.memref_squeeze %dma_start3A_269 : memref<1x64xi32, #tpu.memory_space<vmem>> -> memref<64xi32, #tpu.memory_space<vmem>>
        %dma_start3A_271 = arith.constant 0 : i32
        %dma_start3A_272 = arith.constant 0 : i32
        %dma_start3A_273 = tpu.memref_slice %arg2[%dma_start3A_271, %dma_start3A_272] : memref<10000x128xf32, #tpu.memory_space<hbm>> -> memref<10000x128xf32, #tpu.memory_space<hbm>>
        tpu.enqueue_indirect_dma source(%dma_start3A_273 : memref<10000x128xf32, #tpu.memory_space<hbm>>) target(%arg10 : memref<64x128xf32, #tpu.memory_space<vmem>>) offsets(%dma_start3A_270 : memref<64xi32, #tpu.memory_space<vmem>>) semaphore(%arg15 : memref<!tpu.dma_semaphore, #tpu.memory_space<semaphore_mem>>)
      } else {
      }
    }
    %scan3A_99 = arith.constant 10 : i32
    %dma_wait3A_100 = arith.constant 0 : i32
    %dma_wait3A_101 = arith.constant 0 : i32
    %dma_wait3A_102 = tpu.memref_slice %arg8[%dma_wait3A_100, %dma_wait3A_101] : memref<40x64xi32, #tpu.memory_space<vmem>> -> memref<1x64xi32, #tpu.memory_space<vmem>>
    %dma_wait3A_103 = tpu.memref_squeeze %dma_wait3A_102 : memref<1x64xi32, #tpu.memory_space<vmem>> -> memref<64xi32, #tpu.memory_space<vmem>>
    %dma_wait3A_104 = arith.constant 0 : i32
    %dma_wait3A_105 = arith.constant 0 : i32
    %dma_wait3A_106 = tpu.memref_slice %arg13[%dma_wait3A_104, %dma_wait3A_105] : memref<10240x128xf32, #tpu.memory_space<vmem_shared>> -> memref<10240x128xf32, #tpu.memory_space<vmem_shared>>
    tpu.wait_indirect_dma semaphore(%arg20 : memref<!tpu.dma_semaphore, #tpu.memory_space<semaphore_mem>>) src(%arg11 : memref<64x128xf32, #tpu.memory_space<vmem>>) dst(%dma_wait3A_106 : memref<10240x128xf32, #tpu.memory_space<vmem_shared>>)
    %dma_wait3A_107 = arith.constant 0 : i32
    %dma_wait3A_108 = arith.constant 0 : i32
    %dma_wait3A_109 = tpu.memref_slice %arg8[%dma_wait3A_107, %dma_wait3A_108] : memref<40x64xi32, #tpu.memory_space<vmem>> -> memref<1x64xi32, #tpu.memory_space<vmem>>
    %dma_wait3A_110 = tpu.memref_squeeze %dma_wait3A_109 : memref<1x64xi32, #tpu.memory_space<vmem>> -> memref<64xi32, #tpu.memory_space<vmem>>
    %dma_wait3A_111 = arith.constant 0 : i32
    %dma_wait3A_112 = arith.constant 0 : i32
    %dma_wait3A_113 = tpu.memref_slice %arg13[%dma_wait3A_111, %dma_wait3A_112] : memref<10240x128xf32, #tpu.memory_space<vmem_shared>> -> memref<10240x128xf32, #tpu.memory_space<vmem_shared>>
    tpu.wait_indirect_dma semaphore(%arg21 : memref<!tpu.dma_semaphore, #tpu.memory_space<semaphore_mem>>) src(%arg12 : memref<64x128xf32, #tpu.memory_space<vmem>>) dst(%dma_wait3A_113 : memref<10240x128xf32, #tpu.memory_space<vmem_shared>>)
    %mul3A_114 = arith.constant 160 : i32
    %mul3A_115 = arith.muli %add3A, %mul3A_114 : i32
    %add3A_116 = arith.constant 120 : i32
    %add3A_117 = arith.addi %mul3A_115, %add3A_116 : i32
    "tpu.region"() ({
      %run_scoped3A = tpu.sem_alloc : memref<!tpu.dma_semaphore, #tpu.memory_space<semaphore_mem>>
      %dma_start3A_157 = arith.constant 0 : i32
      %dma_start3A_158 = tpu.memref_slice %arg3[%add3A_117, %dma_start3A_157] : memref<5120x64xi32, #tpu.memory_space<hbm>> -> memref<40x64xi32, #tpu.memory_space<hbm>>
      %dma_start3A_159 = arith.constant 0 : i32
      %dma_start3A_160 = tpu.memref_slice %arg3[%add3A_117, %dma_start3A_159] : memref<5120x64xi32, #tpu.memory_space<hbm>> -> memref<40x64xi32, #tpu.memory_space<hbm>>
      tpu.enqueue_dma source(%dma_start3A_160 : memref<40x64xi32, #tpu.memory_space<hbm>>) target(%arg7 : memref<40x64xi32, #tpu.memory_space<vmem>>) target_semaphore(%run_scoped3A : memref<!tpu.dma_semaphore, #tpu.memory_space<semaphore_mem>>)
      %dma_wait3A_161 = arith.constant 0 : i32
      %dma_wait3A_162 = tpu.memref_slice %arg3[%add3A_117, %dma_wait3A_161] : memref<5120x64xi32, #tpu.memory_space<hbm>> -> memref<40x64xi32, #tpu.memory_space<hbm>>
      %dma_wait3A_163 = arith.constant 0 : i32
      %dma_wait3A_164 = tpu.memref_slice %arg3[%add3A_117, %dma_wait3A_163] : memref<5120x64xi32, #tpu.memory_space<hbm>> -> memref<40x64xi32, #tpu.memory_space<hbm>>
      tpu.wait_dma2 semaphore(%run_scoped3A : memref<!tpu.dma_semaphore, #tpu.memory_space<semaphore_mem>>) src(%dma_wait3A_164 : memref<40x64xi32, #tpu.memory_space<hbm>>) dst(%arg7 : memref<40x64xi32, #tpu.memory_space<vmem>>)
      tpu.yield
    }) : () -> ()
    "tpu.region"() ({
      %run_scoped3A = tpu.sem_alloc : memref<!tpu.dma_semaphore, #tpu.memory_space<semaphore_mem>>
      %dma_start3A_157 = arith.constant 0 : i32
      %dma_start3A_158 = tpu.memref_slice %arg4[%add3A_117, %dma_start3A_157] : memref<5120x64xi32, #tpu.memory_space<hbm>> -> memref<40x64xi32, #tpu.memory_space<hbm>>
      %dma_start3A_159 = arith.constant 0 : i32
      %dma_start3A_160 = tpu.memref_slice %arg4[%add3A_117, %dma_start3A_159] : memref<5120x64xi32, #tpu.memory_space<hbm>> -> memref<40x64xi32, #tpu.memory_space<hbm>>
      tpu.enqueue_dma source(%dma_start3A_160 : memref<40x64xi32, #tpu.memory_space<hbm>>) target(%arg8 : memref<40x64xi32, #tpu.memory_space<vmem>>) target_semaphore(%run_scoped3A : memref<!tpu.dma_semaphore, #tpu.memory_space<semaphore_mem>>)
      %dma_wait3A_161 = arith.constant 0 : i32
      %dma_wait3A_162 = tpu.memref_slice %arg4[%add3A_117, %dma_wait3A_161] : memref<5120x64xi32, #tpu.memory_space<hbm>> -> memref<40x64xi32, #tpu.memory_space<hbm>>
      %dma_wait3A_163 = arith.constant 0 : i32
      %dma_wait3A_164 = tpu.memref_slice %arg4[%add3A_117, %dma_wait3A_163] : memref<5120x64xi32, #tpu.memory_space<hbm>> -> memref<40x64xi32, #tpu.memory_space<hbm>>
      tpu.wait_dma2 semaphore(%run_scoped3A : memref<!tpu.dma_semaphore, #tpu.memory_space<semaphore_mem>>) src(%dma_wait3A_164 : memref<40x64xi32, #tpu.memory_space<hbm>>) dst(%arg8 : memref<40x64xi32, #tpu.memory_space<vmem>>)
      tpu.yield
    }) : () -> ()
    %dma_start3A_118 = arith.constant 0 : i32
    %dma_start3A_119 = arith.constant 0 : i32
    %dma_start3A_120 = tpu.memref_slice %arg7[%dma_start3A_118, %dma_start3A_119] : memref<40x64xi32, #tpu.memory_space<vmem>> -> memref<1x64xi32, #tpu.memory_space<vmem>>
    %dma_start3A_121 = tpu.memref_squeeze %dma_start3A_120 : memref<1x64xi32, #tpu.memory_space<vmem>> -> memref<64xi32, #tpu.memory_space<vmem>>
    %dma_start3A_122 = arith.constant 0 : i32
    %dma_start3A_123 = arith.constant 0 : i32
    %dma_start3A_124 = tpu.memref_slice %arg2[%dma_start3A_122, %dma_start3A_123] : memref<10000x128xf32, #tpu.memory_space<hbm>> -> memref<10000x128xf32, #tpu.memory_space<hbm>>
    tpu.enqueue_indirect_dma source(%dma_start3A_124 : memref<10000x128xf32, #tpu.memory_space<hbm>>) target(%arg9 : memref<64x128xf32, #tpu.memory_space<vmem>>) offsets(%dma_start3A_121 : memref<64xi32, #tpu.memory_space<vmem>>) semaphore(%arg14 : memref<!tpu.dma_semaphore, #tpu.memory_space<semaphore_mem>>)
    %dma_start3A_125 = arith.constant 1 : i32
    %dma_start3A_126 = arith.constant 0 : i32
    %dma_start3A_127 = tpu.memref_slice %arg7[%dma_start3A_125, %dma_start3A_126] : memref<40x64xi32, #tpu.memory_space<vmem>> -> memref<1x64xi32, #tpu.memory_space<vmem>>
    %dma_start3A_128 = tpu.memref_squeeze %dma_start3A_127 : memref<1x64xi32, #tpu.memory_space<vmem>> -> memref<64xi32, #tpu.memory_space<vmem>>
    %dma_start3A_129 = arith.constant 0 : i32
    %dma_start3A_130 = arith.constant 0 : i32
    %dma_start3A_131 = tpu.memref_slice %arg2[%dma_start3A_129, %dma_start3A_130] : memref<10000x128xf32, #tpu.memory_space<hbm>> -> memref<10000x128xf32, #tpu.memory_space<hbm>>
    tpu.enqueue_indirect_dma source(%dma_start3A_131 : memref<10000x128xf32, #tpu.memory_space<hbm>>) target(%arg10 : memref<64x128xf32, #tpu.memory_space<vmem>>) offsets(%dma_start3A_128 : memref<64xi32, #tpu.memory_space<vmem>>) semaphore(%arg15 : memref<!tpu.dma_semaphore, #tpu.memory_space<semaphore_mem>>)
    %scan3A_132 = arith.constant 0 : i32
    %scan3A_133 = arith.constant 0 : i32
    %scan3A_134 = arith.constant 10 : i32
    %scan3A_135 = arith.addi %scan3A_133, %scan3A_134 : i32
    %scan3A_136 = arith.constant 1 : i32
    scf.for %scan3A_157 = %scan3A_133 to %scan3A_135 step %scan3A_136  : i32 {
      %mul3A_158 = arith.constant 4 : i32
      %mul3A_159 = arith.muli %mul3A_158, %scan3A_157 : i32
      %add3A_160 = arith.constant 0 : i32
      %add3A_161 = arith.addi %mul3A_159, %add3A_160 : i32
      %dma_wait3A_162 = arith.constant 0 : i32
      %dma_wait3A_163 = tpu.memref_slice %arg7[%add3A_161, %dma_wait3A_162] : memref<40x64xi32, #tpu.memory_space<vmem>> -> memref<1x64xi32, #tpu.memory_space<vmem>>
      %dma_wait3A_164 = tpu.memref_squeeze %dma_wait3A_163 : memref<1x64xi32, #tpu.memory_space<vmem>> -> memref<64xi32, #tpu.memory_space<vmem>>
      %dma_wait3A_165 = arith.constant 0 : i32
      %dma_wait3A_166 = arith.constant 0 : i32
      %dma_wait3A_167 = tpu.memref_slice %arg2[%dma_wait3A_165, %dma_wait3A_166] : memref<10000x128xf32, #tpu.memory_space<hbm>> -> memref<10000x128xf32, #tpu.memory_space<hbm>>
      tpu.wait_indirect_dma semaphore(%arg14 : memref<!tpu.dma_semaphore, #tpu.memory_space<semaphore_mem>>) src(%dma_wait3A_167 : memref<10000x128xf32, #tpu.memory_space<hbm>>) dst(%arg9 : memref<64x128xf32, #tpu.memory_space<vmem>>)
      %dma_start3A_168 = arith.constant 0 : i32
      %dma_start3A_169 = tpu.memref_slice %arg8[%add3A_161, %dma_start3A_168] : memref<40x64xi32, #tpu.memory_space<vmem>> -> memref<1x64xi32, #tpu.memory_space<vmem>>
      %dma_start3A_170 = tpu.memref_squeeze %dma_start3A_169 : memref<1x64xi32, #tpu.memory_space<vmem>> -> memref<64xi32, #tpu.memory_space<vmem>>
      %dma_start3A_171 = arith.constant 0 : i32
      %dma_start3A_172 = arith.constant 0 : i32
      %dma_start3A_173 = tpu.memref_slice %arg13[%dma_start3A_171, %dma_start3A_172] : memref<10240x128xf32, #tpu.memory_space<vmem_shared>> -> memref<10240x128xf32, #tpu.memory_space<vmem_shared>>
      tpu.enqueue_indirect_dma source(%arg9 : memref<64x128xf32, #tpu.memory_space<vmem>>) target(%dma_start3A_173 : memref<10240x128xf32, #tpu.memory_space<vmem_shared>>) offsets(%dma_start3A_170 : memref<64xi32, #tpu.memory_space<vmem>>) semaphore(%arg18 : memref<!tpu.dma_semaphore, #tpu.memory_space<semaphore_mem>>) {add = true}
      %ge3A = arith.constant 2 : i32
      %ge3A_174 = arith.cmpi sge, %add3A_161, %ge3A : i32
      %convert_element_type3A = arith.extui %ge3A_174 : i1 to i32
      %cond3A = arith.constant 0 : i32
      %cond3A_175 = arith.cmpi ne, %convert_element_type3A, %cond3A : i32
      scf.if %cond3A_175 {
        %dma_wait3A_266 = arith.constant 0 : i32
        %dma_wait3A_267 = arith.constant 0 : i32
        %dma_wait3A_268 = tpu.memref_slice %arg8[%dma_wait3A_266, %dma_wait3A_267] : memref<40x64xi32, #tpu.memory_space<vmem>> -> memref<1x64xi32, #tpu.memory_space<vmem>>
        %dma_wait3A_269 = tpu.memref_squeeze %dma_wait3A_268 : memref<1x64xi32, #tpu.memory_space<vmem>> -> memref<64xi32, #tpu.memory_space<vmem>>
        %dma_wait3A_270 = arith.constant 0 : i32
        %dma_wait3A_271 = arith.constant 0 : i32
        %dma_wait3A_272 = tpu.memref_slice %arg13[%dma_wait3A_270, %dma_wait3A_271] : memref<10240x128xf32, #tpu.memory_space<vmem_shared>> -> memref<10240x128xf32, #tpu.memory_space<vmem_shared>>
        tpu.wait_indirect_dma semaphore(%arg20 : memref<!tpu.dma_semaphore, #tpu.memory_space<semaphore_mem>>) src(%arg11 : memref<64x128xf32, #tpu.memory_space<vmem>>) dst(%dma_wait3A_272 : memref<10240x128xf32, #tpu.memory_space<vmem_shared>>)
      } else {
      }
      %add3A_176 = arith.constant 2 : i32
      %add3A_177 = arith.addi %add3A_161, %add3A_176 : i32
      %lt3A = arith.constant 40 : i32
      %lt3A_178 = arith.cmpi slt, %add3A_177, %lt3A : i32
      %convert_element_type3A_179 = arith.extui %lt3A_178 : i1 to i32
      %cond3A_180 = arith.constant 0 : i32
      %cond3A_181 = arith.cmpi ne, %convert_element_type3A_179, %cond3A_180 : i32
      scf.if %cond3A_181 {
        %add3A_266 = arith.constant 2 : i32
        %add3A_267 = arith.addi %add3A_161, %add3A_266 : i32
        %dma_start3A_268 = arith.constant 0 : i32
        %dma_start3A_269 = tpu.memref_slice %arg7[%add3A_267, %dma_start3A_268] : memref<40x64xi32, #tpu.memory_space<vmem>> -> memref<1x64xi32, #tpu.memory_space<vmem>>
        %dma_start3A_270 = tpu.memref_squeeze %dma_start3A_269 : memref<1x64xi32, #tpu.memory_space<vmem>> -> memref<64xi32, #tpu.memory_space<vmem>>
        %dma_start3A_271 = arith.constant 0 : i32
        %dma_start3A_272 = arith.constant 0 : i32
        %dma_start3A_273 = tpu.memref_slice %arg2[%dma_start3A_271, %dma_start3A_272] : memref<10000x128xf32, #tpu.memory_space<hbm>> -> memref<10000x128xf32, #tpu.memory_space<hbm>>
        tpu.enqueue_indirect_dma source(%dma_start3A_273 : memref<10000x128xf32, #tpu.memory_space<hbm>>) target(%arg11 : memref<64x128xf32, #tpu.memory_space<vmem>>) offsets(%dma_start3A_270 : memref<64xi32, #tpu.memory_space<vmem>>) semaphore(%arg16 : memref<!tpu.dma_semaphore, #tpu.memory_space<semaphore_mem>>)
      } else {
      }
      %mul3A_182 = arith.constant 4 : i32
      %mul3A_183 = arith.muli %mul3A_182, %scan3A_157 : i32
      %add3A_184 = arith.constant 1 : i32
      %add3A_185 = arith.addi %mul3A_183, %add3A_184 : i32
      %dma_wait3A_186 = arith.constant 0 : i32
      %dma_wait3A_187 = tpu.memref_slice %arg7[%add3A_185, %dma_wait3A_186] : memref<40x64xi32, #tpu.memory_space<vmem>> -> memref<1x64xi32, #tpu.memory_space<vmem>>
      %dma_wait3A_188 = tpu.memref_squeeze %dma_wait3A_187 : memref<1x64xi32, #tpu.memory_space<vmem>> -> memref<64xi32, #tpu.memory_space<vmem>>
      %dma_wait3A_189 = arith.constant 0 : i32
      %dma_wait3A_190 = arith.constant 0 : i32
      %dma_wait3A_191 = tpu.memref_slice %arg2[%dma_wait3A_189, %dma_wait3A_190] : memref<10000x128xf32, #tpu.memory_space<hbm>> -> memref<10000x128xf32, #tpu.memory_space<hbm>>
      tpu.wait_indirect_dma semaphore(%arg15 : memref<!tpu.dma_semaphore, #tpu.memory_space<semaphore_mem>>) src(%dma_wait3A_191 : memref<10000x128xf32, #tpu.memory_space<hbm>>) dst(%arg10 : memref<64x128xf32, #tpu.memory_space<vmem>>)
      %dma_start3A_192 = arith.constant 0 : i32
      %dma_start3A_193 = tpu.memref_slice %arg8[%add3A_185, %dma_start3A_192] : memref<40x64xi32, #tpu.memory_space<vmem>> -> memref<1x64xi32, #tpu.memory_space<vmem>>
      %dma_start3A_194 = tpu.memref_squeeze %dma_start3A_193 : memref<1x64xi32, #tpu.memory_space<vmem>> -> memref<64xi32, #tpu.memory_space<vmem>>
      %dma_start3A_195 = arith.constant 0 : i32
      %dma_start3A_196 = arith.constant 0 : i32
      %dma_start3A_197 = tpu.memref_slice %arg13[%dma_start3A_195, %dma_start3A_196] : memref<10240x128xf32, #tpu.memory_space<vmem_shared>> -> memref<10240x128xf32, #tpu.memory_space<vmem_shared>>
      tpu.enqueue_indirect_dma source(%arg10 : memref<64x128xf32, #tpu.memory_space<vmem>>) target(%dma_start3A_197 : memref<10240x128xf32, #tpu.memory_space<vmem_shared>>) offsets(%dma_start3A_194 : memref<64xi32, #tpu.memory_space<vmem>>) semaphore(%arg19 : memref<!tpu.dma_semaphore, #tpu.memory_space<semaphore_mem>>) {add = true}
      %ge3A_198 = arith.constant 2 : i32
      %ge3A_199 = arith.cmpi sge, %add3A_185, %ge3A_198 : i32
      %convert_element_type3A_200 = arith.extui %ge3A_199 : i1 to i32
      %cond3A_201 = arith.constant 0 : i32
      %cond3A_202 = arith.cmpi ne, %convert_element_type3A_200, %cond3A_201 : i32
      scf.if %cond3A_202 {
        %dma_wait3A_266 = arith.constant 0 : i32
        %dma_wait3A_267 = arith.constant 0 : i32
        %dma_wait3A_268 = tpu.memref_slice %arg8[%dma_wait3A_266, %dma_wait3A_267] : memref<40x64xi32, #tpu.memory_space<vmem>> -> memref<1x64xi32, #tpu.memory_space<vmem>>
        %dma_wait3A_269 = tpu.memref_squeeze %dma_wait3A_268 : memref<1x64xi32, #tpu.memory_space<vmem>> -> memref<64xi32, #tpu.memory_space<vmem>>
        %dma_wait3A_270 = arith.constant 0 : i32
        %dma_wait3A_271 = arith.constant 0 : i32
        %dma_wait3A_272 = tpu.memref_slice %arg13[%dma_wait3A_270, %dma_wait3A_271] : memref<10240x128xf32, #tpu.memory_space<vmem_shared>> -> memref<10240x128xf32, #tpu.memory_space<vmem_shared>>
        tpu.wait_indirect_dma semaphore(%arg21 : memref<!tpu.dma_semaphore, #tpu.memory_space<semaphore_mem>>) src(%arg12 : memref<64x128xf32, #tpu.memory_space<vmem>>) dst(%dma_wait3A_272 : memref<10240x128xf32, #tpu.memory_space<vmem_shared>>)
      } else {
      }
      %add3A_203 = arith.constant 2 : i32
      %add3A_204 = arith.addi %add3A_185, %add3A_203 : i32
      %lt3A_205 = arith.constant 40 : i32
      %lt3A_206 = arith.cmpi slt, %add3A_204, %lt3A_205 : i32
      %convert_element_type3A_207 = arith.extui %lt3A_206 : i1 to i32
      %cond3A_208 = arith.constant 0 : i32
      %cond3A_209 = arith.cmpi ne, %convert_element_type3A_207, %cond3A_208 : i32
      scf.if %cond3A_209 {
        %add3A_266 = arith.constant 2 : i32
        %add3A_267 = arith.addi %add3A_185, %add3A_266 : i32
        %dma_start3A_268 = arith.constant 0 : i32
        %dma_start3A_269 = tpu.memref_slice %arg7[%add3A_267, %dma_start3A_268] : memref<40x64xi32, #tpu.memory_space<vmem>> -> memref<1x64xi32, #tpu.memory_space<vmem>>
        %dma_start3A_270 = tpu.memref_squeeze %dma_start3A_269 : memref<1x64xi32, #tpu.memory_space<vmem>> -> memref<64xi32, #tpu.memory_space<vmem>>
        %dma_start3A_271 = arith.constant 0 : i32
        %dma_start3A_272 = arith.constant 0 : i32
        %dma_start3A_273 = tpu.memref_slice %arg2[%dma_start3A_271, %dma_start3A_272] : memref<10000x128xf32, #tpu.memory_space<hbm>> -> memref<10000x128xf32, #tpu.memory_space<hbm>>
        tpu.enqueue_indirect_dma source(%dma_start3A_273 : memref<10000x128xf32, #tpu.memory_space<hbm>>) target(%arg12 : memref<64x128xf32, #tpu.memory_space<vmem>>) offsets(%dma_start3A_270 : memref<64xi32, #tpu.memory_space<vmem>>) semaphore(%arg17 : memref<!tpu.dma_semaphore, #tpu.memory_space<semaphore_mem>>)
      } else {
      }
      %mul3A_210 = arith.constant 4 : i32
      %mul3A_211 = arith.muli %mul3A_210, %scan3A_157 : i32
      %add3A_212 = arith.constant 2 : i32
      %add3A_213 = arith.addi %mul3A_211, %add3A_212 : i32
      %dma_wait3A_214 = arith.constant 0 : i32
      %dma_wait3A_215 = tpu.memref_slice %arg7[%add3A_213, %dma_wait3A_214] : memref<40x64xi32, #tpu.memory_space<vmem>> -> memref<1x64xi32, #tpu.memory_space<vmem>>
      %dma_wait3A_216 = tpu.memref_squeeze %dma_wait3A_215 : memref<1x64xi32, #tpu.memory_space<vmem>> -> memref<64xi32, #tpu.memory_space<vmem>>
      %dma_wait3A_217 = arith.constant 0 : i32
      %dma_wait3A_218 = arith.constant 0 : i32
      %dma_wait3A_219 = tpu.memref_slice %arg2[%dma_wait3A_217, %dma_wait3A_218] : memref<10000x128xf32, #tpu.memory_space<hbm>> -> memref<10000x128xf32, #tpu.memory_space<hbm>>
      tpu.wait_indirect_dma semaphore(%arg16 : memref<!tpu.dma_semaphore, #tpu.memory_space<semaphore_mem>>) src(%dma_wait3A_219 : memref<10000x128xf32, #tpu.memory_space<hbm>>) dst(%arg11 : memref<64x128xf32, #tpu.memory_space<vmem>>)
      %dma_start3A_220 = arith.constant 0 : i32
      %dma_start3A_221 = tpu.memref_slice %arg8[%add3A_213, %dma_start3A_220] : memref<40x64xi32, #tpu.memory_space<vmem>> -> memref<1x64xi32, #tpu.memory_space<vmem>>
      %dma_start3A_222 = tpu.memref_squeeze %dma_start3A_221 : memref<1x64xi32, #tpu.memory_space<vmem>> -> memref<64xi32, #tpu.memory_space<vmem>>
      %dma_start3A_223 = arith.constant 0 : i32
      %dma_start3A_224 = arith.constant 0 : i32
      %dma_start3A_225 = tpu.memref_slice %arg13[%dma_start3A_223, %dma_start3A_224] : memref<10240x128xf32, #tpu.memory_space<vmem_shared>> -> memref<10240x128xf32, #tpu.memory_space<vmem_shared>>
      tpu.enqueue_indirect_dma source(%arg11 : memref<64x128xf32, #tpu.memory_space<vmem>>) target(%dma_start3A_225 : memref<10240x128xf32, #tpu.memory_space<vmem_shared>>) offsets(%dma_start3A_222 : memref<64xi32, #tpu.memory_space<vmem>>) semaphore(%arg20 : memref<!tpu.dma_semaphore, #tpu.memory_space<semaphore_mem>>) {add = true}
      %ge3A_226 = arith.constant 2 : i32
      %ge3A_227 = arith.cmpi sge, %add3A_213, %ge3A_226 : i32
      %convert_element_type3A_228 = arith.extui %ge3A_227 : i1 to i32
      %cond3A_229 = arith.constant 0 : i32
      %cond3A_230 = arith.cmpi ne, %convert_element_type3A_228, %cond3A_229 : i32
      scf.if %cond3A_230 {
        %dma_wait3A_266 = arith.constant 0 : i32
        %dma_wait3A_267 = arith.constant 0 : i32
        %dma_wait3A_268 = tpu.memref_slice %arg8[%dma_wait3A_266, %dma_wait3A_267] : memref<40x64xi32, #tpu.memory_space<vmem>> -> memref<1x64xi32, #tpu.memory_space<vmem>>
        %dma_wait3A_269 = tpu.memref_squeeze %dma_wait3A_268 : memref<1x64xi32, #tpu.memory_space<vmem>> -> memref<64xi32, #tpu.memory_space<vmem>>
        %dma_wait3A_270 = arith.constant 0 : i32
        %dma_wait3A_271 = arith.constant 0 : i32
        %dma_wait3A_272 = tpu.memref_slice %arg13[%dma_wait3A_270, %dma_wait3A_271] : memref<10240x128xf32, #tpu.memory_space<vmem_shared>> -> memref<10240x128xf32, #tpu.memory_space<vmem_shared>>
        tpu.wait_indirect_dma semaphore(%arg18 : memref<!tpu.dma_semaphore, #tpu.memory_space<semaphore_mem>>) src(%arg9 : memref<64x128xf32, #tpu.memory_space<vmem>>) dst(%dma_wait3A_272 : memref<10240x128xf32, #tpu.memory_space<vmem_shared>>)
      } else {
      }
      %add3A_231 = arith.constant 2 : i32
      %add3A_232 = arith.addi %add3A_213, %add3A_231 : i32
      %lt3A_233 = arith.constant 40 : i32
      %lt3A_234 = arith.cmpi slt, %add3A_232, %lt3A_233 : i32
      %convert_element_type3A_235 = arith.extui %lt3A_234 : i1 to i32
      %cond3A_236 = arith.constant 0 : i32
      %cond3A_237 = arith.cmpi ne, %convert_element_type3A_235, %cond3A_236 : i32
      scf.if %cond3A_237 {
        %add3A_266 = arith.constant 2 : i32
        %add3A_267 = arith.addi %add3A_213, %add3A_266 : i32
        %dma_start3A_268 = arith.constant 0 : i32
        %dma_start3A_269 = tpu.memref_slice %arg7[%add3A_267, %dma_start3A_268] : memref<40x64xi32, #tpu.memory_space<vmem>> -> memref<1x64xi32, #tpu.memory_space<vmem>>
        %dma_start3A_270 = tpu.memref_squeeze %dma_start3A_269 : memref<1x64xi32, #tpu.memory_space<vmem>> -> memref<64xi32, #tpu.memory_space<vmem>>
        %dma_start3A_271 = arith.constant 0 : i32
        %dma_start3A_272 = arith.constant 0 : i32
        %dma_start3A_273 = tpu.memref_slice %arg2[%dma_start3A_271, %dma_start3A_272] : memref<10000x128xf32, #tpu.memory_space<hbm>> -> memref<10000x128xf32, #tpu.memory_space<hbm>>
        tpu.enqueue_indirect_dma source(%dma_start3A_273 : memref<10000x128xf32, #tpu.memory_space<hbm>>) target(%arg9 : memref<64x128xf32, #tpu.memory_space<vmem>>) offsets(%dma_start3A_270 : memref<64xi32, #tpu.memory_space<vmem>>) semaphore(%arg14 : memref<!tpu.dma_semaphore, #tpu.memory_space<semaphore_mem>>)
      } else {
      }
      %mul3A_238 = arith.constant 4 : i32
      %mul3A_239 = arith.muli %mul3A_238, %scan3A_157 : i32
      %add3A_240 = arith.constant 3 : i32
      %add3A_241 = arith.addi %mul3A_239, %add3A_240 : i32
      %dma_wait3A_242 = arith.constant 0 : i32
      %dma_wait3A_243 = tpu.memref_slice %arg7[%add3A_241, %dma_wait3A_242] : memref<40x64xi32, #tpu.memory_space<vmem>> -> memref<1x64xi32, #tpu.memory_space<vmem>>
      %dma_wait3A_244 = tpu.memref_squeeze %dma_wait3A_243 : memref<1x64xi32, #tpu.memory_space<vmem>> -> memref<64xi32, #tpu.memory_space<vmem>>
      %dma_wait3A_245 = arith.constant 0 : i32
      %dma_wait3A_246 = arith.constant 0 : i32
      %dma_wait3A_247 = tpu.memref_slice %arg2[%dma_wait3A_245, %dma_wait3A_246] : memref<10000x128xf32, #tpu.memory_space<hbm>> -> memref<10000x128xf32, #tpu.memory_space<hbm>>
      tpu.wait_indirect_dma semaphore(%arg17 : memref<!tpu.dma_semaphore, #tpu.memory_space<semaphore_mem>>) src(%dma_wait3A_247 : memref<10000x128xf32, #tpu.memory_space<hbm>>) dst(%arg12 : memref<64x128xf32, #tpu.memory_space<vmem>>)
      %dma_start3A_248 = arith.constant 0 : i32
      %dma_start3A_249 = tpu.memref_slice %arg8[%add3A_241, %dma_start3A_248] : memref<40x64xi32, #tpu.memory_space<vmem>> -> memref<1x64xi32, #tpu.memory_space<vmem>>
      %dma_start3A_250 = tpu.memref_squeeze %dma_start3A_249 : memref<1x64xi32, #tpu.memory_space<vmem>> -> memref<64xi32, #tpu.memory_space<vmem>>
      %dma_start3A_251 = arith.constant 0 : i32
      %dma_start3A_252 = arith.constant 0 : i32
      %dma_start3A_253 = tpu.memref_slice %arg13[%dma_start3A_251, %dma_start3A_252] : memref<10240x128xf32, #tpu.memory_space<vmem_shared>> -> memref<10240x128xf32, #tpu.memory_space<vmem_shared>>
      tpu.enqueue_indirect_dma source(%arg12 : memref<64x128xf32, #tpu.memory_space<vmem>>) target(%dma_start3A_253 : memref<10240x128xf32, #tpu.memory_space<vmem_shared>>) offsets(%dma_start3A_250 : memref<64xi32, #tpu.memory_space<vmem>>) semaphore(%arg21 : memref<!tpu.dma_semaphore, #tpu.memory_space<semaphore_mem>>) {add = true}
      %ge3A_254 = arith.constant 2 : i32
      %ge3A_255 = arith.cmpi sge, %add3A_241, %ge3A_254 : i32
      %convert_element_type3A_256 = arith.extui %ge3A_255 : i1 to i32
      %cond3A_257 = arith.constant 0 : i32
      %cond3A_258 = arith.cmpi ne, %convert_element_type3A_256, %cond3A_257 : i32
      scf.if %cond3A_258 {
        %dma_wait3A_266 = arith.constant 0 : i32
        %dma_wait3A_267 = arith.constant 0 : i32
        %dma_wait3A_268 = tpu.memref_slice %arg8[%dma_wait3A_266, %dma_wait3A_267] : memref<40x64xi32, #tpu.memory_space<vmem>> -> memref<1x64xi32, #tpu.memory_space<vmem>>
        %dma_wait3A_269 = tpu.memref_squeeze %dma_wait3A_268 : memref<1x64xi32, #tpu.memory_space<vmem>> -> memref<64xi32, #tpu.memory_space<vmem>>
        %dma_wait3A_270 = arith.constant 0 : i32
        %dma_wait3A_271 = arith.constant 0 : i32
        %dma_wait3A_272 = tpu.memref_slice %arg13[%dma_wait3A_270, %dma_wait3A_271] : memref<10240x128xf32, #tpu.memory_space<vmem_shared>> -> memref<10240x128xf32, #tpu.memory_space<vmem_shared>>
        tpu.wait_indirect_dma semaphore(%arg19 : memref<!tpu.dma_semaphore, #tpu.memory_space<semaphore_mem>>) src(%arg10 : memref<64x128xf32, #tpu.memory_space<vmem>>) dst(%dma_wait3A_272 : memref<10240x128xf32, #tpu.memory_space<vmem_shared>>)
      } else {
      }
      %add3A_259 = arith.constant 2 : i32
      %add3A_260 = arith.addi %add3A_241, %add3A_259 : i32
      %lt3A_261 = arith.constant 40 : i32
      %lt3A_262 = arith.cmpi slt, %add3A_260, %lt3A_261 : i32
      %convert_element_type3A_263 = arith.extui %lt3A_262 : i1 to i32
      %cond3A_264 = arith.constant 0 : i32
      %cond3A_265 = arith.cmpi ne, %convert_element_type3A_263, %cond3A_264 : i32
      scf.if %cond3A_265 {
        %add3A_266 = arith.constant 2 : i32
        %add3A_267 = arith.addi %add3A_241, %add3A_266 : i32
        %dma_start3A_268 = arith.constant 0 : i32
        %dma_start3A_269 = tpu.memref_slice %arg7[%add3A_267, %dma_start3A_268] : memref<40x64xi32, #tpu.memory_space<vmem>> -> memref<1x64xi32, #tpu.memory_space<vmem>>
        %dma_start3A_270 = tpu.memref_squeeze %dma_start3A_269 : memref<1x64xi32, #tpu.memory_space<vmem>> -> memref<64xi32, #tpu.memory_space<vmem>>
        %dma_start3A_271 = arith.constant 0 : i32
        %dma_start3A_272 = arith.constant 0 : i32
        %dma_start3A_273 = tpu.memref_slice %arg2[%dma_start3A_271, %dma_start3A_272] : memref<10000x128xf32, #tpu.memory_space<hbm>> -> memref<10000x128xf32, #tpu.memory_space<hbm>>
        tpu.enqueue_indirect_dma source(%dma_start3A_273 : memref<10000x128xf32, #tpu.memory_space<hbm>>) target(%arg10 : memref<64x128xf32, #tpu.memory_space<vmem>>) offsets(%dma_start3A_270 : memref<64xi32, #tpu.memory_space<vmem>>) semaphore(%arg15 : memref<!tpu.dma_semaphore, #tpu.memory_space<semaphore_mem>>)
      } else {
      }
    }
    %scan3A_137 = arith.constant 10 : i32
    %dma_wait3A_138 = arith.constant 0 : i32
    %dma_wait3A_139 = arith.constant 0 : i32
    %dma_wait3A_140 = tpu.memref_slice %arg8[%dma_wait3A_138, %dma_wait3A_139] : memref<40x64xi32, #tpu.memory_space<vmem>> -> memref<1x64xi32, #tpu.memory_space<vmem>>
    %dma_wait3A_141 = tpu.memref_squeeze %dma_wait3A_140 : memref<1x64xi32, #tpu.memory_space<vmem>> -> memref<64xi32, #tpu.memory_space<vmem>>
    %dma_wait3A_142 = arith.constant 0 : i32
    %dma_wait3A_143 = arith.constant 0 : i32
    %dma_wait3A_144 = tpu.memref_slice %arg13[%dma_wait3A_142, %dma_wait3A_143] : memref<10240x128xf32, #tpu.memory_space<vmem_shared>> -> memref<10240x128xf32, #tpu.memory_space<vmem_shared>>
    tpu.wait_indirect_dma semaphore(%arg20 : memref<!tpu.dma_semaphore, #tpu.memory_space<semaphore_mem>>) src(%arg11 : memref<64x128xf32, #tpu.memory_space<vmem>>) dst(%dma_wait3A_144 : memref<10240x128xf32, #tpu.memory_space<vmem_shared>>)
    %dma_wait3A_145 = arith.constant 0 : i32
    %dma_wait3A_146 = arith.constant 0 : i32
    %dma_wait3A_147 = tpu.memref_slice %arg8[%dma_wait3A_145, %dma_wait3A_146] : memref<40x64xi32, #tpu.memory_space<vmem>> -> memref<1x64xi32, #tpu.memory_space<vmem>>
    %dma_wait3A_148 = tpu.memref_squeeze %dma_wait3A_147 : memref<1x64xi32, #tpu.memory_space<vmem>> -> memref<64xi32, #tpu.memory_space<vmem>>
    %dma_wait3A_149 = arith.constant 0 : i32
    %dma_wait3A_150 = arith.constant 0 : i32
    %dma_wait3A_151 = tpu.memref_slice %arg13[%dma_wait3A_149, %dma_wait3A_150] : memref<10240x128xf32, #tpu.memory_space<vmem_shared>> -> memref<10240x128xf32, #tpu.memory_space<vmem_shared>>
    tpu.wait_indirect_dma semaphore(%arg21 : memref<!tpu.dma_semaphore, #tpu.memory_space<semaphore_mem>>) src(%arg12 : memref<64x128xf32, #tpu.memory_space<vmem>>) dst(%dma_wait3A_151 : memref<10240x128xf32, #tpu.memory_space<vmem_shared>>)
    %barrier3A_152 = arith.constant 0 : index
    tpu.barrier barrier_id(%barrier3A_152)
    %mul3A_153 = arith.constant 640 : i32
    %mul3A_154 = arith.muli %arg1, %mul3A_153 : i32
    %mul3A_155 = arith.constant 640 : i32
    %mul3A_156 = arith.muli %arg1, %mul3A_155 : i32
    "tpu.region"() ({
      %run_scoped3A = tpu.sem_alloc : memref<!tpu.dma_semaphore, #tpu.memory_space<semaphore_mem>>
      %dma_start3A_157 = arith.constant 0 : i32
      %dma_start3A_158 = tpu.memref_slice %arg6[%arg0, %mul3A_156, %dma_start3A_157] : memref<2x10240x128xf32, #tpu.memory_space<hbm>> -> memref<1x640x128xf32, #tpu.memory_space<hbm>>
      %dma_start3A_159 = tpu.memref_squeeze %dma_start3A_158 : memref<1x640x128xf32, #tpu.memory_space<hbm>> -> memref<640x128xf32, #tpu.memory_space<hbm>>
      %dma_start3A_160 = arith.constant 0 : i32
      %dma_start3A_161 = tpu.memref_slice %arg13[%mul3A_154, %dma_start3A_160] : memref<10240x128xf32, #tpu.memory_space<vmem_shared>> -> memref<640x128xf32, #tpu.memory_space<vmem_shared>>
      tpu.enqueue_dma source(%dma_start3A_161 : memref<640x128xf32, #tpu.memory_space<vmem_shared>>) target(%dma_start3A_159 : memref<640x128xf32, #tpu.memory_space<hbm>>) target_semaphore(%run_scoped3A : memref<!tpu.dma_semaphore, #tpu.memory_space<semaphore_mem>>)
      %dma_wait3A_162 = arith.constant 0 : i32
      %dma_wait3A_163 = tpu.memref_slice %arg6[%arg0, %mul3A_156, %dma_wait3A_162] : memref<2x10240x128xf32, #tpu.memory_space<hbm>> -> memref<1x640x128xf32, #tpu.memory_space<hbm>>
      %dma_wait3A_164 = tpu.memref_squeeze %dma_wait3A_163 : memref<1x640x128xf32, #tpu.memory_space<hbm>> -> memref<640x128xf32, #tpu.memory_space<hbm>>
      %dma_wait3A_165 = arith.constant 0 : i32
      %dma_wait3A_166 = tpu.memref_slice %arg13[%mul3A_154, %dma_wait3A_165] : memref<10240x128xf32, #tpu.memory_space<vmem_shared>> -> memref<640x128xf32, #tpu.memory_space<vmem_shared>>
      tpu.wait_dma2 semaphore(%run_scoped3A : memref<!tpu.dma_semaphore, #tpu.memory_space<semaphore_mem>>) src(%dma_wait3A_166 : memref<640x128xf32, #tpu.memory_space<vmem_shared>>) dst(%dma_wait3A_164 : memref<640x128xf32, #tpu.memory_space<hbm>>)
      tpu.yield
    }) : () -> ()
    return
  }
}

module attributes {stable_mosaic.version = 14 : i64} {
  func.func @_scale_mm_body(%arg0: i32, %arg1: memref<2000x128xf32, #tpu.memory_space<vmem>>, %arg2: memref<128x128xf32, #tpu.memory_space<vmem>>, %arg3: memref<2x2000x1xf32, #tpu.memory_space<vmem>>, %arg4: memref<2000x128xf32, #tpu.memory_space<vmem>>) attributes {dimension_semantics = [#tpu.dimension_semantics<arbitrary>], iteration_bounds = array<i64: 5>, scalar_prefetch = 0 : i64, scratch_operands = 0 : i64, tpu.core_type = #tpu.core_type<tc>, window_params = [{transform_indices = @transform_0, window_bounds = array<i64: 2000, 128>}, {pipeline_mode = #tpu.pipeline_mode<synchronous>, transform_indices = @transform_1, window_bounds = array<i64: 128, 128>}, {transform_indices = @transform_2, window_bounds = array<i64: 2, 2000, 1>}, {transform_indices = @transform_3, window_bounds = array<i64: 2000, 128>}]} {
    %get3A = arith.constant 0 : index
    %get3A_0 = arith.constant 0 : index
    %get3A_1 = vector.load %arg1[%get3A, %get3A_0] : memref<2000x128xf32, #tpu.memory_space<vmem>>, vector<2000x128xf32>
    %get3A_2 = arith.constant 0 : index
    %get3A_3 = arith.constant 0 : index
    %get3A_4 = vector.load %arg2[%get3A_2, %get3A_3] : memref<128x128xf32, #tpu.memory_space<vmem>>, vector<128x128xf32>
    %dot_general3A = arith.constant dense<0.000000e+00> : vector<2000x128xf32>
    %dot_general3A_5 = tpu.matmul %get3A_1, %get3A_4, %dot_general3A {dimension_numbers = #tpu.dot_dimension_numbers<[1], [0], [0], [1], [0, 0, 1, 1], [], []>, transpose_lhs_hint = false} : vector<2000x128xf32>, vector<128x128xf32>, vector<2000x128xf32> -> vector<2000x128xf32>
    %get3A_6 = arith.constant 0 : index
    %get3A_7 = arith.constant 0 : index
    %get3A_8 = arith.constant 0 : index
    %get3A_9 = vector.load %arg3[%get3A_6, %get3A_7, %get3A_8] : memref<2x2000x1xf32, #tpu.memory_space<vmem>>, vector<1x2000x1xf32>
    %get3A_10 = vector.shape_cast %get3A_9 : vector<1x2000x1xf32> to vector<2000x1xf32>
    %get3A_11 = arith.constant 1 : index
    %get3A_12 = arith.constant 0 : index
    %get3A_13 = arith.constant 0 : index
    %get3A_14 = vector.load %arg3[%get3A_11, %get3A_12, %get3A_13] : memref<2x2000x1xf32, #tpu.memory_space<vmem>>, vector<1x2000x1xf32>
    %get3A_15 = vector.shape_cast %get3A_14 : vector<1x2000x1xf32> to vector<2000x1xf32>
    %add3A = arith.addf %get3A_10, %get3A_15 : vector<2000x1xf32>
    %add3A_16 = arith.constant 1.000000e+00 : f32
    %add3A_17 = vector.broadcast %add3A_16 : f32 to vector<2000x1xf32>
    %add3A_18 = arith.addf %add3A, %add3A_17 : vector<2000x1xf32>
    %rsqrt3A = math.rsqrt %add3A_18 : vector<2000x1xf32>
    %mul3A = vector.broadcast %rsqrt3A : vector<2000x1xf32> to vector<2000x128xf32>
    %mul3A_19 = arith.mulf %dot_general3A_5, %mul3A : vector<2000x128xf32>
    %swap3A = arith.constant 0 : index
    %swap3A_20 = arith.constant 0 : index
    %swap3A_21 = vector.load %arg4[%swap3A, %swap3A_20] : memref<2000x128xf32, #tpu.memory_space<vmem>>, vector<2000x128xf32>
    tpu.vector_store %arg4[%swap3A, %swap3A_20], %mul3A_19 {strides = array<i32>} : memref<2000x128xf32, #tpu.memory_space<vmem>>, vector<2000x128xf32>,
    return
  }
  func.func @transform_0(%arg0: i32) -> (i32, i32) {
    %c0_i32 = arith.constant 0 : i32
    %c0_i32_0 = arith.constant 0 : i32
    return %arg0, %c0_i32 : i32, i32
  }
  func.func @transform_1(%arg0: i32) -> (i32, i32) {
    %c0_i32 = arith.constant 0 : i32
    %c0_i32_0 = arith.constant 0 : i32
    %c0_i32_1 = arith.constant 0 : i32
    return %c0_i32, %c0_i32_0 : i32, i32
  }
  func.func @transform_2(%arg0: i32) -> (i32, i32, i32) {
    %c0_i32 = arith.constant 0 : i32
    %c0_i32_0 = arith.constant 0 : i32
    %c0_i32_1 = arith.constant 0 : i32
    return %c0_i32, %arg0, %c0_i32_0 : i32, i32, i32
  }
  func.func @transform_3(%arg0: i32) -> (i32, i32) {
    %c0_i32 = arith.constant 0 : i32
    %c0_i32_0 = arith.constant 0 : i32
    return %arg0, %c0_i32 : i32, i32
  }
}

module attributes {stable_mosaic.version = 14 : i64} {
  func.func @_mid_body(%arg0: i32, %arg1: memref<2x2000x128xf32, #tpu.memory_space<vmem>>, %arg2: memref<2000x128xf32, #tpu.memory_space<vmem>>, %arg3: memref<2x2000x1xf32, #tpu.memory_space<vmem>>, %arg4: memref<1x128xf32, #tpu.memory_space<vmem>>, %arg5: memref<128x128xf32, #tpu.memory_space<vmem>>, %arg6: memref<2000x128xf32, #tpu.memory_space<vmem>>) attributes {dimension_semantics = [#tpu.dimension_semantics<arbitrary>], iteration_bounds = array<i64: 5>, scalar_prefetch = 0 : i64, scratch_operands = 0 : i64, tpu.core_type = #tpu.core_type<tc>, window_params = [{transform_indices = @transform_0, window_bounds = array<i64: 2, 2000, 128>}, {transform_indices = @transform_1, window_bounds = array<i64: 2000, 128>}, {transform_indices = @transform_2, window_bounds = array<i64: 2, 2000, 1>}, {pipeline_mode = #tpu.pipeline_mode<synchronous>, transform_indices = @transform_3, window_bounds = array<i64: 1, 128>}, {pipeline_mode = #tpu.pipeline_mode<synchronous>, transform_indices = @transform_4, window_bounds = array<i64: 128, 128>}, {transform_indices = @transform_5, window_bounds = array<i64: 2000, 128>}]} {
    %get3A = arith.constant 0 : index
    %get3A_0 = arith.constant 0 : index
    %get3A_1 = arith.constant 0 : index
    %get3A_2 = vector.load %arg3[%get3A, %get3A_0, %get3A_1] : memref<2x2000x1xf32, #tpu.memory_space<vmem>>, vector<1x2000x1xf32>
    %get3A_3 = vector.shape_cast %get3A_2 : vector<1x2000x1xf32> to vector<2000x1xf32>
    %get3A_4 = arith.constant 1 : index
    %get3A_5 = arith.constant 0 : index
    %get3A_6 = arith.constant 0 : index
    %get3A_7 = vector.load %arg3[%get3A_4, %get3A_5, %get3A_6] : memref<2x2000x1xf32, #tpu.memory_space<vmem>>, vector<1x2000x1xf32>
    %get3A_8 = vector.shape_cast %get3A_7 : vector<1x2000x1xf32> to vector<2000x1xf32>
    %add3A = arith.addf %get3A_3, %get3A_8 : vector<2000x1xf32>
    %add3A_9 = arith.constant 1.000000e+00 : f32
    %add3A_10 = vector.broadcast %add3A_9 : f32 to vector<2000x1xf32>
    %add3A_11 = arith.addf %add3A, %add3A_10 : vector<2000x1xf32>
    %rsqrt3A = math.rsqrt %add3A_11 : vector<2000x1xf32>
    %get3A_12 = arith.constant 0 : index
    %get3A_13 = arith.constant 0 : index
    %get3A_14 = arith.constant 0 : index
    %get3A_15 = vector.load %arg1[%get3A_12, %get3A_13, %get3A_14] : memref<2x2000x128xf32, #tpu.memory_space<vmem>>, vector<1x2000x128xf32>
    %get3A_16 = vector.shape_cast %get3A_15 : vector<1x2000x128xf32> to vector<2000x128xf32>
    %get3A_17 = arith.constant 1 : index
    %get3A_18 = arith.constant 0 : index
    %get3A_19 = arith.constant 0 : index
    %get3A_20 = vector.load %arg1[%get3A_17, %get3A_18, %get3A_19] : memref<2x2000x128xf32, #tpu.memory_space<vmem>>, vector<1x2000x128xf32>
    %get3A_21 = vector.shape_cast %get3A_20 : vector<1x2000x128xf32> to vector<2000x128xf32>
    %add3A_22 = arith.addf %get3A_16, %get3A_21 : vector<2000x128xf32>
    %get3A_23 = arith.constant 0 : index
    %get3A_24 = arith.constant 0 : index
    %get3A_25 = vector.load %arg2[%get3A_23, %get3A_24] : memref<2000x128xf32, #tpu.memory_space<vmem>>, vector<2000x128xf32>
    %add3A_26 = arith.addf %add3A_22, %get3A_25 : vector<2000x128xf32>
    %mul3A = vector.broadcast %rsqrt3A : vector<2000x1xf32> to vector<2000x128xf32>
    %mul3A_27 = arith.mulf %add3A_26, %mul3A : vector<2000x128xf32>
    %get3A_28 = arith.constant 0 : index
    %get3A_29 = arith.constant 0 : index
    %get3A_30 = vector.load %arg4[%get3A_28, %get3A_29] : memref<1x128xf32, #tpu.memory_space<vmem>>, vector<1x128xf32>
    %add3A_31 = vector.broadcast %get3A_30 : vector<1x128xf32> to vector<2000x128xf32>
    %add3A_32 = arith.addf %mul3A_27, %add3A_31 : vector<2000x128xf32>
    %max3A = arith.constant 0.000000e+00 : f32
    %max3A_33 = vector.broadcast %max3A : f32 to vector<2000x128xf32>
    %max3A_34 = arith.maximumf %add3A_32, %max3A_33 : vector<2000x128xf32>
    %get3A_35 = arith.constant 0 : index
    %get3A_36 = arith.constant 0 : index
    %get3A_37 = vector.load %arg5[%get3A_35, %get3A_36] : memref<128x128xf32, #tpu.memory_space<vmem>>, vector<128x128xf32>
    %dot_general3A = arith.constant dense<0.000000e+00> : vector<2000x128xf32>
    %dot_general3A_38 = tpu.matmul %max3A_34, %get3A_37, %dot_general3A {dimension_numbers = #tpu.dot_dimension_numbers<[1], [0], [0], [1], [0, 0, 1, 1], [], []>, transpose_lhs_hint = false} : vector<2000x128xf32>, vector<128x128xf32>, vector<2000x128xf32> -> vector<2000x128xf32>
    %mul3A_39 = vector.broadcast %rsqrt3A : vector<2000x1xf32> to vector<2000x128xf32>
    %mul3A_40 = arith.mulf %dot_general3A_38, %mul3A_39 : vector<2000x128xf32>
    %swap3A = arith.constant 0 : index
    %swap3A_41 = arith.constant 0 : index
    %swap3A_42 = vector.load %arg6[%swap3A, %swap3A_41] : memref<2000x128xf32, #tpu.memory_space<vmem>>, vector<2000x128xf32>
    tpu.vector_store %arg6[%swap3A, %swap3A_41], %mul3A_40 {strides = array<i32>} : memref<2000x128xf32, #tpu.memory_space<vmem>>, vector<2000x128xf32>,
    return
  }
  func.func @transform_0(%arg0: i32) -> (i32, i32, i32) {
    %c0_i32 = arith.constant 0 : i32
    %c0_i32_0 = arith.constant 0 : i32
    %c0_i32_1 = arith.constant 0 : i32
    return %c0_i32, %arg0, %c0_i32_0 : i32, i32, i32
  }
  func.func @transform_1(%arg0: i32) -> (i32, i32) {
    %c0_i32 = arith.constant 0 : i32
    %c0_i32_0 = arith.constant 0 : i32
    return %arg0, %c0_i32 : i32, i32
  }
  func.func @transform_2(%arg0: i32) -> (i32, i32, i32) {
    %c0_i32 = arith.constant 0 : i32
    %c0_i32_0 = arith.constant 0 : i32
    %c0_i32_1 = arith.constant 0 : i32
    return %c0_i32, %arg0, %c0_i32_0 : i32, i32, i32
  }
  func.func @transform_3(%arg0: i32) -> (i32, i32) {
    %c0_i32 = arith.constant 0 : i32
    %c0_i32_0 = arith.constant 0 : i32
    %c0_i32_1 = arith.constant 0 : i32
    return %c0_i32, %c0_i32_0 : i32, i32
  }
  func.func @transform_4(%arg0: i32) -> (i32, i32) {
    %c0_i32 = arith.constant 0 : i32
    %c0_i32_0 = arith.constant 0 : i32
    %c0_i32_1 = arith.constant 0 : i32
    return %c0_i32, %c0_i32_0 : i32, i32
  }
  func.func @transform_5(%arg0: i32) -> (i32, i32) {
    %c0_i32 = arith.constant 0 : i32
    %c0_i32_0 = arith.constant 0 : i32
    return %arg0, %c0_i32 : i32, i32
  }
}

module attributes {stable_mosaic.version = 14 : i64} {
  func.func @_final_body(%arg0: i32, %arg1: memref<2x2000x128xf32, #tpu.memory_space<vmem>>, %arg2: memref<2000x128xf32, #tpu.memory_space<vmem>>, %arg3: memref<2x2000x1xf32, #tpu.memory_space<vmem>>, %arg4: memref<1x128xf32, #tpu.memory_space<vmem>>, %arg5: memref<2000x128xf32, #tpu.memory_space<vmem>>) attributes {dimension_semantics = [#tpu.dimension_semantics<arbitrary>], iteration_bounds = array<i64: 5>, scalar_prefetch = 0 : i64, scratch_operands = 0 : i64, tpu.core_type = #tpu.core_type<tc>, window_params = [{transform_indices = @transform_0, window_bounds = array<i64: 2, 2000, 128>}, {transform_indices = @transform_1, window_bounds = array<i64: 2000, 128>}, {transform_indices = @transform_2, window_bounds = array<i64: 2, 2000, 1>}, {pipeline_mode = #tpu.pipeline_mode<synchronous>, transform_indices = @transform_3, window_bounds = array<i64: 1, 128>}, {transform_indices = @transform_4, window_bounds = array<i64: 2000, 128>}]} {
    %get3A = arith.constant 0 : index
    %get3A_0 = arith.constant 0 : index
    %get3A_1 = arith.constant 0 : index
    %get3A_2 = vector.load %arg1[%get3A, %get3A_0, %get3A_1] : memref<2x2000x128xf32, #tpu.memory_space<vmem>>, vector<1x2000x128xf32>
    %get3A_3 = vector.shape_cast %get3A_2 : vector<1x2000x128xf32> to vector<2000x128xf32>
    %get3A_4 = arith.constant 1 : index
    %get3A_5 = arith.constant 0 : index
    %get3A_6 = arith.constant 0 : index
    %get3A_7 = vector.load %arg1[%get3A_4, %get3A_5, %get3A_6] : memref<2x2000x128xf32, #tpu.memory_space<vmem>>, vector<1x2000x128xf32>
    %get3A_8 = vector.shape_cast %get3A_7 : vector<1x2000x128xf32> to vector<2000x128xf32>
    %add3A = arith.addf %get3A_3, %get3A_8 : vector<2000x128xf32>
    %get3A_9 = arith.constant 0 : index
    %get3A_10 = arith.constant 0 : index
    %get3A_11 = vector.load %arg2[%get3A_9, %get3A_10] : memref<2000x128xf32, #tpu.memory_space<vmem>>, vector<2000x128xf32>
    %add3A_12 = arith.addf %add3A, %get3A_11 : vector<2000x128xf32>
    %get3A_13 = arith.constant 0 : index
    %get3A_14 = arith.constant 0 : index
    %get3A_15 = arith.constant 0 : index
    %get3A_16 = vector.load %arg3[%get3A_13, %get3A_14, %get3A_15] : memref<2x2000x1xf32, #tpu.memory_space<vmem>>, vector<1x2000x1xf32>
    %get3A_17 = vector.shape_cast %get3A_16 : vector<1x2000x1xf32> to vector<2000x1xf32>
    %get3A_18 = arith.constant 1 : index
    %get3A_19 = arith.constant 0 : index
    %get3A_20 = arith.constant 0 : index
    %get3A_21 = vector.load %arg3[%get3A_18, %get3A_19, %get3A_20] : memref<2x2000x1xf32, #tpu.memory_space<vmem>>, vector<1x2000x1xf32>
    %get3A_22 = vector.shape_cast %get3A_21 : vector<1x2000x1xf32> to vector<2000x1xf32>
    %add3A_23 = arith.addf %get3A_17, %get3A_22 : vector<2000x1xf32>
    %add3A_24 = arith.constant 1.000000e+00 : f32
    %add3A_25 = vector.broadcast %add3A_24 : f32 to vector<2000x1xf32>
    %add3A_26 = arith.addf %add3A_23, %add3A_25 : vector<2000x1xf32>
    %rsqrt3A = math.rsqrt %add3A_26 : vector<2000x1xf32>
    %mul3A = vector.broadcast %rsqrt3A : vector<2000x1xf32> to vector<2000x128xf32>
    %mul3A_27 = arith.mulf %add3A_12, %mul3A : vector<2000x128xf32>
    %get3A_28 = arith.constant 0 : index
    %get3A_29 = arith.constant 0 : index
    %get3A_30 = vector.load %arg4[%get3A_28, %get3A_29] : memref<1x128xf32, #tpu.memory_space<vmem>>, vector<1x128xf32>
    %add3A_31 = vector.broadcast %get3A_30 : vector<1x128xf32> to vector<2000x128xf32>
    %add3A_32 = arith.addf %mul3A_27, %add3A_31 : vector<2000x128xf32>
    %swap3A = arith.constant 0 : index
    %swap3A_33 = arith.constant 0 : index
    %swap3A_34 = vector.load %arg5[%swap3A, %swap3A_33] : memref<2000x128xf32, #tpu.memory_space<vmem>>, vector<2000x128xf32>
    tpu.vector_store %arg5[%swap3A, %swap3A_33], %add3A_32 {strides = array<i32>} : memref<2000x128xf32, #tpu.memory_space<vmem>>, vector<2000x128xf32>,
    return
  }
  func.func @transform_0(%arg0: i32) -> (i32, i32, i32) {
    %c0_i32 = arith.constant 0 : i32
    %c0_i32_0 = arith.constant 0 : i32
    %c0_i32_1 = arith.constant 0 : i32
    return %c0_i32, %arg0, %c0_i32_0 : i32, i32, i32
  }
  func.func @transform_1(%arg0: i32) -> (i32, i32) {
    %c0_i32 = arith.constant 0 : i32
    %c0_i32_0 = arith.constant 0 : i32
    return %arg0, %c0_i32 : i32, i32
  }
  func.func @transform_2(%arg0: i32) -> (i32, i32, i32) {
    %c0_i32 = arith.constant 0 : i32
    %c0_i32_0 = arith.constant 0 : i32
    %c0_i32_1 = arith.constant 0 : i32
    return %c0_i32, %arg0, %c0_i32_0 : i32, i32, i32
  }
  func.func @transform_3(%arg0: i32) -> (i32, i32) {
    %c0_i32 = arith.constant 0 : i32
    %c0_i32_0 = arith.constant 0 : i32
    %c0_i32_1 = arith.constant 0 : i32
    return %c0_i32, %c0_i32_0 : i32, i32
  }
  func.func @transform_4(%arg0: i32) -> (i32, i32) {
    %c0_i32 = arith.constant 0 : i32
    %c0_i32_0 = arith.constant 0 : i32
    return %arg0, %c0_i32 : i32, i32
  }
}

</mosaic_0001>

<sc_bundles>
// kernel: kernel.11.cloned.1.call-start
scs
__scs_entry_jumppad:
0x0: {  	(pc) =	sbr.rel $0x88, $3  }
0x1: {  	(tag) =	ssettag $0x0;
	lr =	simm.s32 $0x1  }
0x2: {  	[smem:$0x3F9B] =	sst lr;
	_ =	strace $0xD0000000  }
0x3: {  	_ = 	snop  }
0x4: {  	_ = 	snop  }
0x5: {  	_ = 	snop  }
0x6: {  	_ = 	snop  }
0x7: {  	_ = 	snop  }
__scs_overlays_trampoline_lowered:
0x8: {  	[smem:$0x3FAA] =	sst s0  }
0x9: {  	[smem:$0x3FAB] =	sst s1  }
0xa: {  	[smem:$0x3FAC] =	sst s2  }
0xb: {  	[smem:$0x3FAD] =	sst s3  }
0xc: {  	[smem:$0x3FAE] =	sst s4  }
0xd: {  	[smem:$0x3FAF] =	sst s5  }
0xe: {  	[smem:$0x3FB0] =	sst s6  }
0xf: {  	[smem:$0x3FB1] =	sst s7  }
0x10: {  	[smem:$0x3FB2] =	sst s8  }
0x11: {  	[smem:$0x3FB3] =	sst s9;
	s0 =	simm.s32 @!p0 $0x0  }
0x12: {  	s1 =	sld [smem:$0x3F99];
	s0 =	simm.s32 @p0 $0x1  }
0x13: {  	[smem:$0x3FB4] =	sst s0;
	s0 =	simm.s32 @!p1 $0x0  }
0x14: {  	s2 =	sld [smem:$0x3F98];
	s0 =	simm.s32 @p1 $0x1  }
0x15: {  	[smem:$0x3FB5] =	sst s0;
	s0 =	simm.s32 @!p2 $0x0  }
0x16: {  	s3 =	sld [smem:$0x3FDB];
	s0 =	simm.s32 @p2 $0x1  }
0x17: {  	s4 =	simm.s32 $0x1BF5;
	[smem:$0x3FB7] =	sst s0  }
0x18: {  	s0 =	sld [smem:$0x3F9A];
	_ =	swait.ge [sflag:s4], $0x0  }
0x19: {  	s7 =	sld [smem:$0x3F9B]  }
0x1a: {  	s8 =	sadd.s32 $0xFFFFE003, lr  }
0x1b: {  	s9 =	sadd.s32 $0xFFFFFEF7, lr;
	s5 =	simm.s32 $0xFFFFFFFF;
	p2 =	slt.u32 s8, $0xFFFFF086  }
0x1c: {  	p1 =	slt.u32 s9, $0xF7A;
	s5 =	simm.s32 @!p2 $0x0  }
0x1d: {  	s5 =	simm.s32 @p1 $0x1;
	p0 =	seq.s32 s7, s2  }
0x1e: {  	s7 =	smul.u32 @!p0 $0xF7A, s2;
	p2 =	seq.s32 @!p0 s5, $0x0  }
0x1f: {  	s9 =	smul.u32 $0xF7A, s1;
	s8 =	simm.s32 @!p0 $0x1BF5;
	p2 =	por !p2, p0  }
0x20: {  	[sflag:s8] =	ssyncset.s32 @!p0 $0xFFFFF086;
	s6 =	sadd.s32 @!p0 s3, s7;
	s7 =	simm.s32 @!p0 $0x108  }
0x21: {  	s3 =	sadd.s32 s3, s9;
	s6 =	sadd.s32 @!p0 $0x88, s6;
	s7 =	simm.s32 @p2 $0x1082  }
0x22: {  	[simem:s7], [sflag:s8] =	dma.local @!p0 [hbm:s6], $0xF7A  }
0x23: {  	s9 =	sor.u32 $0xD0000000, s2;
	s6 =	simm.s32 $0x108;
	_ =	swait.ge @!p0 [sflag:s8], $0x0  }
0x24: {  	s3 =	sadd.s32 $0x88, s3;
	s6 =	simm.s32 @!p1 $0x1082;
	[sflag:s4] =	ssyncset.s32 $0xFFFFF086  }
0x25: {  	[simem:s6], [sflag:s4] =	dma.local [hbm:s3], $0xF7A  }
0x26: {  	[smem:$0x3F9B] =	sst s1;
	(tag) =	ssettag s2;
	_ =	strace s9  }
0x27: {  	s1 =	sld [smem:$0x3FAB]  }
0x28: {  	s2 =	sld [smem:$0x3FAC]  }
0x29: {  	s4 =	sld [smem:$0x3FAE]  }
0x2a: {  	p0 =	seq.s32 s5, $0x0;
	s5 =	sld [smem:$0x3FAF]  }
0x2b: {  	s6 =	sld [smem:$0x3FB0]  }
0x2c: {  	s7 =	sld [smem:$0x3FB1]  }
0x2d: {  	s3 =	simm.s32 $0x108;
	s8 =	sld [smem:$0x3FB2]  }
0x2e: {  	s3 =	simm.s32 @!p0 $0x1082;
	s9 =	sld [smem:$0x3FB3]  }
0x2f: {  	lr =	sadd.s32 s0, s3;
	s0 =	sld [smem:$0x3FAA]  }
0x30: {  	s3 =	sld [smem:$0x3FAD]  }
0x31: {  	[smem:$0x3FB6] =	sst s10  }
0x32: {  	s10 =	sld [smem:$0x3FB4];
	_ =	sdelay $0x3  }
0x33: {  	p0 =	seq.s32 s10, $0x1;
	s10 =	sld [smem:$0x3FB6];
	_ =	sdelay $0x3  }
0x34: {  	[smem:$0x3FB6] =	sst s10  }
0x35: {  	s10 =	sld [smem:$0x3FB5];
	_ =	sdelay $0x3  }
0x36: {  	p1 =	seq.s32 s10, $0x1;
	s10 =	sld [smem:$0x3FB6];
	_ =	sdelay $0x3  }
0x37: {  	[smem:$0x3FB6] =	sst s10  }
0x38: {  	s10 =	sld [smem:$0x3FB7]  }
0x39: {  	_ = 	snop;
	(pc) =	sbr.ind lr, $3  }
0x3a: {  	_ = 	snop  }
0x3b: {  	_ = 	snop  }
0x3c: {  	p2 =	seq.s32 s10, $0x1;
	s10 =	sld [smem:$0x3FB6]  }
0x3d: {  	_ =	shalt  }
0x3e: {  	_ =	shalt  }
0x3f: {  	_ =	shalt  }
0x40: {  	_ =	shalt  }
0x41: {  	_ =	shalt  }
0x42: {  	_ =	shalt  }
0x43: {  	_ =	shalt  }
0x44: {  	_ =	shalt  }
0x45: {  	_ =	shalt  }
0x46: {  	_ =	shalt  }
0x47: {  	_ =	shalt  }
0x48: {  	_ =	shalt  }
0x49: {  	_ =	shalt  }
0x4a: {  	_ =	shalt  }
0x4b: {  	_ =	shalt  }
0x4c: {  	_ =	shalt  }
0x4d: {  	_ =	shalt  }
0x4e: {  	_ =	shalt  }
0x4f: {  	_ =	shalt  }
0x50: {  	_ =	shalt  }
0x51: {  	_ =	shalt  }
0x52: {  	_ =	shalt  }
0x53: {  	_ =	shalt  }
0x54: {  	_ =	shalt  }
0x55: {  	_ =	shalt  }
0x56: {  	_ =	shalt  }
0x57: {  	_ =	shalt  }
0x58: {  	_ =	shalt  }
0x59: {  	_ =	shalt  }
0x5a: {  	_ =	shalt  }
0x5b: {  	_ =	shalt  }
0x5c: {  	_ =	shalt  }
0x5d: {  	_ =	shalt  }
0x5e: {  	_ =	shalt  }
0x5f: {  	_ =	shalt  }
0x60: {  	_ =	shalt  }
0x61: {  	_ =	shalt  }
0x62: {  	_ =	shalt  }
0x63: {  	_ =	shalt  }
0x64: {  	_ =	shalt  }
0x65: {  	_ =	shalt  }
0x66: {  	_ =	shalt  }
0x67: {  	_ =	shalt  }
0x68: {  	_ =	shalt  }
0x69: {  	_ =	shalt  }
0x6a: {  	_ =	shalt  }
0x6b: {  	_ =	shalt  }
0x6c: {  	_ =	shalt  }
0x6d: {  	_ =	shalt  }
0x6e: {  	_ =	shalt  }
0x6f: {  	_ =	shalt  }
0x70: {  	_ =	shalt  }
0x71: {  	_ =	shalt  }
0x72: {  	_ =	shalt  }
0x73: {  	_ =	shalt  }
0x74: {  	_ =	shalt  }
0x75: {  	_ =	shalt  }
0x76: {  	_ =	shalt  }
0x77: {  	_ =	shalt  }
0x78: {  	_ =	shalt  }
0x79: {  	_ =	shalt  }
0x7a: {  	_ =	shalt  }
0x7b: {  	_ =	shalt  }
0x7c: {  	_ =	shalt  }
0x7d: {  	_ =	shalt  }
0x7e: {  	_ =	shalt  }
0x7f: {  	_ =	shalt  }
0x80: {  	_ =	shalt  }
0x81: {  	_ =	shalt  }
0x82: {  	_ =	shalt  }
0x83: {  	_ =	shalt  }
0x84: {  	_ =	shalt  }
0x85: {  	_ =	shalt  }
0x86: {  	_ =	shalt  }
0x87: {  	_ =	shalt  }
.Lfunc_end0:
.L_simem_size_0:
called_computation.1_lowered:
.L_overlay_start_0:
0x88: {  	s2 =	sld [smem:$0x3FD9]  }
0x89: {  	s3 =	sld [smem:$0x3FFE];
	_ =	sdelay $0x1  }
0x8a: {  	s1 =	srdreg.scid  }
0x8b: {  	s0 =	sand.u32 $0x1, s1  }
0x8c: {  	s17 =	sshll.u32 s0, $0xA;
	s2 =	sadd.s32 s3, s2  }
0x8d: {  	s2 =	sadd.s32 s2, s17  }
0x8e: {  	[smem:$0x3FC2] =	sst s2  }
0x8f: {  	_ = 	snop  }
0x90: {  	s2 =	sld [smem:$0x3FD0];
	(tm) =	ssettm $0x1  }
0x91: {  	s18 =	sld [smem:$0x3FFB];
	_ =	sdelay $0x3  }
0x92: {  	_ =	strace s18  }
0x93: {  	s3 =	sld [smem:$0x3FFC];
	_ =	sdelay $0x3  }
0x94: {  	_ =	strace s3  }
0x95: {  	s3 =	sld [smem:$0x3FFD];
	_ =	sdelay $0x3  }
0x96: {  	_ =	strace s3  }
0x97: {  	_ =	strace $0x8FFFFFFF  }
0x98: {  	s19 =	sld [smem:$0x3FDB];
	_ =	sdelay $0x1  }
0x99: {  	s4 =	simm.s32 $_scs_section_size  }
0x9a: {  	s5 =	simm.s32 $_size__tile_overlayer_lowered;
	s6 =	simm.s32 $_tile_overlayer_lowered  }
0x9b: {  	s22 =	simm.s32 $0x1BFF;
	s21 =	sshll.u32 s6, $0x1;
	s3 =	sadd.s32 s4, s19  }
0x9c: {  	s7 =	simm.s32 $0x0;
	s20 =	sshll.u32 s5, $0x1;
	s5 =	sadd.s32 s21, s3  }
0x9d: {  	[timem:s7], [sflag:s22] =	dma.local [hbm:s5], s20  }
0x9e: {  	_ =	swait.ge [sflag:s22], s20  }
0x9f: {  	s4 =	ssub.s32 $0x0, s20;
	[sflag:s22] =	ssyncset.done $0x0  }
0xa0: {  	[sflag:s22] =	ssyncadd.s32 s4;
	_ =	sdelay $0x1  }
0xa1: {  	s23 =	simm.s32 $0x1B8B  }
0xa2: {  	_ =	swait.ge [sflag:s23], $0x1  }
0xa3: {  	[sflag:s23] =	ssyncset.done $0x0  }
0xa4: {  	s25 =	simm.s32 $0x1B8E;
	s24 =	sld [smem:$0x3FFE];
	[sflag:s23] =	ssyncadd.s32 $0xFFFFFFFF  }
0xa5: {  	s26 =	simm.s32 $execute0_lowered;
	[smem:$0x3FD2] =	sst s25  }
0xa6: {  	s5 =	sshll.u32 s26, $0x1;
	_ =	strace $0x80000049;
	[dreg:$0x1] =	wrdreg $0xFFFFFFFF  }
0xa7: {  	s28 =	simm.s32 $_size_execute0_lowered;
	s3 =	sadd.s32 s3, s5;
	[dreg:$0x0] =	wrdreg $0x0  }
0xa8: {  	s5 =	sshll.u32 s28, $0x1;
	[dreg:$0x2] =	wrdreg s3  }
0xa9: {  	[dreg:$0x3] =	wrdreg s5  }
0xaa: {  	[dreg:$0x4] =	wrdreg $0xC0  }
0xab: {  	_ =	task [dreg:s7], $0x5FFFF  }
0xac: {  	[dreg:$0x1] =	wrdreg $0xFFFFFFFF  }
0xad: {  	[dreg:$0x0] =	wrdreg $0x60  }
0xae: {  	[dreg:$0x2] =	wrdreg s2  }
0xaf: {  	[dreg:$0x3] =	wrdreg s24  }
0xb0: {  	[dreg:$0x4] =	wrdreg $0xA8000  }
0xb1: {  	[dreg:$0x5] =	wrdreg $0x9  }
0xb2: {  	_ =	task.clear_ibuf [dreg:s7], $0x6FFFF;
	_ =	strace $0x90000049  }
0xb3: {  	s29 =	simm.s32 $0x9;
	_ =	strace $0x8000004B  }
0xb4: {  	_ =	swait.ge [sflag:s29], $0x1  }
0xb5: {  	[sflag:s29] =	ssyncadd.s32 $0xFFFFFFFF  }
0xb6: {  	_ =	strace $0x9000004B  }
0xb7: {  	_ =	sfence  }
0xb8: {  	s30 =	sld [smem:$0x0];
	_ =	sdelay $0x2  }
0xb9: {  	s31 =	sshll.u32 s1, $0xD;
	s1 =	sshrl.u32 s1, $0x2  }
0xba: {  	s3 =	sand.u32 $0x4000, s31;
	s1 =	sadd.s32 s1, s30  }
0xbb: {  	s0 =	sor.u32 s3, s0;
	s1 =	sshll.u32 s1, $0x11  }
0xbc: {  	s0 =	sor.u32 s1, s0  }
0xbd: {  	s0 =	sadd.s32 $0x8F2B, s0  }
0xbe: {  	[sflag:s0] =	ssyncadd.remote.s32 $0x1  }
0xbf: {  	_ =	sfence.sel $0xFFFF  }
0xc0: {  	[dreg:$0x0] =	wrdreg $0xFFFFFFFF;
	(pc) =	sbr.abs _section_cstart, $3  }
0xc1: {  	[dreg:$0x1] =	wrdreg $0xFFFFFFFF  }
0xc2: {  	_ =	task.clear_ibuf [dreg:s7], $0x2FFFF;
	_ =	strace $0x9FFFFFFF  }
0xc3: {  	(tm) =	ssettm $0x7FFFFFFF  }
tec
execute0_lowered:
.L_overlay_start_1:
0x0: {  	(tag) =	ssettag $0x1  }
0x1: {  	s1 =	rddreg [dreg:$0x0]  }
0x2: {  	s0 =	rddreg [dreg:$0x1]  }
0x3: {  	s2 =	rddreg [dreg:$0x2];
	s3 =	simm.s32 $0x0;
	s14 =	srdreg.scid  }
0x4: {  	s10 =	stileid.u32;
	s28 =	simm.s32 $0x1480;
	s29 =	simm.s32 $0x180  }
0x5: {  	s30 =	simm.s32 $0x8800;
	s31 =	simm.s32 $0x3;
	s11 =	simm.s32 $0x8  }
0x6: {  	s12 =	simm.s32 $0x0;
	[smem:$0x7FF] =	sst s3;
	s3 =	sand.u32 $0x1, s14  }
0x7: {  	s6 =	sadd.s32 $0x17400, s0;
	s7 =	smul.u32 $0x14000, s10;
	s8 =	sadd.s32 $0x3400, s0  }
0x8: {  	s9 =	sadd.s32 $0x2B400, s0;
	s4 =	smul.u32 $0x140000, s3;
	s5 =	sshll.u32 s3, $0x4  }
0x9: {  	_ =	strace $0x8000004A;
	s5 =	sor.u32 s10, s5;
	s10 =	smul.u32 $0x50000, s10  }
0xa: {  	[dreg:$0x4] =	wrdreg s9;
	s3 =	ssub.s32 $0x2, s3;
	s15 =	smul.u32 $0xA00, s5  }
0xb: {  	s16 =	sshrl.u32 s3, $0x1;
	s4 =	sadd.s32 s7, s4;
	s5 =	smul.u32 $0x5000, s5  }
0xc: {  	s3 =	ssub.s32 s3, s16;
	s7 =	simm.s32 $0x1580;
	s4 =	sshrl.u32 s4, $0x3  }
0xd: {  	s19 =	sshrl.u32 s10, $0x2;
	s26 =	smax.u32 s3, $0x1;
	s10 =	simm.s32 $0x7  }
0xe: {  	s0 =	sadd.s32 s4, s0;
	s18 =	sadd.s32 s6, s15;
	[dreg:$0xf] =	wrdreg s26  }
0xf: {  	s17 =	sshrl.u32 s5, $0x3;
	s9 =	sadd.s32 s8, s15;
	[dreg:$0x5] =	wrdreg s18  }
0x10: {  	s5 =	sadd.s32 s19, s2;
	s19 =	simm.s32 $0x40;
	[dreg:$0x6] =	wrdreg s9  }
0x11: {  	s26 =	simm.s32 $0x2;
	s20 =	sadd.s32 $0x280, s17;
	[dreg:$0x7] =	wrdreg s5  }
0x12: {  	s23 =	sadd.s32 $0x500, s17;
	s4 =	sadd.s32 $0x780, s17;
	s0 =	sadd.s32 $0x2DC00, s0  }
0x13: {  	s17 =	simm.s32 $0x9;
	s18 =	simm.s32 $0x1400;
	s9 =	simm.s32 $0x280  }
0x14: {  	s21 =	sadd.s32 s6, s20;
	s22 =	sadd.s32 s8, s20;
	[dreg:$0xe] =	wrdreg s0  }
0x15: {  	s24 =	sadd.s32 s6, s23;
	s5 =	sadd.s32 s8, s23;
	[dreg:$0x8] =	wrdreg s21  }
0x16: {  	s25 =	sadd.s32 s6, s4;
	s4 =	sadd.s32 s8, s4;
	[dreg:$0x9] =	wrdreg s22  }
.Ltmp0:
0x17: {  	s20 =	simm.s32 $0x2800;
	[dreg:$0xa] =	wrdreg s24;
	(pc) =	sbr.rel .LBB2_1-.Ltmp0, $4  }
0x18: {  	s23 =	simm.s32 $0x1;
	s0 =	simm.s32 $0x1500;
	[dreg:$0xb] =	wrdreg s5  }
0x19: {  	s6 =	simm.s32 $0x4;
	s8 =	simm.s32 $0x6;
	[dreg:$0xc] =	wrdreg s25  }
0x1a: {  	[dreg:$0xd] =	wrdreg s4;
	s22 =	simm.s32 $0x4800;
	s24 =	simm.s32 $0x100  }
0x1b: {  	s25 =	simm.s32 $0x6800;
	s4 =	simm.s32 $0x5;
	s5 =	simm.s32 $0x200  }
.LBB2_13:
0x1c: {  	_ =	swait.ge [sflag:s6], $0x2000  }
0x1d: {  	[sflag:s6] =	ssyncset.done $0x0  }
0x1e: {  	[sflag:s6] =	ssyncadd.s32 $0xFFFFE000  }
0x1f: {  	[spmem:s2] =	stream.indirect.scatter.add.f32 [tilespmem:s30], [sflag:$0x8], $0x80, s3, s19, $0xb8;
	[tilespmem:$0x1E800] =	vst v63  }
0x20: {  	_ =	swait.ge [sflag:s8], $0x2000  }
0x21: {  	[sflag:s8] =	ssyncset.done $0x0  }
0x22: {  	[sflag:s8] =	ssyncadd.s32 $0xFFFFE000  }
0x23: {  	_ =	swait.ge [sflag:s10], $0x2000  }
0x24: {  	[sflag:s10] =	ssyncset.done $0x0  }
0x25: {  	[sflag:s10] =	ssyncadd.s32 $0xFFFFE000  }
0x26: {  	_ =	swait.ge [sflag:s11], $0x2000  }
0x27: {  	[sflag:s11] =	ssyncset.done $0x0  }
0x28: {  	[sflag:s11] =	ssyncadd.s32 $0xFFFFE000  }
0x29: {  	[bflag:$0x0] =	sbarrier.arrive $0xFFFF  }
0x2a: {  	s16 =	rddreg [dreg:$0xe]  }
0x2b: {  	[hbm:s16], [sflag:s13] =	dma.local [spmem:s14], $0x2800  }
0x2c: {  	_ =	swait.ge [sflag:s17], $0x2800  }
0x2d: {  	s12 =	sadd.s32 $0x1, s12;
	s21 =	rddreg [dreg:$0xf]  }
0x2e: {  	p0 =	sne.s32 s12, s21  }
.Ltmp1:
0x2f: {  	_ = 	snop;
	(pc) =	sbr.rel @!p0 .LBB2_14-.Ltmp1, $3  }
0x30: {  	_ =	sdelay $0x1  }
0x31: {  	[sflag:s17] =	ssyncset.done $0x0  }
0x32: {  	[sflag:s17] =	ssyncadd.s32 $0xFFFFD800  }
.LBB2_1:
0x33: {  	s3 =	simm.s32 $0x0;
	s13 =	rddreg [dreg:$0x5]  }
0x34: {  	[tilespmem:s3], [sflag:$0x9] =	stream.linear.gather [hbm4b:s13+s3], $0x1400, $0x38;
	[tilespmem:$0x1E800] =	vst v63  }
0x35: {  	_ =	swait.ge [sflag:s17], $0x1400  }
0x36: {  	[sflag:s17] =	ssyncset.done $0x0  }
0x37: {  	s21 =	rddreg [dreg:$0x6];
	[sflag:s17] =	ssyncadd.s32 $0xFFFFEC00  }
0x38: {  	[tilespmem:s18], [sflag:$0x9] =	stream.linear.gather [hbm4b:s21+s3], $0x1400, $0x38;
	[tilespmem:$0x1E800] =	vst v63  }
0x39: {  	_ =	swait.ge [sflag:s17], $0x1400  }
0x3a: {  	[sflag:s17] =	ssyncset.done $0x0  }
0x3b: {  	s15 =	stileid.u32;
	[sflag:s17] =	ssyncadd.s32 $0xFFFFEC00  }
0x3c: {  	[tilespmem:s20], [sflag:$0x1] =	stream.indirect.gather [hbm4b:s1+s19], $0x80, s3, s19, $0xb8;
	[tilespmem:$0x1E800] =	vst v63  }
0x3d: {  	s14 =	simm.s32 $0x80;
	s16 =	rddreg [dreg:$0x7];
	s3 =	sshll.u32 s15, $0x6  }
0x3e: {  	[tilespmem:s22], [sflag:$0x2] =	stream.indirect.gather [hbm4b:s1+s19], $0x80, s14, s19, $0xb8;
	[tilespmem:$0x1E800] =	vst v63  }
0x3f: {  	s21 =	rddreg [dreg:$0x4];
	s13 =	sor.u32 $0x1C09, s3;
	s14 =	sshrl.u32 s16, $0x3  }
0x40: {  	[spmem:s14], [sflag:s13] =	dma.local [hbm:s21], $0x2800  }
0x41: {  	_ =	swait.ge [sflag:s17], $0x2800  }
0x42: {  	[sflag:s17] =	ssyncset.done $0x0  }
0x43: {  	[sflag:s17] =	ssyncadd.s32 $0xFFFFD800  }
0x44: {  	[bflag:$0x0] =	sbarrier.arrive $0xFFFF  }
0x45: {  	_ =	swait.ge [sflag:s23], $0x2000  }
0x46: {  	[sflag:s23] =	ssyncset.done $0x0  }
0x47: {  	[sflag:s23] =	ssyncadd.s32 $0xFFFFE000  }
0x48: {  	[spmem:s2] =	stream.indirect.scatter.add.f32 [tilespmem:s20], [sflag:$0x5], $0x80, s18, s19, $0xb8;
	[tilespmem:$0x1E800] =	vst v63  }
0x49: {  	_ = 	snop  }
0x4a: {  	[tilespmem:s25], [sflag:$0x3] =	stream.indirect.gather [hbm4b:s1+s19], $0x80, s24, s19, $0xb8;
	[tilespmem:$0x1E800] =	vst v63  }
0x4b: {  	_ =	swait.ge [sflag:s26], $0x2000  }
0x4c: {  	[sflag:s26] =	ssyncset.done $0x0  }
0x4d: {  	[sflag:s26] =	ssyncadd.s32 $0xFFFFE000  }
0x4e: {  	[spmem:s2] =	stream.indirect.scatter.add.f32 [tilespmem:s22], [sflag:$0x6], $0x80, s28, s19, $0xb8;
	[tilespmem:$0x1E800] =	vst v63  }
0x4f: {  	_ = 	snop  }
0x50: {  	[tilespmem:s30], [sflag:$0x4] =	stream.indirect.gather [hbm4b:s1+s19], $0x80, s29, s19, $0xb8;
	[tilespmem:$0x1E800] =	vst v63  }
0x51: {  	_ =	swait.ge [sflag:s31], $0x2000  }
0x52: {  	[sflag:s31] =	ssyncset.done $0x0  }
0x53: {  	[sflag:s31] =	ssyncadd.s32 $0xFFFFE000  }
0x54: {  	[spmem:s2] =	stream.indirect.scatter.add.f32 [tilespmem:s25], [sflag:$0x7], $0x80, s0, s19, $0xb8;
	[tilespmem:$0x1E800] =	vst v63  }
0x55: {  	_ =	swait.ge [sflag:s4], $0x2000  }
0x56: {  	[sflag:s4] =	ssyncset.done $0x0  }
0x57: {  	[sflag:s4] =	ssyncadd.s32 $0xFFFFE000  }
0x58: {  	[tilespmem:s20], [sflag:$0x1] =	stream.indirect.gather [hbm4b:s1+s19], $0x80, s5, s19, $0xb8;
	[tilespmem:$0x1E800] =	vst v63  }
0x59: {  	_ =	swait.ge [sflag:s6], $0x2000  }
0x5a: {  	[sflag:s6] =	ssyncset.done $0x0  }
0x5b: {  	[sflag:s6] =	ssyncadd.s32 $0xFFFFE000  }
0x5c: {  	[spmem:s2] =	stream.indirect.scatter.add.f32 [tilespmem:s30], [sflag:$0x8], $0x80, s7, s19, $0xb8;
	[tilespmem:$0x1E800] =	vst v63  }
0x5d: {  	_ =	swait.ge [sflag:s8], $0x2000  }
0x5e: {  	[sflag:s8] =	ssyncset.done $0x0  }
0x5f: {  	s15 =	simm.s32 $0x0;
	[sflag:s8] =	ssyncadd.s32 $0xFFFFE000  }
0x60: {  	[tilespmem:s22], [sflag:$0x2] =	stream.indirect.gather [hbm4b:s1+s19], $0x80, s9, s19, $0xb8;
	[tilespmem:$0x1E800] =	vst v63  }
.LBB2_2:
0x61: {  	_ =	swait.ge [sflag:s23], $0x2000  }
0x62: {  	s16 =	sshra.s32 s15, $0x2;
	[sflag:s23] =	ssyncset.done $0x0  }
0x63: {  	s3 =	sadd.s32 $0x1600, s16;
	[sflag:s23] =	ssyncadd.s32 $0xFFFFE000  }
0x64: {  	[spmem:s2] =	stream.indirect.scatter.add.f32 [tilespmem:s20], [sflag:$0x5], $0x80, s3, s19, $0xb8;
	[tilespmem:$0x1E800] =	vst v63  }
0x65: {  	_ =	swait.ge [sflag:s10], $0x2000  }
0x66: {  	[sflag:s10] =	ssyncset.done $0x0  }
0x67: {  	s21 =	sadd.s32 $0x300, s16;
	[sflag:s10] =	ssyncadd.s32 $0xFFFFE000  }
0x68: {  	[tilespmem:s25], [sflag:$0x3] =	stream.indirect.gather [hbm4b:s1+s19], $0x80, s21, s19, $0xb8;
	[tilespmem:$0x1E800] =	vst v63  }
0x69: {  	_ =	swait.ge [sflag:s26], $0x2000  }
0x6a: {  	[sflag:s26] =	ssyncset.done $0x0  }
0x6b: {  	s21 =	sadd.s32 $0x1680, s16;
	[sflag:s26] =	ssyncadd.s32 $0xFFFFE000  }
0x6c: {  	[spmem:s2] =	stream.indirect.scatter.add.f32 [tilespmem:s22], [sflag:$0x6], $0x80, s21, s19, $0xb8;
	[tilespmem:$0x1E800] =	vst v63  }
0x6d: {  	_ =	swait.ge [sflag:s11], $0x2000  }
0x6e: {  	[sflag:s11] =	ssyncset.done $0x0  }
0x6f: {  	s21 =	sadd.s32 $0x380, s16;
	[sflag:s11] =	ssyncadd.s32 $0xFFFFE000  }
0x70: {  	[tilespmem:s30], [sflag:$0x4] =	stream.indirect.gather [hbm4b:s1+s19], $0x80, s21, s19, $0xb8;
	[tilespmem:$0x1E800] =	vst v63  }
0x71: {  	_ =	swait.ge [sflag:s31], $0x2000  }
0x72: {  	p0 =	seq.s32 s15, $0x4000;
	[sflag:s31] =	ssyncset.done $0x0  }
.Ltmp2:
0x73: {  	s21 =	sadd.s32 $0x1700, s16;
	[sflag:s31] =	ssyncadd.s32 $0xFFFFE000;
	(pc) =	sbr.rel @p0 .LBB2_4-.Ltmp2, $4  }
0x74: {  	[spmem:s2] =	stream.indirect.scatter.add.f32 [tilespmem:s25], [sflag:$0x7], $0x80, s21, s19, $0xb8;
	[tilespmem:$0x1E800] =	vst v63  }
0x75: {  	_ =	swait.ge [sflag:s4], $0x2000  }
0x76: {  	[sflag:s4] =	ssyncset.done $0x0  }
0x77: {  	s3 =	sadd.s32 $0x1780, s16;
	[sflag:s4] =	ssyncadd.s32 $0xFFFFE000  }
0x78: {  	s21 =	sadd.s32 $0x400, s16  }
0x79: {  	[tilespmem:s20], [sflag:$0x1] =	stream.indirect.gather [hbm4b:s1+s19], $0x80, s21, s19, $0xb8;
	[tilespmem:$0x1E800] =	vst v63  }
0x7a: {  	_ =	swait.ge [sflag:s6], $0x2000  }
0x7b: {  	[sflag:s6] =	ssyncset.done $0x0  }
0x7c: {  	[sflag:s6] =	ssyncadd.s32 $0xFFFFE000  }
0x7d: {  	[spmem:s2] =	stream.indirect.scatter.add.f32 [tilespmem:s30], [sflag:$0x8], $0x80, s3, s19, $0xb8;
	[tilespmem:$0x1E800] =	vst v63  }
.Ltmp3:
0x7e: {  	_ = 	snop;
	(pc) =	sbr.rel .LBB2_2-.Ltmp3, $4  }
0x7f: {  	_ =	swait.ge [sflag:s8], $0x2000  }
0x80: {  	[sflag:s8] =	ssyncset.done $0x0  }
0x81: {  	s15 =	sadd.s32 $0x800, s15;
	s21 =	sadd.s32 $0x480, s16;
	[sflag:s8] =	ssyncadd.s32 $0xFFFFE000  }
0x82: {  	[tilespmem:s22], [sflag:$0x2] =	stream.indirect.gather [hbm4b:s1+s19], $0x80, s21, s19, $0xb8;
	[tilespmem:$0x1E800] =	vst v63  }
.LBB2_4:
0x83: {  	_ =	swait.ge [sflag:s6], $0x2000  }
0x84: {  	[sflag:s6] =	ssyncset.done $0x0  }
0x85: {  	[sflag:s6] =	ssyncadd.s32 $0xFFFFE000  }
0x86: {  	[spmem:s2] =	stream.indirect.scatter.add.f32 [tilespmem:s30], [sflag:$0x8], $0x80, s3, s19, $0xb8;
	[tilespmem:$0x1E800] =	vst v63  }
0x87: {  	_ =	swait.ge [sflag:s8], $0x2000  }
0x88: {  	[sflag:s8] =	ssyncset.done $0x0  }
0x89: {  	[sflag:s8] =	ssyncadd.s32 $0xFFFFE000  }
0x8a: {  	_ =	swait.ge [sflag:s10], $0x2000  }
0x8b: {  	[sflag:s10] =	ssyncset.done $0x0  }
0x8c: {  	[sflag:s10] =	ssyncadd.s32 $0xFFFFE000  }
0x8d: {  	_ =	swait.ge [sflag:s11], $0x2000  }
0x8e: {  	[sflag:s11] =	ssyncset.done $0x0  }
0x8f: {  	s15 =	simm.s32 $0x0;
	s21 =	rddreg [dreg:$0x8];
	[sflag:s11] =	ssyncadd.s32 $0xFFFFE000  }
0x90: {  	[tilespmem:s15], [sflag:$0x9] =	stream.linear.gather [hbm4b:s21+s15], $0x1400, $0x38;
	[tilespmem:$0x1E800] =	vst v63  }
0x91: {  	_ =	swait.ge [sflag:s17], $0x1400  }
0x92: {  	[sflag:s17] =	ssyncset.done $0x0  }
0x93: {  	s16 =	rddreg [dreg:$0x9];
	[sflag:s17] =	ssyncadd.s32 $0xFFFFEC00  }
0x94: {  	[tilespmem:s18], [sflag:$0x9] =	stream.linear.gather [hbm4b:s16+s15], $0x1400, $0x38;
	[tilespmem:$0x1E800] =	vst v63  }
0x95: {  	_ =	swait.ge [sflag:s17], $0x1400  }
0x96: {  	[sflag:s17] =	ssyncset.done $0x0  }
0x97: {  	[sflag:s17] =	ssyncadd.s32 $0xFFFFEC00  }
0x98: {  	[tilespmem:s20], [sflag:$0x1] =	stream.indirect.gather [hbm4b:s1+s19], $0x80, s15, s19, $0xb8;
	[tilespmem:$0x1E800] =	vst v63  }
0x99: {  	s21 =	simm.s32 $0x80  }
0x9a: {  	[tilespmem:s22], [sflag:$0x2] =	stream.indirect.gather [hbm4b:s1+s19], $0x80, s21, s19, $0xb8;
	[tilespmem:$0x1E800] =	vst v63  }
0x9b: {  	_ =	swait.ge [sflag:s23], $0x2000  }
0x9c: {  	[sflag:s23] =	ssyncset.done $0x0  }
0x9d: {  	[sflag:s23] =	ssyncadd.s32 $0xFFFFE000  }
0x9e: {  	[spmem:s2] =	stream.indirect.scatter.add.f32 [tilespmem:s20], [sflag:$0x5], $0x80, s18, s19, $0xb8;
	[tilespmem:$0x1E800] =	vst v63  }
0x9f: {  	_ = 	snop  }
0xa0: {  	[tilespmem:s25], [sflag:$0x3] =	stream.indirect.gather [hbm4b:s1+s19], $0x80, s24, s19, $0xb8;
	[tilespmem:$0x1E800] =	vst v63  }
0xa1: {  	_ =	swait.ge [sflag:s26], $0x2000  }
0xa2: {  	[sflag:s26] =	ssyncset.done $0x0  }
0xa3: {  	[sflag:s26] =	ssyncadd.s32 $0xFFFFE000  }
0xa4: {  	[spmem:s2] =	stream.indirect.scatter.add.f32 [tilespmem:s22], [sflag:$0x6], $0x80, s28, s19, $0xb8;
	[tilespmem:$0x1E800] =	vst v63  }
0xa5: {  	_ = 	snop  }
0xa6: {  	[tilespmem:s30], [sflag:$0x4] =	stream.indirect.gather [hbm4b:s1+s19], $0x80, s29, s19, $0xb8;
	[tilespmem:$0x1E800] =	vst v63  }
0xa7: {  	_ =	swait.ge [sflag:s31], $0x2000  }
0xa8: {  	[sflag:s31] =	ssyncset.done $0x0  }
0xa9: {  	[sflag:s31] =	ssyncadd.s32 $0xFFFFE000  }
0xaa: {  	[spmem:s2] =	stream.indirect.scatter.add.f32 [tilespmem:s25], [sflag:$0x7], $0x80, s0, s19, $0xb8;
	[tilespmem:$0x1E800] =	vst v63  }
0xab: {  	_ =	swait.ge [sflag:s4], $0x2000  }
0xac: {  	[sflag:s4] =	ssyncset.done $0x0  }
0xad: {  	[sflag:s4] =	ssyncadd.s32 $0xFFFFE000  }
0xae: {  	[tilespmem:s20], [sflag:$0x1] =	stream.indirect.gather [hbm4b:s1+s19], $0x80, s5, s19, $0xb8;
	[tilespmem:$0x1E800] =	vst v63  }
0xaf: {  	_ =	swait.ge [sflag:s6], $0x2000  }
0xb0: {  	[sflag:s6] =	ssyncset.done $0x0  }
0xb1: {  	[sflag:s6] =	ssyncadd.s32 $0xFFFFE000  }
0xb2: {  	[spmem:s2] =	stream.indirect.scatter.add.f32 [tilespmem:s30], [sflag:$0x8], $0x80, s7, s19, $0xb8;
	[tilespmem:$0x1E800] =	vst v63  }
0xb3: {  	_ =	swait.ge [sflag:s8], $0x2000  }
0xb4: {  	[sflag:s8] =	ssyncset.done $0x0  }
0xb5: {  	[sflag:s8] =	ssyncadd.s32 $0xFFFFE000  }
0xb6: {  	[tilespmem:s22], [sflag:$0x2] =	stream.indirect.gather [hbm4b:s1+s19], $0x80, s9, s19, $0xb8;
	[tilespmem:$0x1E800] =	vst v63  }
.LBB2_5:
0xb7: {  	_ =	swait.ge [sflag:s23], $0x2000  }
0xb8: {  	s16 =	sshra.s32 s15, $0x2;
	[sflag:s23] =	ssyncset.done $0x0  }
0xb9: {  	s3 =	sadd.s32 $0x1600, s16;
	[sflag:s23] =	ssyncadd.s32 $0xFFFFE000  }
0xba: {  	[spmem:s2] =	stream.indirect.scatter.add.f32 [tilespmem:s20], [sflag:$0x5], $0x80, s3, s19, $0xb8;
	[tilespmem:$0x1E800] =	vst v63  }
0xbb: {  	_ =	swait.ge [sflag:s10], $0x2000  }
0xbc: {  	[sflag:s10] =	ssyncset.done $0x0  }
0xbd: {  	s21 =	sadd.s32 $0x300, s16;
	[sflag:s10] =	ssyncadd.s32 $0xFFFFE000  }
0xbe: {  	[tilespmem:s25], [sflag:$0x3] =	stream.indirect.gather [hbm4b:s1+s19], $0x80, s21, s19, $0xb8;
	[tilespmem:$0x1E800] =	vst v63  }
0xbf: {  	_ =	swait.ge [sflag:s26], $0x2000  }
0xc0: {  	[sflag:s26] =	ssyncset.done $0x0  }
0xc1: {  	s21 =	sadd.s32 $0x1680, s16;
	[sflag:s26] =	ssyncadd.s32 $0xFFFFE000  }
0xc2: {  	[spmem:s2] =	stream.indirect.scatter.add.f32 [tilespmem:s22], [sflag:$0x6], $0x80, s21, s19, $0xb8;
	[tilespmem:$0x1E800] =	vst v63  }
0xc3: {  	_ =	swait.ge [sflag:s11], $0x2000  }
0xc4: {  	[sflag:s11] =	ssyncset.done $0x0  }
0xc5: {  	s21 =	sadd.s32 $0x380, s16;
	[sflag:s11] =	ssyncadd.s32 $0xFFFFE000  }
0xc6: {  	[tilespmem:s30], [sflag:$0x4] =	stream.indirect.gather [hbm4b:s1+s19], $0x80, s21, s19, $0xb8;
	[tilespmem:$0x1E800] =	vst v63  }
0xc7: {  	_ =	swait.ge [sflag:s31], $0x2000  }
0xc8: {  	p0 =	seq.s32 s15, $0x4000;
	[sflag:s31] =	ssyncset.done $0x0  }
.Ltmp4:
0xc9: {  	s21 =	sadd.s32 $0x1700, s16;
	[sflag:s31] =	ssyncadd.s32 $0xFFFFE000;
	(pc) =	sbr.rel @p0 .LBB2_7-.Ltmp4, $4  }
0xca: {  	[spmem:s2] =	stream.indirect.scatter.add.f32 [tilespmem:s25], [sflag:$0x7], $0x80, s21, s19, $0xb8;
	[tilespmem:$0x1E800] =	vst v63  }
0xcb: {  	_ =	swait.ge [sflag:s4], $0x2000  }
0xcc: {  	[sflag:s4] =	ssyncset.done $0x0  }
0xcd: {  	s3 =	sadd.s32 $0x1780, s16;
	[sflag:s4] =	ssyncadd.s32 $0xFFFFE000  }
0xce: {  	s21 =	sadd.s32 $0x400, s16  }
0xcf: {  	[tilespmem:s20], [sflag:$0x1] =	stream.indirect.gather [hbm4b:s1+s19], $0x80, s21, s19, $0xb8;
	[tilespmem:$0x1E800] =	vst v63  }
0xd0: {  	_ =	swait.ge [sflag:s6], $0x2000  }
0xd1: {  	[sflag:s6] =	ssyncset.done $0x0  }
0xd2: {  	[sflag:s6] =	ssyncadd.s32 $0xFFFFE000  }
0xd3: {  	[spmem:s2] =	stream.indirect.scatter.add.f32 [tilespmem:s30], [sflag:$0x8], $0x80, s3, s19, $0xb8;
	[tilespmem:$0x1E800] =	vst v63  }
.Ltmp5:
0xd4: {  	_ = 	snop;
	(pc) =	sbr.rel .LBB2_5-.Ltmp5, $4  }
0xd5: {  	_ =	swait.ge [sflag:s8], $0x2000  }
0xd6: {  	[sflag:s8] =	ssyncset.done $0x0  }
0xd7: {  	s15 =	sadd.s32 $0x800, s15;
	s21 =	sadd.s32 $0x480, s16;
	[sflag:s8] =	ssyncadd.s32 $0xFFFFE000  }
0xd8: {  	[tilespmem:s22], [sflag:$0x2] =	stream.indirect.gather [hbm4b:s1+s19], $0x80, s21, s19, $0xb8;
	[tilespmem:$0x1E800] =	vst v63  }
.LBB2_7:
0xd9: {  	_ =	swait.ge [sflag:s6], $0x2000  }
0xda: {  	[sflag:s6] =	ssyncset.done $0x0  }
0xdb: {  	[sflag:s6] =	ssyncadd.s32 $0xFFFFE000  }
0xdc: {  	[spmem:s2] =	stream.indirect.scatter.add.f32 [tilespmem:s30], [sflag:$0x8], $0x80, s3, s19, $0xb8;
	[tilespmem:$0x1E800] =	vst v63  }
0xdd: {  	_ =	swait.ge [sflag:s8], $0x2000  }
0xde: {  	[sflag:s8] =	ssyncset.done $0x0  }
0xdf: {  	[sflag:s8] =	ssyncadd.s32 $0xFFFFE000  }
0xe0: {  	_ =	swait.ge [sflag:s10], $0x2000  }
0xe1: {  	[sflag:s10] =	ssyncset.done $0x0  }
0xe2: {  	[sflag:s10] =	ssyncadd.s32 $0xFFFFE000  }
0xe3: {  	_ =	swait.ge [sflag:s11], $0x2000  }
0xe4: {  	[sflag:s11] =	ssyncset.done $0x0  }
0xe5: {  	s15 =	simm.s32 $0x0;
	s21 =	rddreg [dreg:$0xa];
	[sflag:s11] =	ssyncadd.s32 $0xFFFFE000  }
0xe6: {  	[tilespmem:s15], [sflag:$0x9] =	stream.linear.gather [hbm4b:s21+s15], $0x1400, $0x38;
	[tilespmem:$0x1E800] =	vst v63  }
0xe7: {  	_ =	swait.ge [sflag:s17], $0x1400  }
0xe8: {  	[sflag:s17] =	ssyncset.done $0x0  }
0xe9: {  	s16 =	rddreg [dreg:$0xb];
	[sflag:s17] =	ssyncadd.s32 $0xFFFFEC00  }
0xea: {  	[tilespmem:s18], [sflag:$0x9] =	stream.linear.gather [hbm4b:s16+s15], $0x1400, $0x38;
	[tilespmem:$0x1E800] =	vst v63  }
0xeb: {  	_ =	swait.ge [sflag:s17], $0x1400  }
0xec: {  	[sflag:s17] =	ssyncset.done $0x0  }
0xed: {  	[sflag:s17] =	ssyncadd.s32 $0xFFFFEC00  }
0xee: {  	[tilespmem:s20], [sflag:$0x1] =	stream.indirect.gather [hbm4b:s1+s19], $0x80, s15, s19, $0xb8;
	[tilespmem:$0x1E800] =	vst v63  }
0xef: {  	s21 =	simm.s32 $0x80  }
0xf0: {  	[tilespmem:s22], [sflag:$0x2] =	stream.indirect.gather [hbm4b:s1+s19], $0x80, s21, s19, $0xb8;
	[tilespmem:$0x1E800] =	vst v63  }
0xf1: {  	_ =	swait.ge [sflag:s23], $0x2000  }
0xf2: {  	[sflag:s23] =	ssyncset.done $0x0  }
0xf3: {  	[sflag:s23] =	ssyncadd.s32 $0xFFFFE000  }
0xf4: {  	[spmem:s2] =	stream.indirect.scatter.add.f32 [tilespmem:s20], [sflag:$0x5], $0x80, s18, s19, $0xb8;
	[tilespmem:$0x1E800] =	vst v63  }
0xf5: {  	_ = 	snop  }
0xf6: {  	[tilespmem:s25], [sflag:$0x3] =	stream.indirect.gather [hbm4b:s1+s19], $0x80, s24, s19, $0xb8;
	[tilespmem:$0x1E800] =	vst v63  }
0xf7: {  	_ =	swait.ge [sflag:s26], $0x2000  }
0xf8: {  	[sflag:s26] =	ssyncset.done $0x0  }
0xf9: {  	[sflag:s26] =	ssyncadd.s32 $0xFFFFE000  }
0xfa: {  	[spmem:s2] =	stream.indirect.scatter.add.f32 [tilespmem:s22], [sflag:$0x6], $0x80, s28, s19, $0xb8;
	[tilespmem:$0x1E800] =	vst v63  }
0xfb: {  	_ = 	snop  }
0xfc: {  	[tilespmem:s30], [sflag:$0x4] =	stream.indirect.gather [hbm4b:s1+s19], $0x80, s29, s19, $0xb8;
	[tilespmem:$0x1E800] =	vst v63  }
0xfd: {  	_ =	swait.ge [sflag:s31], $0x2000  }
0xfe: {  	[sflag:s31] =	ssyncset.done $0x0  }
0xff: {  	[sflag:s31] =	ssyncadd.s32 $0xFFFFE000  }
0x100: {  	[spmem:s2] =	stream.indirect.scatter.add.f32 [tilespmem:s25], [sflag:$0x7], $0x80, s0, s19, $0xb8;
	[tilespmem:$0x1E800] =	vst v63  }
0x101: {  	_ =	swait.ge [sflag:s4], $0x2000  }
0x102: {  	[sflag:s4] =	ssyncset.done $0x0  }
0x103: {  	[sflag:s4] =	ssyncadd.s32 $0xFFFFE000  }
0x104: {  	[tilespmem:s20], [sflag:$0x1] =	stream.indirect.gather [hbm4b:s1+s19], $0x80, s5, s19, $0xb8;
	[tilespmem:$0x1E800] =	vst v63  }
0x105: {  	_ =	swait.ge [sflag:s6], $0x2000  }
0x106: {  	[sflag:s6] =	ssyncset.done $0x0  }
0x107: {  	[sflag:s6] =	ssyncadd.s32 $0xFFFFE000  }
0x108: {  	[spmem:s2] =	stream.indirect.scatter.add.f32 [tilespmem:s30], [sflag:$0x8], $0x80, s7, s19, $0xb8;
	[tilespmem:$0x1E800] =	vst v63  }
0x109: {  	_ =	swait.ge [sflag:s8], $0x2000  }
0x10a: {  	[sflag:s8] =	ssyncset.done $0x0  }
0x10b: {  	[sflag:s8] =	ssyncadd.s32 $0xFFFFE000  }
0x10c: {  	[tilespmem:s22], [sflag:$0x2] =	stream.indirect.gather [hbm4b:s1+s19], $0x80, s9, s19, $0xb8;
	[tilespmem:$0x1E800] =	vst v63  }
.LBB2_8:
0x10d: {  	_ =	swait.ge [sflag:s23], $0x2000  }
0x10e: {  	s16 =	sshra.s32 s15, $0x2;
	[sflag:s23] =	ssyncset.done $0x0  }
0x10f: {  	s3 =	sadd.s32 $0x1600, s16;
	[sflag:s23] =	ssyncadd.s32 $0xFFFFE000  }
0x110: {  	[spmem:s2] =	stream.indirect.scatter.add.f32 [tilespmem:s20], [sflag:$0x5], $0x80, s3, s19, $0xb8;
	[tilespmem:$0x1E800] =	vst v63  }
0x111: {  	_ =	swait.ge [sflag:s10], $0x2000  }
0x112: {  	[sflag:s10] =	ssyncset.done $0x0  }
0x113: {  	s21 =	sadd.s32 $0x300, s16;
	[sflag:s10] =	ssyncadd.s32 $0xFFFFE000  }
0x114: {  	[tilespmem:s25], [sflag:$0x3] =	stream.indirect.gather [hbm4b:s1+s19], $0x80, s21, s19, $0xb8;
	[tilespmem:$0x1E800] =	vst v63  }
0x115: {  	_ =	swait.ge [sflag:s26], $0x2000  }
0x116: {  	[sflag:s26] =	ssyncset.done $0x0  }
0x117: {  	s21 =	sadd.s32 $0x1680, s16;
	[sflag:s26] =	ssyncadd.s32 $0xFFFFE000  }
0x118: {  	[spmem:s2] =	stream.indirect.scatter.add.f32 [tilespmem:s22], [sflag:$0x6], $0x80, s21, s19, $0xb8;
	[tilespmem:$0x1E800] =	vst v63  }
0x119: {  	_ =	swait.ge [sflag:s11], $0x2000  }
0x11a: {  	[sflag:s11] =	ssyncset.done $0x0  }
0x11b: {  	s21 =	sadd.s32 $0x380, s16;
	[sflag:s11] =	ssyncadd.s32 $0xFFFFE000  }
0x11c: {  	[tilespmem:s30], [sflag:$0x4] =	stream.indirect.gather [hbm4b:s1+s19], $0x80, s21, s19, $0xb8;
	[tilespmem:$0x1E800] =	vst v63  }
0x11d: {  	_ =	swait.ge [sflag:s31], $0x2000  }
0x11e: {  	p0 =	seq.s32 s15, $0x4000;
	[sflag:s31] =	ssyncset.done $0x0  }
.Ltmp6:
0x11f: {  	s21 =	sadd.s32 $0x1700, s16;
	[sflag:s31] =	ssyncadd.s32 $0xFFFFE000;
	(pc) =	sbr.rel @p0 .LBB2_10-.Ltmp6, $4  }
0x120: {  	[spmem:s2] =	stream.indirect.scatter.add.f32 [tilespmem:s25], [sflag:$0x7], $0x80, s21, s19, $0xb8;
	[tilespmem:$0x1E800] =	vst v63  }
0x121: {  	_ =	swait.ge [sflag:s4], $0x2000  }
0x122: {  	[sflag:s4] =	ssyncset.done $0x0  }
0x123: {  	s3 =	sadd.s32 $0x1780, s16;
	[sflag:s4] =	ssyncadd.s32 $0xFFFFE000  }
0x124: {  	s21 =	sadd.s32 $0x400, s16  }
0x125: {  	[tilespmem:s20], [sflag:$0x1] =	stream.indirect.gather [hbm4b:s1+s19], $0x80, s21, s19, $0xb8;
	[tilespmem:$0x1E800] =	vst v63  }
0x126: {  	_ =	swait.ge [sflag:s6], $0x2000  }
0x127: {  	[sflag:s6] =	ssyncset.done $0x0  }
0x128: {  	[sflag:s6] =	ssyncadd.s32 $0xFFFFE000  }
0x129: {  	[spmem:s2] =	stream.indirect.scatter.add.f32 [tilespmem:s30], [sflag:$0x8], $0x80, s3, s19, $0xb8;
	[tilespmem:$0x1E800] =	vst v63  }
.Ltmp7:
0x12a: {  	_ = 	snop;
	(pc) =	sbr.rel .LBB2_8-.Ltmp7, $4  }
0x12b: {  	_ =	swait.ge [sflag:s8], $0x2000  }
0x12c: {  	[sflag:s8] =	ssyncset.done $0x0  }
0x12d: {  	s15 =	sadd.s32 $0x800, s15;
	s21 =	sadd.s32 $0x480, s16;
	[sflag:s8] =	ssyncadd.s32 $0xFFFFE000  }
0x12e: {  	[tilespmem:s22], [sflag:$0x2] =	stream.indirect.gather [hbm4b:s1+s19], $0x80, s21, s19, $0xb8;
	[tilespmem:$0x1E800] =	vst v63  }
.LBB2_10:
0x12f: {  	_ =	swait.ge [sflag:s6], $0x2000  }
0x130: {  	[sflag:s6] =	ssyncset.done $0x0  }
0x131: {  	[sflag:s6] =	ssyncadd.s32 $0xFFFFE000  }
0x132: {  	[spmem:s2] =	stream.indirect.scatter.add.f32 [tilespmem:s30], [sflag:$0x8], $0x80, s3, s19, $0xb8;
	[tilespmem:$0x1E800] =	vst v63  }
0x133: {  	_ =	swait.ge [sflag:s8], $0x2000  }
0x134: {  	[sflag:s8] =	ssyncset.done $0x0  }
0x135: {  	[sflag:s8] =	ssyncadd.s32 $0xFFFFE000  }
0x136: {  	_ =	swait.ge [sflag:s10], $0x2000  }
0x137: {  	[sflag:s10] =	ssyncset.done $0x0  }
0x138: {  	[sflag:s10] =	ssyncadd.s32 $0xFFFFE000  }
0x139: {  	_ =	swait.ge [sflag:s11], $0x2000  }
0x13a: {  	[sflag:s11] =	ssyncset.done $0x0  }
0x13b: {  	s15 =	simm.s32 $0x0;
	s21 =	rddreg [dreg:$0xc];
	[sflag:s11] =	ssyncadd.s32 $0xFFFFE000  }
0x13c: {  	[tilespmem:s15], [sflag:$0x9] =	stream.linear.gather [hbm4b:s21+s15], $0x1400, $0x38;
	[tilespmem:$0x1E800] =	vst v63  }
0x13d: {  	_ =	swait.ge [sflag:s17], $0x1400  }
0x13e: {  	[sflag:s17] =	ssyncset.done $0x0  }
0x13f: {  	s16 =	rddreg [dreg:$0xd];
	[sflag:s17] =	ssyncadd.s32 $0xFFFFEC00  }
0x140: {  	[tilespmem:s18], [sflag:$0x9] =	stream.linear.gather [hbm4b:s16+s15], $0x1400, $0x38;
	[tilespmem:$0x1E800] =	vst v63  }
0x141: {  	_ =	swait.ge [sflag:s17], $0x1400  }
0x142: {  	[sflag:s17] =	ssyncset.done $0x0  }
0x143: {  	[sflag:s17] =	ssyncadd.s32 $0xFFFFEC00  }
0x144: {  	[tilespmem:s20], [sflag:$0x1] =	stream.indirect.gather [hbm4b:s1+s19], $0x80, s15, s19, $0xb8;
	[tilespmem:$0x1E800] =	vst v63  }
0x145: {  	s21 =	simm.s32 $0x80  }
0x146: {  	[tilespmem:s22], [sflag:$0x2] =	stream.indirect.gather [hbm4b:s1+s19], $0x80, s21, s19, $0xb8;
	[tilespmem:$0x1E800] =	vst v63  }
0x147: {  	_ =	swait.ge [sflag:s23], $0x2000  }
0x148: {  	[sflag:s23] =	ssyncset.done $0x0  }
0x149: {  	[sflag:s23] =	ssyncadd.s32 $0xFFFFE000  }
0x14a: {  	[spmem:s2] =	stream.indirect.scatter.add.f32 [tilespmem:s20], [sflag:$0x5], $0x80, s18, s19, $0xb8;
	[tilespmem:$0x1E800] =	vst v63  }
0x14b: {  	_ = 	snop  }
0x14c: {  	[tilespmem:s25], [sflag:$0x3] =	stream.indirect.gather [hbm4b:s1+s19], $0x80, s24, s19, $0xb8;
	[tilespmem:$0x1E800] =	vst v63  }
0x14d: {  	_ =	swait.ge [sflag:s26], $0x2000  }
0x14e: {  	[sflag:s26] =	ssyncset.done $0x0  }
0x14f: {  	[sflag:s26] =	ssyncadd.s32 $0xFFFFE000  }
0x150: {  	[spmem:s2] =	stream.indirect.scatter.add.f32 [tilespmem:s22], [sflag:$0x6], $0x80, s28, s19, $0xb8;
	[tilespmem:$0x1E800] =	vst v63  }
0x151: {  	_ = 	snop  }
0x152: {  	[tilespmem:s30], [sflag:$0x4] =	stream.indirect.gather [hbm4b:s1+s19], $0x80, s29, s19, $0xb8;
	[tilespmem:$0x1E800] =	vst v63  }
0x153: {  	_ =	swait.ge [sflag:s31], $0x2000  }
0x154: {  	[sflag:s31] =	ssyncset.done $0x0  }
0x155: {  	[sflag:s31] =	ssyncadd.s32 $0xFFFFE000  }
0x156: {  	[spmem:s2] =	stream.indirect.scatter.add.f32 [tilespmem:s25], [sflag:$0x7], $0x80, s0, s19, $0xb8;
	[tilespmem:$0x1E800] =	vst v63  }
0x157: {  	_ =	swait.ge [sflag:s4], $0x2000  }
0x158: {  	[sflag:s4] =	ssyncset.done $0x0  }
0x159: {  	[sflag:s4] =	ssyncadd.s32 $0xFFFFE000  }
0x15a: {  	[tilespmem:s20], [sflag:$0x1] =	stream.indirect.gather [hbm4b:s1+s19], $0x80, s5, s19, $0xb8;
	[tilespmem:$0x1E800] =	vst v63  }
0x15b: {  	_ =	swait.ge [sflag:s6], $0x2000  }
0x15c: {  	[sflag:s6] =	ssyncset.done $0x0  }
0x15d: {  	[sflag:s6] =	ssyncadd.s32 $0xFFFFE000  }
0x15e: {  	[spmem:s2] =	stream.indirect.scatter.add.f32 [tilespmem:s30], [sflag:$0x8], $0x80, s7, s19, $0xb8;
	[tilespmem:$0x1E800] =	vst v63  }
0x15f: {  	_ =	swait.ge [sflag:s8], $0x2000  }
0x160: {  	[sflag:s8] =	ssyncset.done $0x0  }
0x161: {  	[sflag:s8] =	ssyncadd.s32 $0xFFFFE000  }
0x162: {  	[tilespmem:s22], [sflag:$0x2] =	stream.indirect.gather [hbm4b:s1+s19], $0x80, s9, s19, $0xb8;
	[tilespmem:$0x1E800] =	vst v63  }
.LBB2_11:
0x163: {  	_ =	swait.ge [sflag:s23], $0x2000  }
0x164: {  	s16 =	sshra.s32 s15, $0x2;
	[sflag:s23] =	ssyncset.done $0x0  }
0x165: {  	s3 =	sadd.s32 $0x1600, s16;
	[sflag:s23] =	ssyncadd.s32 $0xFFFFE000  }
0x166: {  	[spmem:s2] =	stream.indirect.scatter.add.f32 [tilespmem:s20], [sflag:$0x5], $0x80, s3, s19, $0xb8;
	[tilespmem:$0x1E800] =	vst v63  }
0x167: {  	_ =	swait.ge [sflag:s10], $0x2000  }
0x168: {  	[sflag:s10] =	ssyncset.done $0x0  }
0x169: {  	s21 =	sadd.s32 $0x300, s16;
	[sflag:s10] =	ssyncadd.s32 $0xFFFFE000  }
0x16a: {  	[tilespmem:s25], [sflag:$0x3] =	stream.indirect.gather [hbm4b:s1+s19], $0x80, s21, s19, $0xb8;
	[tilespmem:$0x1E800] =	vst v63  }
0x16b: {  	_ =	swait.ge [sflag:s26], $0x2000  }
0x16c: {  	[sflag:s26] =	ssyncset.done $0x0  }
0x16d: {  	s21 =	sadd.s32 $0x1680, s16;
	[sflag:s26] =	ssyncadd.s32 $0xFFFFE000  }
0x16e: {  	[spmem:s2] =	stream.indirect.scatter.add.f32 [tilespmem:s22], [sflag:$0x6], $0x80, s21, s19, $0xb8;
	[tilespmem:$0x1E800] =	vst v63  }
0x16f: {  	_ =	swait.ge [sflag:s11], $0x2000  }
0x170: {  	[sflag:s11] =	ssyncset.done $0x0  }
0x171: {  	s21 =	sadd.s32 $0x380, s16;
	[sflag:s11] =	ssyncadd.s32 $0xFFFFE000  }
0x172: {  	[tilespmem:s30], [sflag:$0x4] =	stream.indirect.gather [hbm4b:s1+s19], $0x80, s21, s19, $0xb8;
	[tilespmem:$0x1E800] =	vst v63  }
0x173: {  	_ =	swait.ge [sflag:s31], $0x2000  }
0x174: {  	p0 =	seq.s32 s15, $0x4000;
	[sflag:s31] =	ssyncset.done $0x0  }
.Ltmp8:
0x175: {  	s21 =	sadd.s32 $0x1700, s16;
	[sflag:s31] =	ssyncadd.s32 $0xFFFFE000;
	(pc) =	sbr.rel @p0 .LBB2_13-.Ltmp8, $4  }
0x176: {  	[spmem:s2] =	stream.indirect.scatter.add.f32 [tilespmem:s25], [sflag:$0x7], $0x80, s21, s19, $0xb8;
	[tilespmem:$0x1E800] =	vst v63  }
0x177: {  	_ =	swait.ge [sflag:s4], $0x2000  }
0x178: {  	[sflag:s4] =	ssyncset.done $0x0  }
0x179: {  	s3 =	sadd.s32 $0x1780, s16;
	[sflag:s4] =	ssyncadd.s32 $0xFFFFE000  }
0x17a: {  	s21 =	sadd.s32 $0x400, s16  }
0x17b: {  	[tilespmem:s20], [sflag:$0x1] =	stream.indirect.gather [hbm4b:s1+s19], $0x80, s21, s19, $0xb8;
	[tilespmem:$0x1E800] =	vst v63  }
0x17c: {  	_ =	swait.ge [sflag:s6], $0x2000  }
0x17d: {  	[sflag:s6] =	ssyncset.done $0x0  }
0x17e: {  	[sflag:s6] =	ssyncadd.s32 $0xFFFFE000  }
0x17f: {  	[spmem:s2] =	stream.indirect.scatter.add.f32 [tilespmem:s30], [sflag:$0x8], $0x80, s3, s19, $0xb8;
	[tilespmem:$0x1E800] =	vst v63  }
.Ltmp9:
0x180: {  	_ = 	snop;
	(pc) =	sbr.rel .LBB2_11-.Ltmp9, $4  }
0x181: {  	_ =	swait.ge [sflag:s8], $0x2000  }
0x182: {  	[sflag:s8] =	ssyncset.done $0x0  }
0x183: {  	s15 =	sadd.s32 $0x800, s15;
	s21 =	sadd.s32 $0x480, s16;
	[sflag:s8] =	ssyncadd.s32 $0xFFFFE000  }
0x184: {  	[tilespmem:s22], [sflag:$0x2] =	stream.indirect.gather [hbm4b:s1+s19], $0x80, s21, s19, $0xb8;
	[tilespmem:$0x1E800] =	vst v63  }
.LBB2_14:
0x185: {  	_ =	sfence.sel $0x180000  }
0x186: {  	[bflag:$0x0] =	sbarrier.arrive $0xFFFF  }
0x187: {  	_ =	strace $0x9000004A  }
0x188: {  	s0 =	stileid.u32;
	[bflag:$0x2] =	sbarrier.arrive $0xFFFF  }
0x189: {  	p0 =	sne.s32 s0, $0x0;
	s0 =	rddreg [dreg:$0x3]  }
0x18a: {  	s0 =	sadd.s32 @!p0 $0x100000, s0  }
0x18b: {  	[sflag:s0] =	ssyncadd.tile.s32 @!p0 $0x1;
	_ =	shalt  }
.Lfunc_end2:
_tile_overlayer_lowered:
.L_overlay_start_2:
0x18c: {  	(tag) =	ssettag $0x2  }
0x18d: {  	s0 =	rddreg [dreg:$0x0];
	s2 =	stileid.u32  }
0x18e: {  	s1 =	rddreg [dreg:$0x1];
	p0 =	sne.s32 s2, $0x0  }
0x18f: {  	s3 =	rddreg [dreg:$0x2];
	[bflag:$0x3] =	sbarrier.arrive $0xFFFF;
	s2 =	simm.s32 @!p0 $0x1C09  }
0x190: {  	[timem:s3], [sflag:s2] =	dma.local @!p0 [hbm:s0], s1  }
0x191: {  	s0 =	simm.s32 @!p0 $0x9  }
0x192: {  	_ =	swait.ge @!p0 [sflag:s0], s1  }
0x193: {  	s1 =	ssub.s32 @!p0 $0x0, s1;
	[sflag:s0] =	ssyncset.done @!p0 $0x0  }
0x194: {  	[sflag:s0] =	ssyncadd.s32 @!p0 s1  }
0x195: {  	[bflag:$0x3] =	sbarrier.arrive $0xFFFF  }
0x196: {  	_ =	shalt  }

// kernel: kernel.14.cloned.1.call-start
scs
__scs_entry_jumppad:
0x0: {  	(pc) =	sbr.rel $0x88, $3  }
0x1: {  	(tag) =	ssettag $0x0;
	lr =	simm.s32 $0x1  }
0x2: {  	[smem:$0x3F9B] =	sst lr;
	_ =	strace $0xD0000000  }
0x3: {  	_ = 	snop  }
0x4: {  	_ = 	snop  }
0x5: {  	_ = 	snop  }
0x6: {  	_ = 	snop  }
0x7: {  	_ = 	snop  }
__scs_overlays_trampoline_lowered:
0x8: {  	[smem:$0x3FAA] =	sst s0  }
0x9: {  	[smem:$0x3FAB] =	sst s1  }
0xa: {  	[smem:$0x3FAC] =	sst s2  }
0xb: {  	[smem:$0x3FAD] =	sst s3  }
0xc: {  	[smem:$0x3FAE] =	sst s4  }
0xd: {  	[smem:$0x3FAF] =	sst s5  }
0xe: {  	[smem:$0x3FB0] =	sst s6  }
0xf: {  	[smem:$0x3FB1] =	sst s7  }
0x10: {  	[smem:$0x3FB2] =	sst s8  }
0x11: {  	[smem:$0x3FB3] =	sst s9;
	s0 =	simm.s32 @!p0 $0x0  }
0x12: {  	s1 =	sld [smem:$0x3F99];
	s0 =	simm.s32 @p0 $0x1  }
0x13: {  	[smem:$0x3FB4] =	sst s0;
	s0 =	simm.s32 @!p1 $0x0  }
0x14: {  	s2 =	sld [smem:$0x3F98];
	s0 =	simm.s32 @p1 $0x1  }
0x15: {  	[smem:$0x3FB5] =	sst s0;
	s0 =	simm.s32 @!p2 $0x0  }
0x16: {  	s3 =	sld [smem:$0x3FDB];
	s0 =	simm.s32 @p2 $0x1  }
0x17: {  	s4 =	simm.s32 $0x1BF5;
	[smem:$0x3FB7] =	sst s0  }
0x18: {  	s0 =	sld [smem:$0x3F9A];
	_ =	swait.ge [sflag:s4], $0x0  }
0x19: {  	s7 =	sld [smem:$0x3F9B]  }
0x1a: {  	s8 =	sadd.s32 $0xFFFFE003, lr  }
0x1b: {  	s9 =	sadd.s32 $0xFFFFFEF7, lr;
	s5 =	simm.s32 $0xFFFFFFFF;
	p2 =	slt.u32 s8, $0xFFFFF086  }
0x1c: {  	p1 =	slt.u32 s9, $0xF7A;
	s5 =	simm.s32 @!p2 $0x0  }
0x1d: {  	s5 =	simm.s32 @p1 $0x1;
	p0 =	seq.s32 s7, s2  }
0x1e: {  	s7 =	smul.u32 @!p0 $0xF7A, s2;
	p2 =	seq.s32 @!p0 s5, $0x0  }
0x1f: {  	s9 =	smul.u32 $0xF7A, s1;
	s8 =	simm.s32 @!p0 $0x1BF5;
	p2 =	por !p2, p0  }
0x20: {  	[sflag:s8] =	ssyncset.s32 @!p0 $0xFFFFF086;
	s6 =	sadd.s32 @!p0 s3, s7;
	s7 =	simm.s32 @!p0 $0x108  }
0x21: {  	s3 =	sadd.s32 s3, s9;
	s6 =	sadd.s32 @!p0 $0x88, s6;
	s7 =	simm.s32 @p2 $0x1082  }
0x22: {  	[simem:s7], [sflag:s8] =	dma.local @!p0 [hbm:s6], $0xF7A  }
0x23: {  	s9 =	sor.u32 $0xD0000000, s2;
	s6 =	simm.s32 $0x108;
	_ =	swait.ge @!p0 [sflag:s8], $0x0  }
0x24: {  	s3 =	sadd.s32 $0x88, s3;
	s6 =	simm.s32 @!p1 $0x1082;
	[sflag:s4] =	ssyncset.s32 $0xFFFFF086  }
0x25: {  	[simem:s6], [sflag:s4] =	dma.local [hbm:s3], $0xF7A  }
0x26: {  	[smem:$0x3F9B] =	sst s1;
	(tag) =	ssettag s2;
	_ =	strace s9  }
0x27: {  	s1 =	sld [smem:$0x3FAB]  }
0x28: {  	s2 =	sld [smem:$0x3FAC]  }
0x29: {  	s4 =	sld [smem:$0x3FAE]  }
0x2a: {  	p0 =	seq.s32 s5, $0x0;
	s5 =	sld [smem:$0x3FAF]  }
0x2b: {  	s6 =	sld [smem:$0x3FB0]  }
0x2c: {  	s7 =	sld [smem:$0x3FB1]  }
0x2d: {  	s3 =	simm.s32 $0x108;
	s8 =	sld [smem:$0x3FB2]  }
0x2e: {  	s3 =	simm.s32 @!p0 $0x1082;
	s9 =	sld [smem:$0x3FB3]  }
0x2f: {  	lr =	sadd.s32 s0, s3;
	s0 =	sld [smem:$0x3FAA]  }
0x30: {  	s3 =	sld [smem:$0x3FAD]  }
0x31: {  	[smem:$0x3FB6] =	sst s10  }
0x32: {  	s10 =	sld [smem:$0x3FB4];
	_ =	sdelay $0x3  }
0x33: {  	p0 =	seq.s32 s10, $0x1;
	s10 =	sld [smem:$0x3FB6];
	_ =	sdelay $0x3  }
0x34: {  	[smem:$0x3FB6] =	sst s10  }
0x35: {  	s10 =	sld [smem:$0x3FB5];
	_ =	sdelay $0x3  }
0x36: {  	p1 =	seq.s32 s10, $0x1;
	s10 =	sld [smem:$0x3FB6];
	_ =	sdelay $0x3  }
0x37: {  	[smem:$0x3FB6] =	sst s10  }
0x38: {  	s10 =	sld [smem:$0x3FB7]  }
0x39: {  	_ = 	snop;
	(pc) =	sbr.ind lr, $3  }
0x3a: {  	_ = 	snop  }
0x3b: {  	_ = 	snop  }
0x3c: {  	p2 =	seq.s32 s10, $0x1;
	s10 =	sld [smem:$0x3FB6]  }
0x3d: {  	_ =	shalt  }
0x3e: {  	_ =	shalt  }
0x3f: {  	_ =	shalt  }
0x40: {  	_ =	shalt  }
0x41: {  	_ =	shalt  }
0x42: {  	_ =	shalt  }
0x43: {  	_ =	shalt  }
0x44: {  	_ =	shalt  }
0x45: {  	_ =	shalt  }
0x46: {  	_ =	shalt  }
0x47: {  	_ =	shalt  }
0x48: {  	_ =	shalt  }
0x49: {  	_ =	shalt  }
0x4a: {  	_ =	shalt  }
0x4b: {  	_ =	shalt  }
0x4c: {  	_ =	shalt  }
0x4d: {  	_ =	shalt  }
0x4e: {  	_ =	shalt  }
0x4f: {  	_ =	shalt  }
0x50: {  	_ =	shalt  }
0x51: {  	_ =	shalt  }
0x52: {  	_ =	shalt  }
0x53: {  	_ =	shalt  }
0x54: {  	_ =	shalt  }
0x55: {  	_ =	shalt  }
0x56: {  	_ =	shalt  }
0x57: {  	_ =	shalt  }
0x58: {  	_ =	shalt  }
0x59: {  	_ =	shalt  }
0x5a: {  	_ =	shalt  }
0x5b: {  	_ =	shalt  }
0x5c: {  	_ =	shalt  }
0x5d: {  	_ =	shalt  }
0x5e: {  	_ =	shalt  }
0x5f: {  	_ =	shalt  }
0x60: {  	_ =	shalt  }
0x61: {  	_ =	shalt  }
0x62: {  	_ =	shalt  }
0x63: {  	_ =	shalt  }
0x64: {  	_ =	shalt  }
0x65: {  	_ =	shalt  }
0x66: {  	_ =	shalt  }
0x67: {  	_ =	shalt  }
0x68: {  	_ =	shalt  }
0x69: {  	_ =	shalt  }
0x6a: {  	_ =	shalt  }
0x6b: {  	_ =	shalt  }
0x6c: {  	_ =	shalt  }
0x6d: {  	_ =	shalt  }
0x6e: {  	_ =	shalt  }
0x6f: {  	_ =	shalt  }
0x70: {  	_ =	shalt  }
0x71: {  	_ =	shalt  }
0x72: {  	_ =	shalt  }
0x73: {  	_ =	shalt  }
0x74: {  	_ =	shalt  }
0x75: {  	_ =	shalt  }
0x76: {  	_ =	shalt  }
0x77: {  	_ =	shalt  }
0x78: {  	_ =	shalt  }
0x79: {  	_ =	shalt  }
0x7a: {  	_ =	shalt  }
0x7b: {  	_ =	shalt  }
0x7c: {  	_ =	shalt  }
0x7d: {  	_ =	shalt  }
0x7e: {  	_ =	shalt  }
0x7f: {  	_ =	shalt  }
0x80: {  	_ =	shalt  }
0x81: {  	_ =	shalt  }
0x82: {  	_ =	shalt  }
0x83: {  	_ =	shalt  }
0x84: {  	_ =	shalt  }
0x85: {  	_ =	shalt  }
0x86: {  	_ =	shalt  }
0x87: {  	_ =	shalt  }
.Lfunc_end0:
.L_simem_size_0:
called_computation.2_lowered:
.L_overlay_start_0:
0x88: {  	s2 =	sld [smem:$0x3FD9]  }
0x89: {  	s3 =	sld [smem:$0x3FFE];
	_ =	sdelay $0x1  }
0x8a: {  	s1 =	srdreg.scid  }
0x8b: {  	s0 =	sand.u32 $0x1, s1  }
0x8c: {  	s17 =	sshll.u32 s0, $0xA;
	s2 =	sadd.s32 s3, s2  }
0x8d: {  	s2 =	sadd.s32 s2, s17  }
0x8e: {  	[smem:$0x3FC2] =	sst s2  }
0x8f: {  	_ = 	snop  }
0x90: {  	s2 =	sld [smem:$0x3FD0];
	(tm) =	ssettm $0x1  }
0x91: {  	s18 =	sld [smem:$0x3FFB];
	_ =	sdelay $0x3  }
0x92: {  	_ =	strace s18  }
0x93: {  	s3 =	sld [smem:$0x3FFC];
	_ =	sdelay $0x3  }
0x94: {  	_ =	strace s3  }
0x95: {  	s3 =	sld [smem:$0x3FFD];
	_ =	sdelay $0x3  }
0x96: {  	_ =	strace s3  }
0x97: {  	_ =	strace $0x8FFFFFFF  }
0x98: {  	s19 =	sld [smem:$0x3FDB];
	_ =	sdelay $0x1  }
0x99: {  	s4 =	simm.s32 $_scs_section_size  }
0x9a: {  	s5 =	simm.s32 $_size__tile_overlayer_lowered;
	s6 =	simm.s32 $_tile_overlayer_lowered  }
0x9b: {  	s22 =	simm.s32 $0x1BFF;
	s21 =	sshll.u32 s6, $0x1;
	s3 =	sadd.s32 s4, s19  }
0x9c: {  	s7 =	simm.s32 $0x0;
	s20 =	sshll.u32 s5, $0x1;
	s5 =	sadd.s32 s21, s3  }
0x9d: {  	[timem:s7], [sflag:s22] =	dma.local [hbm:s5], s20  }
0x9e: {  	_ =	swait.ge [sflag:s22], s20  }
0x9f: {  	s4 =	ssub.s32 $0x0, s20;
	[sflag:s22] =	ssyncset.done $0x0  }
0xa0: {  	[sflag:s22] =	ssyncadd.s32 s4;
	_ =	sdelay $0x1  }
0xa1: {  	s23 =	simm.s32 $0x1B8B  }
0xa2: {  	_ =	swait.ge [sflag:s23], $0x1  }
0xa3: {  	[sflag:s23] =	ssyncset.done $0x0  }
0xa4: {  	s25 =	simm.s32 $0x1B8E;
	s24 =	sld [smem:$0x3FFE];
	[sflag:s23] =	ssyncadd.s32 $0xFFFFFFFF  }
0xa5: {  	s26 =	simm.s32 $execute0_lowered;
	[smem:$0x3FD2] =	sst s25  }
0xa6: {  	s5 =	sshll.u32 s26, $0x1;
	_ =	strace $0x8000004C;
	[dreg:$0x1] =	wrdreg $0xFFFFFFFF  }
0xa7: {  	s28 =	simm.s32 $_size_execute0_lowered;
	s3 =	sadd.s32 s3, s5;
	[dreg:$0x0] =	wrdreg $0x0  }
0xa8: {  	s5 =	sshll.u32 s28, $0x1;
	[dreg:$0x2] =	wrdreg s3  }
0xa9: {  	[dreg:$0x3] =	wrdreg s5  }
0xaa: {  	[dreg:$0x4] =	wrdreg $0xC0  }
0xab: {  	_ =	task [dreg:s7], $0x5FFFF  }
0xac: {  	[dreg:$0x1] =	wrdreg $0xFFFFFFFF  }
0xad: {  	[dreg:$0x0] =	wrdreg $0x60  }
0xae: {  	[dreg:$0x2] =	wrdreg s2  }
0xaf: {  	[dreg:$0x3] =	wrdreg s24  }
0xb0: {  	[dreg:$0x4] =	wrdreg $0xA8000  }
0xb1: {  	[dreg:$0x5] =	wrdreg $0x9  }
0xb2: {  	_ =	task.clear_ibuf [dreg:s7], $0x6FFFF;
	_ =	strace $0x9000004C  }
0xb3: {  	s29 =	simm.s32 $0x9;
	_ =	strace $0x8000004E  }
0xb4: {  	_ =	swait.ge [sflag:s29], $0x1  }
0xb5: {  	[sflag:s29] =	ssyncadd.s32 $0xFFFFFFFF  }
0xb6: {  	_ =	strace $0x9000004E  }
0xb7: {  	_ =	sfence  }
0xb8: {  	s30 =	sld [smem:$0x0];
	_ =	sdelay $0x2  }
0xb9: {  	s31 =	sshll.u32 s1, $0xD;
	s1 =	sshrl.u32 s1, $0x2  }
0xba: {  	s3 =	sand.u32 $0x4000, s31;
	s1 =	sadd.s32 s1, s30  }
0xbb: {  	s0 =	sor.u32 s3, s0;
	s1 =	sshll.u32 s1, $0x11  }
0xbc: {  	s0 =	sor.u32 s1, s0  }
0xbd: {  	s0 =	sadd.s32 $0x8F2B, s0  }
0xbe: {  	[sflag:s0] =	ssyncadd.remote.s32 $0x1  }
0xbf: {  	_ =	sfence.sel $0xFFFF  }
0xc0: {  	[dreg:$0x0] =	wrdreg $0xFFFFFFFF;
	(pc) =	sbr.abs _section_cstart, $3  }
0xc1: {  	[dreg:$0x1] =	wrdreg $0xFFFFFFFF  }
0xc2: {  	_ =	task.clear_ibuf [dreg:s7], $0x2FFFF;
	_ =	strace $0x9FFFFFFF  }
0xc3: {  	(tm) =	ssettm $0x7FFFFFFF  }
tec
execute0_lowered:
.L_overlay_start_1:
0x0: {  	(tag) =	ssettag $0x1  }
0x1: {  	s1 =	rddreg [dreg:$0x0]  }
0x2: {  	s0 =	rddreg [dreg:$0x1]  }
0x3: {  	s2 =	rddreg [dreg:$0x2];
	s3 =	simm.s32 $0x0;
	s14 =	srdreg.scid  }
0x4: {  	s10 =	stileid.u32;
	s28 =	simm.s32 $0x1480;
	s29 =	simm.s32 $0x180  }
0x5: {  	s30 =	simm.s32 $0x8800;
	s31 =	simm.s32 $0x3;
	s11 =	simm.s32 $0x8  }
0x6: {  	s12 =	simm.s32 $0x0;
	[smem:$0x7FF] =	sst s3;
	s3 =	sand.u32 $0x1, s14  }
0x7: {  	s6 =	sadd.s32 $0x17400, s0;
	s7 =	smul.u32 $0x14000, s10;
	s8 =	sadd.s32 $0x3400, s0  }
0x8: {  	s9 =	sadd.s32 $0x2B400, s0;
	s4 =	smul.u32 $0x140000, s3;
	s5 =	sshll.u32 s3, $0x4  }
0x9: {  	_ =	strace $0x8000004D;
	s5 =	sor.u32 s10, s5;
	s10 =	smul.u32 $0x50000, s10  }
0xa: {  	[dreg:$0x4] =	wrdreg s9;
	s3 =	ssub.s32 $0x2, s3;
	s15 =	smul.u32 $0xA00, s5  }
0xb: {  	s16 =	sshrl.u32 s3, $0x1;
	s4 =	sadd.s32 s7, s4;
	s5 =	smul.u32 $0x5000, s5  }
0xc: {  	s3 =	ssub.s32 s3, s16;
	s7 =	simm.s32 $0x1580;
	s4 =	sshrl.u32 s4, $0x3  }
0xd: {  	s19 =	sshrl.u32 s10, $0x2;
	s26 =	smax.u32 s3, $0x1;
	s10 =	simm.s32 $0x7  }
0xe: {  	s0 =	sadd.s32 s4, s0;
	s18 =	sadd.s32 s6, s15;
	[dreg:$0xf] =	wrdreg s26  }
0xf: {  	s17 =	sshrl.u32 s5, $0x3;
	s9 =	sadd.s32 s8, s15;
	[dreg:$0x5] =	wrdreg s18  }
0x10: {  	s5 =	sadd.s32 s19, s2;
	s19 =	simm.s32 $0x40;
	[dreg:$0x6] =	wrdreg s9  }
0x11: {  	s26 =	simm.s32 $0x2;
	s20 =	sadd.s32 $0x280, s17;
	[dreg:$0x7] =	wrdreg s5  }
0x12: {  	s23 =	sadd.s32 $0x500, s17;
	s4 =	sadd.s32 $0x780, s17;
	s0 =	sadd.s32 $0x2DC00, s0  }
0x13: {  	s17 =	simm.s32 $0x9;
	s18 =	simm.s32 $0x1400;
	s9 =	simm.s32 $0x280  }
0x14: {  	s21 =	sadd.s32 s6, s20;
	s22 =	sadd.s32 s8, s20;
	[dreg:$0xe] =	wrdreg s0  }
0x15: {  	s24 =	sadd.s32 s6, s23;
	s5 =	sadd.s32 s8, s23;
	[dreg:$0x8] =	wrdreg s21  }
0x16: {  	s25 =	sadd.s32 s6, s4;
	s4 =	sadd.s32 s8, s4;
	[dreg:$0x9] =	wrdreg s22  }
.Ltmp0:
0x17: {  	s20 =	simm.s32 $0x2800;
	[dreg:$0xa] =	wrdreg s24;
	(pc) =	sbr.rel .LBB2_1-.Ltmp0, $4  }
0x18: {  	s23 =	simm.s32 $0x1;
	s0 =	simm.s32 $0x1500;
	[dreg:$0xb] =	wrdreg s5  }
0x19: {  	s6 =	simm.s32 $0x4;
	s8 =	simm.s32 $0x6;
	[dreg:$0xc] =	wrdreg s25  }
0x1a: {  	[dreg:$0xd] =	wrdreg s4;
	s22 =	simm.s32 $0x4800;
	s24 =	simm.s32 $0x100  }
0x1b: {  	s25 =	simm.s32 $0x6800;
	s4 =	simm.s32 $0x5;
	s5 =	simm.s32 $0x200  }
.LBB2_13:
0x1c: {  	_ =	swait.ge [sflag:s6], $0x2000  }
0x1d: {  	[sflag:s6] =	ssyncset.done $0x0  }
0x1e: {  	[sflag:s6] =	ssyncadd.s32 $0xFFFFE000  }
0x1f: {  	[spmem:s2] =	stream.indirect.scatter.add.f32 [tilespmem:s30], [sflag:$0x8], $0x80, s3, s19, $0xb8;
	[tilespmem:$0x1E800] =	vst v63  }
0x20: {  	_ =	swait.ge [sflag:s8], $0x2000  }
0x21: {  	[sflag:s8] =	ssyncset.done $0x0  }
0x22: {  	[sflag:s8] =	ssyncadd.s32 $0xFFFFE000  }
0x23: {  	_ =	swait.ge [sflag:s10], $0x2000  }
0x24: {  	[sflag:s10] =	ssyncset.done $0x0  }
0x25: {  	[sflag:s10] =	ssyncadd.s32 $0xFFFFE000  }
0x26: {  	_ =	swait.ge [sflag:s11], $0x2000  }
0x27: {  	[sflag:s11] =	ssyncset.done $0x0  }
0x28: {  	[sflag:s11] =	ssyncadd.s32 $0xFFFFE000  }
0x29: {  	[bflag:$0x0] =	sbarrier.arrive $0xFFFF  }
0x2a: {  	s16 =	rddreg [dreg:$0xe]  }
0x2b: {  	[hbm:s16], [sflag:s13] =	dma.local [spmem:s14], $0x2800  }
0x2c: {  	_ =	swait.ge [sflag:s17], $0x2800  }
0x2d: {  	s12 =	sadd.s32 $0x1, s12;
	s21 =	rddreg [dreg:$0xf]  }
0x2e: {  	p0 =	sne.s32 s12, s21  }
.Ltmp1:
0x2f: {  	_ = 	snop;
	(pc) =	sbr.rel @!p0 .LBB2_14-.Ltmp1, $3  }
0x30: {  	_ =	sdelay $0x1  }
0x31: {  	[sflag:s17] =	ssyncset.done $0x0  }
0x32: {  	[sflag:s17] =	ssyncadd.s32 $0xFFFFD800  }
.LBB2_1:
0x33: {  	s3 =	simm.s32 $0x0;
	s13 =	rddreg [dreg:$0x5]  }
0x34: {  	[tilespmem:s3], [sflag:$0x9] =	stream.linear.gather [hbm4b:s13+s3], $0x1400, $0x38;
	[tilespmem:$0x1E800] =	vst v63  }
0x35: {  	_ =	swait.ge [sflag:s17], $0x1400  }
0x36: {  	[sflag:s17] =	ssyncset.done $0x0  }
0x37: {  	s21 =	rddreg [dreg:$0x6];
	[sflag:s17] =	ssyncadd.s32 $0xFFFFEC00  }
0x38: {  	[tilespmem:s18], [sflag:$0x9] =	stream.linear.gather [hbm4b:s21+s3], $0x1400, $0x38;
	[tilespmem:$0x1E800] =	vst v63  }
0x39: {  	_ =	swait.ge [sflag:s17], $0x1400  }
0x3a: {  	[sflag:s17] =	ssyncset.done $0x0  }
0x3b: {  	s15 =	stileid.u32;
	[sflag:s17] =	ssyncadd.s32 $0xFFFFEC00  }
0x3c: {  	[tilespmem:s20], [sflag:$0x1] =	stream.indirect.gather [hbm4b:s1+s19], $0x80, s3, s19, $0xb8;
	[tilespmem:$0x1E800] =	vst v63  }
0x3d: {  	s14 =	simm.s32 $0x80;
	s16 =	rddreg [dreg:$0x7];
	s3 =	sshll.u32 s15, $0x6  }
0x3e: {  	[tilespmem:s22], [sflag:$0x2] =	stream.indirect.gather [hbm4b:s1+s19], $0x80, s14, s19, $0xb8;
	[tilespmem:$0x1E800] =	vst v63  }
0x3f: {  	s21 =	rddreg [dreg:$0x4];
	s13 =	sor.u32 $0x1C09, s3;
	s14 =	sshrl.u32 s16, $0x3  }
0x40: {  	[spmem:s14], [sflag:s13] =	dma.local [hbm:s21], $0x2800  }
0x41: {  	_ =	swait.ge [sflag:s17], $0x2800  }
0x42: {  	[sflag:s17] =	ssyncset.done $0x0  }
0x43: {  	[sflag:s17] =	ssyncadd.s32 $0xFFFFD800  }
0x44: {  	[bflag:$0x0] =	sbarrier.arrive $0xFFFF  }
0x45: {  	_ =	swait.ge [sflag:s23], $0x2000  }
0x46: {  	[sflag:s23] =	ssyncset.done $0x0  }
0x47: {  	[sflag:s23] =	ssyncadd.s32 $0xFFFFE000  }
0x48: {  	[spmem:s2] =	stream.indirect.scatter.add.f32 [tilespmem:s20], [sflag:$0x5], $0x80, s18, s19, $0xb8;
	[tilespmem:$0x1E800] =	vst v63  }
0x49: {  	_ = 	snop  }
0x4a: {  	[tilespmem:s25], [sflag:$0x3] =	stream.indirect.gather [hbm4b:s1+s19], $0x80, s24, s19, $0xb8;
	[tilespmem:$0x1E800] =	vst v63  }
0x4b: {  	_ =	swait.ge [sflag:s26], $0x2000  }
0x4c: {  	[sflag:s26] =	ssyncset.done $0x0  }
0x4d: {  	[sflag:s26] =	ssyncadd.s32 $0xFFFFE000  }
0x4e: {  	[spmem:s2] =	stream.indirect.scatter.add.f32 [tilespmem:s22], [sflag:$0x6], $0x80, s28, s19, $0xb8;
	[tilespmem:$0x1E800] =	vst v63  }
0x4f: {  	_ = 	snop  }
0x50: {  	[tilespmem:s30], [sflag:$0x4] =	stream.indirect.gather [hbm4b:s1+s19], $0x80, s29, s19, $0xb8;
	[tilespmem:$0x1E800] =	vst v63  }
0x51: {  	_ =	swait.ge [sflag:s31], $0x2000  }
0x52: {  	[sflag:s31] =	ssyncset.done $0x0  }
0x53: {  	[sflag:s31] =	ssyncadd.s32 $0xFFFFE000  }
0x54: {  	[spmem:s2] =	stream.indirect.scatter.add.f32 [tilespmem:s25], [sflag:$0x7], $0x80, s0, s19, $0xb8;
	[tilespmem:$0x1E800] =	vst v63  }
0x55: {  	_ =	swait.ge [sflag:s4], $0x2000  }
0x56: {  	[sflag:s4] =	ssyncset.done $0x0  }
0x57: {  	[sflag:s4] =	ssyncadd.s32 $0xFFFFE000  }
0x58: {  	[tilespmem:s20], [sflag:$0x1] =	stream.indirect.gather [hbm4b:s1+s19], $0x80, s5, s19, $0xb8;
	[tilespmem:$0x1E800] =	vst v63  }
0x59: {  	_ =	swait.ge [sflag:s6], $0x2000  }
0x5a: {  	[sflag:s6] =	ssyncset.done $0x0  }
0x5b: {  	[sflag:s6] =	ssyncadd.s32 $0xFFFFE000  }
0x5c: {  	[spmem:s2] =	stream.indirect.scatter.add.f32 [tilespmem:s30], [sflag:$0x8], $0x80, s7, s19, $0xb8;
	[tilespmem:$0x1E800] =	vst v63  }
0x5d: {  	_ =	swait.ge [sflag:s8], $0x2000  }
0x5e: {  	[sflag:s8] =	ssyncset.done $0x0  }
0x5f: {  	s15 =	simm.s32 $0x0;
	[sflag:s8] =	ssyncadd.s32 $0xFFFFE000  }
0x60: {  	[tilespmem:s22], [sflag:$0x2] =	stream.indirect.gather [hbm4b:s1+s19], $0x80, s9, s19, $0xb8;
	[tilespmem:$0x1E800] =	vst v63  }
.LBB2_2:
0x61: {  	_ =	swait.ge [sflag:s23], $0x2000  }
0x62: {  	s16 =	sshra.s32 s15, $0x2;
	[sflag:s23] =	ssyncset.done $0x0  }
0x63: {  	s3 =	sadd.s32 $0x1600, s16;
	[sflag:s23] =	ssyncadd.s32 $0xFFFFE000  }
0x64: {  	[spmem:s2] =	stream.indirect.scatter.add.f32 [tilespmem:s20], [sflag:$0x5], $0x80, s3, s19, $0xb8;
	[tilespmem:$0x1E800] =	vst v63  }
0x65: {  	_ =	swait.ge [sflag:s10], $0x2000  }
0x66: {  	[sflag:s10] =	ssyncset.done $0x0  }
0x67: {  	s21 =	sadd.s32 $0x300, s16;
	[sflag:s10] =	ssyncadd.s32 $0xFFFFE000  }
0x68: {  	[tilespmem:s25], [sflag:$0x3] =	stream.indirect.gather [hbm4b:s1+s19], $0x80, s21, s19, $0xb8;
	[tilespmem:$0x1E800] =	vst v63  }
0x69: {  	_ =	swait.ge [sflag:s26], $0x2000  }
0x6a: {  	[sflag:s26] =	ssyncset.done $0x0  }
0x6b: {  	s21 =	sadd.s32 $0x1680, s16;
	[sflag:s26] =	ssyncadd.s32 $0xFFFFE000  }
0x6c: {  	[spmem:s2] =	stream.indirect.scatter.add.f32 [tilespmem:s22], [sflag:$0x6], $0x80, s21, s19, $0xb8;
	[tilespmem:$0x1E800] =	vst v63  }
0x6d: {  	_ =	swait.ge [sflag:s11], $0x2000  }
0x6e: {  	[sflag:s11] =	ssyncset.done $0x0  }
0x6f: {  	s21 =	sadd.s32 $0x380, s16;
	[sflag:s11] =	ssyncadd.s32 $0xFFFFE000  }
0x70: {  	[tilespmem:s30], [sflag:$0x4] =	stream.indirect.gather [hbm4b:s1+s19], $0x80, s21, s19, $0xb8;
	[tilespmem:$0x1E800] =	vst v63  }
0x71: {  	_ =	swait.ge [sflag:s31], $0x2000  }
0x72: {  	p0 =	seq.s32 s15, $0x4000;
	[sflag:s31] =	ssyncset.done $0x0  }
.Ltmp2:
0x73: {  	s21 =	sadd.s32 $0x1700, s16;
	[sflag:s31] =	ssyncadd.s32 $0xFFFFE000;
	(pc) =	sbr.rel @p0 .LBB2_4-.Ltmp2, $4  }
0x74: {  	[spmem:s2] =	stream.indirect.scatter.add.f32 [tilespmem:s25], [sflag:$0x7], $0x80, s21, s19, $0xb8;
	[tilespmem:$0x1E800] =	vst v63  }
0x75: {  	_ =	swait.ge [sflag:s4], $0x2000  }
0x76: {  	[sflag:s4] =	ssyncset.done $0x0  }
0x77: {  	s3 =	sadd.s32 $0x1780, s16;
	[sflag:s4] =	ssyncadd.s32 $0xFFFFE000  }
0x78: {  	s21 =	sadd.s32 $0x400, s16  }
0x79: {  	[tilespmem:s20], [sflag:$0x1] =	stream.indirect.gather [hbm4b:s1+s19], $0x80, s21, s19, $0xb8;
	[tilespmem:$0x1E800] =	vst v63  }
0x7a: {  	_ =	swait.ge [sflag:s6], $0x2000  }
0x7b: {  	[sflag:s6] =	ssyncset.done $0x0  }
0x7c: {  	[sflag:s6] =	ssyncadd.s32 $0xFFFFE000  }
0x7d: {  	[spmem:s2] =	stream.indirect.scatter.add.f32 [tilespmem:s30], [sflag:$0x8], $0x80, s3, s19, $0xb8;
	[tilespmem:$0x1E800] =	vst v63  }
.Ltmp3:
0x7e: {  	_ = 	snop;
	(pc) =	sbr.rel .LBB2_2-.Ltmp3, $4  }
0x7f: {  	_ =	swait.ge [sflag:s8], $0x2000  }
0x80: {  	[sflag:s8] =	ssyncset.done $0x0  }
0x81: {  	s15 =	sadd.s32 $0x800, s15;
	s21 =	sadd.s32 $0x480, s16;
	[sflag:s8] =	ssyncadd.s32 $0xFFFFE000  }
0x82: {  	[tilespmem:s22], [sflag:$0x2] =	stream.indirect.gather [hbm4b:s1+s19], $0x80, s21, s19, $0xb8;
	[tilespmem:$0x1E800] =	vst v63  }
.LBB2_4:
0x83: {  	_ =	swait.ge [sflag:s6], $0x2000  }
0x84: {  	[sflag:s6] =	ssyncset.done $0x0  }
0x85: {  	[sflag:s6] =	ssyncadd.s32 $0xFFFFE000  }
0x86: {  	[spmem:s2] =	stream.indirect.scatter.add.f32 [tilespmem:s30], [sflag:$0x8], $0x80, s3, s19, $0xb8;
	[tilespmem:$0x1E800] =	vst v63  }
0x87: {  	_ =	swait.ge [sflag:s8], $0x2000  }
0x88: {  	[sflag:s8] =	ssyncset.done $0x0  }
0x89: {  	[sflag:s8] =	ssyncadd.s32 $0xFFFFE000  }
0x8a: {  	_ =	swait.ge [sflag:s10], $0x2000  }
0x8b: {  	[sflag:s10] =	ssyncset.done $0x0  }
0x8c: {  	[sflag:s10] =	ssyncadd.s32 $0xFFFFE000  }
0x8d: {  	_ =	swait.ge [sflag:s11], $0x2000  }
0x8e: {  	[sflag:s11] =	ssyncset.done $0x0  }
0x8f: {  	s15 =	simm.s32 $0x0;
	s21 =	rddreg [dreg:$0x8];
	[sflag:s11] =	ssyncadd.s32 $0xFFFFE000  }
0x90: {  	[tilespmem:s15], [sflag:$0x9] =	stream.linear.gather [hbm4b:s21+s15], $0x1400, $0x38;
	[tilespmem:$0x1E800] =	vst v63  }
0x91: {  	_ =	swait.ge [sflag:s17], $0x1400  }
0x92: {  	[sflag:s17] =	ssyncset.done $0x0  }
0x93: {  	s16 =	rddreg [dreg:$0x9];
	[sflag:s17] =	ssyncadd.s32 $0xFFFFEC00  }
0x94: {  	[tilespmem:s18], [sflag:$0x9] =	stream.linear.gather [hbm4b:s16+s15], $0x1400, $0x38;
	[tilespmem:$0x1E800] =	vst v63  }
0x95: {  	_ =	swait.ge [sflag:s17], $0x1400  }
0x96: {  	[sflag:s17] =	ssyncset.done $0x0  }
0x97: {  	[sflag:s17] =	ssyncadd.s32 $0xFFFFEC00  }
0x98: {  	[tilespmem:s20], [sflag:$0x1] =	stream.indirect.gather [hbm4b:s1+s19], $0x80, s15, s19, $0xb8;
	[tilespmem:$0x1E800] =	vst v63  }
0x99: {  	s21 =	simm.s32 $0x80  }
0x9a: {  	[tilespmem:s22], [sflag:$0x2] =	stream.indirect.gather [hbm4b:s1+s19], $0x80, s21, s19, $0xb8;
	[tilespmem:$0x1E800] =	vst v63  }
0x9b: {  	_ =	swait.ge [sflag:s23], $0x2000  }
0x9c: {  	[sflag:s23] =	ssyncset.done $0x0  }
0x9d: {  	[sflag:s23] =	ssyncadd.s32 $0xFFFFE000  }
0x9e: {  	[spmem:s2] =	stream.indirect.scatter.add.f32 [tilespmem:s20], [sflag:$0x5], $0x80, s18, s19, $0xb8;
	[tilespmem:$0x1E800] =	vst v63  }
0x9f: {  	_ = 	snop  }
0xa0: {  	[tilespmem:s25], [sflag:$0x3] =	stream.indirect.gather [hbm4b:s1+s19], $0x80, s24, s19, $0xb8;
	[tilespmem:$0x1E800] =	vst v63  }
0xa1: {  	_ =	swait.ge [sflag:s26], $0x2000  }
0xa2: {  	[sflag:s26] =	ssyncset.done $0x0  }
0xa3: {  	[sflag:s26] =	ssyncadd.s32 $0xFFFFE000  }
0xa4: {  	[spmem:s2] =	stream.indirect.scatter.add.f32 [tilespmem:s22], [sflag:$0x6], $0x80, s28, s19, $0xb8;
	[tilespmem:$0x1E800] =	vst v63  }
0xa5: {  	_ = 	snop  }
0xa6: {  	[tilespmem:s30], [sflag:$0x4] =	stream.indirect.gather [hbm4b:s1+s19], $0x80, s29, s19, $0xb8;
	[tilespmem:$0x1E800] =	vst v63  }
0xa7: {  	_ =	swait.ge [sflag:s31], $0x2000  }
0xa8: {  	[sflag:s31] =	ssyncset.done $0x0  }
0xa9: {  	[sflag:s31] =	ssyncadd.s32 $0xFFFFE000  }
0xaa: {  	[spmem:s2] =	stream.indirect.scatter.add.f32 [tilespmem:s25], [sflag:$0x7], $0x80, s0, s19, $0xb8;
	[tilespmem:$0x1E800] =	vst v63  }
0xab: {  	_ =	swait.ge [sflag:s4], $0x2000  }
0xac: {  	[sflag:s4] =	ssyncset.done $0x0  }
0xad: {  	[sflag:s4] =	ssyncadd.s32 $0xFFFFE000  }
0xae: {  	[tilespmem:s20], [sflag:$0x1] =	stream.indirect.gather [hbm4b:s1+s19], $0x80, s5, s19, $0xb8;
	[tilespmem:$0x1E800] =	vst v63  }
0xaf: {  	_ =	swait.ge [sflag:s6], $0x2000  }
0xb0: {  	[sflag:s6] =	ssyncset.done $0x0  }
0xb1: {  	[sflag:s6] =	ssyncadd.s32 $0xFFFFE000  }
0xb2: {  	[spmem:s2] =	stream.indirect.scatter.add.f32 [tilespmem:s30], [sflag:$0x8], $0x80, s7, s19, $0xb8;
	[tilespmem:$0x1E800] =	vst v63  }
0xb3: {  	_ =	swait.ge [sflag:s8], $0x2000  }
0xb4: {  	[sflag:s8] =	ssyncset.done $0x0  }
0xb5: {  	[sflag:s8] =	ssyncadd.s32 $0xFFFFE000  }
0xb6: {  	[tilespmem:s22], [sflag:$0x2] =	stream.indirect.gather [hbm4b:s1+s19], $0x80, s9, s19, $0xb8;
	[tilespmem:$0x1E800] =	vst v63  }
.LBB2_5:
0xb7: {  	_ =	swait.ge [sflag:s23], $0x2000  }
0xb8: {  	s16 =	sshra.s32 s15, $0x2;
	[sflag:s23] =	ssyncset.done $0x0  }
0xb9: {  	s3 =	sadd.s32 $0x1600, s16;
	[sflag:s23] =	ssyncadd.s32 $0xFFFFE000  }
0xba: {  	[spmem:s2] =	stream.indirect.scatter.add.f32 [tilespmem:s20], [sflag:$0x5], $0x80, s3, s19, $0xb8;
	[tilespmem:$0x1E800] =	vst v63  }
0xbb: {  	_ =	swait.ge [sflag:s10], $0x2000  }
0xbc: {  	[sflag:s10] =	ssyncset.done $0x0  }
0xbd: {  	s21 =	sadd.s32 $0x300, s16;
	[sflag:s10] =	ssyncadd.s32 $0xFFFFE000  }
0xbe: {  	[tilespmem:s25], [sflag:$0x3] =	stream.indirect.gather [hbm4b:s1+s19], $0x80, s21, s19, $0xb8;
	[tilespmem:$0x1E800] =	vst v63  }
0xbf: {  	_ =	swait.ge [sflag:s26], $0x2000  }
0xc0: {  	[sflag:s26] =	ssyncset.done $0x0  }
0xc1: {  	s21 =	sadd.s32 $0x1680, s16;
	[sflag:s26] =	ssyncadd.s32 $0xFFFFE000  }
0xc2: {  	[spmem:s2] =	stream.indirect.scatter.add.f32 [tilespmem:s22], [sflag:$0x6], $0x80, s21, s19, $0xb8;
	[tilespmem:$0x1E800] =	vst v63  }
0xc3: {  	_ =	swait.ge [sflag:s11], $0x2000  }
0xc4: {  	[sflag:s11] =	ssyncset.done $0x0  }
0xc5: {  	s21 =	sadd.s32 $0x380, s16;
	[sflag:s11] =	ssyncadd.s32 $0xFFFFE000  }
0xc6: {  	[tilespmem:s30], [sflag:$0x4] =	stream.indirect.gather [hbm4b:s1+s19], $0x80, s21, s19, $0xb8;
	[tilespmem:$0x1E800] =	vst v63  }
0xc7: {  	_ =	swait.ge [sflag:s31], $0x2000  }
0xc8: {  	p0 =	seq.s32 s15, $0x4000;
	[sflag:s31] =	ssyncset.done $0x0  }
.Ltmp4:
0xc9: {  	s21 =	sadd.s32 $0x1700, s16;
	[sflag:s31] =	ssyncadd.s32 $0xFFFFE000;
	(pc) =	sbr.rel @p0 .LBB2_7-.Ltmp4, $4  }
0xca: {  	[spmem:s2] =	stream.indirect.scatter.add.f32 [tilespmem:s25], [sflag:$0x7], $0x80, s21, s19, $0xb8;
	[tilespmem:$0x1E800] =	vst v63  }
0xcb: {  	_ =	swait.ge [sflag:s4], $0x2000  }
0xcc: {  	[sflag:s4] =	ssyncset.done $0x0  }
0xcd: {  	s3 =	sadd.s32 $0x1780, s16;
	[sflag:s4] =	ssyncadd.s32 $0xFFFFE000  }
0xce: {  	s21 =	sadd.s32 $0x400, s16  }
0xcf: {  	[tilespmem:s20], [sflag:$0x1] =	stream.indirect.gather [hbm4b:s1+s19], $0x80, s21, s19, $0xb8;
	[tilespmem:$0x1E800] =	vst v63  }
0xd0: {  	_ =	swait.ge [sflag:s6], $0x2000  }
0xd1: {  	[sflag:s6] =	ssyncset.done $0x0  }
0xd2: {  	[sflag:s6] =	ssyncadd.s32 $0xFFFFE000  }
0xd3: {  	[spmem:s2] =	stream.indirect.scatter.add.f32 [tilespmem:s30], [sflag:$0x8], $0x80, s3, s19, $0xb8;
	[tilespmem:$0x1E800] =	vst v63  }
.Ltmp5:
0xd4: {  	_ = 	snop;
	(pc) =	sbr.rel .LBB2_5-.Ltmp5, $4  }
0xd5: {  	_ =	swait.ge [sflag:s8], $0x2000  }
0xd6: {  	[sflag:s8] =	ssyncset.done $0x0  }
0xd7: {  	s15 =	sadd.s32 $0x800, s15;
	s21 =	sadd.s32 $0x480, s16;
	[sflag:s8] =	ssyncadd.s32 $0xFFFFE000  }
0xd8: {  	[tilespmem:s22], [sflag:$0x2] =	stream.indirect.gather [hbm4b:s1+s19], $0x80, s21, s19, $0xb8;
	[tilespmem:$0x1E800] =	vst v63  }
.LBB2_7:
0xd9: {  	_ =	swait.ge [sflag:s6], $0x2000  }
0xda: {  	[sflag:s6] =	ssyncset.done $0x0  }
0xdb: {  	[sflag:s6] =	ssyncadd.s32 $0xFFFFE000  }
0xdc: {  	[spmem:s2] =	stream.indirect.scatter.add.f32 [tilespmem:s30], [sflag:$0x8], $0x80, s3, s19, $0xb8;
	[tilespmem:$0x1E800] =	vst v63  }
0xdd: {  	_ =	swait.ge [sflag:s8], $0x2000  }
0xde: {  	[sflag:s8] =	ssyncset.done $0x0  }
0xdf: {  	[sflag:s8] =	ssyncadd.s32 $0xFFFFE000  }
0xe0: {  	_ =	swait.ge [sflag:s10], $0x2000  }
0xe1: {  	[sflag:s10] =	ssyncset.done $0x0  }
0xe2: {  	[sflag:s10] =	ssyncadd.s32 $0xFFFFE000  }
0xe3: {  	_ =	swait.ge [sflag:s11], $0x2000  }
0xe4: {  	[sflag:s11] =	ssyncset.done $0x0  }
0xe5: {  	s15 =	simm.s32 $0x0;
	s21 =	rddreg [dreg:$0xa];
	[sflag:s11] =	ssyncadd.s32 $0xFFFFE000  }
0xe6: {  	[tilespmem:s15], [sflag:$0x9] =	stream.linear.gather [hbm4b:s21+s15], $0x1400, $0x38;
	[tilespmem:$0x1E800] =	vst v63  }
0xe7: {  	_ =	swait.ge [sflag:s17], $0x1400  }
0xe8: {  	[sflag:s17] =	ssyncset.done $0x0  }
0xe9: {  	s16 =	rddreg [dreg:$0xb];
	[sflag:s17] =	ssyncadd.s32 $0xFFFFEC00  }
0xea: {  	[tilespmem:s18], [sflag:$0x9] =	stream.linear.gather [hbm4b:s16+s15], $0x1400, $0x38;
	[tilespmem:$0x1E800] =	vst v63  }
0xeb: {  	_ =	swait.ge [sflag:s17], $0x1400  }
0xec: {  	[sflag:s17] =	ssyncset.done $0x0  }
0xed: {  	[sflag:s17] =	ssyncadd.s32 $0xFFFFEC00  }
0xee: {  	[tilespmem:s20], [sflag:$0x1] =	stream.indirect.gather [hbm4b:s1+s19], $0x80, s15, s19, $0xb8;
	[tilespmem:$0x1E800] =	vst v63  }
0xef: {  	s21 =	simm.s32 $0x80  }
0xf0: {  	[tilespmem:s22], [sflag:$0x2] =	stream.indirect.gather [hbm4b:s1+s19], $0x80, s21, s19, $0xb8;
	[tilespmem:$0x1E800] =	vst v63  }
0xf1: {  	_ =	swait.ge [sflag:s23], $0x2000  }
0xf2: {  	[sflag:s23] =	ssyncset.done $0x0  }
0xf3: {  	[sflag:s23] =	ssyncadd.s32 $0xFFFFE000  }
0xf4: {  	[spmem:s2] =	stream.indirect.scatter.add.f32 [tilespmem:s20], [sflag:$0x5], $0x80, s18, s19, $0xb8;
	[tilespmem:$0x1E800] =	vst v63  }
0xf5: {  	_ = 	snop  }
0xf6: {  	[tilespmem:s25], [sflag:$0x3] =	stream.indirect.gather [hbm4b:s1+s19], $0x80, s24, s19, $0xb8;
	[tilespmem:$0x1E800] =	vst v63  }
0xf7: {  	_ =	swait.ge [sflag:s26], $0x2000  }
0xf8: {  	[sflag:s26] =	ssyncset.done $0x0  }
0xf9: {  	[sflag:s26] =	ssyncadd.s32 $0xFFFFE000  }
0xfa: {  	[spmem:s2] =	stream.indirect.scatter.add.f32 [tilespmem:s22], [sflag:$0x6], $0x80, s28, s19, $0xb8;
	[tilespmem:$0x1E800] =	vst v63  }
0xfb: {  	_ = 	snop  }
0xfc: {  	[tilespmem:s30], [sflag:$0x4] =	stream.indirect.gather [hbm4b:s1+s19], $0x80, s29, s19, $0xb8;
	[tilespmem:$0x1E800] =	vst v63  }
0xfd: {  	_ =	swait.ge [sflag:s31], $0x2000  }
0xfe: {  	[sflag:s31] =	ssyncset.done $0x0  }
0xff: {  	[sflag:s31] =	ssyncadd.s32 $0xFFFFE000  }
0x100: {  	[spmem:s2] =	stream.indirect.scatter.add.f32 [tilespmem:s25], [sflag:$0x7], $0x80, s0, s19, $0xb8;
	[tilespmem:$0x1E800] =	vst v63  }
0x101: {  	_ =	swait.ge [sflag:s4], $0x2000  }
0x102: {  	[sflag:s4] =	ssyncset.done $0x0  }
0x103: {  	[sflag:s4] =	ssyncadd.s32 $0xFFFFE000  }
0x104: {  	[tilespmem:s20], [sflag:$0x1] =	stream.indirect.gather [hbm4b:s1+s19], $0x80, s5, s19, $0xb8;
	[tilespmem:$0x1E800] =	vst v63  }
0x105: {  	_ =	swait.ge [sflag:s6], $0x2000  }
0x106: {  	[sflag:s6] =	ssyncset.done $0x0  }
0x107: {  	[sflag:s6] =	ssyncadd.s32 $0xFFFFE000  }
0x108: {  	[spmem:s2] =	stream.indirect.scatter.add.f32 [tilespmem:s30], [sflag:$0x8], $0x80, s7, s19, $0xb8;
	[tilespmem:$0x1E800] =	vst v63  }
0x109: {  	_ =	swait.ge [sflag:s8], $0x2000  }
0x10a: {  	[sflag:s8] =	ssyncset.done $0x0  }
0x10b: {  	[sflag:s8] =	ssyncadd.s32 $0xFFFFE000  }
0x10c: {  	[tilespmem:s22], [sflag:$0x2] =	stream.indirect.gather [hbm4b:s1+s19], $0x80, s9, s19, $0xb8;
	[tilespmem:$0x1E800] =	vst v63  }
.LBB2_8:
0x10d: {  	_ =	swait.ge [sflag:s23], $0x2000  }
0x10e: {  	s16 =	sshra.s32 s15, $0x2;
	[sflag:s23] =	ssyncset.done $0x0  }
0x10f: {  	s3 =	sadd.s32 $0x1600, s16;
	[sflag:s23] =	ssyncadd.s32 $0xFFFFE000  }
0x110: {  	[spmem:s2] =	stream.indirect.scatter.add.f32 [tilespmem:s20], [sflag:$0x5], $0x80, s3, s19, $0xb8;
	[tilespmem:$0x1E800] =	vst v63  }
0x111: {  	_ =	swait.ge [sflag:s10], $0x2000  }
0x112: {  	[sflag:s10] =	ssyncset.done $0x0  }
0x113: {  	s21 =	sadd.s32 $0x300, s16;
	[sflag:s10] =	ssyncadd.s32 $0xFFFFE000  }
0x114: {  	[tilespmem:s25], [sflag:$0x3] =	stream.indirect.gather [hbm4b:s1+s19], $0x80, s21, s19, $0xb8;
	[tilespmem:$0x1E800] =	vst v63  }
0x115: {  	_ =	swait.ge [sflag:s26], $0x2000  }
0x116: {  	[sflag:s26] =	ssyncset.done $0x0  }
0x117: {  	s21 =	sadd.s32 $0x1680, s16;
	[sflag:s26] =	ssyncadd.s32 $0xFFFFE000  }
0x118: {  	[spmem:s2] =	stream.indirect.scatter.add.f32 [tilespmem:s22], [sflag:$0x6], $0x80, s21, s19, $0xb8;
	[tilespmem:$0x1E800] =	vst v63  }
0x119: {  	_ =	swait.ge [sflag:s11], $0x2000  }
0x11a: {  	[sflag:s11] =	ssyncset.done $0x0  }
0x11b: {  	s21 =	sadd.s32 $0x380, s16;
	[sflag:s11] =	ssyncadd.s32 $0xFFFFE000  }
0x11c: {  	[tilespmem:s30], [sflag:$0x4] =	stream.indirect.gather [hbm4b:s1+s19], $0x80, s21, s19, $0xb8;
	[tilespmem:$0x1E800] =	vst v63  }
0x11d: {  	_ =	swait.ge [sflag:s31], $0x2000  }
0x11e: {  	p0 =	seq.s32 s15, $0x4000;
	[sflag:s31] =	ssyncset.done $0x0  }
.Ltmp6:
0x11f: {  	s21 =	sadd.s32 $0x1700, s16;
	[sflag:s31] =	ssyncadd.s32 $0xFFFFE000;
	(pc) =	sbr.rel @p0 .LBB2_10-.Ltmp6, $4  }
0x120: {  	[spmem:s2] =	stream.indirect.scatter.add.f32 [tilespmem:s25], [sflag:$0x7], $0x80, s21, s19, $0xb8;
	[tilespmem:$0x1E800] =	vst v63  }
0x121: {  	_ =	swait.ge [sflag:s4], $0x2000  }
0x122: {  	[sflag:s4] =	ssyncset.done $0x0  }
0x123: {  	s3 =	sadd.s32 $0x1780, s16;
	[sflag:s4] =	ssyncadd.s32 $0xFFFFE000  }
0x124: {  	s21 =	sadd.s32 $0x400, s16  }
0x125: {  	[tilespmem:s20], [sflag:$0x1] =	stream.indirect.gather [hbm4b:s1+s19], $0x80, s21, s19, $0xb8;
	[tilespmem:$0x1E800] =	vst v63  }
0x126: {  	_ =	swait.ge [sflag:s6], $0x2000  }
0x127: {  	[sflag:s6] =	ssyncset.done $0x0  }
0x128: {  	[sflag:s6] =	ssyncadd.s32 $0xFFFFE000  }
0x129: {  	[spmem:s2] =	stream.indirect.scatter.add.f32 [tilespmem:s30], [sflag:$0x8], $0x80, s3, s19, $0xb8;
	[tilespmem:$0x1E800] =	vst v63  }
.Ltmp7:
0x12a: {  	_ = 	snop;
	(pc) =	sbr.rel .LBB2_8-.Ltmp7, $4  }
0x12b: {  	_ =	swait.ge [sflag:s8], $0x2000  }
0x12c: {  	[sflag:s8] =	ssyncset.done $0x0  }
0x12d: {  	s15 =	sadd.s32 $0x800, s15;
	s21 =	sadd.s32 $0x480, s16;
	[sflag:s8] =	ssyncadd.s32 $0xFFFFE000  }
0x12e: {  	[tilespmem:s22], [sflag:$0x2] =	stream.indirect.gather [hbm4b:s1+s19], $0x80, s21, s19, $0xb8;
	[tilespmem:$0x1E800] =	vst v63  }
.LBB2_10:
0x12f: {  	_ =	swait.ge [sflag:s6], $0x2000  }
0x130: {  	[sflag:s6] =	ssyncset.done $0x0  }
0x131: {  	[sflag:s6] =	ssyncadd.s32 $0xFFFFE000  }
0x132: {  	[spmem:s2] =	stream.indirect.scatter.add.f32 [tilespmem:s30], [sflag:$0x8], $0x80, s3, s19, $0xb8;
	[tilespmem:$0x1E800] =	vst v63  }
0x133: {  	_ =	swait.ge [sflag:s8], $0x2000  }
0x134: {  	[sflag:s8] =	ssyncset.done $0x0  }
0x135: {  	[sflag:s8] =	ssyncadd.s32 $0xFFFFE000  }
0x136: {  	_ =	swait.ge [sflag:s10], $0x2000  }
0x137: {  	[sflag:s10] =	ssyncset.done $0x0  }
0x138: {  	[sflag:s10] =	ssyncadd.s32 $0xFFFFE000  }
0x139: {  	_ =	swait.ge [sflag:s11], $0x2000  }
0x13a: {  	[sflag:s11] =	ssyncset.done $0x0  }
0x13b: {  	s15 =	simm.s32 $0x0;
	s21 =	rddreg [dreg:$0xc];
	[sflag:s11] =	ssyncadd.s32 $0xFFFFE000  }
0x13c: {  	[tilespmem:s15], [sflag:$0x9] =	stream.linear.gather [hbm4b:s21+s15], $0x1400, $0x38;
	[tilespmem:$0x1E800] =	vst v63  }
0x13d: {  	_ =	swait.ge [sflag:s17], $0x1400  }
0x13e: {  	[sflag:s17] =	ssyncset.done $0x0  }
0x13f: {  	s16 =	rddreg [dreg:$0xd];
	[sflag:s17] =	ssyncadd.s32 $0xFFFFEC00  }
0x140: {  	[tilespmem:s18], [sflag:$0x9] =	stream.linear.gather [hbm4b:s16+s15], $0x1400, $0x38;
	[tilespmem:$0x1E800] =	vst v63  }
0x141: {  	_ =	swait.ge [sflag:s17], $0x1400  }
0x142: {  	[sflag:s17] =	ssyncset.done $0x0  }
0x143: {  	[sflag:s17] =	ssyncadd.s32 $0xFFFFEC00  }
0x144: {  	[tilespmem:s20], [sflag:$0x1] =	stream.indirect.gather [hbm4b:s1+s19], $0x80, s15, s19, $0xb8;
	[tilespmem:$0x1E800] =	vst v63  }
0x145: {  	s21 =	simm.s32 $0x80  }
0x146: {  	[tilespmem:s22], [sflag:$0x2] =	stream.indirect.gather [hbm4b:s1+s19], $0x80, s21, s19, $0xb8;
	[tilespmem:$0x1E800] =	vst v63  }
0x147: {  	_ =	swait.ge [sflag:s23], $0x2000  }
0x148: {  	[sflag:s23] =	ssyncset.done $0x0  }
0x149: {  	[sflag:s23] =	ssyncadd.s32 $0xFFFFE000  }
0x14a: {  	[spmem:s2] =	stream.indirect.scatter.add.f32 [tilespmem:s20], [sflag:$0x5], $0x80, s18, s19, $0xb8;
	[tilespmem:$0x1E800] =	vst v63  }
0x14b: {  	_ = 	snop  }
0x14c: {  	[tilespmem:s25], [sflag:$0x3] =	stream.indirect.gather [hbm4b:s1+s19], $0x80, s24, s19, $0xb8;
	[tilespmem:$0x1E800] =	vst v63  }
0x14d: {  	_ =	swait.ge [sflag:s26], $0x2000  }
0x14e: {  	[sflag:s26] =	ssyncset.done $0x0  }
0x14f: {  	[sflag:s26] =	ssyncadd.s32 $0xFFFFE000  }
0x150: {  	[spmem:s2] =	stream.indirect.scatter.add.f32 [tilespmem:s22], [sflag:$0x6], $0x80, s28, s19, $0xb8;
	[tilespmem:$0x1E800] =	vst v63  }
0x151: {  	_ = 	snop  }
0x152: {  	[tilespmem:s30], [sflag:$0x4] =	stream.indirect.gather [hbm4b:s1+s19], $0x80, s29, s19, $0xb8;
	[tilespmem:$0x1E800] =	vst v63  }
0x153: {  	_ =	swait.ge [sflag:s31], $0x2000  }
0x154: {  	[sflag:s31] =	ssyncset.done $0x0  }
0x155: {  	[sflag:s31] =	ssyncadd.s32 $0xFFFFE000  }
0x156: {  	[spmem:s2] =	stream.indirect.scatter.add.f32 [tilespmem:s25], [sflag:$0x7], $0x80, s0, s19, $0xb8;
	[tilespmem:$0x1E800] =	vst v63  }
0x157: {  	_ =	swait.ge [sflag:s4], $0x2000  }
0x158: {  	[sflag:s4] =	ssyncset.done $0x0  }
0x159: {  	[sflag:s4] =	ssyncadd.s32 $0xFFFFE000  }
0x15a: {  	[tilespmem:s20], [sflag:$0x1] =	stream.indirect.gather [hbm4b:s1+s19], $0x80, s5, s19, $0xb8;
	[tilespmem:$0x1E800] =	vst v63  }
0x15b: {  	_ =	swait.ge [sflag:s6], $0x2000  }
0x15c: {  	[sflag:s6] =	ssyncset.done $0x0  }
0x15d: {  	[sflag:s6] =	ssyncadd.s32 $0xFFFFE000  }
0x15e: {  	[spmem:s2] =	stream.indirect.scatter.add.f32 [tilespmem:s30], [sflag:$0x8], $0x80, s7, s19, $0xb8;
	[tilespmem:$0x1E800] =	vst v63  }
0x15f: {  	_ =	swait.ge [sflag:s8], $0x2000  }
0x160: {  	[sflag:s8] =	ssyncset.done $0x0  }
0x161: {  	[sflag:s8] =	ssyncadd.s32 $0xFFFFE000  }
0x162: {  	[tilespmem:s22], [sflag:$0x2] =	stream.indirect.gather [hbm4b:s1+s19], $0x80, s9, s19, $0xb8;
	[tilespmem:$0x1E800] =	vst v63  }
.LBB2_11:
0x163: {  	_ =	swait.ge [sflag:s23], $0x2000  }
0x164: {  	s16 =	sshra.s32 s15, $0x2;
	[sflag:s23] =	ssyncset.done $0x0  }
0x165: {  	s3 =	sadd.s32 $0x1600, s16;
	[sflag:s23] =	ssyncadd.s32 $0xFFFFE000  }
0x166: {  	[spmem:s2] =	stream.indirect.scatter.add.f32 [tilespmem:s20], [sflag:$0x5], $0x80, s3, s19, $0xb8;
	[tilespmem:$0x1E800] =	vst v63  }
0x167: {  	_ =	swait.ge [sflag:s10], $0x2000  }
0x168: {  	[sflag:s10] =	ssyncset.done $0x0  }
0x169: {  	s21 =	sadd.s32 $0x300, s16;
	[sflag:s10] =	ssyncadd.s32 $0xFFFFE000  }
0x16a: {  	[tilespmem:s25], [sflag:$0x3] =	stream.indirect.gather [hbm4b:s1+s19], $0x80, s21, s19, $0xb8;
	[tilespmem:$0x1E800] =	vst v63  }
0x16b: {  	_ =	swait.ge [sflag:s26], $0x2000  }
0x16c: {  	[sflag:s26] =	ssyncset.done $0x0  }
0x16d: {  	s21 =	sadd.s32 $0x1680, s16;
	[sflag:s26] =	ssyncadd.s32 $0xFFFFE000  }
0x16e: {  	[spmem:s2] =	stream.indirect.scatter.add.f32 [tilespmem:s22], [sflag:$0x6], $0x80, s21, s19, $0xb8;
	[tilespmem:$0x1E800] =	vst v63  }
0x16f: {  	_ =	swait.ge [sflag:s11], $0x2000  }
0x170: {  	[sflag:s11] =	ssyncset.done $0x0  }
0x171: {  	s21 =	sadd.s32 $0x380, s16;
	[sflag:s11] =	ssyncadd.s32 $0xFFFFE000  }
0x172: {  	[tilespmem:s30], [sflag:$0x4] =	stream.indirect.gather [hbm4b:s1+s19], $0x80, s21, s19, $0xb8;
	[tilespmem:$0x1E800] =	vst v63  }
0x173: {  	_ =	swait.ge [sflag:s31], $0x2000  }
0x174: {  	p0 =	seq.s32 s15, $0x4000;
	[sflag:s31] =	ssyncset.done $0x0  }
.Ltmp8:
0x175: {  	s21 =	sadd.s32 $0x1700, s16;
	[sflag:s31] =	ssyncadd.s32 $0xFFFFE000;
	(pc) =	sbr.rel @p0 .LBB2_13-.Ltmp8, $4  }
0x176: {  	[spmem:s2] =	stream.indirect.scatter.add.f32 [tilespmem:s25], [sflag:$0x7], $0x80, s21, s19, $0xb8;
	[tilespmem:$0x1E800] =	vst v63  }
0x177: {  	_ =	swait.ge [sflag:s4], $0x2000  }
0x178: {  	[sflag:s4] =	ssyncset.done $0x0  }
0x179: {  	s3 =	sadd.s32 $0x1780, s16;
	[sflag:s4] =	ssyncadd.s32 $0xFFFFE000  }
0x17a: {  	s21 =	sadd.s32 $0x400, s16  }
0x17b: {  	[tilespmem:s20], [sflag:$0x1] =	stream.indirect.gather [hbm4b:s1+s19], $0x80, s21, s19, $0xb8;
	[tilespmem:$0x1E800] =	vst v63  }
0x17c: {  	_ =	swait.ge [sflag:s6], $0x2000  }
0x17d: {  	[sflag:s6] =	ssyncset.done $0x0  }
0x17e: {  	[sflag:s6] =	ssyncadd.s32 $0xFFFFE000  }
0x17f: {  	[spmem:s2] =	stream.indirect.scatter.add.f32 [tilespmem:s30], [sflag:$0x8], $0x80, s3, s19, $0xb8;
	[tilespmem:$0x1E800] =	vst v63  }
.Ltmp9:
0x180: {  	_ = 	snop;
	(pc) =	sbr.rel .LBB2_11-.Ltmp9, $4  }
0x181: {  	_ =	swait.ge [sflag:s8], $0x2000  }
0x182: {  	[sflag:s8] =	ssyncset.done $0x0  }
0x183: {  	s15 =	sadd.s32 $0x800, s15;
	s21 =	sadd.s32 $0x480, s16;
	[sflag:s8] =	ssyncadd.s32 $0xFFFFE000  }
0x184: {  	[tilespmem:s22], [sflag:$0x2] =	stream.indirect.gather [hbm4b:s1+s19], $0x80, s21, s19, $0xb8;
	[tilespmem:$0x1E800] =	vst v63  }
.LBB2_14:
0x185: {  	_ =	sfence.sel $0x180000  }
0x186: {  	[bflag:$0x0] =	sbarrier.arrive $0xFFFF  }
0x187: {  	_ =	strace $0x9000004D  }
0x188: {  	s0 =	stileid.u32;
	[bflag:$0x2] =	sbarrier.arrive $0xFFFF  }
0x189: {  	p0 =	sne.s32 s0, $0x0;
	s0 =	rddreg [dreg:$0x3]  }
0x18a: {  	s0 =	sadd.s32 @!p0 $0x100000, s0  }
0x18b: {  	[sflag:s0] =	ssyncadd.tile.s32 @!p0 $0x1;
	_ =	shalt  }
.Lfunc_end2:
_tile_overlayer_lowered:
.L_overlay_start_2:
0x18c: {  	(tag) =	ssettag $0x2  }
0x18d: {  	s0 =	rddreg [dreg:$0x0];
	s2 =	stileid.u32  }
0x18e: {  	s1 =	rddreg [dreg:$0x1];
	p0 =	sne.s32 s2, $0x0  }
0x18f: {  	s3 =	rddreg [dreg:$0x2];
	[bflag:$0x3] =	sbarrier.arrive $0xFFFF;
	s2 =	simm.s32 @!p0 $0x1C09  }
0x190: {  	[timem:s3], [sflag:s2] =	dma.local @!p0 [hbm:s0], s1  }
0x191: {  	s0 =	simm.s32 @!p0 $0x9  }
0x192: {  	_ =	swait.ge @!p0 [sflag:s0], s1  }
0x193: {  	s1 =	ssub.s32 @!p0 $0x0, s1;
	[sflag:s0] =	ssyncset.done @!p0 $0x0  }
0x194: {  	[sflag:s0] =	ssyncadd.s32 @!p0 s1  }
0x195: {  	[bflag:$0x3] =	sbarrier.arrive $0xFFFF  }
0x196: {  	_ =	shalt  }

// kernel: kernel.8.cloned.1.call-start
scs
__scs_entry_jumppad:
0x0: {  	(pc) =	sbr.rel $0x88, $3  }
0x1: {  	(tag) =	ssettag $0x0;
	lr =	simm.s32 $0x1  }
0x2: {  	[smem:$0x3F9B] =	sst lr;
	_ =	strace $0xD0000000  }
0x3: {  	_ = 	snop  }
0x4: {  	_ = 	snop  }
0x5: {  	_ = 	snop  }
0x6: {  	_ = 	snop  }
0x7: {  	_ = 	snop  }
__scs_overlays_trampoline_lowered:
0x8: {  	[smem:$0x3FAA] =	sst s0  }
0x9: {  	[smem:$0x3FAB] =	sst s1  }
0xa: {  	[smem:$0x3FAC] =	sst s2  }
0xb: {  	[smem:$0x3FAD] =	sst s3  }
0xc: {  	[smem:$0x3FAE] =	sst s4  }
0xd: {  	[smem:$0x3FAF] =	sst s5  }
0xe: {  	[smem:$0x3FB0] =	sst s6  }
0xf: {  	[smem:$0x3FB1] =	sst s7  }
0x10: {  	[smem:$0x3FB2] =	sst s8  }
0x11: {  	[smem:$0x3FB3] =	sst s9;
	s0 =	simm.s32 @!p0 $0x0  }
0x12: {  	s1 =	sld [smem:$0x3F99];
	s0 =	simm.s32 @p0 $0x1  }
0x13: {  	[smem:$0x3FB4] =	sst s0;
	s0 =	simm.s32 @!p1 $0x0  }
0x14: {  	s2 =	sld [smem:$0x3F98];
	s0 =	simm.s32 @p1 $0x1  }
0x15: {  	[smem:$0x3FB5] =	sst s0;
	s0 =	simm.s32 @!p2 $0x0  }
0x16: {  	s3 =	sld [smem:$0x3FDB];
	s0 =	simm.s32 @p2 $0x1  }
0x17: {  	s4 =	simm.s32 $0x1BF5;
	[smem:$0x3FB7] =	sst s0  }
0x18: {  	s0 =	sld [smem:$0x3F9A];
	_ =	swait.ge [sflag:s4], $0x0  }
0x19: {  	s7 =	sld [smem:$0x3F9B]  }
0x1a: {  	s8 =	sadd.s32 $0xFFFFE003, lr  }
0x1b: {  	s9 =	sadd.s32 $0xFFFFFEF7, lr;
	s5 =	simm.s32 $0xFFFFFFFF;
	p2 =	slt.u32 s8, $0xFFFFF086  }
0x1c: {  	p1 =	slt.u32 s9, $0xF7A;
	s5 =	simm.s32 @!p2 $0x0  }
0x1d: {  	s5 =	simm.s32 @p1 $0x1;
	p0 =	seq.s32 s7, s2  }
0x1e: {  	s7 =	smul.u32 @!p0 $0xF7A, s2;
	p2 =	seq.s32 @!p0 s5, $0x0  }
0x1f: {  	s9 =	smul.u32 $0xF7A, s1;
	s8 =	simm.s32 @!p0 $0x1BF5;
	p2 =	por !p2, p0  }
0x20: {  	[sflag:s8] =	ssyncset.s32 @!p0 $0xFFFFF086;
	s6 =	sadd.s32 @!p0 s3, s7;
	s7 =	simm.s32 @!p0 $0x108  }
0x21: {  	s3 =	sadd.s32 s3, s9;
	s6 =	sadd.s32 @!p0 $0x88, s6;
	s7 =	simm.s32 @p2 $0x1082  }
0x22: {  	[simem:s7], [sflag:s8] =	dma.local @!p0 [hbm:s6], $0xF7A  }
0x23: {  	s9 =	sor.u32 $0xD0000000, s2;
	s6 =	simm.s32 $0x108;
	_ =	swait.ge @!p0 [sflag:s8], $0x0  }
0x24: {  	s3 =	sadd.s32 $0x88, s3;
	s6 =	simm.s32 @!p1 $0x1082;
	[sflag:s4] =	ssyncset.s32 $0xFFFFF086  }
0x25: {  	[simem:s6], [sflag:s4] =	dma.local [hbm:s3], $0xF7A  }
0x26: {  	[smem:$0x3F9B] =	sst s1;
	(tag) =	ssettag s2;
	_ =	strace s9  }
0x27: {  	s1 =	sld [smem:$0x3FAB]  }
0x28: {  	s2 =	sld [smem:$0x3FAC]  }
0x29: {  	s4 =	sld [smem:$0x3FAE]  }
0x2a: {  	p0 =	seq.s32 s5, $0x0;
	s5 =	sld [smem:$0x3FAF]  }
0x2b: {  	s6 =	sld [smem:$0x3FB0]  }
0x2c: {  	s7 =	sld [smem:$0x3FB1]  }
0x2d: {  	s3 =	simm.s32 $0x108;
	s8 =	sld [smem:$0x3FB2]  }
0x2e: {  	s3 =	simm.s32 @!p0 $0x1082;
	s9 =	sld [smem:$0x3FB3]  }
0x2f: {  	lr =	sadd.s32 s0, s3;
	s0 =	sld [smem:$0x3FAA]  }
0x30: {  	s3 =	sld [smem:$0x3FAD]  }
0x31: {  	[smem:$0x3FB6] =	sst s10  }
0x32: {  	s10 =	sld [smem:$0x3FB4];
	_ =	sdelay $0x3  }
0x33: {  	p0 =	seq.s32 s10, $0x1;
	s10 =	sld [smem:$0x3FB6];
	_ =	sdelay $0x3  }
0x34: {  	[smem:$0x3FB6] =	sst s10  }
0x35: {  	s10 =	sld [smem:$0x3FB5];
	_ =	sdelay $0x3  }
0x36: {  	p1 =	seq.s32 s10, $0x1;
	s10 =	sld [smem:$0x3FB6];
	_ =	sdelay $0x3  }
0x37: {  	[smem:$0x3FB6] =	sst s10  }
0x38: {  	s10 =	sld [smem:$0x3FB7]  }
0x39: {  	_ = 	snop;
	(pc) =	sbr.ind lr, $3  }
0x3a: {  	_ = 	snop  }
0x3b: {  	_ = 	snop  }
0x3c: {  	p2 =	seq.s32 s10, $0x1;
	s10 =	sld [smem:$0x3FB6]  }
0x3d: {  	_ =	shalt  }
0x3e: {  	_ =	shalt  }
0x3f: {  	_ =	shalt  }
0x40: {  	_ =	shalt  }
0x41: {  	_ =	shalt  }
0x42: {  	_ =	shalt  }
0x43: {  	_ =	shalt  }
0x44: {  	_ =	shalt  }
0x45: {  	_ =	shalt  }
0x46: {  	_ =	shalt  }
0x47: {  	_ =	shalt  }
0x48: {  	_ =	shalt  }
0x49: {  	_ =	shalt  }
0x4a: {  	_ =	shalt  }
0x4b: {  	_ =	shalt  }
0x4c: {  	_ =	shalt  }
0x4d: {  	_ =	shalt  }
0x4e: {  	_ =	shalt  }
0x4f: {  	_ =	shalt  }
0x50: {  	_ =	shalt  }
0x51: {  	_ =	shalt  }
0x52: {  	_ =	shalt  }
0x53: {  	_ =	shalt  }
0x54: {  	_ =	shalt  }
0x55: {  	_ =	shalt  }
0x56: {  	_ =	shalt  }
0x57: {  	_ =	shalt  }
0x58: {  	_ =	shalt  }
0x59: {  	_ =	shalt  }
0x5a: {  	_ =	shalt  }
0x5b: {  	_ =	shalt  }
0x5c: {  	_ =	shalt  }
0x5d: {  	_ =	shalt  }
0x5e: {  	_ =	shalt  }
0x5f: {  	_ =	shalt  }
0x60: {  	_ =	shalt  }
0x61: {  	_ =	shalt  }
0x62: {  	_ =	shalt  }
0x63: {  	_ =	shalt  }
0x64: {  	_ =	shalt  }
0x65: {  	_ =	shalt  }
0x66: {  	_ =	shalt  }
0x67: {  	_ =	shalt  }
0x68: {  	_ =	shalt  }
0x69: {  	_ =	shalt  }
0x6a: {  	_ =	shalt  }
0x6b: {  	_ =	shalt  }
0x6c: {  	_ =	shalt  }
0x6d: {  	_ =	shalt  }
0x6e: {  	_ =	shalt  }
0x6f: {  	_ =	shalt  }
0x70: {  	_ =	shalt  }
0x71: {  	_ =	shalt  }
0x72: {  	_ =	shalt  }
0x73: {  	_ =	shalt  }
0x74: {  	_ =	shalt  }
0x75: {  	_ =	shalt  }
0x76: {  	_ =	shalt  }
0x77: {  	_ =	shalt  }
0x78: {  	_ =	shalt  }
0x79: {  	_ =	shalt  }
0x7a: {  	_ =	shalt  }
0x7b: {  	_ =	shalt  }
0x7c: {  	_ =	shalt  }
0x7d: {  	_ =	shalt  }
0x7e: {  	_ =	shalt  }
0x7f: {  	_ =	shalt  }
0x80: {  	_ =	shalt  }
0x81: {  	_ =	shalt  }
0x82: {  	_ =	shalt  }
0x83: {  	_ =	shalt  }
0x84: {  	_ =	shalt  }
0x85: {  	_ =	shalt  }
0x86: {  	_ =	shalt  }
0x87: {  	_ =	shalt  }
.Lfunc_end0:
.L_simem_size_0:
called_computation_lowered:
.L_overlay_start_0:
0x88: {  	s2 =	sld [smem:$0x3FD9]  }
0x89: {  	s3 =	sld [smem:$0x3FFE];
	_ =	sdelay $0x1  }
0x8a: {  	s1 =	srdreg.scid  }
0x8b: {  	s0 =	sand.u32 $0x1, s1  }
0x8c: {  	s17 =	sshll.u32 s0, $0xA;
	s2 =	sadd.s32 s3, s2  }
0x8d: {  	s2 =	sadd.s32 s2, s17  }
0x8e: {  	[smem:$0x3FC2] =	sst s2  }
0x8f: {  	_ = 	snop  }
0x90: {  	s2 =	sld [smem:$0x3FD0];
	(tm) =	ssettm $0x1  }
0x91: {  	s18 =	sld [smem:$0x3FFB];
	_ =	sdelay $0x3  }
0x92: {  	_ =	strace s18  }
0x93: {  	s3 =	sld [smem:$0x3FFC];
	_ =	sdelay $0x3  }
0x94: {  	_ =	strace s3  }
0x95: {  	s3 =	sld [smem:$0x3FFD];
	_ =	sdelay $0x3  }
0x96: {  	_ =	strace s3  }
0x97: {  	_ =	strace $0x8FFFFFFF  }
0x98: {  	s19 =	sld [smem:$0x3FDB];
	_ =	sdelay $0x1  }
0x99: {  	s4 =	simm.s32 $_scs_section_size  }
0x9a: {  	s5 =	simm.s32 $_size__tile_overlayer_lowered;
	s6 =	simm.s32 $_tile_overlayer_lowered  }
0x9b: {  	s22 =	simm.s32 $0x1BFF;
	s21 =	sshll.u32 s6, $0x1;
	s3 =	sadd.s32 s4, s19  }
0x9c: {  	s7 =	simm.s32 $0x0;
	s20 =	sshll.u32 s5, $0x1;
	s5 =	sadd.s32 s21, s3  }
0x9d: {  	[timem:s7], [sflag:s22] =	dma.local [hbm:s5], s20  }
0x9e: {  	_ =	swait.ge [sflag:s22], s20  }
0x9f: {  	s4 =	ssub.s32 $0x0, s20;
	[sflag:s22] =	ssyncset.done $0x0  }
0xa0: {  	[sflag:s22] =	ssyncadd.s32 s4;
	_ =	sdelay $0x1  }
0xa1: {  	s23 =	simm.s32 $0x1B8B  }
0xa2: {  	_ =	swait.ge [sflag:s23], $0x1  }
0xa3: {  	[sflag:s23] =	ssyncset.done $0x0  }
0xa4: {  	s25 =	simm.s32 $0x1B8E;
	s24 =	sld [smem:$0x3FFE];
	[sflag:s23] =	ssyncadd.s32 $0xFFFFFFFF  }
0xa5: {  	s26 =	simm.s32 $execute0_lowered;
	[smem:$0x3FD2] =	sst s25  }
0xa6: {  	s5 =	sshll.u32 s26, $0x1;
	_ =	strace $0x80000046;
	[dreg:$0x1] =	wrdreg $0xFFFFFFFF  }
0xa7: {  	s28 =	simm.s32 $_size_execute0_lowered;
	s3 =	sadd.s32 s3, s5;
	[dreg:$0x0] =	wrdreg $0x0  }
0xa8: {  	s5 =	sshll.u32 s28, $0x1;
	[dreg:$0x2] =	wrdreg s3  }
0xa9: {  	[dreg:$0x3] =	wrdreg s5  }
0xaa: {  	[dreg:$0x4] =	wrdreg $0xC0  }
0xab: {  	_ =	task [dreg:s7], $0x5FFFF  }
0xac: {  	[dreg:$0x1] =	wrdreg $0xFFFFFFFF  }
0xad: {  	[dreg:$0x0] =	wrdreg $0x60  }
0xae: {  	[dreg:$0x2] =	wrdreg s2  }
0xaf: {  	[dreg:$0x3] =	wrdreg s24  }
0xb0: {  	[dreg:$0x4] =	wrdreg $0x28800  }
0xb1: {  	[dreg:$0x5] =	wrdreg $0x9  }
0xb2: {  	_ =	task.clear_ibuf [dreg:s7], $0x6FFFF;
	_ =	strace $0x90000046  }
0xb3: {  	s29 =	simm.s32 $0x9;
	_ =	strace $0x80000048  }
0xb4: {  	_ =	swait.ge [sflag:s29], $0x1  }
0xb5: {  	[sflag:s29] =	ssyncadd.s32 $0xFFFFFFFF  }
0xb6: {  	_ =	strace $0x90000048  }
0xb7: {  	_ =	sfence  }
0xb8: {  	s30 =	sld [smem:$0x0];
	_ =	sdelay $0x2  }
0xb9: {  	s31 =	sshll.u32 s1, $0xD;
	s1 =	sshrl.u32 s1, $0x2  }
0xba: {  	s3 =	sand.u32 $0x4000, s31;
	s1 =	sadd.s32 s1, s30  }
0xbb: {  	s0 =	sor.u32 s3, s0;
	s1 =	sshll.u32 s1, $0x11  }
0xbc: {  	s0 =	sor.u32 s1, s0  }
0xbd: {  	s0 =	sadd.s32 $0x8F2B, s0  }
0xbe: {  	[sflag:s0] =	ssyncadd.remote.s32 $0x1  }
0xbf: {  	_ =	sfence.sel $0xFFFF  }
0xc0: {  	[dreg:$0x0] =	wrdreg $0xFFFFFFFF;
	(pc) =	sbr.abs _section_cstart, $3  }
0xc1: {  	[dreg:$0x1] =	wrdreg $0xFFFFFFFF  }
0xc2: {  	_ =	task.clear_ibuf [dreg:s7], $0x2FFFF;
	_ =	strace $0x9FFFFFFF  }
0xc3: {  	(tm) =	ssettm $0x7FFFFFFF  }
tec
execute0_lowered:
.L_overlay_start_1:
0x0: {  	(tag) =	ssettag $0x1  }
0x1: {  	s6 =	rddreg [dreg:$0x0]  }
0x2: {  	s7 =	rddreg [dreg:$0x1]  }
0x3: {  	s1 =	rddreg [dreg:$0x2]  }
0x4: {  	s0 =	rddreg [dreg:$0x3];
	s3 =	simm.s32 $0x0;
	s5 =	srdreg.scid  }
0x5: {  	s2 =	stileid.u32;
	s13 =	simm.s32 $0x80;
	s14 =	simm.s32 $0x1  }
0x6: {  	s15 =	simm.s32 $0x20;
	s16 =	simm.s32 $0x10;
	s17 =	simm.s32 $0x0  }
0x7: {  	[smem:$0x7FF] =	sst s3;
	s4 =	sadd.s32 $0x2600, s7;
	s9 =	smul.u32 $0x500, s2  }
0x8: {  	s8 =	sand.u32 $0x1, s5;
	s5 =	sadd.s32 $0x2800, s7;
	s29 =	smul.u32 $0xA00, s2  }
0x9: {  	s31 =	sshll.u32 s2, $0x6;
	_ =	strace $0x80000047;
	s10 =	sshll.u32 s8, $0x7  }
0xa: {  	s11 =	sshll.u32 s8, $0x4;
	s8 =	ssub.s32 $0x2, s8;
	s9 =	sor.u32 s10, s9  }
0xb: {  	s28 =	sor.u32 s2, s11;
	s30 =	sshrl.u32 s8, $0x1;
	s11 =	sshrl.u32 s29, $0x2  }
0xc: {  	s9 =	sshrl.u32 s9, $0x3;
	s10 =	smul.u32 $0x500, s28;
	s8 =	ssub.s32 s8, s30  }
0xd: {  	s12 =	sadd.s32 s11, s1;
	s11 =	sor.u32 $0x1C02, s31;
	s7 =	sadd.s32 s9, s7  }
0xe: {  	s8 =	smax.u32 s8, $0x1;
	s9 =	simm.s32 $0x2800;
	s12 =	sshrl.u32 s12, $0x3  }
0xf: {  	s6 =	sadd.s32 s6, s10;
	s7 =	sadd.s32 $0x2A00, s7;
	s10 =	simm.s32 $0x2  }
.LBB2_1:
0x10: {  	[tilespmem:s9], [sflag:$0x2] =	stream.linear.gather [hbm4b:s4+s3], $0x80, $0x38;
	[tilespmem:$0x2B00] =	vst v63  }
0x11: {  	_ =	swait.ge [sflag:s10], $0x80  }
0x12: {  	[sflag:s10] =	ssyncset.done $0x0  }
0x13: {  	[sflag:s10] =	ssyncadd.s32 $0xFFFFFF80  }
0x14: {  	[tilespmem:s3], [sflag:$0x2] =	stream.linear.gather [hbm4b:s6+s3], $0x2800, $0x38;
	[tilespmem:$0x2B00] =	vst v63  }
0x15: {  	_ =	swait.ge [sflag:s10], $0x2800  }
0x16: {  	[sflag:s10] =	ssyncset.done $0x0  }
0x17: {  	[sflag:s10] =	ssyncadd.s32 $0xFFFFD800  }
0x18: {  	[spmem:s12], [sflag:s11] =	dma.local [hbm:s5], $0x50  }
0x19: {  	_ =	swait.ge [sflag:s10], $0x50  }
0x1a: {  	[sflag:s10] =	ssyncset.done $0x0  }
0x1b: {  	p0 =	por $0x1, $0x1;
	[sflag:s10] =	ssyncadd.s32 $0xFFFFFFB0  }
0x1c: {  	s20 =	simm.s32 @!p0 $0x1;
	[bflag:$0x0] =	sbarrier.arrive $0xFFFF  }
0x1d: {  	[spmem:s1] =	stream.indirect.scatter.add.f32 [tilespmem:s9], [sflag:$0x1], $0x1, s3, s13, $0xb8;
	[tilespmem:$0x2B00] =	vst v63  }
0x1e: {  	_ =	swait.ge @!p0 [sflag:s20], $0x80  }
0x1f: {  	s18 =	simm.s32 $0x1;
	s19 =	simm.s32 $0x0;
	[sflag:s20] =	ssyncset.done @!p0 $0x0  }
.LBB2_2:
0x20: {  	[sflag:s20] =	ssyncadd.s32 @!p0 $0xFFFFFF80  }
0x21: {  	s19 =	sadd.s32 $0x80, s19;
	s20 =	smov.u32 s18;
	s18 =	sadd.s32 $0x1, s18  }
0x22: {  	p1 =	sne.s32 s18, $0x50  }
0x23: {  	[spmem:s1] =	stream.indirect.scatter.add.f32 [tilespmem:s9], [sflag:$0x1], $0x1, s19, s13, $0xb8;
	[tilespmem:$0x2B00] =	vst v63  }
.Ltmp0:
0x24: {  	_ = 	snop;
	(pc) =	sbr.rel @p1 .LBB2_2-.Ltmp0, $4  }
0x25: {  	p0 =	slt.u32 s20, $0x10  }
0x26: {  	s20 =	simm.s32 @!p0 $0x1  }
0x27: {  	_ =	swait.ge @!p0 [sflag:s20], $0x80  }
0x28: {  	[sflag:s20] =	ssyncset.done @!p0 $0x0  }
0x29: {  	[sflag:s20] =	ssyncadd.s32 @!p0 $0xFFFFFF80  }
0x2a: {  	_ =	swait.ge [sflag:s14], $0x80  }
0x2b: {  	[sflag:s14] =	ssyncset.done $0x0  }
0x2c: {  	[sflag:s14] =	ssyncadd.s32 $0xFFFFFF80  }
0x2d: {  	_ =	swait.ge [sflag:s14], $0x80  }
0x2e: {  	[sflag:s14] =	ssyncset.done $0x0  }
0x2f: {  	[sflag:s14] =	ssyncadd.s32 $0xFFFFFF80  }
0x30: {  	_ =	swait.ge [sflag:s14], $0x80  }
0x31: {  	[sflag:s14] =	ssyncset.done $0x0  }
0x32: {  	[sflag:s14] =	ssyncadd.s32 $0xFFFFFF80  }
0x33: {  	_ =	swait.ge [sflag:s14], $0x80  }
0x34: {  	[sflag:s14] =	ssyncset.done $0x0  }
0x35: {  	[sflag:s14] =	ssyncadd.s32 $0xFFFFFF80  }
0x36: {  	_ =	swait.ge [sflag:s14], $0x80  }
0x37: {  	[sflag:s14] =	ssyncset.done $0x0  }
0x38: {  	[sflag:s14] =	ssyncadd.s32 $0xFFFFFF80  }
0x39: {  	_ =	swait.ge [sflag:s14], $0x80  }
0x3a: {  	[sflag:s14] =	ssyncset.done $0x0  }
0x3b: {  	[sflag:s14] =	ssyncadd.s32 $0xFFFFFF80  }
0x3c: {  	_ =	swait.ge [sflag:s14], $0x80  }
0x3d: {  	[sflag:s14] =	ssyncset.done $0x0  }
0x3e: {  	[sflag:s14] =	ssyncadd.s32 $0xFFFFFF80  }
0x3f: {  	_ =	swait.ge [sflag:s14], $0x80  }
0x40: {  	[sflag:s14] =	ssyncset.done $0x0  }
0x41: {  	[sflag:s14] =	ssyncadd.s32 $0xFFFFFF80  }
0x42: {  	_ =	swait.ge [sflag:s14], $0x80  }
0x43: {  	[sflag:s14] =	ssyncset.done $0x0  }
0x44: {  	[sflag:s14] =	ssyncadd.s32 $0xFFFFFF80  }
0x45: {  	_ =	swait.ge [sflag:s14], $0x80  }
0x46: {  	[sflag:s14] =	ssyncset.done $0x0  }
0x47: {  	[sflag:s14] =	ssyncadd.s32 $0xFFFFFF80  }
0x48: {  	_ =	swait.ge [sflag:s14], $0x80  }
0x49: {  	[sflag:s14] =	ssyncset.done $0x0  }
0x4a: {  	[sflag:s14] =	ssyncadd.s32 $0xFFFFFF80  }
0x4b: {  	_ =	swait.ge [sflag:s14], $0x80  }
0x4c: {  	[sflag:s14] =	ssyncset.done $0x0  }
0x4d: {  	[sflag:s14] =	ssyncadd.s32 $0xFFFFFF80  }
0x4e: {  	_ =	swait.ge [sflag:s14], $0x80  }
0x4f: {  	[sflag:s14] =	ssyncset.done $0x0  }
0x50: {  	[sflag:s14] =	ssyncadd.s32 $0xFFFFFF80  }
0x51: {  	_ =	swait.ge [sflag:s14], $0x80  }
0x52: {  	[sflag:s14] =	ssyncset.done $0x0  }
0x53: {  	[sflag:s14] =	ssyncadd.s32 $0xFFFFFF80  }
0x54: {  	_ =	swait.ge [sflag:s14], $0x80  }
0x55: {  	[sflag:s14] =	ssyncset.done $0x0  }
0x56: {  	[sflag:s14] =	ssyncadd.s32 $0xFFFFFF80  }
0x57: {  	_ =	swait.ge [sflag:s14], $0x80  }
0x58: {  	s17 =	sadd.s32 $0x1, s17;
	[sflag:s14] =	ssyncset.done $0x0  }
0x59: {  	p0 =	sne.s32 s17, s8;
	[sflag:s14] =	ssyncadd.s32 $0xFFFFFF80  }
.Ltmp1:
0x5a: {  	[bflag:$0x0] =	sbarrier.arrive $0xFFFF;
	(pc) =	sbr.rel @p0 .LBB2_1-.Ltmp1, $4  }
0x5b: {  	[hbm:s7@s15], [sflag:s11] =	dma.strided [spmem:s12@s16], $0x50, s14, $0x10   }
0x5c: {  	_ =	swait.ge [sflag:s10], $0x50  }
0x5d: {  	[sflag:s10] =	ssyncset.done $0x0  }
0x5e: {  	[sflag:s10] =	ssyncadd.s32 $0xFFFFFFB0  }
0x5f: {  	_ =	sfence.sel $0x180000  }
0x60: {  	[bflag:$0x0] =	sbarrier.arrive $0xFFFF  }
0x61: {  	p0 =	sne.s32 s2, $0x0;
	_ =	strace $0x90000047  }
0x62: {  	s0 =	sadd.s32 @!p0 $0x100000, s0;
	[bflag:$0x2] =	sbarrier.arrive $0xFFFF  }
0x63: {  	[sflag:s0] =	ssyncadd.tile.s32 @!p0 $0x1;
	_ =	shalt  }
.Lfunc_end2:
_tile_overlayer_lowered:
.L_overlay_start_2:
0x64: {  	(tag) =	ssettag $0x2  }
0x65: {  	s0 =	rddreg [dreg:$0x0];
	s2 =	stileid.u32  }
0x66: {  	s1 =	rddreg [dreg:$0x1];
	p0 =	sne.s32 s2, $0x0  }
0x67: {  	s3 =	rddreg [dreg:$0x2];
	[bflag:$0x3] =	sbarrier.arrive $0xFFFF;
	s2 =	simm.s32 @!p0 $0x1C02  }
0x68: {  	[timem:s3], [sflag:s2] =	dma.local @!p0 [hbm:s0], s1  }
0x69: {  	s0 =	simm.s32 @!p0 $0x2  }
0x6a: {  	_ =	swait.ge @!p0 [sflag:s0], s1  }
0x6b: {  	s1 =	ssub.s32 @!p0 $0x0, s1;
	[sflag:s0] =	ssyncset.done @!p0 $0x0  }
0x6c: {  	[sflag:s0] =	ssyncadd.s32 @!p0 s1  }
0x6d: {  	[bflag:$0x3] =	sbarrier.arrive $0xFFFF  }
0x6e: {  	_ =	shalt  }

</sc_bundles>
